<compile_context>
chip_gen: v7x
topology: tpu7x:2x2x1
jax: 0.10.2.dev20260603
libtpu: 0.0.44.dev20260713+nightly
codegen_flags: <defaults>
</compile_context>

<pallas_src>
import jax
import jax.numpy as jnp
from jax import lax
from jax.experimental import pallas as pl
from jax.experimental.pallas import tpu as pltpu
from jax.experimental.pallas import tpu_sc as plsc

N_P = 5000
NODE_SIZE = 10000
FT = 256
HID = 256
OUT = 256
E = 80000

NC, NS, L = 2, 16, 16
SEG = FT // L
RT = 320
ACC_ROWS = NS * RT
EC = 1024
EPAD = 81920
CAP = 128
FLUSH_AT = CAP - L
KSPM = 3584
IGN = 8191


def _spmm_body(edges_hbm, table_hbm, out_hbm,
               ebuf, cstage, wstage, rstage, cstga, cstgb, xbuf,
               acc, spm_table, sem, sem2):
  c = lax.axis_index("c")
  s = lax.axis_index("s")
  lo = s * RT

  off = 0
  for n in (CAP, KSPM // NS - CAP):
    seg = pl.ds(s * (KSPM // NS) + off, n)
    buf = xbuf.at[pl.ds(0, n)]
    pltpu.sync_copy(table_hbm.at[c, seg], buf)
    pltpu.sync_copy(buf, spm_table.at[seg])
    off += n

  zero_i = jnp.zeros((L,), jnp.int32)
  zero_f = jnp.zeros((L,), jnp.float32)

  def zrow(r, carry):
    for si in range(SEG):
      acc[r, pl.ds(si * L, L)] = zero_f
    return carry

  lax.fori_loop(0, RT, zrow, 0)
  for g in range(CAP // L):
    cstage[pl.ds(g * L, L)] = zero_i
    rstage[pl.ds(g * L, L)] = zero_i
    wstage[pl.ds(g * L, L)] = zero_f

  plsc.subcore_barrier()

  def flush():
    def split(g, carry):
      c16 = cstage[pl.ds(g * L, L)]
      in_spm = c16 < KSPM
      cstga[pl.ds(g * L, L)] = jnp.where(in_spm, c16, IGN)
      cstgb[pl.ds(g * L, L)] = jnp.where(in_spm, IGN, c16)
      return carry

    lax.fori_loop(0, CAP // L, split, 0)
    copy_a = pltpu.async_copy(
        spm_table.at[plsc.Indices(cstga, ignored_value=IGN)], xbuf, sem)
    copy_b = pltpu.async_copy(
        table_hbm.at[c].at[plsc.Indices(cstgb, ignored_value=IGN)], xbuf,
        sem2)
    copy_a.wait()
    copy_b.wait()

    def fgroup(g, carry):
      w16 = wstage[pl.ds(g * L, L)]
      r16 = rstage[pl.ds(g * L, L)]
      for l in range(L):
        w = w16[l]
        r = r16[l]
        j = g * L + l

        @plsc.parallel_loop(0, SEG // 2, unroll=8)
        def _(si):
          xw = xbuf[j, pl.ds(si * L, L)]
          xb = plsc.bitcast(xw, jnp.bfloat16)
          va, vb = plsc.unpack(xb, format=plsc.PackFormat.INTERLEAVED,
                               preferred_element_type=jnp.float32)
          plsc.addupdate(acc.at[r, pl.ds(2 * si * L, L)], va * w)
          plsc.addupdate(acc.at[r, pl.ds((2 * si + 1) * L, L)], vb * w)
      wstage[pl.ds(g * L, L)] = zero_f
      return carry

    lax.fori_loop(0, CAP // L, fgroup, 0)

  def chunk(ch, cnt):
    pltpu.sync_copy(edges_hbm.at[c, pl.ds(ch * 3 * EC, 3 * EC)], ebuf)

    def group(g, cnt2):
      row16 = ebuf[pl.ds(g * L, L)]
      m = (row16 >= lo) & (row16 < lo + RT)
      inc = plsc.cumsum(jnp.where(m, 1, 0))
      pos = cnt2 + inc - 1
      plsc.store_scatter(cstage, [pos], ebuf[pl.ds(EC + g * L, L)], mask=m)
      plsc.store_scatter(wstage, [pos],
                         plsc.bitcast(ebuf[pl.ds(2 * EC + g * L, L)],
                                      jnp.float32), mask=m)
      plsc.store_scatter(rstage, [pos], row16 - lo, mask=m)
      cnt2 = cnt2 + inc[L - 1]

      @pl.when(cnt2 >= FLUSH_AT)
      def _():
        flush()

      return jnp.where(cnt2 >= FLUSH_AT, 0, cnt2)

    return lax.fori_loop(0, EC // L, group, cnt)

  cnt = lax.fori_loop(0, EPAD // EC, chunk, jnp.int32(0))

  @pl.when(cnt > 0)
  def _():
    flush()

  off = 0
  for n in (CAP, CAP, RT - 2 * CAP):
    def orow(r, carry, off=off, n=n):
      for si in range(SEG // 2):
        va = acc[off + r, pl.ds(2 * si * L, L)]
        vb = acc[off + r, pl.ds((2 * si + 1) * L, L)]
        packed = plsc.pack(va, vb, format=plsc.PackFormat.INTERLEAVED)
        xbuf[r, pl.ds(si * L, L)] = plsc.bitcast(packed, jnp.int32)
      return carry

    lax.fori_loop(0, n, orow, 0)
    pltpu.sync_copy(xbuf.at[pl.ds(0, n)], out_hbm.at[c, pl.ds(lo + off, n)])
    off += n


@jax.jit
def _spmm2(table, edges2):
  mesh = plsc.VectorSubcoreMesh(core_axis_name="c", subcore_axis_name="s")
  return pl.kernel(
      _spmm_body,
      out_type=jax.ShapeDtypeStruct((NC, ACC_ROWS, FT // 2), jnp.int32),
      mesh=mesh,
      compiler_params=pltpu.CompilerParams(needs_layout_passes=False),
      scratch_types=[
          pltpu.VMEM((3 * EC,), jnp.int32),
          pltpu.VMEM((CAP,), jnp.int32),
          pltpu.VMEM((CAP,), jnp.float32),
          pltpu.VMEM((CAP,), jnp.int32),
          pltpu.VMEM((CAP,), jnp.int32),
          pltpu.VMEM((CAP,), jnp.int32),
          pltpu.VMEM((CAP, FT // 2), jnp.int32),
          pltpu.VMEM((RT, FT), jnp.float32),
          pltpu.VMEM_SHARED((KSPM, FT // 2), jnp.int32),
          pltpu.SemaphoreType.DMA,
          pltpu.SemaphoreType.DMA,
      ],
  )(edges2, table)


def _gcn_matmul_body(mn_ref, w_ref, out_ref):
  x = mn_ref[0].astype(jnp.float32)
  out_ref[0] = jnp.maximum(
      jnp.dot(x, w_ref[0], preferred_element_type=jnp.float32), 0.0)


BR = 1280


@jax.jit
def _gcn_layer(mn, w_stack):
  return pl.pallas_call(
      _gcn_matmul_body,
      grid=(NC, ACC_ROWS // BR),
      in_specs=[
          pl.BlockSpec((1, BR, FT), lambda c, i: (c, i, 0)),
          pl.BlockSpec((1, FT, HID), lambda c, i: (c, 0, 0)),
      ],
      out_specs=pl.BlockSpec((1, BR, HID), lambda c, i: (c, i, 0)),
      out_shape=jax.ShapeDtypeStruct((NC, ACC_ROWS, HID), jnp.float32),
  )(mn, w_stack)


def _final_body(mn2_ref, feat_ref, w1_ref, wfa_ref, wfb_ref, b_ref, out_ref):
  x = mn2_ref[0].astype(jnp.float32)
  v = jnp.maximum(
      jnp.dot(x, w1_ref[0], preferred_element_type=jnp.float32), 0.0)
  out_ref[...] = (
      jnp.dot(v, wfa_ref[0], preferred_element_type=jnp.float32)
      + jnp.dot(feat_ref[...], wfb_ref[0], preferred_element_type=jnp.float32)
      + b_ref[0])


FR = 1000


@jax.jit
def _final_layer(mn2, features, w1_stack, wfa_stack, wfb_stack, b_stack):
  nb = N_P // FR
  return pl.pallas_call(
      _final_body,
      grid=(NC * nb,),
      in_specs=[
          pl.BlockSpec((1, FR, HID), lambda i: (i // nb, i % nb, 0)),
          pl.BlockSpec((FR, FT), lambda i: (i, 0)),
          pl.BlockSpec((1, HID, HID), lambda i: (i // nb, 0, 0)),
          pl.BlockSpec((1, HID, OUT), lambda i: (i // nb, 0, 0)),
          pl.BlockSpec((1, FT, OUT), lambda i: (i // nb, 0, 0)),
          pl.BlockSpec((1, 1, OUT), lambda i: (i // nb, 0, 0)),
      ],
      out_specs=pl.BlockSpec((FR, OUT), lambda i: (i, 0)),
      out_shape=jax.ShapeDtypeStruct((NODE_SIZE, OUT), jnp.float32),
  )(mn2, features, w1_stack, wfa_stack, wfb_stack, b_stack)


def kernel(features, edge_index_p, edge_weight_p, edge_index_a, edge_weight_a,
           idx_p, idx_a, W0_pa, W0_ap, W1_pa, W1_ap, Wfc_p, bfc_p, Wfc_a,
           bfc_a):
  pad = EPAD - E
  rows2 = jnp.stack([
      jnp.pad(edge_index_p[0], (0, pad)),
      jnp.pad(edge_index_a[0], (0, pad)),
  ])
  cols2 = jnp.stack([
      jnp.pad(edge_index_p[1], (0, pad)),
      jnp.pad(edge_index_a[1], (0, pad)),
  ])
  wbits = jax.lax.bitcast_convert_type(jnp.stack([
      jnp.pad(edge_weight_p, (0, pad)),
      jnp.pad(edge_weight_a, (0, pad)),
  ]), jnp.int32)
  nch = EPAD // EC
  edges2 = jnp.stack([
      rows2.reshape(NC, nch, EC),
      cols2.reshape(NC, nch, EC),
      wbits.reshape(NC, nch, EC),
  ], axis=2).reshape(NC, nch * 3 * EC)

  def to_bf16_interleaved(t):
    n = t.shape[:-1]
    b = (t.reshape(*n, FT // 32, 2, L)
         .swapaxes(-2, -1)
         .reshape(*n, FT // 2, 2).astype(jnp.bfloat16))
    return jax.lax.bitcast_convert_type(b, jnp.int32)

  def permute_rows(w):
    return (w.reshape(FT // 32, 2, L, w.shape[-1]).transpose(0, 2, 1, 3)
            .reshape(FT, w.shape[-1]))

  rowpad = ACC_ROWS - N_P
  table_l0 = to_bf16_interleaved(jnp.stack([
      jnp.pad(features[N_P:], ((0, rowpad), (0, 0))),
      jnp.pad(features[:N_P], ((0, rowpad), (0, 0))),
  ]))
  def as_bf16(mn_i32):
    return jax.lax.bitcast_convert_type(mn_i32, jnp.bfloat16).reshape(
        NC, ACC_ROWS, FT)

  mn = as_bf16(_spmm2(table_l0, edges2))
  w0_stack = jnp.stack([permute_rows(W0_pa), permute_rows(W0_ap)])
  embs1 = _gcn_layer(mn, w0_stack)
  table_l1 = to_bf16_interleaved(embs1[::-1])
  mn2 = as_bf16(_spmm2(table_l1, edges2))
  w1_stack = jnp.stack([permute_rows(W1_pa), permute_rows(W1_ap)])
  wfa_stack = jnp.stack([Wfc_p[:HID], Wfc_a[:HID]])
  wfb_stack = jnp.stack([Wfc_p[HID:], Wfc_a[HID:]])
  b_stack = jnp.stack([bfc_p, bfc_a]).reshape(NC, 1, OUT)
  return _final_layer(mn2, features, w1_stack, wfa_stack, wfb_stack, b_stack)

# --- scband reference (transcript-rebuilt; emitter-appended) ---
"""Pipeline reference for scband-modeler-81784767250533 (READ-ONLY COPY).

The authoritative reference and input builder live on the scoring server;
editing this copy changes nothing except your own understanding.
"""

import jax, jax.numpy as jnp
import numpy as np

N_P = 5000
N_A = 5000
NODE_SIZE = 10000
FT = 256
HID = 256
HID2 = 256
OUT = 256
E = 80000


def spmm(row, col, w, x, n_rows):
    # sparse [n_rows, n_cols] (COO row/col/w) @ dense x  -> gather + scatter-add
    return jax.ops.segment_sum(w[:, None] * x[col], row, num_segments=n_rows)


def setup_inputs(seed: int = 0) -> dict:
    key = jax.random.key(seed)
    ks = jax.random.split(key, 16)
    s = 0.05
    return {
        "features": jax.random.normal(ks[0], (NODE_SIZE, FT), jnp.float32),
        "edge_index_p": jax.random.randint(ks[1], (2, E), 0, N_A, jnp.int32),
        "edge_weight_p": jax.random.uniform(ks[2], (E,), jnp.float32),
        "edge_index_a": jax.random.randint(ks[3], (2, E), 0, N_P, jnp.int32),
        "edge_weight_a": jax.random.uniform(ks[4], (E,), jnp.float32),
        "idx_p": jnp.arange(N_P, dtype=jnp.int32),
        "idx_a": jnp.arange(N_A, dtype=jnp.int32) + N_P,
        "W0_pa": jax.random.normal(ks[5], (FT, HID), jnp.float32) * s,
        "W0_ap": jax.random.normal(ks[6], (FT, HID), jnp.float32) * s,
        "W1_pa": jax.random.normal(ks[7], (HID, HID2), jnp.float32) * s,
        "W1_ap": jax.random.normal(ks[8], (HID, HID2), jnp.float32) * s,
        "Wfc_p": jax.random.normal(ks[9], (HID2 + FT, OUT), jnp.float32) * s,
        "bfc_p": jnp.zeros((OUT,), jnp.float32),
        "Wfc_a": jax.random.normal(ks[10], (HID2 + FT, OUT), jnp.float32) * s,
        "bfc_a": jnp.zeros((OUT,), jnp.float32),
    }


def reference(features, edge_index_p, edge_weight_p, edge_index_a, edge_weight_a,
              idx_p, idx_a, W0_pa, W0_ap, W1_pa, W1_ap, Wfc_p, bfc_p, Wfc_a, bfc_a):
    # ---- Layer 0: for each node type, spmm(graph[n][j], features[node_cnt[t]]) then GCN (linear + ReLU, no bias)
    mn_p = spmm(edge_index_p[0], edge_index_p[1], edge_weight_p, features[idx_a], N_P)
    v_p = jax.nn.relu(mn_p @ W0_pa)   # bnn['0p-a']
    mn_a = spmm(edge_index_a[0], edge_index_a[1], edge_weight_a, features[idx_p], N_A)
    v_a = jax.nn.relu(mn_a @ W0_ap)   # bnn['0a-p']
    # single relation per type -> torch.mean(stack([v]),0) == v ; scatter into embs1
    embs1 = jnp.zeros((NODE_SIZE, HID), jnp.float32).at[idx_p].set(v_p).at[idx_a].set(v_a)
    # ---- Layer 1: spmm over embs1, GCN, then hstack with raw features and FullyConnect (dropout p=0 eval -> linear)
    mn_p2 = spmm(edge_index_p[0], edge_index_p[1], edge_weight_p, embs1[idx_a], N_P)
    v_p2 = jax.nn.relu(mn_p2 @ W1_pa)  # bnn['1p-a']
    out_p = jnp.concatenate([v_p2, features[idx_p]], axis=1) @ Wfc_p + bfc_p  # fc['p']
    mn_a2 = spmm(edge_index_a[0], edge_index_a[1], edge_weight_a, embs1[idx_p], N_A)
    v_a2 = jax.nn.relu(mn_a2 @ W1_ap)  # bnn['1a-p']
    out_a = jnp.concatenate([v_a2, features[idx_a]], axis=1) @ Wfc_a + bfc_a  # fc['a']
    embs2 = jnp.zeros((NODE_SIZE, OUT), jnp.float32).at[idx_p].set(out_p).at[idx_a].set(out_a)
    return embs2

if __name__ == "__main__":
    import jax
    _d = setup_inputs()
    print(jax.jit(kernel)(*tuple(_d.values())))

</pallas_src>

<mosaic_0001>
#map = affine_map<(d0, d1) -> (0, 0)>
#map1 = affine_map<(d0, d1) -> (0, 0, 0)>
module attributes {stable_mosaic.version = 14 : i64} {
  func.func @_spmm_body(%arg0: i32, %arg1: i32, %arg2: memref<2x245760xi32, #tpu.memory_space<hbm>>, %arg3: memref<2x5120x128xi32, #tpu.memory_space<hbm>>, %arg4: memref<2x5120x128xi32, #tpu.memory_space<hbm>>, %arg5: memref<3072xi32, #tpu.memory_space<vmem>>, %arg6: memref<128xi32, #tpu.memory_space<vmem>>, %arg7: memref<128xf32, #tpu.memory_space<vmem>>, %arg8: memref<128xi32, #tpu.memory_space<vmem>>, %arg9: memref<128xi32, #tpu.memory_space<vmem>>, %arg10: memref<128xi32, #tpu.memory_space<vmem>>, %arg11: memref<128x128xi32, #tpu.memory_space<vmem>>, %arg12: memref<320x256xf32, #tpu.memory_space<vmem>>, %arg13: memref<3584x128xi32, #tpu.memory_space<vmem_shared>>, %arg14: memref<!tpu.dma_semaphore, #tpu.memory_space<semaphore_mem>>, %arg15: memref<!tpu.dma_semaphore, #tpu.memory_space<semaphore_mem>>) attributes {dimension_semantics = [#tpu.dimension_semantics<core_parallel>, #tpu.dimension_semantics<subcore_parallel>], iteration_bounds = array<i64: 2, 16>, scalar_prefetch = 0 : i64, scratch_operands = 11 : i64, tpu.core_type = #tpu.core_type<sc_vector_subcore>, window_params = [{transform_indices = #map}, {transform_indices = #map1}, {transform_indices = #map1}]} {
    %mul3A = arith.constant 320 : i32
    %mul3A_0 = arith.muli %arg1, %mul3A : i32
    %mul3A_1 = arith.constant 224 : i32
    %mul3A_2 = arith.muli %arg1, %mul3A_1 : i32
    %add3A = arith.constant 0 : i32
    %add3A_3 = arith.addi %mul3A_2, %add3A : i32
    "tpu.region"() ({
      %run_scoped3A = tpu.sem_alloc : memref<!tpu.dma_semaphore, #tpu.memory_space<semaphore_mem>>
      %dma_start3A = arith.constant 0 : i32
      %dma_start3A_96 = arith.constant 0 : i32
      %dma_start3A_97 = tpu.memref_slice %arg11[%dma_start3A, %dma_start3A_96] : memref<128x128xi32, #tpu.memory_space<vmem>> -> memref<128x128xi32, #tpu.memory_space<vmem>>
      %dma_start3A_98 = arith.constant 0 : i32
      %dma_start3A_99 = tpu.memref_slice %arg3[%arg0, %add3A_3, %dma_start3A_98] : memref<2x5120x128xi32, #tpu.memory_space<hbm>> -> memref<1x128x128xi32, #tpu.memory_space<hbm>>
      %dma_start3A_100 = tpu.memref_squeeze %dma_start3A_99 : memref<1x128x128xi32, #tpu.memory_space<hbm>> -> memref<128x128xi32, #tpu.memory_space<hbm>>
      %dma_start3A_101 = arith.constant 0 : i32
      %dma_start3A_102 = arith.constant 0 : i32
      %dma_start3A_103 = tpu.memref_slice %arg11[%dma_start3A_101, %dma_start3A_102] : memref<128x128xi32, #tpu.memory_space<vmem>> -> memref<128x128xi32, #tpu.memory_space<vmem>>
      %dma_start3A_104 = arith.constant 0 : i32
      %dma_start3A_105 = tpu.memref_slice %arg3[%arg0, %add3A_3, %dma_start3A_104] : memref<2x5120x128xi32, #tpu.memory_space<hbm>> -> memref<1x128x128xi32, #tpu.memory_space<hbm>>
      %dma_start3A_106 = tpu.memref_squeeze %dma_start3A_105 : memref<1x128x128xi32, #tpu.memory_space<hbm>> -> memref<128x128xi32, #tpu.memory_space<hbm>>
      tpu.enqueue_dma source(%dma_start3A_106 : memref<128x128xi32, #tpu.memory_space<hbm>>) target(%dma_start3A_103 : memref<128x128xi32, #tpu.memory_space<vmem>>) target_semaphore(%run_scoped3A : memref<!tpu.dma_semaphore, #tpu.memory_space<semaphore_mem>>)
      %dma_wait3A = arith.constant 0 : i32
      %dma_wait3A_107 = arith.constant 0 : i32
      %dma_wait3A_108 = tpu.memref_slice %arg11[%dma_wait3A, %dma_wait3A_107] : memref<128x128xi32, #tpu.memory_space<vmem>> -> memref<128x128xi32, #tpu.memory_space<vmem>>
      %dma_wait3A_109 = arith.constant 0 : i32
      %dma_wait3A_110 = tpu.memref_slice %arg3[%arg0, %add3A_3, %dma_wait3A_109] : memref<2x5120x128xi32, #tpu.memory_space<hbm>> -> memref<1x128x128xi32, #tpu.memory_space<hbm>>
      %dma_wait3A_111 = tpu.memref_squeeze %dma_wait3A_110 : memref<1x128x128xi32, #tpu.memory_space<hbm>> -> memref<128x128xi32, #tpu.memory_space<hbm>>
      %dma_wait3A_112 = arith.constant 0 : i32
      %dma_wait3A_113 = arith.constant 0 : i32
      %dma_wait3A_114 = tpu.memref_slice %arg11[%dma_wait3A_112, %dma_wait3A_113] : memref<128x128xi32, #tpu.memory_space<vmem>> -> memref<128x128xi32, #tpu.memory_space<vmem>>
      %dma_wait3A_115 = arith.constant 0 : i32
      %dma_wait3A_116 = tpu.memref_slice %arg3[%arg0, %add3A_3, %dma_wait3A_115] : memref<2x5120x128xi32, #tpu.memory_space<hbm>> -> memref<1x128x128xi32, #tpu.memory_space<hbm>>
      %dma_wait3A_117 = tpu.memref_squeeze %dma_wait3A_116 : memref<1x128x128xi32, #tpu.memory_space<hbm>> -> memref<128x128xi32, #tpu.memory_space<hbm>>
      tpu.wait_dma2 semaphore(%run_scoped3A : memref<!tpu.dma_semaphore, #tpu.memory_space<semaphore_mem>>) src(%dma_wait3A_117 : memref<128x128xi32, #tpu.memory_space<hbm>>) dst(%dma_wait3A_114 : memref<128x128xi32, #tpu.memory_space<vmem>>)
      tpu.yield
    }) : () -> ()
    "tpu.region"() ({
      %run_scoped3A = tpu.sem_alloc : memref<!tpu.dma_semaphore, #tpu.memory_space<semaphore_mem>>
      %dma_start3A = arith.constant 0 : i32
      %dma_start3A_96 = arith.constant 0 : i32
      %dma_start3A_97 = tpu.memref_slice %arg11[%dma_start3A, %dma_start3A_96] : memref<128x128xi32, #tpu.memory_space<vmem>> -> memref<128x128xi32, #tpu.memory_space<vmem>>
      %dma_start3A_98 = arith.constant 0 : i32
      %dma_start3A_99 = tpu.memref_slice %arg13[%add3A_3, %dma_start3A_98] : memref<3584x128xi32, #tpu.memory_space<vmem_shared>> -> memref<128x128xi32, #tpu.memory_space<vmem_shared>>
      %dma_start3A_100 = arith.constant 0 : i32
      %dma_start3A_101 = tpu.memref_slice %arg13[%add3A_3, %dma_start3A_100] : memref<3584x128xi32, #tpu.memory_space<vmem_shared>> -> memref<128x128xi32, #tpu.memory_space<vmem_shared>>
      %dma_start3A_102 = arith.constant 0 : i32
      %dma_start3A_103 = arith.constant 0 : i32
      %dma_start3A_104 = tpu.memref_slice %arg11[%dma_start3A_102, %dma_start3A_103] : memref<128x128xi32, #tpu.memory_space<vmem>> -> memref<128x128xi32, #tpu.memory_space<vmem>>
      tpu.enqueue_dma source(%dma_start3A_104 : memref<128x128xi32, #tpu.memory_space<vmem>>) target(%dma_start3A_101 : memref<128x128xi32, #tpu.memory_space<vmem_shared>>) target_semaphore(%run_scoped3A : memref<!tpu.dma_semaphore, #tpu.memory_space<semaphore_mem>>)
      %dma_wait3A = arith.constant 0 : i32
      %dma_wait3A_105 = arith.constant 0 : i32
      %dma_wait3A_106 = tpu.memref_slice %arg11[%dma_wait3A, %dma_wait3A_105] : memref<128x128xi32, #tpu.memory_space<vmem>> -> memref<128x128xi32, #tpu.memory_space<vmem>>
      %dma_wait3A_107 = arith.constant 0 : i32
      %dma_wait3A_108 = tpu.memref_slice %arg13[%add3A_3, %dma_wait3A_107] : memref<3584x128xi32, #tpu.memory_space<vmem_shared>> -> memref<128x128xi32, #tpu.memory_space<vmem_shared>>
      %dma_wait3A_109 = arith.constant 0 : i32
      %dma_wait3A_110 = tpu.memref_slice %arg13[%add3A_3, %dma_wait3A_109] : memref<3584x128xi32, #tpu.memory_space<vmem_shared>> -> memref<128x128xi32, #tpu.memory_space<vmem_shared>>
      %dma_wait3A_111 = arith.constant 0 : i32
      %dma_wait3A_112 = arith.constant 0 : i32
      %dma_wait3A_113 = tpu.memref_slice %arg11[%dma_wait3A_111, %dma_wait3A_112] : memref<128x128xi32, #tpu.memory_space<vmem>> -> memref<128x128xi32, #tpu.memory_space<vmem>>
      tpu.wait_dma2 semaphore(%run_scoped3A : memref<!tpu.dma_semaphore, #tpu.memory_space<semaphore_mem>>) src(%dma_wait3A_113 : memref<128x128xi32, #tpu.memory_space<vmem>>) dst(%dma_wait3A_110 : memref<128x128xi32, #tpu.memory_space<vmem_shared>>)
      tpu.yield
    }) : () -> ()
    %mul3A_4 = arith.constant 224 : i32
    %mul3A_5 = arith.muli %arg1, %mul3A_4 : i32
    %add3A_6 = arith.constant 128 : i32
    %add3A_7 = arith.addi %mul3A_5, %add3A_6 : i32
    "tpu.region"() ({
      %run_scoped3A = tpu.sem_alloc : memref<!tpu.dma_semaphore, #tpu.memory_space<semaphore_mem>>
      %dma_start3A = arith.constant 0 : i32
      %dma_start3A_96 = arith.constant 0 : i32
      %dma_start3A_97 = tpu.memref_slice %arg11[%dma_start3A, %dma_start3A_96] : memref<128x128xi32, #tpu.memory_space<vmem>> -> memref<96x128xi32, #tpu.memory_space<vmem>>
      %dma_start3A_98 = arith.constant 0 : i32
      %dma_start3A_99 = tpu.memref_slice %arg3[%arg0, %add3A_7, %dma_start3A_98] : memref<2x5120x128xi32, #tpu.memory_space<hbm>> -> memref<1x96x128xi32, #tpu.memory_space<hbm>>
      %dma_start3A_100 = tpu.memref_squeeze %dma_start3A_99 : memref<1x96x128xi32, #tpu.memory_space<hbm>> -> memref<96x128xi32, #tpu.memory_space<hbm>>
      %dma_start3A_101 = arith.constant 0 : i32
      %dma_start3A_102 = arith.constant 0 : i32
      %dma_start3A_103 = tpu.memref_slice %arg11[%dma_start3A_101, %dma_start3A_102] : memref<128x128xi32, #tpu.memory_space<vmem>> -> memref<96x128xi32, #tpu.memory_space<vmem>>
      %dma_start3A_104 = arith.constant 0 : i32
      %dma_start3A_105 = tpu.memref_slice %arg3[%arg0, %add3A_7, %dma_start3A_104] : memref<2x5120x128xi32, #tpu.memory_space<hbm>> -> memref<1x96x128xi32, #tpu.memory_space<hbm>>
      %dma_start3A_106 = tpu.memref_squeeze %dma_start3A_105 : memref<1x96x128xi32, #tpu.memory_space<hbm>> -> memref<96x128xi32, #tpu.memory_space<hbm>>
      tpu.enqueue_dma source(%dma_start3A_106 : memref<96x128xi32, #tpu.memory_space<hbm>>) target(%dma_start3A_103 : memref<96x128xi32, #tpu.memory_space<vmem>>) target_semaphore(%run_scoped3A : memref<!tpu.dma_semaphore, #tpu.memory_space<semaphore_mem>>)
      %dma_wait3A = arith.constant 0 : i32
      %dma_wait3A_107 = arith.constant 0 : i32
      %dma_wait3A_108 = tpu.memref_slice %arg11[%dma_wait3A, %dma_wait3A_107] : memref<128x128xi32, #tpu.memory_space<vmem>> -> memref<96x128xi32, #tpu.memory_space<vmem>>
      %dma_wait3A_109 = arith.constant 0 : i32
      %dma_wait3A_110 = tpu.memref_slice %arg3[%arg0, %add3A_7, %dma_wait3A_109] : memref<2x5120x128xi32, #tpu.memory_space<hbm>> -> memref<1x96x128xi32, #tpu.memory_space<hbm>>
      %dma_wait3A_111 = tpu.memref_squeeze %dma_wait3A_110 : memref<1x96x128xi32, #tpu.memory_space<hbm>> -> memref<96x128xi32, #tpu.memory_space<hbm>>
      %dma_wait3A_112 = arith.constant 0 : i32
      %dma_wait3A_113 = arith.constant 0 : i32
      %dma_wait3A_114 = tpu.memref_slice %arg11[%dma_wait3A_112, %dma_wait3A_113] : memref<128x128xi32, #tpu.memory_space<vmem>> -> memref<96x128xi32, #tpu.memory_space<vmem>>
      %dma_wait3A_115 = arith.constant 0 : i32
      %dma_wait3A_116 = tpu.memref_slice %arg3[%arg0, %add3A_7, %dma_wait3A_115] : memref<2x5120x128xi32, #tpu.memory_space<hbm>> -> memref<1x96x128xi32, #tpu.memory_space<hbm>>
      %dma_wait3A_117 = tpu.memref_squeeze %dma_wait3A_116 : memref<1x96x128xi32, #tpu.memory_space<hbm>> -> memref<96x128xi32, #tpu.memory_space<hbm>>
      tpu.wait_dma2 semaphore(%run_scoped3A : memref<!tpu.dma_semaphore, #tpu.memory_space<semaphore_mem>>) src(%dma_wait3A_117 : memref<96x128xi32, #tpu.memory_space<hbm>>) dst(%dma_wait3A_114 : memref<96x128xi32, #tpu.memory_space<vmem>>)
      tpu.yield
    }) : () -> ()
    "tpu.region"() ({
      %run_scoped3A = tpu.sem_alloc : memref<!tpu.dma_semaphore, #tpu.memory_space<semaphore_mem>>
      %dma_start3A = arith.constant 0 : i32
      %dma_start3A_96 = arith.constant 0 : i32
      %dma_start3A_97 = tpu.memref_slice %arg11[%dma_start3A, %dma_start3A_96] : memref<128x128xi32, #tpu.memory_space<vmem>> -> memref<96x128xi32, #tpu.memory_space<vmem>>
      %dma_start3A_98 = arith.constant 0 : i32
      %dma_start3A_99 = tpu.memref_slice %arg13[%add3A_7, %dma_start3A_98] : memref<3584x128xi32, #tpu.memory_space<vmem_shared>> -> memref<96x128xi32, #tpu.memory_space<vmem_shared>>
      %dma_start3A_100 = arith.constant 0 : i32
      %dma_start3A_101 = tpu.memref_slice %arg13[%add3A_7, %dma_start3A_100] : memref<3584x128xi32, #tpu.memory_space<vmem_shared>> -> memref<96x128xi32, #tpu.memory_space<vmem_shared>>
      %dma_start3A_102 = arith.constant 0 : i32
      %dma_start3A_103 = arith.constant 0 : i32
      %dma_start3A_104 = tpu.memref_slice %arg11[%dma_start3A_102, %dma_start3A_103] : memref<128x128xi32, #tpu.memory_space<vmem>> -> memref<96x128xi32, #tpu.memory_space<vmem>>
      tpu.enqueue_dma source(%dma_start3A_104 : memref<96x128xi32, #tpu.memory_space<vmem>>) target(%dma_start3A_101 : memref<96x128xi32, #tpu.memory_space<vmem_shared>>) target_semaphore(%run_scoped3A : memref<!tpu.dma_semaphore, #tpu.memory_space<semaphore_mem>>)
      %dma_wait3A = arith.constant 0 : i32
      %dma_wait3A_105 = arith.constant 0 : i32
      %dma_wait3A_106 = tpu.memref_slice %arg11[%dma_wait3A, %dma_wait3A_105] : memref<128x128xi32, #tpu.memory_space<vmem>> -> memref<96x128xi32, #tpu.memory_space<vmem>>
      %dma_wait3A_107 = arith.constant 0 : i32
      %dma_wait3A_108 = tpu.memref_slice %arg13[%add3A_7, %dma_wait3A_107] : memref<3584x128xi32, #tpu.memory_space<vmem_shared>> -> memref<96x128xi32, #tpu.memory_space<vmem_shared>>
      %dma_wait3A_109 = arith.constant 0 : i32
      %dma_wait3A_110 = tpu.memref_slice %arg13[%add3A_7, %dma_wait3A_109] : memref<3584x128xi32, #tpu.memory_space<vmem_shared>> -> memref<96x128xi32, #tpu.memory_space<vmem_shared>>
      %dma_wait3A_111 = arith.constant 0 : i32
      %dma_wait3A_112 = arith.constant 0 : i32
      %dma_wait3A_113 = tpu.memref_slice %arg11[%dma_wait3A_111, %dma_wait3A_112] : memref<128x128xi32, #tpu.memory_space<vmem>> -> memref<96x128xi32, #tpu.memory_space<vmem>>
      tpu.wait_dma2 semaphore(%run_scoped3A : memref<!tpu.dma_semaphore, #tpu.memory_space<semaphore_mem>>) src(%dma_wait3A_113 : memref<96x128xi32, #tpu.memory_space<vmem>>) dst(%dma_wait3A_110 : memref<96x128xi32, #tpu.memory_space<vmem_shared>>)
      tpu.yield
    }) : () -> ()
    %broadcast_in_dim3A = arith.constant 0 : i32
    %broadcast_in_dim3A_8 = vector.broadcast %broadcast_in_dim3A : i32 to vector<16xi32>
    %broadcast_in_dim3A_9 = arith.constant 0.000000e+00 : f32
    %broadcast_in_dim3A_10 = vector.broadcast %broadcast_in_dim3A_9 : f32 to vector<16xf32>
    %scan3A = arith.constant 0 : i32
    %scan3A_11 = arith.constant 0 : i32
    %scan3A_12 = arith.constant 320 : i32
    %scan3A_13 = arith.addi %scan3A_11, %scan3A_12 : i32
    %scan3A_14 = arith.constant 1 : i32
    scf.for %scan3A_96 = %scan3A_11 to %scan3A_13 step %scan3A_14  : i32 {
      %swap3A_97 = arith.index_cast %scan3A_96 : i32 to index
      %swap3A_98 = arith.constant 0 : index
      %swap3A_99 = tpu.vector_load %arg12[%swap3A_97, %swap3A_98] {strides = array<i32>} : memref<320x256xf32, #tpu.memory_space<vmem>>, vector<16xf32>,
      tpu.vector_store %arg12[%swap3A_97, %swap3A_98], %broadcast_in_dim3A_10 {strides = array<i32>} : memref<320x256xf32, #tpu.memory_space<vmem>>, vector<16xf32>,
      %swap3A_100 = arith.index_cast %scan3A_96 : i32 to index
      %swap3A_101 = arith.constant 16 : index
      %swap3A_102 = tpu.vector_load %arg12[%swap3A_100, %swap3A_101] {strides = array<i32>} : memref<320x256xf32, #tpu.memory_space<vmem>>, vector<16xf32>,
      tpu.vector_store %arg12[%swap3A_100, %swap3A_101], %broadcast_in_dim3A_10 {strides = array<i32>} : memref<320x256xf32, #tpu.memory_space<vmem>>, vector<16xf32>,
      %swap3A_103 = arith.index_cast %scan3A_96 : i32 to index
      %swap3A_104 = arith.constant 32 : index
      %swap3A_105 = tpu.vector_load %arg12[%swap3A_103, %swap3A_104] {strides = array<i32>} : memref<320x256xf32, #tpu.memory_space<vmem>>, vector<16xf32>,
      tpu.vector_store %arg12[%swap3A_103, %swap3A_104], %broadcast_in_dim3A_10 {strides = array<i32>} : memref<320x256xf32, #tpu.memory_space<vmem>>, vector<16xf32>,
      %swap3A_106 = arith.index_cast %scan3A_96 : i32 to index
      %swap3A_107 = arith.constant 48 : index
      %swap3A_108 = tpu.vector_load %arg12[%swap3A_106, %swap3A_107] {strides = array<i32>} : memref<320x256xf32, #tpu.memory_space<vmem>>, vector<16xf32>,
      tpu.vector_store %arg12[%swap3A_106, %swap3A_107], %broadcast_in_dim3A_10 {strides = array<i32>} : memref<320x256xf32, #tpu.memory_space<vmem>>, vector<16xf32>,
      %swap3A_109 = arith.index_cast %scan3A_96 : i32 to index
      %swap3A_110 = arith.constant 64 : index
      %swap3A_111 = tpu.vector_load %arg12[%swap3A_109, %swap3A_110] {strides = array<i32>} : memref<320x256xf32, #tpu.memory_space<vmem>>, vector<16xf32>,
      tpu.vector_store %arg12[%swap3A_109, %swap3A_110], %broadcast_in_dim3A_10 {strides = array<i32>} : memref<320x256xf32, #tpu.memory_space<vmem>>, vector<16xf32>,
      %swap3A_112 = arith.index_cast %scan3A_96 : i32 to index
      %swap3A_113 = arith.constant 80 : index
      %swap3A_114 = tpu.vector_load %arg12[%swap3A_112, %swap3A_113] {strides = array<i32>} : memref<320x256xf32, #tpu.memory_space<vmem>>, vector<16xf32>,
      tpu.vector_store %arg12[%swap3A_112, %swap3A_113], %broadcast_in_dim3A_10 {strides = array<i32>} : memref<320x256xf32, #tpu.memory_space<vmem>>, vector<16xf32>,
      %swap3A_115 = arith.index_cast %scan3A_96 : i32 to index
      %swap3A_116 = arith.constant 96 : index
      %swap3A_117 = tpu.vector_load %arg12[%swap3A_115, %swap3A_116] {strides = array<i32>} : memref<320x256xf32, #tpu.memory_space<vmem>>, vector<16xf32>,
      tpu.vector_store %arg12[%swap3A_115, %swap3A_116], %broadcast_in_dim3A_10 {strides = array<i32>} : memref<320x256xf32, #tpu.memory_space<vmem>>, vector<16xf32>,
      %swap3A_118 = arith.index_cast %scan3A_96 : i32 to index
      %swap3A_119 = arith.constant 112 : index
      %swap3A_120 = tpu.vector_load %arg12[%swap3A_118, %swap3A_119] {strides = array<i32>} : memref<320x256xf32, #tpu.memory_space<vmem>>, vector<16xf32>,
      tpu.vector_store %arg12[%swap3A_118, %swap3A_119], %broadcast_in_dim3A_10 {strides = array<i32>} : memref<320x256xf32, #tpu.memory_space<vmem>>, vector<16xf32>,
      %swap3A_121 = arith.index_cast %scan3A_96 : i32 to index
      %swap3A_122 = arith.constant 128 : index
      %swap3A_123 = tpu.vector_load %arg12[%swap3A_121, %swap3A_122] {strides = array<i32>} : memref<320x256xf32, #tpu.memory_space<vmem>>, vector<16xf32>,
      tpu.vector_store %arg12[%swap3A_121, %swap3A_122], %broadcast_in_dim3A_10 {strides = array<i32>} : memref<320x256xf32, #tpu.memory_space<vmem>>, vector<16xf32>,
      %swap3A_124 = arith.index_cast %scan3A_96 : i32 to index
      %swap3A_125 = arith.constant 144 : index
      %swap3A_126 = tpu.vector_load %arg12[%swap3A_124, %swap3A_125] {strides = array<i32>} : memref<320x256xf32, #tpu.memory_space<vmem>>, vector<16xf32>,
      tpu.vector_store %arg12[%swap3A_124, %swap3A_125], %broadcast_in_dim3A_10 {strides = array<i32>} : memref<320x256xf32, #tpu.memory_space<vmem>>, vector<16xf32>,
      %swap3A_127 = arith.index_cast %scan3A_96 : i32 to index
      %swap3A_128 = arith.constant 160 : index
      %swap3A_129 = tpu.vector_load %arg12[%swap3A_127, %swap3A_128] {strides = array<i32>} : memref<320x256xf32, #tpu.memory_space<vmem>>, vector<16xf32>,
      tpu.vector_store %arg12[%swap3A_127, %swap3A_128], %broadcast_in_dim3A_10 {strides = array<i32>} : memref<320x256xf32, #tpu.memory_space<vmem>>, vector<16xf32>,
      %swap3A_130 = arith.index_cast %scan3A_96 : i32 to index
      %swap3A_131 = arith.constant 176 : index
      %swap3A_132 = tpu.vector_load %arg12[%swap3A_130, %swap3A_131] {strides = array<i32>} : memref<320x256xf32, #tpu.memory_space<vmem>>, vector<16xf32>,
      tpu.vector_store %arg12[%swap3A_130, %swap3A_131], %broadcast_in_dim3A_10 {strides = array<i32>} : memref<320x256xf32, #tpu.memory_space<vmem>>, vector<16xf32>,
      %swap3A_133 = arith.index_cast %scan3A_96 : i32 to index
      %swap3A_134 = arith.constant 192 : index
      %swap3A_135 = tpu.vector_load %arg12[%swap3A_133, %swap3A_134] {strides = array<i32>} : memref<320x256xf32, #tpu.memory_space<vmem>>, vector<16xf32>,
      tpu.vector_store %arg12[%swap3A_133, %swap3A_134], %broadcast_in_dim3A_10 {strides = array<i32>} : memref<320x256xf32, #tpu.memory_space<vmem>>, vector<16xf32>,
      %swap3A_136 = arith.index_cast %scan3A_96 : i32 to index
      %swap3A_137 = arith.constant 208 : index
      %swap3A_138 = tpu.vector_load %arg12[%swap3A_136, %swap3A_137] {strides = array<i32>} : memref<320x256xf32, #tpu.memory_space<vmem>>, vector<16xf32>,
      tpu.vector_store %arg12[%swap3A_136, %swap3A_137], %broadcast_in_dim3A_10 {strides = array<i32>} : memref<320x256xf32, #tpu.memory_space<vmem>>, vector<16xf32>,
      %swap3A_139 = arith.index_cast %scan3A_96 : i32 to index
      %swap3A_140 = arith.constant 224 : index
      %swap3A_141 = tpu.vector_load %arg12[%swap3A_139, %swap3A_140] {strides = array<i32>} : memref<320x256xf32, #tpu.memory_space<vmem>>, vector<16xf32>,
      tpu.vector_store %arg12[%swap3A_139, %swap3A_140], %broadcast_in_dim3A_10 {strides = array<i32>} : memref<320x256xf32, #tpu.memory_space<vmem>>, vector<16xf32>,
      %swap3A_142 = arith.index_cast %scan3A_96 : i32 to index
      %swap3A_143 = arith.constant 240 : index
      %swap3A_144 = tpu.vector_load %arg12[%swap3A_142, %swap3A_143] {strides = array<i32>} : memref<320x256xf32, #tpu.memory_space<vmem>>, vector<16xf32>,
      tpu.vector_store %arg12[%swap3A_142, %swap3A_143], %broadcast_in_dim3A_10 {strides = array<i32>} : memref<320x256xf32, #tpu.memory_space<vmem>>, vector<16xf32>,
    }
    %scan3A_15 = arith.constant 320 : i32
    %swap3A = arith.constant 0 : index
    %swap3A_16 = tpu.vector_load %arg6[%swap3A] {strides = array<i32>} : memref<128xi32, #tpu.memory_space<vmem>>, vector<16xi32>,
    tpu.vector_store %arg6[%swap3A], %broadcast_in_dim3A_8 {strides = array<i32>} : memref<128xi32, #tpu.memory_space<vmem>>, vector<16xi32>,
    %swap3A_17 = arith.constant 0 : index
    %swap3A_18 = tpu.vector_load %arg8[%swap3A_17] {strides = array<i32>} : memref<128xi32, #tpu.memory_space<vmem>>, vector<16xi32>,
    tpu.vector_store %arg8[%swap3A_17], %broadcast_in_dim3A_8 {strides = array<i32>} : memref<128xi32, #tpu.memory_space<vmem>>, vector<16xi32>,
    %swap3A_19 = arith.constant 0 : index
    %swap3A_20 = tpu.vector_load %arg7[%swap3A_19] {strides = array<i32>} : memref<128xf32, #tpu.memory_space<vmem>>, vector<16xf32>,
    tpu.vector_store %arg7[%swap3A_19], %broadcast_in_dim3A_10 {strides = array<i32>} : memref<128xf32, #tpu.memory_space<vmem>>, vector<16xf32>,
    %swap3A_21 = arith.constant 16 : index
    %swap3A_22 = tpu.vector_load %arg6[%swap3A_21] {strides = array<i32>} : memref<128xi32, #tpu.memory_space<vmem>>, vector<16xi32>,
    tpu.vector_store %arg6[%swap3A_21], %broadcast_in_dim3A_8 {strides = array<i32>} : memref<128xi32, #tpu.memory_space<vmem>>, vector<16xi32>,
    %swap3A_23 = arith.constant 16 : index
    %swap3A_24 = tpu.vector_load %arg8[%swap3A_23] {strides = array<i32>} : memref<128xi32, #tpu.memory_space<vmem>>, vector<16xi32>,
    tpu.vector_store %arg8[%swap3A_23], %broadcast_in_dim3A_8 {strides = array<i32>} : memref<128xi32, #tpu.memory_space<vmem>>, vector<16xi32>,
    %swap3A_25 = arith.constant 16 : index
    %swap3A_26 = tpu.vector_load %arg7[%swap3A_25] {strides = array<i32>} : memref<128xf32, #tpu.memory_space<vmem>>, vector<16xf32>,
    tpu.vector_store %arg7[%swap3A_25], %broadcast_in_dim3A_10 {strides = array<i32>} : memref<128xf32, #tpu.memory_space<vmem>>, vector<16xf32>,
    %swap3A_27 = arith.constant 32 : index
    %swap3A_28 = tpu.vector_load %arg6[%swap3A_27] {strides = array<i32>} : memref<128xi32, #tpu.memory_space<vmem>>, vector<16xi32>,
    tpu.vector_store %arg6[%swap3A_27], %broadcast_in_dim3A_8 {strides = array<i32>} : memref<128xi32, #tpu.memory_space<vmem>>, vector<16xi32>,
    %swap3A_29 = arith.constant 32 : index
    %swap3A_30 = tpu.vector_load %arg8[%swap3A_29] {strides = array<i32>} : memref<128xi32, #tpu.memory_space<vmem>>, vector<16xi32>,
    tpu.vector_store %arg8[%swap3A_29], %broadcast_in_dim3A_8 {strides = array<i32>} : memref<128xi32, #tpu.memory_space<vmem>>, vector<16xi32>,
    %swap3A_31 = arith.constant 32 : index
    %swap3A_32 = tpu.vector_load %arg7[%swap3A_31] {strides = array<i32>} : memref<128xf32, #tpu.memory_space<vmem>>, vector<16xf32>,
    tpu.vector_store %arg7[%swap3A_31], %broadcast_in_dim3A_10 {strides = array<i32>} : memref<128xf32, #tpu.memory_space<vmem>>, vector<16xf32>,
    %swap3A_33 = arith.constant 48 : index
    %swap3A_34 = tpu.vector_load %arg6[%swap3A_33] {strides = array<i32>} : memref<128xi32, #tpu.memory_space<vmem>>, vector<16xi32>,
    tpu.vector_store %arg6[%swap3A_33], %broadcast_in_dim3A_8 {strides = array<i32>} : memref<128xi32, #tpu.memory_space<vmem>>, vector<16xi32>,
    %swap3A_35 = arith.constant 48 : index
    %swap3A_36 = tpu.vector_load %arg8[%swap3A_35] {strides = array<i32>} : memref<128xi32, #tpu.memory_space<vmem>>, vector<16xi32>,
    tpu.vector_store %arg8[%swap3A_35], %broadcast_in_dim3A_8 {strides = array<i32>} : memref<128xi32, #tpu.memory_space<vmem>>, vector<16xi32>,
    %swap3A_37 = arith.constant 48 : index
    %swap3A_38 = tpu.vector_load %arg7[%swap3A_37] {strides = array<i32>} : memref<128xf32, #tpu.memory_space<vmem>>, vector<16xf32>,
    tpu.vector_store %arg7[%swap3A_37], %broadcast_in_dim3A_10 {strides = array<i32>} : memref<128xf32, #tpu.memory_space<vmem>>, vector<16xf32>,
    %swap3A_39 = arith.constant 64 : index
    %swap3A_40 = tpu.vector_load %arg6[%swap3A_39] {strides = array<i32>} : memref<128xi32, #tpu.memory_space<vmem>>, vector<16xi32>,
    tpu.vector_store %arg6[%swap3A_39], %broadcast_in_dim3A_8 {strides = array<i32>} : memref<128xi32, #tpu.memory_space<vmem>>, vector<16xi32>,
    %swap3A_41 = arith.constant 64 : index
    %swap3A_42 = tpu.vector_load %arg8[%swap3A_41] {strides = array<i32>} : memref<128xi32, #tpu.memory_space<vmem>>, vector<16xi32>,
    tpu.vector_store %arg8[%swap3A_41], %broadcast_in_dim3A_8 {strides = array<i32>} : memref<128xi32, #tpu.memory_space<vmem>>, vector<16xi32>,
    %swap3A_43 = arith.constant 64 : index
    %swap3A_44 = tpu.vector_load %arg7[%swap3A_43] {strides = array<i32>} : memref<128xf32, #tpu.memory_space<vmem>>, vector<16xf32>,
    tpu.vector_store %arg7[%swap3A_43], %broadcast_in_dim3A_10 {strides = array<i32>} : memref<128xf32, #tpu.memory_space<vmem>>, vector<16xf32>,
    %swap3A_45 = arith.constant 80 : index
    %swap3A_46 = tpu.vector_load %arg6[%swap3A_45] {strides = array<i32>} : memref<128xi32, #tpu.memory_space<vmem>>, vector<16xi32>,
    tpu.vector_store %arg6[%swap3A_45], %broadcast_in_dim3A_8 {strides = array<i32>} : memref<128xi32, #tpu.memory_space<vmem>>, vector<16xi32>,
    %swap3A_47 = arith.constant 80 : index
    %swap3A_48 = tpu.vector_load %arg8[%swap3A_47] {strides = array<i32>} : memref<128xi32, #tpu.memory_space<vmem>>, vector<16xi32>,
    tpu.vector_store %arg8[%swap3A_47], %broadcast_in_dim3A_8 {strides = array<i32>} : memref<128xi32, #tpu.memory_space<vmem>>, vector<16xi32>,
    %swap3A_49 = arith.constant 80 : index
    %swap3A_50 = tpu.vector_load %arg7[%swap3A_49] {strides = array<i32>} : memref<128xf32, #tpu.memory_space<vmem>>, vector<16xf32>,
    tpu.vector_store %arg7[%swap3A_49], %broadcast_in_dim3A_10 {strides = array<i32>} : memref<128xf32, #tpu.memory_space<vmem>>, vector<16xf32>,
    %swap3A_51 = arith.constant 96 : index
    %swap3A_52 = tpu.vector_load %arg6[%swap3A_51] {strides = array<i32>} : memref<128xi32, #tpu.memory_space<vmem>>, vector<16xi32>,
    tpu.vector_store %arg6[%swap3A_51], %broadcast_in_dim3A_8 {strides = array<i32>} : memref<128xi32, #tpu.memory_space<vmem>>, vector<16xi32>,
    %swap3A_53 = arith.constant 96 : index
    %swap3A_54 = tpu.vector_load %arg8[%swap3A_53] {strides = array<i32>} : memref<128xi32, #tpu.memory_space<vmem>>, vector<16xi32>,
    tpu.vector_store %arg8[%swap3A_53], %broadcast_in_dim3A_8 {strides = array<i32>} : memref<128xi32, #tpu.memory_space<vmem>>, vector<16xi32>,
    %swap3A_55 = arith.constant 96 : index
    %swap3A_56 = tpu.vector_load %arg7[%swap3A_55] {strides = array<i32>} : memref<128xf32, #tpu.memory_space<vmem>>, vector<16xf32>,
    tpu.vector_store %arg7[%swap3A_55], %broadcast_in_dim3A_10 {strides = array<i32>} : memref<128xf32, #tpu.memory_space<vmem>>, vector<16xf32>,
    %swap3A_57 = arith.constant 112 : index
    %swap3A_58 = tpu.vector_load %arg6[%swap3A_57] {strides = array<i32>} : memref<128xi32, #tpu.memory_space<vmem>>, vector<16xi32>,
    tpu.vector_store %arg6[%swap3A_57], %broadcast_in_dim3A_8 {strides = array<i32>} : memref<128xi32, #tpu.memory_space<vmem>>, vector<16xi32>,
    %swap3A_59 = arith.constant 112 : index
    %swap3A_60 = tpu.vector_load %arg8[%swap3A_59] {strides = array<i32>} : memref<128xi32, #tpu.memory_space<vmem>>, vector<16xi32>,
    tpu.vector_store %arg8[%swap3A_59], %broadcast_in_dim3A_8 {strides = array<i32>} : memref<128xi32, #tpu.memory_space<vmem>>, vector<16xi32>,
    %swap3A_61 = arith.constant 112 : index
    %swap3A_62 = tpu.vector_load %arg7[%swap3A_61] {strides = array<i32>} : memref<128xf32, #tpu.memory_space<vmem>>, vector<16xf32>,
    tpu.vector_store %arg7[%swap3A_61], %broadcast_in_dim3A_10 {strides = array<i32>} : memref<128xf32, #tpu.memory_space<vmem>>, vector<16xf32>,
    %barrier3A = arith.constant 0 : index
    tpu.barrier barrier_id(%barrier3A)
    %scan3A_63 = arith.constant 0 : i32
    %scan3A_64 = arith.constant 0 : i32
    %scan3A_65 = arith.constant 80 : i32
    %scan3A_66 = arith.addi %scan3A_64, %scan3A_65 : i32
    %scan3A_67 = arith.constant 1 : i32
    %scan3A_68 = scf.for %scan3A_96 = %scan3A_64 to %scan3A_66 step %scan3A_67 iter_args(%scan3A_97 = %scan3A_63) -> (i32)  : i32 {
      %mul3A_98 = arith.constant 3 : i32
      %mul3A_99 = arith.muli %scan3A_96, %mul3A_98 : i32
      %mul3A_100 = arith.constant 1024 : i32
      %mul3A_101 = arith.muli %mul3A_99, %mul3A_100 : i32
      "tpu.region"() ({
        %run_scoped3A = tpu.sem_alloc : memref<!tpu.dma_semaphore, #tpu.memory_space<semaphore_mem>>
        %dma_start3A = tpu.memref_slice %arg2[%arg0, %mul3A_101] : memref<2x245760xi32, #tpu.memory_space<hbm>> -> memref<1x3072xi32, #tpu.memory_space<hbm>>
        %dma_start3A_108 = tpu.memref_squeeze %dma_start3A : memref<1x3072xi32, #tpu.memory_space<hbm>> -> memref<3072xi32, #tpu.memory_space<hbm>>
        %dma_start3A_109 = tpu.memref_slice %arg2[%arg0, %mul3A_101] : memref<2x245760xi32, #tpu.memory_space<hbm>> -> memref<1x3072xi32, #tpu.memory_space<hbm>>
        %dma_start3A_110 = tpu.memref_squeeze %dma_start3A_109 : memref<1x3072xi32, #tpu.memory_space<hbm>> -> memref<3072xi32, #tpu.memory_space<hbm>>
        tpu.enqueue_dma source(%dma_start3A_110 : memref<3072xi32, #tpu.memory_space<hbm>>) target(%arg5 : memref<3072xi32, #tpu.memory_space<vmem>>) target_semaphore(%run_scoped3A : memref<!tpu.dma_semaphore, #tpu.memory_space<semaphore_mem>>)
        %dma_wait3A = tpu.memref_slice %arg2[%arg0, %mul3A_101] : memref<2x245760xi32, #tpu.memory_space<hbm>> -> memref<1x3072xi32, #tpu.memory_space<hbm>>
        %dma_wait3A_111 = tpu.memref_squeeze %dma_wait3A : memref<1x3072xi32, #tpu.memory_space<hbm>> -> memref<3072xi32, #tpu.memory_space<hbm>>
        %dma_wait3A_112 = tpu.memref_slice %arg2[%arg0, %mul3A_101] : memref<2x245760xi32, #tpu.memory_space<hbm>> -> memref<1x3072xi32, #tpu.memory_space<hbm>>
        %dma_wait3A_113 = tpu.memref_squeeze %dma_wait3A_112 : memref<1x3072xi32, #tpu.memory_space<hbm>> -> memref<3072xi32, #tpu.memory_space<hbm>>
        tpu.wait_dma2 semaphore(%run_scoped3A : memref<!tpu.dma_semaphore, #tpu.memory_space<semaphore_mem>>) src(%dma_wait3A_113 : memref<3072xi32, #tpu.memory_space<hbm>>) dst(%arg5 : memref<3072xi32, #tpu.memory_space<vmem>>)
        tpu.yield
      }) : () -> ()
      %scan3A_102 = arith.constant 0 : i32
      %scan3A_103 = arith.constant 64 : i32
      %scan3A_104 = arith.addi %scan3A_102, %scan3A_103 : i32
      %scan3A_105 = arith.constant 1 : i32
      %scan3A_106 = scf.for %scan3A_108 = %scan3A_102 to %scan3A_104 step %scan3A_105 iter_args(%scan3A_109 = %scan3A_97) -> (i32)  : i32 {
        %mul3A_110 = arith.constant 16 : i32
        %mul3A_111 = arith.muli %scan3A_108, %mul3A_110 : i32
        %get3A = arith.index_cast %mul3A_111 : i32 to index
        %get3A_112 = tpu.vector_load %arg5[%get3A] {strides = array<i32>} : memref<3072xi32, #tpu.memory_space<vmem>>, vector<16xi32>,
        %ge3A = vector.broadcast %mul3A_0 : i32 to vector<16xi32>
        %ge3A_113 = arith.cmpi sge, %get3A_112, %ge3A : vector<16xi32>
        %add3A_114 = arith.constant 320 : i32
        %add3A_115 = arith.addi %mul3A_0, %add3A_114 : i32
        %lt3A = vector.broadcast %add3A_115 : i32 to vector<16xi32>
        %lt3A_116 = arith.cmpi slt, %get3A_112, %lt3A : vector<16xi32>
        %and3A = arith.andi %ge3A_113, %lt3A_116 : vector<16xi1>
        %jit3A = arith.constant 1 : i32
        %jit3A_117 = arith.constant 0 : i32
        %broadcast_in_dim3A_118 = vector.broadcast %jit3A : i32 to vector<16xi32>
        %broadcast_in_dim3A_119 = vector.broadcast %jit3A_117 : i32 to vector<16xi32>
        %select_n3A = arith.select %and3A, %broadcast_in_dim3A_118, %broadcast_in_dim3A_119 : vector<16xi1>, vector<16xi32>
        %broadcast_in_dim3A_120 = arith.constant true
        %broadcast_in_dim3A_121 = vector.broadcast %broadcast_in_dim3A_120 : i1 to vector<16xi1>
        %masked_cumsum3A = tpu.scan <sum>, %select_n3A masked %broadcast_in_dim3A_121 : vector<16xi32>, vector<16xi1> -> vector<16xi32>
        %add3A_122 = vector.broadcast %scan3A_109 : i32 to vector<16xi32>
        %add3A_123 = arith.addi %add3A_122, %masked_cumsum3A : vector<16xi32>
        %sub3A = arith.constant 1 : i32
        %sub3A_124 = vector.broadcast %sub3A : i32 to vector<16xi32>
        %sub3A_125 = arith.subi %add3A_123, %sub3A_124 : vector<16xi32>
        %mul3A_126 = arith.constant 16 : i32
        %mul3A_127 = arith.muli %scan3A_108, %mul3A_126 : i32
        %add3A_128 = arith.constant 1024 : i32
        %add3A_129 = arith.addi %add3A_128, %mul3A_127 : i32
        %get3A_130 = arith.index_cast %add3A_129 : i32 to index
        %get3A_131 = tpu.vector_load %arg5[%get3A_130] {strides = array<i32>} : memref<3072xi32, #tpu.memory_space<vmem>>, vector<16xi32>,
        tpu.vector_store_idx %arg6[%sub3A_125], %get3A_131 masked %and3A : memref<128xi32, #tpu.memory_space<vmem>>[vector<16xi32>], vector<16xi32>, vector<16xi1>
        %mul3A_132 = arith.constant 16 : i32
        %mul3A_133 = arith.muli %scan3A_108, %mul3A_132 : i32
        %add3A_134 = arith.constant 2048 : i32
        %add3A_135 = arith.addi %add3A_134, %mul3A_133 : i32
        %get3A_136 = arith.index_cast %add3A_135 : i32 to index
        %get3A_137 = tpu.vector_load %arg5[%get3A_136] {strides = array<i32>} : memref<3072xi32, #tpu.memory_space<vmem>>, vector<16xi32>,
        %bitcast3A = vector.bitcast %get3A_137 : vector<16xi32> to vector<16xf32>
        tpu.vector_store_idx %arg7[%sub3A_125], %bitcast3A masked %and3A : memref<128xf32, #tpu.memory_space<vmem>>[vector<16xi32>], vector<16xf32>, vector<16xi1>
        %sub3A_138 = vector.broadcast %mul3A_0 : i32 to vector<16xi32>
        %sub3A_139 = arith.subi %get3A_112, %sub3A_138 : vector<16xi32>
        tpu.vector_store_idx %arg8[%sub3A_125], %sub3A_139 masked %and3A : memref<128xi32, #tpu.memory_space<vmem>>[vector<16xi32>], vector<16xi32>, vector<16xi1>
        %slice3A = vector.extract_strided_slice %masked_cumsum3A {offsets = [15], sizes = [1], strides = [1]} : vector<16xi32> to vector<1xi32>
        %squeeze3A = vector.extract %slice3A[0] : i32 from vector<1xi32>
        %add3A_140 = arith.addi %scan3A_109, %squeeze3A : i32
        %ge3A_141 = arith.constant 112 : i32
        %ge3A_142 = arith.cmpi sge, %add3A_140, %ge3A_141 : i32
        %convert_element_type3A_143 = arith.extui %ge3A_142 : i1 to i32
        %cond3A_144 = arith.constant 0 : i32
        %cond3A_145 = arith.cmpi ne, %convert_element_type3A_143, %cond3A_144 : i32
        scf.if %cond3A_145 {
          %scan3A_150 = arith.constant 0 : i32
          %scan3A_151 = arith.constant 0 : i32
          %scan3A_152 = arith.constant 8 : i32
          %scan3A_153 = arith.addi %scan3A_151, %scan3A_152 : i32
          %scan3A_154 = arith.constant 1 : i32
          scf.for %scan3A_182 = %scan3A_151 to %scan3A_153 step %scan3A_154  : i32 {
            %mul3A_183 = arith.constant 16 : i32
            %mul3A_184 = arith.muli %scan3A_182, %mul3A_183 : i32
            %get3A_185 = arith.index_cast %mul3A_184 : i32 to index
            %get3A_186 = tpu.vector_load %arg6[%get3A_185] {strides = array<i32>} : memref<128xi32, #tpu.memory_space<vmem>>, vector<16xi32>,
            %lt3A_187 = arith.constant 3584 : i32
            %lt3A_188 = vector.broadcast %lt3A_187 : i32 to vector<16xi32>
            %lt3A_189 = arith.cmpi slt, %get3A_186, %lt3A_188 : vector<16xi32>
            %jit3A_190 = arith.constant 8191 : i32
            %broadcast_in_dim3A_191 = vector.broadcast %jit3A_190 : i32 to vector<16xi32>
            %select_n3A_192 = arith.select %lt3A_189, %get3A_186, %broadcast_in_dim3A_191 : vector<16xi1>, vector<16xi32>
            %mul3A_193 = arith.constant 16 : i32
            %mul3A_194 = arith.muli %scan3A_182, %mul3A_193 : i32
            %swap3A_195 = arith.index_cast %mul3A_194 : i32 to index
            %swap3A_196 = tpu.vector_load %arg9[%swap3A_195] {strides = array<i32>} : memref<128xi32, #tpu.memory_space<vmem>>, vector<16xi32>,
            tpu.vector_store %arg9[%swap3A_195], %select_n3A_192 {strides = array<i32>} : memref<128xi32, #tpu.memory_space<vmem>>, vector<16xi32>,
            %jit3A_197 = arith.constant 8191 : i32
            %broadcast_in_dim3A_198 = vector.broadcast %jit3A_197 : i32 to vector<16xi32>
            %select_n3A_199 = arith.select %lt3A_189, %broadcast_in_dim3A_198, %get3A_186 : vector<16xi1>, vector<16xi32>
            %mul3A_200 = arith.constant 16 : i32
            %mul3A_201 = arith.muli %scan3A_182, %mul3A_200 : i32
            %swap3A_202 = arith.index_cast %mul3A_201 : i32 to index
            %swap3A_203 = tpu.vector_load %arg10[%swap3A_202] {strides = array<i32>} : memref<128xi32, #tpu.memory_space<vmem>>, vector<16xi32>,
            tpu.vector_store %arg10[%swap3A_202], %select_n3A_199 {strides = array<i32>} : memref<128xi32, #tpu.memory_space<vmem>>, vector<16xi32>,
          }
          %scan3A_155 = arith.constant 8 : i32
          %dma_start3A = arith.constant 0 : i32
          %dma_start3A_156 = arith.constant 0 : i32
          %dma_start3A_157 = tpu.memref_slice %arg13[%dma_start3A, %dma_start3A_156] : memref<3584x128xi32, #tpu.memory_space<vmem_shared>> -> memref<3584x128xi32, #tpu.memory_space<vmem_shared>>
          %dma_start3A_158 = arith.constant 8191 : i32
          tpu.enqueue_indirect_dma source(%dma_start3A_157 : memref<3584x128xi32, #tpu.memory_space<vmem_shared>>) target(%arg11 : memref<128x128xi32, #tpu.memory_space<vmem>>) offsets(%arg9 : memref<128xi32, #tpu.memory_space<vmem>>) offset_filter(%dma_start3A_158) semaphore(%arg14 : memref<!tpu.dma_semaphore, #tpu.memory_space<semaphore_mem>>)
          %dma_start3A_159 = arith.constant 0 : i32
          %dma_start3A_160 = arith.constant 0 : i32
          %dma_start3A_161 = tpu.memref_slice %arg3[%arg0, %dma_start3A_159, %dma_start3A_160] : memref<2x5120x128xi32, #tpu.memory_space<hbm>> -> memref<1x5120x128xi32, #tpu.memory_space<hbm>>
          %dma_start3A_162 = tpu.memref_squeeze %dma_start3A_161 : memref<1x5120x128xi32, #tpu.memory_space<hbm>> -> memref<5120x128xi32, #tpu.memory_space<hbm>>
          %dma_start3A_163 = arith.constant 0 : i32
          %dma_start3A_164 = arith.constant 0 : i32
          %dma_start3A_165 = tpu.memref_slice %dma_start3A_162[%dma_start3A_163, %dma_start3A_164] : memref<5120x128xi32, #tpu.memory_space<hbm>> -> memref<5120x128xi32, #tpu.memory_space<hbm>>
          %dma_start3A_166 = arith.constant 8191 : i32
          tpu.enqueue_indirect_dma source(%dma_start3A_165 : memref<5120x128xi32, #tpu.memory_space<hbm>>) target(%arg11 : memref<128x128xi32, #tpu.memory_space<vmem>>) offsets(%arg10 : memref<128xi32, #tpu.memory_space<vmem>>) offset_filter(%dma_start3A_166) semaphore(%arg15 : memref<!tpu.dma_semaphore, #tpu.memory_space<semaphore_mem>>)
          %dma_wait3A = arith.constant 0 : i32
          %dma_wait3A_167 = arith.constant 0 : i32
          %dma_wait3A_168 = tpu.memref_slice %arg13[%dma_wait3A, %dma_wait3A_167] : memref<3584x128xi32, #tpu.memory_space<vmem_shared>> -> memref<3584x128xi32, #tpu.memory_space<vmem_shared>>
          tpu.wait_indirect_dma semaphore(%arg14 : memref<!tpu.dma_semaphore, #tpu.memory_space<semaphore_mem>>) src(%dma_wait3A_168 : memref<3584x128xi32, #tpu.memory_space<vmem_shared>>) dst(%arg11 : memref<128x128xi32, #tpu.memory_space<vmem>>)
          %dma_wait3A_169 = arith.constant 0 : i32
          %dma_wait3A_170 = arith.constant 0 : i32
          %dma_wait3A_171 = tpu.memref_slice %arg3[%arg0, %dma_wait3A_169, %dma_wait3A_170] : memref<2x5120x128xi32, #tpu.memory_space<hbm>> -> memref<1x5120x128xi32, #tpu.memory_space<hbm>>
          %dma_wait3A_172 = tpu.memref_squeeze %dma_wait3A_171 : memref<1x5120x128xi32, #tpu.memory_space<hbm>> -> memref<5120x128xi32, #tpu.memory_space<hbm>>
          %dma_wait3A_173 = arith.constant 0 : i32
          %dma_wait3A_174 = arith.constant 0 : i32
          %dma_wait3A_175 = tpu.memref_slice %dma_wait3A_172[%dma_wait3A_173, %dma_wait3A_174] : memref<5120x128xi32, #tpu.memory_space<hbm>> -> memref<5120x128xi32, #tpu.memory_space<hbm>>
          tpu.wait_indirect_dma semaphore(%arg15 : memref<!tpu.dma_semaphore, #tpu.memory_space<semaphore_mem>>) src(%dma_wait3A_175 : memref<5120x128xi32, #tpu.memory_space<hbm>>) dst(%arg11 : memref<128x128xi32, #tpu.memory_space<vmem>>)
          %scan3A_176 = arith.constant 0 : i32
          %scan3A_177 = arith.constant 0 : i32
          %scan3A_178 = arith.constant 8 : i32
          %scan3A_179 = arith.addi %scan3A_177, %scan3A_178 : i32
          %scan3A_180 = arith.constant 1 : i32
          scf.for %scan3A_182 = %scan3A_177 to %scan3A_179 step %scan3A_180  : i32 {
            %mul3A_183 = arith.constant 16 : i32
            %mul3A_184 = arith.muli %scan3A_182, %mul3A_183 : i32
            %get3A_185 = arith.index_cast %mul3A_184 : i32 to index
            %get3A_186 = tpu.vector_load %arg7[%get3A_185] {strides = array<i32>} : memref<128xf32, #tpu.memory_space<vmem>>, vector<16xf32>,
            %mul3A_187 = arith.constant 16 : i32
            %mul3A_188 = arith.muli %scan3A_182, %mul3A_187 : i32
            %get3A_189 = arith.index_cast %mul3A_188 : i32 to index
            %get3A_190 = tpu.vector_load %arg8[%get3A_189] {strides = array<i32>} : memref<128xi32, #tpu.memory_space<vmem>>, vector<16xi32>,
            %slice3A_191 = vector.extract_strided_slice %get3A_186 {offsets = [0], sizes = [1], strides = [1]} : vector<16xf32> to vector<1xf32>
            %squeeze3A_192 = vector.extract %slice3A_191[0] : f32 from vector<1xf32>
            %slice3A_193 = vector.extract_strided_slice %get3A_190 {offsets = [0], sizes = [1], strides = [1]} : vector<16xi32> to vector<1xi32>
            %squeeze3A_194 = vector.extract %slice3A_193[0] : i32 from vector<1xi32>
            %mul3A_195 = arith.constant 16 : i32
            %mul3A_196 = arith.muli %scan3A_182, %mul3A_195 : i32
            %add3A_197 = arith.constant 0 : i32
            %add3A_198 = arith.addi %mul3A_196, %add3A_197 : i32
            %parallel_loop3A = arith.constant 0 : i32
            %parallel_loop3A_199 = arith.constant 8 : i32
            %parallel_loop3A_200 = arith.constant 1 : i32
            scf.for %parallel_loop3A_370 = %parallel_loop3A to %parallel_loop3A_199 step %parallel_loop3A_200  : i32 {
              %parallel_loop3A_371 = arith.constant 16 : i32
              %parallel_loop3A_372 = arith.muli %parallel_loop3A_370, %parallel_loop3A_371 : i32
              %parallel_loop3A_373 = arith.index_cast %add3A_198 : i32 to index
              %parallel_loop3A_374 = arith.index_cast %parallel_loop3A_372 : i32 to index
              %parallel_loop3A_375 = tpu.vector_load %arg11[%parallel_loop3A_373, %parallel_loop3A_374] {strides = array<i32>} : memref<128x128xi32, #tpu.memory_space<vmem>>, vector<16xi32>,
              %parallel_loop3A_376 = vector.bitcast %parallel_loop3A_375 : vector<16xi32> to vector<32xbf16>
              %parallel_loop3A_377 = tpu.unpack_subelements %parallel_loop3A_376, 0 {pack_format = #tpu.pack_format<interleaved>} : vector<32xbf16> -> vector<16xf32>
              %parallel_loop3A_378 = tpu.unpack_subelements %parallel_loop3A_376, 1 {pack_format = #tpu.pack_format<interleaved>} : vector<32xbf16> -> vector<16xf32>
              %parallel_loop3A_379 = arith.constant 2 : i32
              %parallel_loop3A_380 = arith.muli %parallel_loop3A_379, %parallel_loop3A_370 : i32
              %parallel_loop3A_381 = arith.constant 16 : i32
              %parallel_loop3A_382 = arith.muli %parallel_loop3A_380, %parallel_loop3A_381 : i32
              %parallel_loop3A_383 = vector.broadcast %squeeze3A_192 : f32 to vector<16xf32>
              %parallel_loop3A_384 = arith.mulf %parallel_loop3A_377, %parallel_loop3A_383 : vector<16xf32>
              %parallel_loop3A_385 = arith.index_cast %squeeze3A_194 : i32 to index
              %parallel_loop3A_386 = arith.index_cast %parallel_loop3A_382 : i32 to index
              %parallel_loop3A_387 = tpu.vector_load %arg12[%parallel_loop3A_385, %parallel_loop3A_386] {strides = array<i32>} : memref<320x256xf32, #tpu.memory_space<vmem>>, vector<16xf32>,
              tpu.vector_store %arg12[%parallel_loop3A_385, %parallel_loop3A_386], %parallel_loop3A_384 {add = true, strides = array<i32>} : memref<320x256xf32, #tpu.memory_space<vmem>>, vector<16xf32>,
              %parallel_loop3A_388 = arith.constant 2 : i32
              %parallel_loop3A_389 = arith.muli %parallel_loop3A_388, %parallel_loop3A_370 : i32
              %parallel_loop3A_390 = arith.constant 1 : i32
              %parallel_loop3A_391 = arith.addi %parallel_loop3A_389, %parallel_loop3A_390 : i32
              %parallel_loop3A_392 = arith.constant 16 : i32
              %parallel_loop3A_393 = arith.muli %parallel_loop3A_391, %parallel_loop3A_392 : i32
              %parallel_loop3A_394 = vector.broadcast %squeeze3A_192 : f32 to vector<16xf32>
              %parallel_loop3A_395 = arith.mulf %parallel_loop3A_378, %parallel_loop3A_394 : vector<16xf32>
              %parallel_loop3A_396 = arith.index_cast %squeeze3A_194 : i32 to index
              %parallel_loop3A_397 = arith.index_cast %parallel_loop3A_393 : i32 to index
              %parallel_loop3A_398 = tpu.vector_load %arg12[%parallel_loop3A_396, %parallel_loop3A_397] {strides = array<i32>} : memref<320x256xf32, #tpu.memory_space<vmem>>, vector<16xf32>,
              tpu.vector_store %arg12[%parallel_loop3A_396, %parallel_loop3A_397], %parallel_loop3A_395 {add = true, strides = array<i32>} : memref<320x256xf32, #tpu.memory_space<vmem>>, vector<16xf32>,
            } {sc.loop_unroll_factor = 8 : i64, sc.parallel_access}
            %slice3A_201 = vector.extract_strided_slice %get3A_186 {offsets = [1], sizes = [1], strides = [1]} : vector<16xf32> to vector<1xf32>
            %squeeze3A_202 = vector.extract %slice3A_201[0] : f32 from vector<1xf32>
            %slice3A_203 = vector.extract_strided_slice %get3A_190 {offsets = [1], sizes = [1], strides = [1]} : vector<16xi32> to vector<1xi32>
            %squeeze3A_204 = vector.extract %slice3A_203[0] : i32 from vector<1xi32>
            %mul3A_205 = arith.constant 16 : i32
            %mul3A_206 = arith.muli %scan3A_182, %mul3A_205 : i32
            %add3A_207 = arith.constant 1 : i32
            %add3A_208 = arith.addi %mul3A_206, %add3A_207 : i32
            %parallel_loop3A_209 = arith.constant 0 : i32
            %parallel_loop3A_210 = arith.constant 8 : i32
            %parallel_loop3A_211 = arith.constant 1 : i32
            scf.for %parallel_loop3A_370 = %parallel_loop3A_209 to %parallel_loop3A_210 step %parallel_loop3A_211  : i32 {
              %parallel_loop3A_371 = arith.constant 16 : i32
              %parallel_loop3A_372 = arith.muli %parallel_loop3A_370, %parallel_loop3A_371 : i32
              %parallel_loop3A_373 = arith.index_cast %add3A_208 : i32 to index
              %parallel_loop3A_374 = arith.index_cast %parallel_loop3A_372 : i32 to index
              %parallel_loop3A_375 = tpu.vector_load %arg11[%parallel_loop3A_373, %parallel_loop3A_374] {strides = array<i32>} : memref<128x128xi32, #tpu.memory_space<vmem>>, vector<16xi32>,
              %parallel_loop3A_376 = vector.bitcast %parallel_loop3A_375 : vector<16xi32> to vector<32xbf16>
              %parallel_loop3A_377 = tpu.unpack_subelements %parallel_loop3A_376, 0 {pack_format = #tpu.pack_format<interleaved>} : vector<32xbf16> -> vector<16xf32>
              %parallel_loop3A_378 = tpu.unpack_subelements %parallel_loop3A_376, 1 {pack_format = #tpu.pack_format<interleaved>} : vector<32xbf16> -> vector<16xf32>
              %parallel_loop3A_379 = arith.constant 2 : i32
              %parallel_loop3A_380 = arith.muli %parallel_loop3A_379, %parallel_loop3A_370 : i32
              %parallel_loop3A_381 = arith.constant 16 : i32
              %parallel_loop3A_382 = arith.muli %parallel_loop3A_380, %parallel_loop3A_381 : i32
              %parallel_loop3A_383 = vector.broadcast %squeeze3A_202 : f32 to vector<16xf32>
              %parallel_loop3A_384 = arith.mulf %parallel_loop3A_377, %parallel_loop3A_383 : vector<16xf32>
              %parallel_loop3A_385 = arith.index_cast %squeeze3A_204 : i32 to index
              %parallel_loop3A_386 = arith.index_cast %parallel_loop3A_382 : i32 to index
              %parallel_loop3A_387 = tpu.vector_load %arg12[%parallel_loop3A_385, %parallel_loop3A_386] {strides = array<i32>} : memref<320x256xf32, #tpu.memory_space<vmem>>, vector<16xf32>,
              tpu.vector_store %arg12[%parallel_loop3A_385, %parallel_loop3A_386], %parallel_loop3A_384 {add = true, strides = array<i32>} : memref<320x256xf32, #tpu.memory_space<vmem>>, vector<16xf32>,
              %parallel_loop3A_388 = arith.constant 2 : i32
              %parallel_loop3A_389 = arith.muli %parallel_loop3A_388, %parallel_loop3A_370 : i32
              %parallel_loop3A_390 = arith.constant 1 : i32
              %parallel_loop3A_391 = arith.addi %parallel_loop3A_389, %parallel_loop3A_390 : i32
              %parallel_loop3A_392 = arith.constant 16 : i32
              %parallel_loop3A_393 = arith.muli %parallel_loop3A_391, %parallel_loop3A_392 : i32
              %parallel_loop3A_394 = vector.broadcast %squeeze3A_202 : f32 to vector<16xf32>
              %parallel_loop3A_395 = arith.mulf %parallel_loop3A_378, %parallel_loop3A_394 : vector<16xf32>
              %parallel_loop3A_396 = arith.index_cast %squeeze3A_204 : i32 to index
              %parallel_loop3A_397 = arith.index_cast %parallel_loop3A_393 : i32 to index
              %parallel_loop3A_398 = tpu.vector_load %arg12[%parallel_loop3A_396, %parallel_loop3A_397] {strides = array<i32>} : memref<320x256xf32, #tpu.memory_space<vmem>>, vector<16xf32>,
              tpu.vector_store %arg12[%parallel_loop3A_396, %parallel_loop3A_397], %parallel_loop3A_395 {add = true, strides = array<i32>} : memref<320x256xf32, #tpu.memory_space<vmem>>, vector<16xf32>,
            } {sc.loop_unroll_factor = 8 : i64, sc.parallel_access}
            %slice3A_212 = vector.extract_strided_slice %get3A_186 {offsets = [2], sizes = [1], strides = [1]} : vector<16xf32> to vector<1xf32>
            %squeeze3A_213 = vector.extract %slice3A_212[0] : f32 from vector<1xf32>
            %slice3A_214 = vector.extract_strided_slice %get3A_190 {offsets = [2], sizes = [1], strides = [1]} : vector<16xi32> to vector<1xi32>
            %squeeze3A_215 = vector.extract %slice3A_214[0] : i32 from vector<1xi32>
            %mul3A_216 = arith.constant 16 : i32
            %mul3A_217 = arith.muli %scan3A_182, %mul3A_216 : i32
            %add3A_218 = arith.constant 2 : i32
            %add3A_219 = arith.addi %mul3A_217, %add3A_218 : i32
            %parallel_loop3A_220 = arith.constant 0 : i32
            %parallel_loop3A_221 = arith.constant 8 : i32
            %parallel_loop3A_222 = arith.constant 1 : i32
            scf.for %parallel_loop3A_370 = %parallel_loop3A_220 to %parallel_loop3A_221 step %parallel_loop3A_222  : i32 {
              %parallel_loop3A_371 = arith.constant 16 : i32
              %parallel_loop3A_372 = arith.muli %parallel_loop3A_370, %parallel_loop3A_371 : i32
              %parallel_loop3A_373 = arith.index_cast %add3A_219 : i32 to index
              %parallel_loop3A_374 = arith.index_cast %parallel_loop3A_372 : i32 to index
              %parallel_loop3A_375 = tpu.vector_load %arg11[%parallel_loop3A_373, %parallel_loop3A_374] {strides = array<i32>} : memref<128x128xi32, #tpu.memory_space<vmem>>, vector<16xi32>,
              %parallel_loop3A_376 = vector.bitcast %parallel_loop3A_375 : vector<16xi32> to vector<32xbf16>
              %parallel_loop3A_377 = tpu.unpack_subelements %parallel_loop3A_376, 0 {pack_format = #tpu.pack_format<interleaved>} : vector<32xbf16> -> vector<16xf32>
              %parallel_loop3A_378 = tpu.unpack_subelements %parallel_loop3A_376, 1 {pack_format = #tpu.pack_format<interleaved>} : vector<32xbf16> -> vector<16xf32>
              %parallel_loop3A_379 = arith.constant 2 : i32
              %parallel_loop3A_380 = arith.muli %parallel_loop3A_379, %parallel_loop3A_370 : i32
              %parallel_loop3A_381 = arith.constant 16 : i32
              %parallel_loop3A_382 = arith.muli %parallel_loop3A_380, %parallel_loop3A_381 : i32
              %parallel_loop3A_383 = vector.broadcast %squeeze3A_213 : f32 to vector<16xf32>
              %parallel_loop3A_384 = arith.mulf %parallel_loop3A_377, %parallel_loop3A_383 : vector<16xf32>
              %parallel_loop3A_385 = arith.index_cast %squeeze3A_215 : i32 to index
              %parallel_loop3A_386 = arith.index_cast %parallel_loop3A_382 : i32 to index
              %parallel_loop3A_387 = tpu.vector_load %arg12[%parallel_loop3A_385, %parallel_loop3A_386] {strides = array<i32>} : memref<320x256xf32, #tpu.memory_space<vmem>>, vector<16xf32>,
              tpu.vector_store %arg12[%parallel_loop3A_385, %parallel_loop3A_386], %parallel_loop3A_384 {add = true, strides = array<i32>} : memref<320x256xf32, #tpu.memory_space<vmem>>, vector<16xf32>,
              %parallel_loop3A_388 = arith.constant 2 : i32
              %parallel_loop3A_389 = arith.muli %parallel_loop3A_388, %parallel_loop3A_370 : i32
              %parallel_loop3A_390 = arith.constant 1 : i32
              %parallel_loop3A_391 = arith.addi %parallel_loop3A_389, %parallel_loop3A_390 : i32
              %parallel_loop3A_392 = arith.constant 16 : i32
              %parallel_loop3A_393 = arith.muli %parallel_loop3A_391, %parallel_loop3A_392 : i32
              %parallel_loop3A_394 = vector.broadcast %squeeze3A_213 : f32 to vector<16xf32>
              %parallel_loop3A_395 = arith.mulf %parallel_loop3A_378, %parallel_loop3A_394 : vector<16xf32>
              %parallel_loop3A_396 = arith.index_cast %squeeze3A_215 : i32 to index
              %parallel_loop3A_397 = arith.index_cast %parallel_loop3A_393 : i32 to index
              %parallel_loop3A_398 = tpu.vector_load %arg12[%parallel_loop3A_396, %parallel_loop3A_397] {strides = array<i32>} : memref<320x256xf32, #tpu.memory_space<vmem>>, vector<16xf32>,
              tpu.vector_store %arg12[%parallel_loop3A_396, %parallel_loop3A_397], %parallel_loop3A_395 {add = true, strides = array<i32>} : memref<320x256xf32, #tpu.memory_space<vmem>>, vector<16xf32>,
            } {sc.loop_unroll_factor = 8 : i64, sc.parallel_access}
            %slice3A_223 = vector.extract_strided_slice %get3A_186 {offsets = [3], sizes = [1], strides = [1]} : vector<16xf32> to vector<1xf32>
            %squeeze3A_224 = vector.extract %slice3A_223[0] : f32 from vector<1xf32>
            %slice3A_225 = vector.extract_strided_slice %get3A_190 {offsets = [3], sizes = [1], strides = [1]} : vector<16xi32> to vector<1xi32>
            %squeeze3A_226 = vector.extract %slice3A_225[0] : i32 from vector<1xi32>
            %mul3A_227 = arith.constant 16 : i32
            %mul3A_228 = arith.muli %scan3A_182, %mul3A_227 : i32
            %add3A_229 = arith.constant 3 : i32
            %add3A_230 = arith.addi %mul3A_228, %add3A_229 : i32
            %parallel_loop3A_231 = arith.constant 0 : i32
            %parallel_loop3A_232 = arith.constant 8 : i32
            %parallel_loop3A_233 = arith.constant 1 : i32
            scf.for %parallel_loop3A_370 = %parallel_loop3A_231 to %parallel_loop3A_232 step %parallel_loop3A_233  : i32 {
              %parallel_loop3A_371 = arith.constant 16 : i32
              %parallel_loop3A_372 = arith.muli %parallel_loop3A_370, %parallel_loop3A_371 : i32
              %parallel_loop3A_373 = arith.index_cast %add3A_230 : i32 to index
              %parallel_loop3A_374 = arith.index_cast %parallel_loop3A_372 : i32 to index
              %parallel_loop3A_375 = tpu.vector_load %arg11[%parallel_loop3A_373, %parallel_loop3A_374] {strides = array<i32>} : memref<128x128xi32, #tpu.memory_space<vmem>>, vector<16xi32>,
              %parallel_loop3A_376 = vector.bitcast %parallel_loop3A_375 : vector<16xi32> to vector<32xbf16>
              %parallel_loop3A_377 = tpu.unpack_subelements %parallel_loop3A_376, 0 {pack_format = #tpu.pack_format<interleaved>} : vector<32xbf16> -> vector<16xf32>
              %parallel_loop3A_378 = tpu.unpack_subelements %parallel_loop3A_376, 1 {pack_format = #tpu.pack_format<interleaved>} : vector<32xbf16> -> vector<16xf32>
              %parallel_loop3A_379 = arith.constant 2 : i32
              %parallel_loop3A_380 = arith.muli %parallel_loop3A_379, %parallel_loop3A_370 : i32
              %parallel_loop3A_381 = arith.constant 16 : i32
              %parallel_loop3A_382 = arith.muli %parallel_loop3A_380, %parallel_loop3A_381 : i32
              %parallel_loop3A_383 = vector.broadcast %squeeze3A_224 : f32 to vector<16xf32>
              %parallel_loop3A_384 = arith.mulf %parallel_loop3A_377, %parallel_loop3A_383 : vector<16xf32>
              %parallel_loop3A_385 = arith.index_cast %squeeze3A_226 : i32 to index
              %parallel_loop3A_386 = arith.index_cast %parallel_loop3A_382 : i32 to index
              %parallel_loop3A_387 = tpu.vector_load %arg12[%parallel_loop3A_385, %parallel_loop3A_386] {strides = array<i32>} : memref<320x256xf32, #tpu.memory_space<vmem>>, vector<16xf32>,
              tpu.vector_store %arg12[%parallel_loop3A_385, %parallel_loop3A_386], %parallel_loop3A_384 {add = true, strides = array<i32>} : memref<320x256xf32, #tpu.memory_space<vmem>>, vector<16xf32>,
              %parallel_loop3A_388 = arith.constant 2 : i32
              %parallel_loop3A_389 = arith.muli %parallel_loop3A_388, %parallel_loop3A_370 : i32
              %parallel_loop3A_390 = arith.constant 1 : i32
              %parallel_loop3A_391 = arith.addi %parallel_loop3A_389, %parallel_loop3A_390 : i32
              %parallel_loop3A_392 = arith.constant 16 : i32
              %parallel_loop3A_393 = arith.muli %parallel_loop3A_391, %parallel_loop3A_392 : i32
              %parallel_loop3A_394 = vector.broadcast %squeeze3A_224 : f32 to vector<16xf32>
              %parallel_loop3A_395 = arith.mulf %parallel_loop3A_378, %parallel_loop3A_394 : vector<16xf32>
              %parallel_loop3A_396 = arith.index_cast %squeeze3A_226 : i32 to index
              %parallel_loop3A_397 = arith.index_cast %parallel_loop3A_393 : i32 to index
              %parallel_loop3A_398 = tpu.vector_load %arg12[%parallel_loop3A_396, %parallel_loop3A_397] {strides = array<i32>} : memref<320x256xf32, #tpu.memory_space<vmem>>, vector<16xf32>,
              tpu.vector_store %arg12[%parallel_loop3A_396, %parallel_loop3A_397], %parallel_loop3A_395 {add = true, strides = array<i32>} : memref<320x256xf32, #tpu.memory_space<vmem>>, vector<16xf32>,
            } {sc.loop_unroll_factor = 8 : i64, sc.parallel_access}
            %slice3A_234 = vector.extract_strided_slice %get3A_186 {offsets = [4], sizes = [1], strides = [1]} : vector<16xf32> to vector<1xf32>
            %squeeze3A_235 = vector.extract %slice3A_234[0] : f32 from vector<1xf32>
            %slice3A_236 = vector.extract_strided_slice %get3A_190 {offsets = [4], sizes = [1], strides = [1]} : vector<16xi32> to vector<1xi32>
            %squeeze3A_237 = vector.extract %slice3A_236[0] : i32 from vector<1xi32>
            %mul3A_238 = arith.constant 16 : i32
            %mul3A_239 = arith.muli %scan3A_182, %mul3A_238 : i32
            %add3A_240 = arith.constant 4 : i32
            %add3A_241 = arith.addi %mul3A_239, %add3A_240 : i32
            %parallel_loop3A_242 = arith.constant 0 : i32
            %parallel_loop3A_243 = arith.constant 8 : i32
            %parallel_loop3A_244 = arith.constant 1 : i32
            scf.for %parallel_loop3A_370 = %parallel_loop3A_242 to %parallel_loop3A_243 step %parallel_loop3A_244  : i32 {
              %parallel_loop3A_371 = arith.constant 16 : i32
              %parallel_loop3A_372 = arith.muli %parallel_loop3A_370, %parallel_loop3A_371 : i32
              %parallel_loop3A_373 = arith.index_cast %add3A_241 : i32 to index
              %parallel_loop3A_374 = arith.index_cast %parallel_loop3A_372 : i32 to index
              %parallel_loop3A_375 = tpu.vector_load %arg11[%parallel_loop3A_373, %parallel_loop3A_374] {strides = array<i32>} : memref<128x128xi32, #tpu.memory_space<vmem>>, vector<16xi32>,
              %parallel_loop3A_376 = vector.bitcast %parallel_loop3A_375 : vector<16xi32> to vector<32xbf16>
              %parallel_loop3A_377 = tpu.unpack_subelements %parallel_loop3A_376, 0 {pack_format = #tpu.pack_format<interleaved>} : vector<32xbf16> -> vector<16xf32>
              %parallel_loop3A_378 = tpu.unpack_subelements %parallel_loop3A_376, 1 {pack_format = #tpu.pack_format<interleaved>} : vector<32xbf16> -> vector<16xf32>
              %parallel_loop3A_379 = arith.constant 2 : i32
              %parallel_loop3A_380 = arith.muli %parallel_loop3A_379, %parallel_loop3A_370 : i32
              %parallel_loop3A_381 = arith.constant 16 : i32
              %parallel_loop3A_382 = arith.muli %parallel_loop3A_380, %parallel_loop3A_381 : i32
              %parallel_loop3A_383 = vector.broadcast %squeeze3A_235 : f32 to vector<16xf32>
              %parallel_loop3A_384 = arith.mulf %parallel_loop3A_377, %parallel_loop3A_383 : vector<16xf32>
              %parallel_loop3A_385 = arith.index_cast %squeeze3A_237 : i32 to index
              %parallel_loop3A_386 = arith.index_cast %parallel_loop3A_382 : i32 to index
              %parallel_loop3A_387 = tpu.vector_load %arg12[%parallel_loop3A_385, %parallel_loop3A_386] {strides = array<i32>} : memref<320x256xf32, #tpu.memory_space<vmem>>, vector<16xf32>,
              tpu.vector_store %arg12[%parallel_loop3A_385, %parallel_loop3A_386], %parallel_loop3A_384 {add = true, strides = array<i32>} : memref<320x256xf32, #tpu.memory_space<vmem>>, vector<16xf32>,
              %parallel_loop3A_388 = arith.constant 2 : i32
              %parallel_loop3A_389 = arith.muli %parallel_loop3A_388, %parallel_loop3A_370 : i32
              %parallel_loop3A_390 = arith.constant 1 : i32
              %parallel_loop3A_391 = arith.addi %parallel_loop3A_389, %parallel_loop3A_390 : i32
              %parallel_loop3A_392 = arith.constant 16 : i32
              %parallel_loop3A_393 = arith.muli %parallel_loop3A_391, %parallel_loop3A_392 : i32
              %parallel_loop3A_394 = vector.broadcast %squeeze3A_235 : f32 to vector<16xf32>
              %parallel_loop3A_395 = arith.mulf %parallel_loop3A_378, %parallel_loop3A_394 : vector<16xf32>
              %parallel_loop3A_396 = arith.index_cast %squeeze3A_237 : i32 to index
              %parallel_loop3A_397 = arith.index_cast %parallel_loop3A_393 : i32 to index
              %parallel_loop3A_398 = tpu.vector_load %arg12[%parallel_loop3A_396, %parallel_loop3A_397] {strides = array<i32>} : memref<320x256xf32, #tpu.memory_space<vmem>>, vector<16xf32>,
              tpu.vector_store %arg12[%parallel_loop3A_396, %parallel_loop3A_397], %parallel_loop3A_395 {add = true, strides = array<i32>} : memref<320x256xf32, #tpu.memory_space<vmem>>, vector<16xf32>,
            } {sc.loop_unroll_factor = 8 : i64, sc.parallel_access}
            %slice3A_245 = vector.extract_strided_slice %get3A_186 {offsets = [5], sizes = [1], strides = [1]} : vector<16xf32> to vector<1xf32>
            %squeeze3A_246 = vector.extract %slice3A_245[0] : f32 from vector<1xf32>
            %slice3A_247 = vector.extract_strided_slice %get3A_190 {offsets = [5], sizes = [1], strides = [1]} : vector<16xi32> to vector<1xi32>
            %squeeze3A_248 = vector.extract %slice3A_247[0] : i32 from vector<1xi32>
            %mul3A_249 = arith.constant 16 : i32
            %mul3A_250 = arith.muli %scan3A_182, %mul3A_249 : i32
            %add3A_251 = arith.constant 5 : i32
            %add3A_252 = arith.addi %mul3A_250, %add3A_251 : i32
            %parallel_loop3A_253 = arith.constant 0 : i32
            %parallel_loop3A_254 = arith.constant 8 : i32
            %parallel_loop3A_255 = arith.constant 1 : i32
            scf.for %parallel_loop3A_370 = %parallel_loop3A_253 to %parallel_loop3A_254 step %parallel_loop3A_255  : i32 {
              %parallel_loop3A_371 = arith.constant 16 : i32
              %parallel_loop3A_372 = arith.muli %parallel_loop3A_370, %parallel_loop3A_371 : i32
              %parallel_loop3A_373 = arith.index_cast %add3A_252 : i32 to index
              %parallel_loop3A_374 = arith.index_cast %parallel_loop3A_372 : i32 to index
              %parallel_loop3A_375 = tpu.vector_load %arg11[%parallel_loop3A_373, %parallel_loop3A_374] {strides = array<i32>} : memref<128x128xi32, #tpu.memory_space<vmem>>, vector<16xi32>,
              %parallel_loop3A_376 = vector.bitcast %parallel_loop3A_375 : vector<16xi32> to vector<32xbf16>
              %parallel_loop3A_377 = tpu.unpack_subelements %parallel_loop3A_376, 0 {pack_format = #tpu.pack_format<interleaved>} : vector<32xbf16> -> vector<16xf32>
              %parallel_loop3A_378 = tpu.unpack_subelements %parallel_loop3A_376, 1 {pack_format = #tpu.pack_format<interleaved>} : vector<32xbf16> -> vector<16xf32>
              %parallel_loop3A_379 = arith.constant 2 : i32
              %parallel_loop3A_380 = arith.muli %parallel_loop3A_379, %parallel_loop3A_370 : i32
              %parallel_loop3A_381 = arith.constant 16 : i32
              %parallel_loop3A_382 = arith.muli %parallel_loop3A_380, %parallel_loop3A_381 : i32
              %parallel_loop3A_383 = vector.broadcast %squeeze3A_246 : f32 to vector<16xf32>
              %parallel_loop3A_384 = arith.mulf %parallel_loop3A_377, %parallel_loop3A_383 : vector<16xf32>
              %parallel_loop3A_385 = arith.index_cast %squeeze3A_248 : i32 to index
              %parallel_loop3A_386 = arith.index_cast %parallel_loop3A_382 : i32 to index
              %parallel_loop3A_387 = tpu.vector_load %arg12[%parallel_loop3A_385, %parallel_loop3A_386] {strides = array<i32>} : memref<320x256xf32, #tpu.memory_space<vmem>>, vector<16xf32>,
              tpu.vector_store %arg12[%parallel_loop3A_385, %parallel_loop3A_386], %parallel_loop3A_384 {add = true, strides = array<i32>} : memref<320x256xf32, #tpu.memory_space<vmem>>, vector<16xf32>,
              %parallel_loop3A_388 = arith.constant 2 : i32
              %parallel_loop3A_389 = arith.muli %parallel_loop3A_388, %parallel_loop3A_370 : i32
              %parallel_loop3A_390 = arith.constant 1 : i32
              %parallel_loop3A_391 = arith.addi %parallel_loop3A_389, %parallel_loop3A_390 : i32
              %parallel_loop3A_392 = arith.constant 16 : i32
              %parallel_loop3A_393 = arith.muli %parallel_loop3A_391, %parallel_loop3A_392 : i32
              %parallel_loop3A_394 = vector.broadcast %squeeze3A_246 : f32 to vector<16xf32>
              %parallel_loop3A_395 = arith.mulf %parallel_loop3A_378, %parallel_loop3A_394 : vector<16xf32>
              %parallel_loop3A_396 = arith.index_cast %squeeze3A_248 : i32 to index
              %parallel_loop3A_397 = arith.index_cast %parallel_loop3A_393 : i32 to index
              %parallel_loop3A_398 = tpu.vector_load %arg12[%parallel_loop3A_396, %parallel_loop3A_397] {strides = array<i32>} : memref<320x256xf32, #tpu.memory_space<vmem>>, vector<16xf32>,
              tpu.vector_store %arg12[%parallel_loop3A_396, %parallel_loop3A_397], %parallel_loop3A_395 {add = true, strides = array<i32>} : memref<320x256xf32, #tpu.memory_space<vmem>>, vector<16xf32>,
            } {sc.loop_unroll_factor = 8 : i64, sc.parallel_access}
            %slice3A_256 = vector.extract_strided_slice %get3A_186 {offsets = [6], sizes = [1], strides = [1]} : vector<16xf32> to vector<1xf32>
            %squeeze3A_257 = vector.extract %slice3A_256[0] : f32 from vector<1xf32>
            %slice3A_258 = vector.extract_strided_slice %get3A_190 {offsets = [6], sizes = [1], strides = [1]} : vector<16xi32> to vector<1xi32>
            %squeeze3A_259 = vector.extract %slice3A_258[0] : i32 from vector<1xi32>
            %mul3A_260 = arith.constant 16 : i32
            %mul3A_261 = arith.muli %scan3A_182, %mul3A_260 : i32
            %add3A_262 = arith.constant 6 : i32
            %add3A_263 = arith.addi %mul3A_261, %add3A_262 : i32
            %parallel_loop3A_264 = arith.constant 0 : i32
            %parallel_loop3A_265 = arith.constant 8 : i32
            %parallel_loop3A_266 = arith.constant 1 : i32
            scf.for %parallel_loop3A_370 = %parallel_loop3A_264 to %parallel_loop3A_265 step %parallel_loop3A_266  : i32 {
              %parallel_loop3A_371 = arith.constant 16 : i32
              %parallel_loop3A_372 = arith.muli %parallel_loop3A_370, %parallel_loop3A_371 : i32
              %parallel_loop3A_373 = arith.index_cast %add3A_263 : i32 to index
              %parallel_loop3A_374 = arith.index_cast %parallel_loop3A_372 : i32 to index
              %parallel_loop3A_375 = tpu.vector_load %arg11[%parallel_loop3A_373, %parallel_loop3A_374] {strides = array<i32>} : memref<128x128xi32, #tpu.memory_space<vmem>>, vector<16xi32>,
              %parallel_loop3A_376 = vector.bitcast %parallel_loop3A_375 : vector<16xi32> to vector<32xbf16>
              %parallel_loop3A_377 = tpu.unpack_subelements %parallel_loop3A_376, 0 {pack_format = #tpu.pack_format<interleaved>} : vector<32xbf16> -> vector<16xf32>
              %parallel_loop3A_378 = tpu.unpack_subelements %parallel_loop3A_376, 1 {pack_format = #tpu.pack_format<interleaved>} : vector<32xbf16> -> vector<16xf32>
              %parallel_loop3A_379 = arith.constant 2 : i32
              %parallel_loop3A_380 = arith.muli %parallel_loop3A_379, %parallel_loop3A_370 : i32
              %parallel_loop3A_381 = arith.constant 16 : i32
              %parallel_loop3A_382 = arith.muli %parallel_loop3A_380, %parallel_loop3A_381 : i32
              %parallel_loop3A_383 = vector.broadcast %squeeze3A_257 : f32 to vector<16xf32>
              %parallel_loop3A_384 = arith.mulf %parallel_loop3A_377, %parallel_loop3A_383 : vector<16xf32>
              %parallel_loop3A_385 = arith.index_cast %squeeze3A_259 : i32 to index
              %parallel_loop3A_386 = arith.index_cast %parallel_loop3A_382 : i32 to index
              %parallel_loop3A_387 = tpu.vector_load %arg12[%parallel_loop3A_385, %parallel_loop3A_386] {strides = array<i32>} : memref<320x256xf32, #tpu.memory_space<vmem>>, vector<16xf32>,
              tpu.vector_store %arg12[%parallel_loop3A_385, %parallel_loop3A_386], %parallel_loop3A_384 {add = true, strides = array<i32>} : memref<320x256xf32, #tpu.memory_space<vmem>>, vector<16xf32>,
              %parallel_loop3A_388 = arith.constant 2 : i32
              %parallel_loop3A_389 = arith.muli %parallel_loop3A_388, %parallel_loop3A_370 : i32
              %parallel_loop3A_390 = arith.constant 1 : i32
              %parallel_loop3A_391 = arith.addi %parallel_loop3A_389, %parallel_loop3A_390 : i32
              %parallel_loop3A_392 = arith.constant 16 : i32
              %parallel_loop3A_393 = arith.muli %parallel_loop3A_391, %parallel_loop3A_392 : i32
              %parallel_loop3A_394 = vector.broadcast %squeeze3A_257 : f32 to vector<16xf32>
              %parallel_loop3A_395 = arith.mulf %parallel_loop3A_378, %parallel_loop3A_394 : vector<16xf32>
              %parallel_loop3A_396 = arith.index_cast %squeeze3A_259 : i32 to index
              %parallel_loop3A_397 = arith.index_cast %parallel_loop3A_393 : i32 to index
              %parallel_loop3A_398 = tpu.vector_load %arg12[%parallel_loop3A_396, %parallel_loop3A_397] {strides = array<i32>} : memref<320x256xf32, #tpu.memory_space<vmem>>, vector<16xf32>,
              tpu.vector_store %arg12[%parallel_loop3A_396, %parallel_loop3A_397], %parallel_loop3A_395 {add = true, strides = array<i32>} : memref<320x256xf32, #tpu.memory_space<vmem>>, vector<16xf32>,
            } {sc.loop_unroll_factor = 8 : i64, sc.parallel_access}
            %slice3A_267 = vector.extract_strided_slice %get3A_186 {offsets = [7], sizes = [1], strides = [1]} : vector<16xf32> to vector<1xf32>
            %squeeze3A_268 = vector.extract %slice3A_267[0] : f32 from vector<1xf32>
            %slice3A_269 = vector.extract_strided_slice %get3A_190 {offsets = [7], sizes = [1], strides = [1]} : vector<16xi32> to vector<1xi32>
            %squeeze3A_270 = vector.extract %slice3A_269[0] : i32 from vector<1xi32>
            %mul3A_271 = arith.constant 16 : i32
            %mul3A_272 = arith.muli %scan3A_182, %mul3A_271 : i32
            %add3A_273 = arith.constant 7 : i32
            %add3A_274 = arith.addi %mul3A_272, %add3A_273 : i32
            %parallel_loop3A_275 = arith.constant 0 : i32
            %parallel_loop3A_276 = arith.constant 8 : i32
            %parallel_loop3A_277 = arith.constant 1 : i32
            scf.for %parallel_loop3A_370 = %parallel_loop3A_275 to %parallel_loop3A_276 step %parallel_loop3A_277  : i32 {
              %parallel_loop3A_371 = arith.constant 16 : i32
              %parallel_loop3A_372 = arith.muli %parallel_loop3A_370, %parallel_loop3A_371 : i32
              %parallel_loop3A_373 = arith.index_cast %add3A_274 : i32 to index
              %parallel_loop3A_374 = arith.index_cast %parallel_loop3A_372 : i32 to index
              %parallel_loop3A_375 = tpu.vector_load %arg11[%parallel_loop3A_373, %parallel_loop3A_374] {strides = array<i32>} : memref<128x128xi32, #tpu.memory_space<vmem>>, vector<16xi32>,
              %parallel_loop3A_376 = vector.bitcast %parallel_loop3A_375 : vector<16xi32> to vector<32xbf16>
              %parallel_loop3A_377 = tpu.unpack_subelements %parallel_loop3A_376, 0 {pack_format = #tpu.pack_format<interleaved>} : vector<32xbf16> -> vector<16xf32>
              %parallel_loop3A_378 = tpu.unpack_subelements %parallel_loop3A_376, 1 {pack_format = #tpu.pack_format<interleaved>} : vector<32xbf16> -> vector<16xf32>
              %parallel_loop3A_379 = arith.constant 2 : i32
              %parallel_loop3A_380 = arith.muli %parallel_loop3A_379, %parallel_loop3A_370 : i32
              %parallel_loop3A_381 = arith.constant 16 : i32
              %parallel_loop3A_382 = arith.muli %parallel_loop3A_380, %parallel_loop3A_381 : i32
              %parallel_loop3A_383 = vector.broadcast %squeeze3A_268 : f32 to vector<16xf32>
              %parallel_loop3A_384 = arith.mulf %parallel_loop3A_377, %parallel_loop3A_383 : vector<16xf32>
              %parallel_loop3A_385 = arith.index_cast %squeeze3A_270 : i32 to index
              %parallel_loop3A_386 = arith.index_cast %parallel_loop3A_382 : i32 to index
              %parallel_loop3A_387 = tpu.vector_load %arg12[%parallel_loop3A_385, %parallel_loop3A_386] {strides = array<i32>} : memref<320x256xf32, #tpu.memory_space<vmem>>, vector<16xf32>,
              tpu.vector_store %arg12[%parallel_loop3A_385, %parallel_loop3A_386], %parallel_loop3A_384 {add = true, strides = array<i32>} : memref<320x256xf32, #tpu.memory_space<vmem>>, vector<16xf32>,
              %parallel_loop3A_388 = arith.constant 2 : i32
              %parallel_loop3A_389 = arith.muli %parallel_loop3A_388, %parallel_loop3A_370 : i32
              %parallel_loop3A_390 = arith.constant 1 : i32
              %parallel_loop3A_391 = arith.addi %parallel_loop3A_389, %parallel_loop3A_390 : i32
              %parallel_loop3A_392 = arith.constant 16 : i32
              %parallel_loop3A_393 = arith.muli %parallel_loop3A_391, %parallel_loop3A_392 : i32
              %parallel_loop3A_394 = vector.broadcast %squeeze3A_268 : f32 to vector<16xf32>
              %parallel_loop3A_395 = arith.mulf %parallel_loop3A_378, %parallel_loop3A_394 : vector<16xf32>
              %parallel_loop3A_396 = arith.index_cast %squeeze3A_270 : i32 to index
              %parallel_loop3A_397 = arith.index_cast %parallel_loop3A_393 : i32 to index
              %parallel_loop3A_398 = tpu.vector_load %arg12[%parallel_loop3A_396, %parallel_loop3A_397] {strides = array<i32>} : memref<320x256xf32, #tpu.memory_space<vmem>>, vector<16xf32>,
              tpu.vector_store %arg12[%parallel_loop3A_396, %parallel_loop3A_397], %parallel_loop3A_395 {add = true, strides = array<i32>} : memref<320x256xf32, #tpu.memory_space<vmem>>, vector<16xf32>,
            } {sc.loop_unroll_factor = 8 : i64, sc.parallel_access}
            %slice3A_278 = vector.extract_strided_slice %get3A_186 {offsets = [8], sizes = [1], strides = [1]} : vector<16xf32> to vector<1xf32>
            %squeeze3A_279 = vector.extract %slice3A_278[0] : f32 from vector<1xf32>
            %slice3A_280 = vector.extract_strided_slice %get3A_190 {offsets = [8], sizes = [1], strides = [1]} : vector<16xi32> to vector<1xi32>
            %squeeze3A_281 = vector.extract %slice3A_280[0] : i32 from vector<1xi32>
            %mul3A_282 = arith.constant 16 : i32
            %mul3A_283 = arith.muli %scan3A_182, %mul3A_282 : i32
            %add3A_284 = arith.constant 8 : i32
            %add3A_285 = arith.addi %mul3A_283, %add3A_284 : i32
            %parallel_loop3A_286 = arith.constant 0 : i32
            %parallel_loop3A_287 = arith.constant 8 : i32
            %parallel_loop3A_288 = arith.constant 1 : i32
            scf.for %parallel_loop3A_370 = %parallel_loop3A_286 to %parallel_loop3A_287 step %parallel_loop3A_288  : i32 {
              %parallel_loop3A_371 = arith.constant 16 : i32
              %parallel_loop3A_372 = arith.muli %parallel_loop3A_370, %parallel_loop3A_371 : i32
              %parallel_loop3A_373 = arith.index_cast %add3A_285 : i32 to index
              %parallel_loop3A_374 = arith.index_cast %parallel_loop3A_372 : i32 to index
              %parallel_loop3A_375 = tpu.vector_load %arg11[%parallel_loop3A_373, %parallel_loop3A_374] {strides = array<i32>} : memref<128x128xi32, #tpu.memory_space<vmem>>, vector<16xi32>,
              %parallel_loop3A_376 = vector.bitcast %parallel_loop3A_375 : vector<16xi32> to vector<32xbf16>
              %parallel_loop3A_377 = tpu.unpack_subelements %parallel_loop3A_376, 0 {pack_format = #tpu.pack_format<interleaved>} : vector<32xbf16> -> vector<16xf32>
              %parallel_loop3A_378 = tpu.unpack_subelements %parallel_loop3A_376, 1 {pack_format = #tpu.pack_format<interleaved>} : vector<32xbf16> -> vector<16xf32>
              %parallel_loop3A_379 = arith.constant 2 : i32
              %parallel_loop3A_380 = arith.muli %parallel_loop3A_379, %parallel_loop3A_370 : i32
              %parallel_loop3A_381 = arith.constant 16 : i32
              %parallel_loop3A_382 = arith.muli %parallel_loop3A_380, %parallel_loop3A_381 : i32
              %parallel_loop3A_383 = vector.broadcast %squeeze3A_279 : f32 to vector<16xf32>
              %parallel_loop3A_384 = arith.mulf %parallel_loop3A_377, %parallel_loop3A_383 : vector<16xf32>
              %parallel_loop3A_385 = arith.index_cast %squeeze3A_281 : i32 to index
              %parallel_loop3A_386 = arith.index_cast %parallel_loop3A_382 : i32 to index
              %parallel_loop3A_387 = tpu.vector_load %arg12[%parallel_loop3A_385, %parallel_loop3A_386] {strides = array<i32>} : memref<320x256xf32, #tpu.memory_space<vmem>>, vector<16xf32>,
              tpu.vector_store %arg12[%parallel_loop3A_385, %parallel_loop3A_386], %parallel_loop3A_384 {add = true, strides = array<i32>} : memref<320x256xf32, #tpu.memory_space<vmem>>, vector<16xf32>,
              %parallel_loop3A_388 = arith.constant 2 : i32
              %parallel_loop3A_389 = arith.muli %parallel_loop3A_388, %parallel_loop3A_370 : i32
              %parallel_loop3A_390 = arith.constant 1 : i32
              %parallel_loop3A_391 = arith.addi %parallel_loop3A_389, %parallel_loop3A_390 : i32
              %parallel_loop3A_392 = arith.constant 16 : i32
              %parallel_loop3A_393 = arith.muli %parallel_loop3A_391, %parallel_loop3A_392 : i32
              %parallel_loop3A_394 = vector.broadcast %squeeze3A_279 : f32 to vector<16xf32>
              %parallel_loop3A_395 = arith.mulf %parallel_loop3A_378, %parallel_loop3A_394 : vector<16xf32>
              %parallel_loop3A_396 = arith.index_cast %squeeze3A_281 : i32 to index
              %parallel_loop3A_397 = arith.index_cast %parallel_loop3A_393 : i32 to index
              %parallel_loop3A_398 = tpu.vector_load %arg12[%parallel_loop3A_396, %parallel_loop3A_397] {strides = array<i32>} : memref<320x256xf32, #tpu.memory_space<vmem>>, vector<16xf32>,
              tpu.vector_store %arg12[%parallel_loop3A_396, %parallel_loop3A_397], %parallel_loop3A_395 {add = true, strides = array<i32>} : memref<320x256xf32, #tpu.memory_space<vmem>>, vector<16xf32>,
            } {sc.loop_unroll_factor = 8 : i64, sc.parallel_access}
            %slice3A_289 = vector.extract_strided_slice %get3A_186 {offsets = [9], sizes = [1], strides = [1]} : vector<16xf32> to vector<1xf32>
            %squeeze3A_290 = vector.extract %slice3A_289[0] : f32 from vector<1xf32>
            %slice3A_291 = vector.extract_strided_slice %get3A_190 {offsets = [9], sizes = [1], strides = [1]} : vector<16xi32> to vector<1xi32>
            %squeeze3A_292 = vector.extract %slice3A_291[0] : i32 from vector<1xi32>
            %mul3A_293 = arith.constant 16 : i32
            %mul3A_294 = arith.muli %scan3A_182, %mul3A_293 : i32
            %add3A_295 = arith.constant 9 : i32
            %add3A_296 = arith.addi %mul3A_294, %add3A_295 : i32
            %parallel_loop3A_297 = arith.constant 0 : i32
            %parallel_loop3A_298 = arith.constant 8 : i32
            %parallel_loop3A_299 = arith.constant 1 : i32
            scf.for %parallel_loop3A_370 = %parallel_loop3A_297 to %parallel_loop3A_298 step %parallel_loop3A_299  : i32 {
              %parallel_loop3A_371 = arith.constant 16 : i32
              %parallel_loop3A_372 = arith.muli %parallel_loop3A_370, %parallel_loop3A_371 : i32
              %parallel_loop3A_373 = arith.index_cast %add3A_296 : i32 to index
              %parallel_loop3A_374 = arith.index_cast %parallel_loop3A_372 : i32 to index
              %parallel_loop3A_375 = tpu.vector_load %arg11[%parallel_loop3A_373, %parallel_loop3A_374] {strides = array<i32>} : memref<128x128xi32, #tpu.memory_space<vmem>>, vector<16xi32>,
              %parallel_loop3A_376 = vector.bitcast %parallel_loop3A_375 : vector<16xi32> to vector<32xbf16>
              %parallel_loop3A_377 = tpu.unpack_subelements %parallel_loop3A_376, 0 {pack_format = #tpu.pack_format<interleaved>} : vector<32xbf16> -> vector<16xf32>
              %parallel_loop3A_378 = tpu.unpack_subelements %parallel_loop3A_376, 1 {pack_format = #tpu.pack_format<interleaved>} : vector<32xbf16> -> vector<16xf32>
              %parallel_loop3A_379 = arith.constant 2 : i32
              %parallel_loop3A_380 = arith.muli %parallel_loop3A_379, %parallel_loop3A_370 : i32
              %parallel_loop3A_381 = arith.constant 16 : i32
              %parallel_loop3A_382 = arith.muli %parallel_loop3A_380, %parallel_loop3A_381 : i32
              %parallel_loop3A_383 = vector.broadcast %squeeze3A_290 : f32 to vector<16xf32>
              %parallel_loop3A_384 = arith.mulf %parallel_loop3A_377, %parallel_loop3A_383 : vector<16xf32>
              %parallel_loop3A_385 = arith.index_cast %squeeze3A_292 : i32 to index
              %parallel_loop3A_386 = arith.index_cast %parallel_loop3A_382 : i32 to index
              %parallel_loop3A_387 = tpu.vector_load %arg12[%parallel_loop3A_385, %parallel_loop3A_386] {strides = array<i32>} : memref<320x256xf32, #tpu.memory_space<vmem>>, vector<16xf32>,
              tpu.vector_store %arg12[%parallel_loop3A_385, %parallel_loop3A_386], %parallel_loop3A_384 {add = true, strides = array<i32>} : memref<320x256xf32, #tpu.memory_space<vmem>>, vector<16xf32>,
              %parallel_loop3A_388 = arith.constant 2 : i32
              %parallel_loop3A_389 = arith.muli %parallel_loop3A_388, %parallel_loop3A_370 : i32
              %parallel_loop3A_390 = arith.constant 1 : i32
              %parallel_loop3A_391 = arith.addi %parallel_loop3A_389, %parallel_loop3A_390 : i32
              %parallel_loop3A_392 = arith.constant 16 : i32
              %parallel_loop3A_393 = arith.muli %parallel_loop3A_391, %parallel_loop3A_392 : i32
              %parallel_loop3A_394 = vector.broadcast %squeeze3A_290 : f32 to vector<16xf32>
              %parallel_loop3A_395 = arith.mulf %parallel_loop3A_378, %parallel_loop3A_394 : vector<16xf32>
              %parallel_loop3A_396 = arith.index_cast %squeeze3A_292 : i32 to index
              %parallel_loop3A_397 = arith.index_cast %parallel_loop3A_393 : i32 to index
              %parallel_loop3A_398 = tpu.vector_load %arg12[%parallel_loop3A_396, %parallel_loop3A_397] {strides = array<i32>} : memref<320x256xf32, #tpu.memory_space<vmem>>, vector<16xf32>,
              tpu.vector_store %arg12[%parallel_loop3A_396, %parallel_loop3A_397], %parallel_loop3A_395 {add = true, strides = array<i32>} : memref<320x256xf32, #tpu.memory_space<vmem>>, vector<16xf32>,
            } {sc.loop_unroll_factor = 8 : i64, sc.parallel_access}
            %slice3A_300 = vector.extract_strided_slice %get3A_186 {offsets = [10], sizes = [1], strides = [1]} : vector<16xf32> to vector<1xf32>
            %squeeze3A_301 = vector.extract %slice3A_300[0] : f32 from vector<1xf32>
            %slice3A_302 = vector.extract_strided_slice %get3A_190 {offsets = [10], sizes = [1], strides = [1]} : vector<16xi32> to vector<1xi32>
            %squeeze3A_303 = vector.extract %slice3A_302[0] : i32 from vector<1xi32>
            %mul3A_304 = arith.constant 16 : i32
            %mul3A_305 = arith.muli %scan3A_182, %mul3A_304 : i32
            %add3A_306 = arith.constant 10 : i32
            %add3A_307 = arith.addi %mul3A_305, %add3A_306 : i32
            %parallel_loop3A_308 = arith.constant 0 : i32
            %parallel_loop3A_309 = arith.constant 8 : i32
            %parallel_loop3A_310 = arith.constant 1 : i32
            scf.for %parallel_loop3A_370 = %parallel_loop3A_308 to %parallel_loop3A_309 step %parallel_loop3A_310  : i32 {
              %parallel_loop3A_371 = arith.constant 16 : i32
              %parallel_loop3A_372 = arith.muli %parallel_loop3A_370, %parallel_loop3A_371 : i32
              %parallel_loop3A_373 = arith.index_cast %add3A_307 : i32 to index
              %parallel_loop3A_374 = arith.index_cast %parallel_loop3A_372 : i32 to index
              %parallel_loop3A_375 = tpu.vector_load %arg11[%parallel_loop3A_373, %parallel_loop3A_374] {strides = array<i32>} : memref<128x128xi32, #tpu.memory_space<vmem>>, vector<16xi32>,
              %parallel_loop3A_376 = vector.bitcast %parallel_loop3A_375 : vector<16xi32> to vector<32xbf16>
              %parallel_loop3A_377 = tpu.unpack_subelements %parallel_loop3A_376, 0 {pack_format = #tpu.pack_format<interleaved>} : vector<32xbf16> -> vector<16xf32>
              %parallel_loop3A_378 = tpu.unpack_subelements %parallel_loop3A_376, 1 {pack_format = #tpu.pack_format<interleaved>} : vector<32xbf16> -> vector<16xf32>
              %parallel_loop3A_379 = arith.constant 2 : i32
              %parallel_loop3A_380 = arith.muli %parallel_loop3A_379, %parallel_loop3A_370 : i32
              %parallel_loop3A_381 = arith.constant 16 : i32
              %parallel_loop3A_382 = arith.muli %parallel_loop3A_380, %parallel_loop3A_381 : i32
              %parallel_loop3A_383 = vector.broadcast %squeeze3A_301 : f32 to vector<16xf32>
              %parallel_loop3A_384 = arith.mulf %parallel_loop3A_377, %parallel_loop3A_383 : vector<16xf32>
              %parallel_loop3A_385 = arith.index_cast %squeeze3A_303 : i32 to index
              %parallel_loop3A_386 = arith.index_cast %parallel_loop3A_382 : i32 to index
              %parallel_loop3A_387 = tpu.vector_load %arg12[%parallel_loop3A_385, %parallel_loop3A_386] {strides = array<i32>} : memref<320x256xf32, #tpu.memory_space<vmem>>, vector<16xf32>,
              tpu.vector_store %arg12[%parallel_loop3A_385, %parallel_loop3A_386], %parallel_loop3A_384 {add = true, strides = array<i32>} : memref<320x256xf32, #tpu.memory_space<vmem>>, vector<16xf32>,
              %parallel_loop3A_388 = arith.constant 2 : i32
              %parallel_loop3A_389 = arith.muli %parallel_loop3A_388, %parallel_loop3A_370 : i32
              %parallel_loop3A_390 = arith.constant 1 : i32
              %parallel_loop3A_391 = arith.addi %parallel_loop3A_389, %parallel_loop3A_390 : i32
              %parallel_loop3A_392 = arith.constant 16 : i32
              %parallel_loop3A_393 = arith.muli %parallel_loop3A_391, %parallel_loop3A_392 : i32
              %parallel_loop3A_394 = vector.broadcast %squeeze3A_301 : f32 to vector<16xf32>
              %parallel_loop3A_395 = arith.mulf %parallel_loop3A_378, %parallel_loop3A_394 : vector<16xf32>
              %parallel_loop3A_396 = arith.index_cast %squeeze3A_303 : i32 to index
              %parallel_loop3A_397 = arith.index_cast %parallel_loop3A_393 : i32 to index
              %parallel_loop3A_398 = tpu.vector_load %arg12[%parallel_loop3A_396, %parallel_loop3A_397] {strides = array<i32>} : memref<320x256xf32, #tpu.memory_space<vmem>>, vector<16xf32>,
              tpu.vector_store %arg12[%parallel_loop3A_396, %parallel_loop3A_397], %parallel_loop3A_395 {add = true, strides = array<i32>} : memref<320x256xf32, #tpu.memory_space<vmem>>, vector<16xf32>,
            } {sc.loop_unroll_factor = 8 : i64, sc.parallel_access}
            %slice3A_311 = vector.extract_strided_slice %get3A_186 {offsets = [11], sizes = [1], strides = [1]} : vector<16xf32> to vector<1xf32>
            %squeeze3A_312 = vector.extract %slice3A_311[0] : f32 from vector<1xf32>
            %slice3A_313 = vector.extract_strided_slice %get3A_190 {offsets = [11], sizes = [1], strides = [1]} : vector<16xi32> to vector<1xi32>
            %squeeze3A_314 = vector.extract %slice3A_313[0] : i32 from vector<1xi32>
            %mul3A_315 = arith.constant 16 : i32
            %mul3A_316 = arith.muli %scan3A_182, %mul3A_315 : i32
            %add3A_317 = arith.constant 11 : i32
            %add3A_318 = arith.addi %mul3A_316, %add3A_317 : i32
            %parallel_loop3A_319 = arith.constant 0 : i32
            %parallel_loop3A_320 = arith.constant 8 : i32
            %parallel_loop3A_321 = arith.constant 1 : i32
            scf.for %parallel_loop3A_370 = %parallel_loop3A_319 to %parallel_loop3A_320 step %parallel_loop3A_321  : i32 {
              %parallel_loop3A_371 = arith.constant 16 : i32
              %parallel_loop3A_372 = arith.muli %parallel_loop3A_370, %parallel_loop3A_371 : i32
              %parallel_loop3A_373 = arith.index_cast %add3A_318 : i32 to index
              %parallel_loop3A_374 = arith.index_cast %parallel_loop3A_372 : i32 to index
              %parallel_loop3A_375 = tpu.vector_load %arg11[%parallel_loop3A_373, %parallel_loop3A_374] {strides = array<i32>} : memref<128x128xi32, #tpu.memory_space<vmem>>, vector<16xi32>,
              %parallel_loop3A_376 = vector.bitcast %parallel_loop3A_375 : vector<16xi32> to vector<32xbf16>
              %parallel_loop3A_377 = tpu.unpack_subelements %parallel_loop3A_376, 0 {pack_format = #tpu.pack_format<interleaved>} : vector<32xbf16> -> vector<16xf32>
              %parallel_loop3A_378 = tpu.unpack_subelements %parallel_loop3A_376, 1 {pack_format = #tpu.pack_format<interleaved>} : vector<32xbf16> -> vector<16xf32>
              %parallel_loop3A_379 = arith.constant 2 : i32
              %parallel_loop3A_380 = arith.muli %parallel_loop3A_379, %parallel_loop3A_370 : i32
              %parallel_loop3A_381 = arith.constant 16 : i32
              %parallel_loop3A_382 = arith.muli %parallel_loop3A_380, %parallel_loop3A_381 : i32
              %parallel_loop3A_383 = vector.broadcast %squeeze3A_312 : f32 to vector<16xf32>
              %parallel_loop3A_384 = arith.mulf %parallel_loop3A_377, %parallel_loop3A_383 : vector<16xf32>
              %parallel_loop3A_385 = arith.index_cast %squeeze3A_314 : i32 to index
              %parallel_loop3A_386 = arith.index_cast %parallel_loop3A_382 : i32 to index
              %parallel_loop3A_387 = tpu.vector_load %arg12[%parallel_loop3A_385, %parallel_loop3A_386] {strides = array<i32>} : memref<320x256xf32, #tpu.memory_space<vmem>>, vector<16xf32>,
              tpu.vector_store %arg12[%parallel_loop3A_385, %parallel_loop3A_386], %parallel_loop3A_384 {add = true, strides = array<i32>} : memref<320x256xf32, #tpu.memory_space<vmem>>, vector<16xf32>,
              %parallel_loop3A_388 = arith.constant 2 : i32
              %parallel_loop3A_389 = arith.muli %parallel_loop3A_388, %parallel_loop3A_370 : i32
              %parallel_loop3A_390 = arith.constant 1 : i32
              %parallel_loop3A_391 = arith.addi %parallel_loop3A_389, %parallel_loop3A_390 : i32
              %parallel_loop3A_392 = arith.constant 16 : i32
              %parallel_loop3A_393 = arith.muli %parallel_loop3A_391, %parallel_loop3A_392 : i32
              %parallel_loop3A_394 = vector.broadcast %squeeze3A_312 : f32 to vector<16xf32>
              %parallel_loop3A_395 = arith.mulf %parallel_loop3A_378, %parallel_loop3A_394 : vector<16xf32>
              %parallel_loop3A_396 = arith.index_cast %squeeze3A_314 : i32 to index
              %parallel_loop3A_397 = arith.index_cast %parallel_loop3A_393 : i32 to index
              %parallel_loop3A_398 = tpu.vector_load %arg12[%parallel_loop3A_396, %parallel_loop3A_397] {strides = array<i32>} : memref<320x256xf32, #tpu.memory_space<vmem>>, vector<16xf32>,
              tpu.vector_store %arg12[%parallel_loop3A_396, %parallel_loop3A_397], %parallel_loop3A_395 {add = true, strides = array<i32>} : memref<320x256xf32, #tpu.memory_space<vmem>>, vector<16xf32>,
            } {sc.loop_unroll_factor = 8 : i64, sc.parallel_access}
            %slice3A_322 = vector.extract_strided_slice %get3A_186 {offsets = [12], sizes = [1], strides = [1]} : vector<16xf32> to vector<1xf32>
            %squeeze3A_323 = vector.extract %slice3A_322[0] : f32 from vector<1xf32>
            %slice3A_324 = vector.extract_strided_slice %get3A_190 {offsets = [12], sizes = [1], strides = [1]} : vector<16xi32> to vector<1xi32>
            %squeeze3A_325 = vector.extract %slice3A_324[0] : i32 from vector<1xi32>
            %mul3A_326 = arith.constant 16 : i32
            %mul3A_327 = arith.muli %scan3A_182, %mul3A_326 : i32
            %add3A_328 = arith.constant 12 : i32
            %add3A_329 = arith.addi %mul3A_327, %add3A_328 : i32
            %parallel_loop3A_330 = arith.constant 0 : i32
            %parallel_loop3A_331 = arith.constant 8 : i32
            %parallel_loop3A_332 = arith.constant 1 : i32
            scf.for %parallel_loop3A_370 = %parallel_loop3A_330 to %parallel_loop3A_331 step %parallel_loop3A_332  : i32 {
              %parallel_loop3A_371 = arith.constant 16 : i32
              %parallel_loop3A_372 = arith.muli %parallel_loop3A_370, %parallel_loop3A_371 : i32
              %parallel_loop3A_373 = arith.index_cast %add3A_329 : i32 to index
              %parallel_loop3A_374 = arith.index_cast %parallel_loop3A_372 : i32 to index
              %parallel_loop3A_375 = tpu.vector_load %arg11[%parallel_loop3A_373, %parallel_loop3A_374] {strides = array<i32>} : memref<128x128xi32, #tpu.memory_space<vmem>>, vector<16xi32>,
              %parallel_loop3A_376 = vector.bitcast %parallel_loop3A_375 : vector<16xi32> to vector<32xbf16>
              %parallel_loop3A_377 = tpu.unpack_subelements %parallel_loop3A_376, 0 {pack_format = #tpu.pack_format<interleaved>} : vector<32xbf16> -> vector<16xf32>
              %parallel_loop3A_378 = tpu.unpack_subelements %parallel_loop3A_376, 1 {pack_format = #tpu.pack_format<interleaved>} : vector<32xbf16> -> vector<16xf32>
              %parallel_loop3A_379 = arith.constant 2 : i32
              %parallel_loop3A_380 = arith.muli %parallel_loop3A_379, %parallel_loop3A_370 : i32
              %parallel_loop3A_381 = arith.constant 16 : i32
              %parallel_loop3A_382 = arith.muli %parallel_loop3A_380, %parallel_loop3A_381 : i32
              %parallel_loop3A_383 = vector.broadcast %squeeze3A_323 : f32 to vector<16xf32>
              %parallel_loop3A_384 = arith.mulf %parallel_loop3A_377, %parallel_loop3A_383 : vector<16xf32>
              %parallel_loop3A_385 = arith.index_cast %squeeze3A_325 : i32 to index
              %parallel_loop3A_386 = arith.index_cast %parallel_loop3A_382 : i32 to index
              %parallel_loop3A_387 = tpu.vector_load %arg12[%parallel_loop3A_385, %parallel_loop3A_386] {strides = array<i32>} : memref<320x256xf32, #tpu.memory_space<vmem>>, vector<16xf32>,
              tpu.vector_store %arg12[%parallel_loop3A_385, %parallel_loop3A_386], %parallel_loop3A_384 {add = true, strides = array<i32>} : memref<320x256xf32, #tpu.memory_space<vmem>>, vector<16xf32>,
              %parallel_loop3A_388 = arith.constant 2 : i32
              %parallel_loop3A_389 = arith.muli %parallel_loop3A_388, %parallel_loop3A_370 : i32
              %parallel_loop3A_390 = arith.constant 1 : i32
              %parallel_loop3A_391 = arith.addi %parallel_loop3A_389, %parallel_loop3A_390 : i32
              %parallel_loop3A_392 = arith.constant 16 : i32
              %parallel_loop3A_393 = arith.muli %parallel_loop3A_391, %parallel_loop3A_392 : i32
              %parallel_loop3A_394 = vector.broadcast %squeeze3A_323 : f32 to vector<16xf32>
              %parallel_loop3A_395 = arith.mulf %parallel_loop3A_378, %parallel_loop3A_394 : vector<16xf32>
              %parallel_loop3A_396 = arith.index_cast %squeeze3A_325 : i32 to index
              %parallel_loop3A_397 = arith.index_cast %parallel_loop3A_393 : i32 to index
              %parallel_loop3A_398 = tpu.vector_load %arg12[%parallel_loop3A_396, %parallel_loop3A_397] {strides = array<i32>} : memref<320x256xf32, #tpu.memory_space<vmem>>, vector<16xf32>,
              tpu.vector_store %arg12[%parallel_loop3A_396, %parallel_loop3A_397], %parallel_loop3A_395 {add = true, strides = array<i32>} : memref<320x256xf32, #tpu.memory_space<vmem>>, vector<16xf32>,
            } {sc.loop_unroll_factor = 8 : i64, sc.parallel_access}
            %slice3A_333 = vector.extract_strided_slice %get3A_186 {offsets = [13], sizes = [1], strides = [1]} : vector<16xf32> to vector<1xf32>
            %squeeze3A_334 = vector.extract %slice3A_333[0] : f32 from vector<1xf32>
            %slice3A_335 = vector.extract_strided_slice %get3A_190 {offsets = [13], sizes = [1], strides = [1]} : vector<16xi32> to vector<1xi32>
            %squeeze3A_336 = vector.extract %slice3A_335[0] : i32 from vector<1xi32>
            %mul3A_337 = arith.constant 16 : i32
            %mul3A_338 = arith.muli %scan3A_182, %mul3A_337 : i32
            %add3A_339 = arith.constant 13 : i32
            %add3A_340 = arith.addi %mul3A_338, %add3A_339 : i32
            %parallel_loop3A_341 = arith.constant 0 : i32
            %parallel_loop3A_342 = arith.constant 8 : i32
            %parallel_loop3A_343 = arith.constant 1 : i32
            scf.for %parallel_loop3A_370 = %parallel_loop3A_341 to %parallel_loop3A_342 step %parallel_loop3A_343  : i32 {
              %parallel_loop3A_371 = arith.constant 16 : i32
              %parallel_loop3A_372 = arith.muli %parallel_loop3A_370, %parallel_loop3A_371 : i32
              %parallel_loop3A_373 = arith.index_cast %add3A_340 : i32 to index
              %parallel_loop3A_374 = arith.index_cast %parallel_loop3A_372 : i32 to index
              %parallel_loop3A_375 = tpu.vector_load %arg11[%parallel_loop3A_373, %parallel_loop3A_374] {strides = array<i32>} : memref<128x128xi32, #tpu.memory_space<vmem>>, vector<16xi32>,
              %parallel_loop3A_376 = vector.bitcast %parallel_loop3A_375 : vector<16xi32> to vector<32xbf16>
              %parallel_loop3A_377 = tpu.unpack_subelements %parallel_loop3A_376, 0 {pack_format = #tpu.pack_format<interleaved>} : vector<32xbf16> -> vector<16xf32>
              %parallel_loop3A_378 = tpu.unpack_subelements %parallel_loop3A_376, 1 {pack_format = #tpu.pack_format<interleaved>} : vector<32xbf16> -> vector<16xf32>
              %parallel_loop3A_379 = arith.constant 2 : i32
              %parallel_loop3A_380 = arith.muli %parallel_loop3A_379, %parallel_loop3A_370 : i32
              %parallel_loop3A_381 = arith.constant 16 : i32
              %parallel_loop3A_382 = arith.muli %parallel_loop3A_380, %parallel_loop3A_381 : i32
              %parallel_loop3A_383 = vector.broadcast %squeeze3A_334 : f32 to vector<16xf32>
              %parallel_loop3A_384 = arith.mulf %parallel_loop3A_377, %parallel_loop3A_383 : vector<16xf32>
              %parallel_loop3A_385 = arith.index_cast %squeeze3A_336 : i32 to index
              %parallel_loop3A_386 = arith.index_cast %parallel_loop3A_382 : i32 to index
              %parallel_loop3A_387 = tpu.vector_load %arg12[%parallel_loop3A_385, %parallel_loop3A_386] {strides = array<i32>} : memref<320x256xf32, #tpu.memory_space<vmem>>, vector<16xf32>,
              tpu.vector_store %arg12[%parallel_loop3A_385, %parallel_loop3A_386], %parallel_loop3A_384 {add = true, strides = array<i32>} : memref<320x256xf32, #tpu.memory_space<vmem>>, vector<16xf32>,
              %parallel_loop3A_388 = arith.constant 2 : i32
              %parallel_loop3A_389 = arith.muli %parallel_loop3A_388, %parallel_loop3A_370 : i32
              %parallel_loop3A_390 = arith.constant 1 : i32
              %parallel_loop3A_391 = arith.addi %parallel_loop3A_389, %parallel_loop3A_390 : i32
              %parallel_loop3A_392 = arith.constant 16 : i32
              %parallel_loop3A_393 = arith.muli %parallel_loop3A_391, %parallel_loop3A_392 : i32
              %parallel_loop3A_394 = vector.broadcast %squeeze3A_334 : f32 to vector<16xf32>
              %parallel_loop3A_395 = arith.mulf %parallel_loop3A_378, %parallel_loop3A_394 : vector<16xf32>
              %parallel_loop3A_396 = arith.index_cast %squeeze3A_336 : i32 to index
              %parallel_loop3A_397 = arith.index_cast %parallel_loop3A_393 : i32 to index
              %parallel_loop3A_398 = tpu.vector_load %arg12[%parallel_loop3A_396, %parallel_loop3A_397] {strides = array<i32>} : memref<320x256xf32, #tpu.memory_space<vmem>>, vector<16xf32>,
              tpu.vector_store %arg12[%parallel_loop3A_396, %parallel_loop3A_397], %parallel_loop3A_395 {add = true, strides = array<i32>} : memref<320x256xf32, #tpu.memory_space<vmem>>, vector<16xf32>,
            } {sc.loop_unroll_factor = 8 : i64, sc.parallel_access}
            %slice3A_344 = vector.extract_strided_slice %get3A_186 {offsets = [14], sizes = [1], strides = [1]} : vector<16xf32> to vector<1xf32>
            %squeeze3A_345 = vector.extract %slice3A_344[0] : f32 from vector<1xf32>
            %slice3A_346 = vector.extract_strided_slice %get3A_190 {offsets = [14], sizes = [1], strides = [1]} : vector<16xi32> to vector<1xi32>
            %squeeze3A_347 = vector.extract %slice3A_346[0] : i32 from vector<1xi32>
            %mul3A_348 = arith.constant 16 : i32
            %mul3A_349 = arith.muli %scan3A_182, %mul3A_348 : i32
            %add3A_350 = arith.constant 14 : i32
            %add3A_351 = arith.addi %mul3A_349, %add3A_350 : i32
            %parallel_loop3A_352 = arith.constant 0 : i32
            %parallel_loop3A_353 = arith.constant 8 : i32
            %parallel_loop3A_354 = arith.constant 1 : i32
            scf.for %parallel_loop3A_370 = %parallel_loop3A_352 to %parallel_loop3A_353 step %parallel_loop3A_354  : i32 {
              %parallel_loop3A_371 = arith.constant 16 : i32
              %parallel_loop3A_372 = arith.muli %parallel_loop3A_370, %parallel_loop3A_371 : i32
              %parallel_loop3A_373 = arith.index_cast %add3A_351 : i32 to index
              %parallel_loop3A_374 = arith.index_cast %parallel_loop3A_372 : i32 to index
              %parallel_loop3A_375 = tpu.vector_load %arg11[%parallel_loop3A_373, %parallel_loop3A_374] {strides = array<i32>} : memref<128x128xi32, #tpu.memory_space<vmem>>, vector<16xi32>,
              %parallel_loop3A_376 = vector.bitcast %parallel_loop3A_375 : vector<16xi32> to vector<32xbf16>
              %parallel_loop3A_377 = tpu.unpack_subelements %parallel_loop3A_376, 0 {pack_format = #tpu.pack_format<interleaved>} : vector<32xbf16> -> vector<16xf32>
              %parallel_loop3A_378 = tpu.unpack_subelements %parallel_loop3A_376, 1 {pack_format = #tpu.pack_format<interleaved>} : vector<32xbf16> -> vector<16xf32>
              %parallel_loop3A_379 = arith.constant 2 : i32
              %parallel_loop3A_380 = arith.muli %parallel_loop3A_379, %parallel_loop3A_370 : i32
              %parallel_loop3A_381 = arith.constant 16 : i32
              %parallel_loop3A_382 = arith.muli %parallel_loop3A_380, %parallel_loop3A_381 : i32
              %parallel_loop3A_383 = vector.broadcast %squeeze3A_345 : f32 to vector<16xf32>
              %parallel_loop3A_384 = arith.mulf %parallel_loop3A_377, %parallel_loop3A_383 : vector<16xf32>
              %parallel_loop3A_385 = arith.index_cast %squeeze3A_347 : i32 to index
              %parallel_loop3A_386 = arith.index_cast %parallel_loop3A_382 : i32 to index
              %parallel_loop3A_387 = tpu.vector_load %arg12[%parallel_loop3A_385, %parallel_loop3A_386] {strides = array<i32>} : memref<320x256xf32, #tpu.memory_space<vmem>>, vector<16xf32>,
              tpu.vector_store %arg12[%parallel_loop3A_385, %parallel_loop3A_386], %parallel_loop3A_384 {add = true, strides = array<i32>} : memref<320x256xf32, #tpu.memory_space<vmem>>, vector<16xf32>,
              %parallel_loop3A_388 = arith.constant 2 : i32
              %parallel_loop3A_389 = arith.muli %parallel_loop3A_388, %parallel_loop3A_370 : i32
              %parallel_loop3A_390 = arith.constant 1 : i32
              %parallel_loop3A_391 = arith.addi %parallel_loop3A_389, %parallel_loop3A_390 : i32
              %parallel_loop3A_392 = arith.constant 16 : i32
              %parallel_loop3A_393 = arith.muli %parallel_loop3A_391, %parallel_loop3A_392 : i32
              %parallel_loop3A_394 = vector.broadcast %squeeze3A_345 : f32 to vector<16xf32>
              %parallel_loop3A_395 = arith.mulf %parallel_loop3A_378, %parallel_loop3A_394 : vector<16xf32>
              %parallel_loop3A_396 = arith.index_cast %squeeze3A_347 : i32 to index
              %parallel_loop3A_397 = arith.index_cast %parallel_loop3A_393 : i32 to index
              %parallel_loop3A_398 = tpu.vector_load %arg12[%parallel_loop3A_396, %parallel_loop3A_397] {strides = array<i32>} : memref<320x256xf32, #tpu.memory_space<vmem>>, vector<16xf32>,
              tpu.vector_store %arg12[%parallel_loop3A_396, %parallel_loop3A_397], %parallel_loop3A_395 {add = true, strides = array<i32>} : memref<320x256xf32, #tpu.memory_space<vmem>>, vector<16xf32>,
            } {sc.loop_unroll_factor = 8 : i64, sc.parallel_access}
            %slice3A_355 = vector.extract_strided_slice %get3A_186 {offsets = [15], sizes = [1], strides = [1]} : vector<16xf32> to vector<1xf32>
            %squeeze3A_356 = vector.extract %slice3A_355[0] : f32 from vector<1xf32>
            %slice3A_357 = vector.extract_strided_slice %get3A_190 {offsets = [15], sizes = [1], strides = [1]} : vector<16xi32> to vector<1xi32>
            %squeeze3A_358 = vector.extract %slice3A_357[0] : i32 from vector<1xi32>
            %mul3A_359 = arith.constant 16 : i32
            %mul3A_360 = arith.muli %scan3A_182, %mul3A_359 : i32
            %add3A_361 = arith.constant 15 : i32
            %add3A_362 = arith.addi %mul3A_360, %add3A_361 : i32
            %parallel_loop3A_363 = arith.constant 0 : i32
            %parallel_loop3A_364 = arith.constant 8 : i32
            %parallel_loop3A_365 = arith.constant 1 : i32
            scf.for %parallel_loop3A_370 = %parallel_loop3A_363 to %parallel_loop3A_364 step %parallel_loop3A_365  : i32 {
              %parallel_loop3A_371 = arith.constant 16 : i32
              %parallel_loop3A_372 = arith.muli %parallel_loop3A_370, %parallel_loop3A_371 : i32
              %parallel_loop3A_373 = arith.index_cast %add3A_362 : i32 to index
              %parallel_loop3A_374 = arith.index_cast %parallel_loop3A_372 : i32 to index
              %parallel_loop3A_375 = tpu.vector_load %arg11[%parallel_loop3A_373, %parallel_loop3A_374] {strides = array<i32>} : memref<128x128xi32, #tpu.memory_space<vmem>>, vector<16xi32>,
              %parallel_loop3A_376 = vector.bitcast %parallel_loop3A_375 : vector<16xi32> to vector<32xbf16>
              %parallel_loop3A_377 = tpu.unpack_subelements %parallel_loop3A_376, 0 {pack_format = #tpu.pack_format<interleaved>} : vector<32xbf16> -> vector<16xf32>
              %parallel_loop3A_378 = tpu.unpack_subelements %parallel_loop3A_376, 1 {pack_format = #tpu.pack_format<interleaved>} : vector<32xbf16> -> vector<16xf32>
              %parallel_loop3A_379 = arith.constant 2 : i32
              %parallel_loop3A_380 = arith.muli %parallel_loop3A_379, %parallel_loop3A_370 : i32
              %parallel_loop3A_381 = arith.constant 16 : i32
              %parallel_loop3A_382 = arith.muli %parallel_loop3A_380, %parallel_loop3A_381 : i32
              %parallel_loop3A_383 = vector.broadcast %squeeze3A_356 : f32 to vector<16xf32>
              %parallel_loop3A_384 = arith.mulf %parallel_loop3A_377, %parallel_loop3A_383 : vector<16xf32>
              %parallel_loop3A_385 = arith.index_cast %squeeze3A_358 : i32 to index
              %parallel_loop3A_386 = arith.index_cast %parallel_loop3A_382 : i32 to index
              %parallel_loop3A_387 = tpu.vector_load %arg12[%parallel_loop3A_385, %parallel_loop3A_386] {strides = array<i32>} : memref<320x256xf32, #tpu.memory_space<vmem>>, vector<16xf32>,
              tpu.vector_store %arg12[%parallel_loop3A_385, %parallel_loop3A_386], %parallel_loop3A_384 {add = true, strides = array<i32>} : memref<320x256xf32, #tpu.memory_space<vmem>>, vector<16xf32>,
              %parallel_loop3A_388 = arith.constant 2 : i32
              %parallel_loop3A_389 = arith.muli %parallel_loop3A_388, %parallel_loop3A_370 : i32
              %parallel_loop3A_390 = arith.constant 1 : i32
              %parallel_loop3A_391 = arith.addi %parallel_loop3A_389, %parallel_loop3A_390 : i32
              %parallel_loop3A_392 = arith.constant 16 : i32
              %parallel_loop3A_393 = arith.muli %parallel_loop3A_391, %parallel_loop3A_392 : i32
              %parallel_loop3A_394 = vector.broadcast %squeeze3A_356 : f32 to vector<16xf32>
              %parallel_loop3A_395 = arith.mulf %parallel_loop3A_378, %parallel_loop3A_394 : vector<16xf32>
              %parallel_loop3A_396 = arith.index_cast %squeeze3A_358 : i32 to index
              %parallel_loop3A_397 = arith.index_cast %parallel_loop3A_393 : i32 to index
              %parallel_loop3A_398 = tpu.vector_load %arg12[%parallel_loop3A_396, %parallel_loop3A_397] {strides = array<i32>} : memref<320x256xf32, #tpu.memory_space<vmem>>, vector<16xf32>,
              tpu.vector_store %arg12[%parallel_loop3A_396, %parallel_loop3A_397], %parallel_loop3A_395 {add = true, strides = array<i32>} : memref<320x256xf32, #tpu.memory_space<vmem>>, vector<16xf32>,
            } {sc.loop_unroll_factor = 8 : i64, sc.parallel_access}
            %mul3A_366 = arith.constant 16 : i32
            %mul3A_367 = arith.muli %scan3A_182, %mul3A_366 : i32
            %swap3A_368 = arith.index_cast %mul3A_367 : i32 to index
            %swap3A_369 = tpu.vector_load %arg7[%swap3A_368] {strides = array<i32>} : memref<128xf32, #tpu.memory_space<vmem>>, vector<16xf32>,
            tpu.vector_store %arg7[%swap3A_368], %broadcast_in_dim3A_10 {strides = array<i32>} : memref<128xf32, #tpu.memory_space<vmem>>, vector<16xf32>,
          }
          %scan3A_181 = arith.constant 8 : i32
        } else {
        }
        %ge3A_146 = arith.constant 112 : i32
        %ge3A_147 = arith.cmpi sge, %add3A_140, %ge3A_146 : i32
        %jit3A_148 = arith.constant 0 : i32
        %select_n3A_149 = arith.select %ge3A_147, %jit3A_148, %add3A_140 : i32
        scf.yield %select_n3A_149 : i32
      }
      %scan3A_107 = arith.constant 64 : i32
      scf.yield %scan3A_106 : i32
    }
    %scan3A_69 = arith.constant 80 : i32
    %gt3A = arith.constant 0 : i32
    %gt3A_70 = arith.cmpi sgt, %scan3A_68, %gt3A : i32
    %convert_element_type3A = arith.extui %gt3A_70 : i1 to i32
    %cond3A = arith.constant 0 : i32
    %cond3A_71 = arith.cmpi ne, %convert_element_type3A, %cond3A : i32
    scf.if %cond3A_71 {
      %scan3A_96 = arith.constant 0 : i32
      %scan3A_97 = arith.constant 0 : i32
      %scan3A_98 = arith.constant 8 : i32
      %scan3A_99 = arith.addi %scan3A_97, %scan3A_98 : i32
      %scan3A_100 = arith.constant 1 : i32
      scf.for %scan3A_128 = %scan3A_97 to %scan3A_99 step %scan3A_100  : i32 {
        %mul3A_129 = arith.constant 16 : i32
        %mul3A_130 = arith.muli %scan3A_128, %mul3A_129 : i32
        %get3A = arith.index_cast %mul3A_130 : i32 to index
        %get3A_131 = tpu.vector_load %arg6[%get3A] {strides = array<i32>} : memref<128xi32, #tpu.memory_space<vmem>>, vector<16xi32>,
        %lt3A = arith.constant 3584 : i32
        %lt3A_132 = vector.broadcast %lt3A : i32 to vector<16xi32>
        %lt3A_133 = arith.cmpi slt, %get3A_131, %lt3A_132 : vector<16xi32>
        %jit3A = arith.constant 8191 : i32
        %broadcast_in_dim3A_134 = vector.broadcast %jit3A : i32 to vector<16xi32>
        %select_n3A = arith.select %lt3A_133, %get3A_131, %broadcast_in_dim3A_134 : vector<16xi1>, vector<16xi32>
        %mul3A_135 = arith.constant 16 : i32
        %mul3A_136 = arith.muli %scan3A_128, %mul3A_135 : i32
        %swap3A_137 = arith.index_cast %mul3A_136 : i32 to index
        %swap3A_138 = tpu.vector_load %arg9[%swap3A_137] {strides = array<i32>} : memref<128xi32, #tpu.memory_space<vmem>>, vector<16xi32>,
        tpu.vector_store %arg9[%swap3A_137], %select_n3A {strides = array<i32>} : memref<128xi32, #tpu.memory_space<vmem>>, vector<16xi32>,
        %jit3A_139 = arith.constant 8191 : i32
        %broadcast_in_dim3A_140 = vector.broadcast %jit3A_139 : i32 to vector<16xi32>
        %select_n3A_141 = arith.select %lt3A_133, %broadcast_in_dim3A_140, %get3A_131 : vector<16xi1>, vector<16xi32>
        %mul3A_142 = arith.constant 16 : i32
        %mul3A_143 = arith.muli %scan3A_128, %mul3A_142 : i32
        %swap3A_144 = arith.index_cast %mul3A_143 : i32 to index
        %swap3A_145 = tpu.vector_load %arg10[%swap3A_144] {strides = array<i32>} : memref<128xi32, #tpu.memory_space<vmem>>, vector<16xi32>,
        tpu.vector_store %arg10[%swap3A_144], %select_n3A_141 {strides = array<i32>} : memref<128xi32, #tpu.memory_space<vmem>>, vector<16xi32>,
      }
      %scan3A_101 = arith.constant 8 : i32
      %dma_start3A = arith.constant 0 : i32
      %dma_start3A_102 = arith.constant 0 : i32
      %dma_start3A_103 = tpu.memref_slice %arg13[%dma_start3A, %dma_start3A_102] : memref<3584x128xi32, #tpu.memory_space<vmem_shared>> -> memref<3584x128xi32, #tpu.memory_space<vmem_shared>>
      %dma_start3A_104 = arith.constant 8191 : i32
      tpu.enqueue_indirect_dma source(%dma_start3A_103 : memref<3584x128xi32, #tpu.memory_space<vmem_shared>>) target(%arg11 : memref<128x128xi32, #tpu.memory_space<vmem>>) offsets(%arg9 : memref<128xi32, #tpu.memory_space<vmem>>) offset_filter(%dma_start3A_104) semaphore(%arg14 : memref<!tpu.dma_semaphore, #tpu.memory_space<semaphore_mem>>)
      %dma_start3A_105 = arith.constant 0 : i32
      %dma_start3A_106 = arith.constant 0 : i32
      %dma_start3A_107 = tpu.memref_slice %arg3[%arg0, %dma_start3A_105, %dma_start3A_106] : memref<2x5120x128xi32, #tpu.memory_space<hbm>> -> memref<1x5120x128xi32, #tpu.memory_space<hbm>>
      %dma_start3A_108 = tpu.memref_squeeze %dma_start3A_107 : memref<1x5120x128xi32, #tpu.memory_space<hbm>> -> memref<5120x128xi32, #tpu.memory_space<hbm>>
      %dma_start3A_109 = arith.constant 0 : i32
      %dma_start3A_110 = arith.constant 0 : i32
      %dma_start3A_111 = tpu.memref_slice %dma_start3A_108[%dma_start3A_109, %dma_start3A_110] : memref<5120x128xi32, #tpu.memory_space<hbm>> -> memref<5120x128xi32, #tpu.memory_space<hbm>>
      %dma_start3A_112 = arith.constant 8191 : i32
      tpu.enqueue_indirect_dma source(%dma_start3A_111 : memref<5120x128xi32, #tpu.memory_space<hbm>>) target(%arg11 : memref<128x128xi32, #tpu.memory_space<vmem>>) offsets(%arg10 : memref<128xi32, #tpu.memory_space<vmem>>) offset_filter(%dma_start3A_112) semaphore(%arg15 : memref<!tpu.dma_semaphore, #tpu.memory_space<semaphore_mem>>)
      %dma_wait3A = arith.constant 0 : i32
      %dma_wait3A_113 = arith.constant 0 : i32
      %dma_wait3A_114 = tpu.memref_slice %arg13[%dma_wait3A, %dma_wait3A_113] : memref<3584x128xi32, #tpu.memory_space<vmem_shared>> -> memref<3584x128xi32, #tpu.memory_space<vmem_shared>>
      tpu.wait_indirect_dma semaphore(%arg14 : memref<!tpu.dma_semaphore, #tpu.memory_space<semaphore_mem>>) src(%dma_wait3A_114 : memref<3584x128xi32, #tpu.memory_space<vmem_shared>>) dst(%arg11 : memref<128x128xi32, #tpu.memory_space<vmem>>)
      %dma_wait3A_115 = arith.constant 0 : i32
      %dma_wait3A_116 = arith.constant 0 : i32
      %dma_wait3A_117 = tpu.memref_slice %arg3[%arg0, %dma_wait3A_115, %dma_wait3A_116] : memref<2x5120x128xi32, #tpu.memory_space<hbm>> -> memref<1x5120x128xi32, #tpu.memory_space<hbm>>
      %dma_wait3A_118 = tpu.memref_squeeze %dma_wait3A_117 : memref<1x5120x128xi32, #tpu.memory_space<hbm>> -> memref<5120x128xi32, #tpu.memory_space<hbm>>
      %dma_wait3A_119 = arith.constant 0 : i32
      %dma_wait3A_120 = arith.constant 0 : i32
      %dma_wait3A_121 = tpu.memref_slice %dma_wait3A_118[%dma_wait3A_119, %dma_wait3A_120] : memref<5120x128xi32, #tpu.memory_space<hbm>> -> memref<5120x128xi32, #tpu.memory_space<hbm>>
      tpu.wait_indirect_dma semaphore(%arg15 : memref<!tpu.dma_semaphore, #tpu.memory_space<semaphore_mem>>) src(%dma_wait3A_121 : memref<5120x128xi32, #tpu.memory_space<hbm>>) dst(%arg11 : memref<128x128xi32, #tpu.memory_space<vmem>>)
      %scan3A_122 = arith.constant 0 : i32
      %scan3A_123 = arith.constant 0 : i32
      %scan3A_124 = arith.constant 8 : i32
      %scan3A_125 = arith.addi %scan3A_123, %scan3A_124 : i32
      %scan3A_126 = arith.constant 1 : i32
      scf.for %scan3A_128 = %scan3A_123 to %scan3A_125 step %scan3A_126  : i32 {
        %mul3A_129 = arith.constant 16 : i32
        %mul3A_130 = arith.muli %scan3A_128, %mul3A_129 : i32
        %get3A = arith.index_cast %mul3A_130 : i32 to index
        %get3A_131 = tpu.vector_load %arg7[%get3A] {strides = array<i32>} : memref<128xf32, #tpu.memory_space<vmem>>, vector<16xf32>,
        %mul3A_132 = arith.constant 16 : i32
        %mul3A_133 = arith.muli %scan3A_128, %mul3A_132 : i32
        %get3A_134 = arith.index_cast %mul3A_133 : i32 to index
        %get3A_135 = tpu.vector_load %arg8[%get3A_134] {strides = array<i32>} : memref<128xi32, #tpu.memory_space<vmem>>, vector<16xi32>,
        %slice3A = vector.extract_strided_slice %get3A_131 {offsets = [0], sizes = [1], strides = [1]} : vector<16xf32> to vector<1xf32>
        %squeeze3A = vector.extract %slice3A[0] : f32 from vector<1xf32>
        %slice3A_136 = vector.extract_strided_slice %get3A_135 {offsets = [0], sizes = [1], strides = [1]} : vector<16xi32> to vector<1xi32>
        %squeeze3A_137 = vector.extract %slice3A_136[0] : i32 from vector<1xi32>
        %mul3A_138 = arith.constant 16 : i32
        %mul3A_139 = arith.muli %scan3A_128, %mul3A_138 : i32
        %add3A_140 = arith.constant 0 : i32
        %add3A_141 = arith.addi %mul3A_139, %add3A_140 : i32
        %parallel_loop3A = arith.constant 0 : i32
        %parallel_loop3A_142 = arith.constant 8 : i32
        %parallel_loop3A_143 = arith.constant 1 : i32
        scf.for %parallel_loop3A_313 = %parallel_loop3A to %parallel_loop3A_142 step %parallel_loop3A_143  : i32 {
          %parallel_loop3A_314 = arith.constant 16 : i32
          %parallel_loop3A_315 = arith.muli %parallel_loop3A_313, %parallel_loop3A_314 : i32
          %parallel_loop3A_316 = arith.index_cast %add3A_141 : i32 to index
          %parallel_loop3A_317 = arith.index_cast %parallel_loop3A_315 : i32 to index
          %parallel_loop3A_318 = tpu.vector_load %arg11[%parallel_loop3A_316, %parallel_loop3A_317] {strides = array<i32>} : memref<128x128xi32, #tpu.memory_space<vmem>>, vector<16xi32>,
          %parallel_loop3A_319 = vector.bitcast %parallel_loop3A_318 : vector<16xi32> to vector<32xbf16>
          %parallel_loop3A_320 = tpu.unpack_subelements %parallel_loop3A_319, 0 {pack_format = #tpu.pack_format<interleaved>} : vector<32xbf16> -> vector<16xf32>
          %parallel_loop3A_321 = tpu.unpack_subelements %parallel_loop3A_319, 1 {pack_format = #tpu.pack_format<interleaved>} : vector<32xbf16> -> vector<16xf32>
          %parallel_loop3A_322 = arith.constant 2 : i32
          %parallel_loop3A_323 = arith.muli %parallel_loop3A_322, %parallel_loop3A_313 : i32
          %parallel_loop3A_324 = arith.constant 16 : i32
          %parallel_loop3A_325 = arith.muli %parallel_loop3A_323, %parallel_loop3A_324 : i32
          %parallel_loop3A_326 = vector.broadcast %squeeze3A : f32 to vector<16xf32>
          %parallel_loop3A_327 = arith.mulf %parallel_loop3A_320, %parallel_loop3A_326 : vector<16xf32>
          %parallel_loop3A_328 = arith.index_cast %squeeze3A_137 : i32 to index
          %parallel_loop3A_329 = arith.index_cast %parallel_loop3A_325 : i32 to index
          %parallel_loop3A_330 = tpu.vector_load %arg12[%parallel_loop3A_328, %parallel_loop3A_329] {strides = array<i32>} : memref<320x256xf32, #tpu.memory_space<vmem>>, vector<16xf32>,
          tpu.vector_store %arg12[%parallel_loop3A_328, %parallel_loop3A_329], %parallel_loop3A_327 {add = true, strides = array<i32>} : memref<320x256xf32, #tpu.memory_space<vmem>>, vector<16xf32>,
          %parallel_loop3A_331 = arith.constant 2 : i32
          %parallel_loop3A_332 = arith.muli %parallel_loop3A_331, %parallel_loop3A_313 : i32
          %parallel_loop3A_333 = arith.constant 1 : i32
          %parallel_loop3A_334 = arith.addi %parallel_loop3A_332, %parallel_loop3A_333 : i32
          %parallel_loop3A_335 = arith.constant 16 : i32
          %parallel_loop3A_336 = arith.muli %parallel_loop3A_334, %parallel_loop3A_335 : i32
          %parallel_loop3A_337 = vector.broadcast %squeeze3A : f32 to vector<16xf32>
          %parallel_loop3A_338 = arith.mulf %parallel_loop3A_321, %parallel_loop3A_337 : vector<16xf32>
          %parallel_loop3A_339 = arith.index_cast %squeeze3A_137 : i32 to index
          %parallel_loop3A_340 = arith.index_cast %parallel_loop3A_336 : i32 to index
          %parallel_loop3A_341 = tpu.vector_load %arg12[%parallel_loop3A_339, %parallel_loop3A_340] {strides = array<i32>} : memref<320x256xf32, #tpu.memory_space<vmem>>, vector<16xf32>,
          tpu.vector_store %arg12[%parallel_loop3A_339, %parallel_loop3A_340], %parallel_loop3A_338 {add = true, strides = array<i32>} : memref<320x256xf32, #tpu.memory_space<vmem>>, vector<16xf32>,
        } {sc.loop_unroll_factor = 8 : i64, sc.parallel_access}
        %slice3A_144 = vector.extract_strided_slice %get3A_131 {offsets = [1], sizes = [1], strides = [1]} : vector<16xf32> to vector<1xf32>
        %squeeze3A_145 = vector.extract %slice3A_144[0] : f32 from vector<1xf32>
        %slice3A_146 = vector.extract_strided_slice %get3A_135 {offsets = [1], sizes = [1], strides = [1]} : vector<16xi32> to vector<1xi32>
        %squeeze3A_147 = vector.extract %slice3A_146[0] : i32 from vector<1xi32>
        %mul3A_148 = arith.constant 16 : i32
        %mul3A_149 = arith.muli %scan3A_128, %mul3A_148 : i32
        %add3A_150 = arith.constant 1 : i32
        %add3A_151 = arith.addi %mul3A_149, %add3A_150 : i32
        %parallel_loop3A_152 = arith.constant 0 : i32
        %parallel_loop3A_153 = arith.constant 8 : i32
        %parallel_loop3A_154 = arith.constant 1 : i32
        scf.for %parallel_loop3A_313 = %parallel_loop3A_152 to %parallel_loop3A_153 step %parallel_loop3A_154  : i32 {
          %parallel_loop3A_314 = arith.constant 16 : i32
          %parallel_loop3A_315 = arith.muli %parallel_loop3A_313, %parallel_loop3A_314 : i32
          %parallel_loop3A_316 = arith.index_cast %add3A_151 : i32 to index
          %parallel_loop3A_317 = arith.index_cast %parallel_loop3A_315 : i32 to index
          %parallel_loop3A_318 = tpu.vector_load %arg11[%parallel_loop3A_316, %parallel_loop3A_317] {strides = array<i32>} : memref<128x128xi32, #tpu.memory_space<vmem>>, vector<16xi32>,
          %parallel_loop3A_319 = vector.bitcast %parallel_loop3A_318 : vector<16xi32> to vector<32xbf16>
          %parallel_loop3A_320 = tpu.unpack_subelements %parallel_loop3A_319, 0 {pack_format = #tpu.pack_format<interleaved>} : vector<32xbf16> -> vector<16xf32>
          %parallel_loop3A_321 = tpu.unpack_subelements %parallel_loop3A_319, 1 {pack_format = #tpu.pack_format<interleaved>} : vector<32xbf16> -> vector<16xf32>
          %parallel_loop3A_322 = arith.constant 2 : i32
          %parallel_loop3A_323 = arith.muli %parallel_loop3A_322, %parallel_loop3A_313 : i32
          %parallel_loop3A_324 = arith.constant 16 : i32
          %parallel_loop3A_325 = arith.muli %parallel_loop3A_323, %parallel_loop3A_324 : i32
          %parallel_loop3A_326 = vector.broadcast %squeeze3A_145 : f32 to vector<16xf32>
          %parallel_loop3A_327 = arith.mulf %parallel_loop3A_320, %parallel_loop3A_326 : vector<16xf32>
          %parallel_loop3A_328 = arith.index_cast %squeeze3A_147 : i32 to index
          %parallel_loop3A_329 = arith.index_cast %parallel_loop3A_325 : i32 to index
          %parallel_loop3A_330 = tpu.vector_load %arg12[%parallel_loop3A_328, %parallel_loop3A_329] {strides = array<i32>} : memref<320x256xf32, #tpu.memory_space<vmem>>, vector<16xf32>,
          tpu.vector_store %arg12[%parallel_loop3A_328, %parallel_loop3A_329], %parallel_loop3A_327 {add = true, strides = array<i32>} : memref<320x256xf32, #tpu.memory_space<vmem>>, vector<16xf32>,
          %parallel_loop3A_331 = arith.constant 2 : i32
          %parallel_loop3A_332 = arith.muli %parallel_loop3A_331, %parallel_loop3A_313 : i32
          %parallel_loop3A_333 = arith.constant 1 : i32
          %parallel_loop3A_334 = arith.addi %parallel_loop3A_332, %parallel_loop3A_333 : i32
          %parallel_loop3A_335 = arith.constant 16 : i32
          %parallel_loop3A_336 = arith.muli %parallel_loop3A_334, %parallel_loop3A_335 : i32
          %parallel_loop3A_337 = vector.broadcast %squeeze3A_145 : f32 to vector<16xf32>
          %parallel_loop3A_338 = arith.mulf %parallel_loop3A_321, %parallel_loop3A_337 : vector<16xf32>
          %parallel_loop3A_339 = arith.index_cast %squeeze3A_147 : i32 to index
          %parallel_loop3A_340 = arith.index_cast %parallel_loop3A_336 : i32 to index
          %parallel_loop3A_341 = tpu.vector_load %arg12[%parallel_loop3A_339, %parallel_loop3A_340] {strides = array<i32>} : memref<320x256xf32, #tpu.memory_space<vmem>>, vector<16xf32>,
          tpu.vector_store %arg12[%parallel_loop3A_339, %parallel_loop3A_340], %parallel_loop3A_338 {add = true, strides = array<i32>} : memref<320x256xf32, #tpu.memory_space<vmem>>, vector<16xf32>,
        } {sc.loop_unroll_factor = 8 : i64, sc.parallel_access}
        %slice3A_155 = vector.extract_strided_slice %get3A_131 {offsets = [2], sizes = [1], strides = [1]} : vector<16xf32> to vector<1xf32>
        %squeeze3A_156 = vector.extract %slice3A_155[0] : f32 from vector<1xf32>
        %slice3A_157 = vector.extract_strided_slice %get3A_135 {offsets = [2], sizes = [1], strides = [1]} : vector<16xi32> to vector<1xi32>
        %squeeze3A_158 = vector.extract %slice3A_157[0] : i32 from vector<1xi32>
        %mul3A_159 = arith.constant 16 : i32
        %mul3A_160 = arith.muli %scan3A_128, %mul3A_159 : i32
        %add3A_161 = arith.constant 2 : i32
        %add3A_162 = arith.addi %mul3A_160, %add3A_161 : i32
        %parallel_loop3A_163 = arith.constant 0 : i32
        %parallel_loop3A_164 = arith.constant 8 : i32
        %parallel_loop3A_165 = arith.constant 1 : i32
        scf.for %parallel_loop3A_313 = %parallel_loop3A_163 to %parallel_loop3A_164 step %parallel_loop3A_165  : i32 {
          %parallel_loop3A_314 = arith.constant 16 : i32
          %parallel_loop3A_315 = arith.muli %parallel_loop3A_313, %parallel_loop3A_314 : i32
          %parallel_loop3A_316 = arith.index_cast %add3A_162 : i32 to index
          %parallel_loop3A_317 = arith.index_cast %parallel_loop3A_315 : i32 to index
          %parallel_loop3A_318 = tpu.vector_load %arg11[%parallel_loop3A_316, %parallel_loop3A_317] {strides = array<i32>} : memref<128x128xi32, #tpu.memory_space<vmem>>, vector<16xi32>,
          %parallel_loop3A_319 = vector.bitcast %parallel_loop3A_318 : vector<16xi32> to vector<32xbf16>
          %parallel_loop3A_320 = tpu.unpack_subelements %parallel_loop3A_319, 0 {pack_format = #tpu.pack_format<interleaved>} : vector<32xbf16> -> vector<16xf32>
          %parallel_loop3A_321 = tpu.unpack_subelements %parallel_loop3A_319, 1 {pack_format = #tpu.pack_format<interleaved>} : vector<32xbf16> -> vector<16xf32>
          %parallel_loop3A_322 = arith.constant 2 : i32
          %parallel_loop3A_323 = arith.muli %parallel_loop3A_322, %parallel_loop3A_313 : i32
          %parallel_loop3A_324 = arith.constant 16 : i32
          %parallel_loop3A_325 = arith.muli %parallel_loop3A_323, %parallel_loop3A_324 : i32
          %parallel_loop3A_326 = vector.broadcast %squeeze3A_156 : f32 to vector<16xf32>
          %parallel_loop3A_327 = arith.mulf %parallel_loop3A_320, %parallel_loop3A_326 : vector<16xf32>
          %parallel_loop3A_328 = arith.index_cast %squeeze3A_158 : i32 to index
          %parallel_loop3A_329 = arith.index_cast %parallel_loop3A_325 : i32 to index
          %parallel_loop3A_330 = tpu.vector_load %arg12[%parallel_loop3A_328, %parallel_loop3A_329] {strides = array<i32>} : memref<320x256xf32, #tpu.memory_space<vmem>>, vector<16xf32>,
          tpu.vector_store %arg12[%parallel_loop3A_328, %parallel_loop3A_329], %parallel_loop3A_327 {add = true, strides = array<i32>} : memref<320x256xf32, #tpu.memory_space<vmem>>, vector<16xf32>,
          %parallel_loop3A_331 = arith.constant 2 : i32
          %parallel_loop3A_332 = arith.muli %parallel_loop3A_331, %parallel_loop3A_313 : i32
          %parallel_loop3A_333 = arith.constant 1 : i32
          %parallel_loop3A_334 = arith.addi %parallel_loop3A_332, %parallel_loop3A_333 : i32
          %parallel_loop3A_335 = arith.constant 16 : i32
          %parallel_loop3A_336 = arith.muli %parallel_loop3A_334, %parallel_loop3A_335 : i32
          %parallel_loop3A_337 = vector.broadcast %squeeze3A_156 : f32 to vector<16xf32>
          %parallel_loop3A_338 = arith.mulf %parallel_loop3A_321, %parallel_loop3A_337 : vector<16xf32>
          %parallel_loop3A_339 = arith.index_cast %squeeze3A_158 : i32 to index
          %parallel_loop3A_340 = arith.index_cast %parallel_loop3A_336 : i32 to index
          %parallel_loop3A_341 = tpu.vector_load %arg12[%parallel_loop3A_339, %parallel_loop3A_340] {strides = array<i32>} : memref<320x256xf32, #tpu.memory_space<vmem>>, vector<16xf32>,
          tpu.vector_store %arg12[%parallel_loop3A_339, %parallel_loop3A_340], %parallel_loop3A_338 {add = true, strides = array<i32>} : memref<320x256xf32, #tpu.memory_space<vmem>>, vector<16xf32>,
        } {sc.loop_unroll_factor = 8 : i64, sc.parallel_access}
        %slice3A_166 = vector.extract_strided_slice %get3A_131 {offsets = [3], sizes = [1], strides = [1]} : vector<16xf32> to vector<1xf32>
        %squeeze3A_167 = vector.extract %slice3A_166[0] : f32 from vector<1xf32>
        %slice3A_168 = vector.extract_strided_slice %get3A_135 {offsets = [3], sizes = [1], strides = [1]} : vector<16xi32> to vector<1xi32>
        %squeeze3A_169 = vector.extract %slice3A_168[0] : i32 from vector<1xi32>
        %mul3A_170 = arith.constant 16 : i32
        %mul3A_171 = arith.muli %scan3A_128, %mul3A_170 : i32
        %add3A_172 = arith.constant 3 : i32
        %add3A_173 = arith.addi %mul3A_171, %add3A_172 : i32
        %parallel_loop3A_174 = arith.constant 0 : i32
        %parallel_loop3A_175 = arith.constant 8 : i32
        %parallel_loop3A_176 = arith.constant 1 : i32
        scf.for %parallel_loop3A_313 = %parallel_loop3A_174 to %parallel_loop3A_175 step %parallel_loop3A_176  : i32 {
          %parallel_loop3A_314 = arith.constant 16 : i32
          %parallel_loop3A_315 = arith.muli %parallel_loop3A_313, %parallel_loop3A_314 : i32
          %parallel_loop3A_316 = arith.index_cast %add3A_173 : i32 to index
          %parallel_loop3A_317 = arith.index_cast %parallel_loop3A_315 : i32 to index
          %parallel_loop3A_318 = tpu.vector_load %arg11[%parallel_loop3A_316, %parallel_loop3A_317] {strides = array<i32>} : memref<128x128xi32, #tpu.memory_space<vmem>>, vector<16xi32>,
          %parallel_loop3A_319 = vector.bitcast %parallel_loop3A_318 : vector<16xi32> to vector<32xbf16>
          %parallel_loop3A_320 = tpu.unpack_subelements %parallel_loop3A_319, 0 {pack_format = #tpu.pack_format<interleaved>} : vector<32xbf16> -> vector<16xf32>
          %parallel_loop3A_321 = tpu.unpack_subelements %parallel_loop3A_319, 1 {pack_format = #tpu.pack_format<interleaved>} : vector<32xbf16> -> vector<16xf32>
          %parallel_loop3A_322 = arith.constant 2 : i32
          %parallel_loop3A_323 = arith.muli %parallel_loop3A_322, %parallel_loop3A_313 : i32
          %parallel_loop3A_324 = arith.constant 16 : i32
          %parallel_loop3A_325 = arith.muli %parallel_loop3A_323, %parallel_loop3A_324 : i32
          %parallel_loop3A_326 = vector.broadcast %squeeze3A_167 : f32 to vector<16xf32>
          %parallel_loop3A_327 = arith.mulf %parallel_loop3A_320, %parallel_loop3A_326 : vector<16xf32>
          %parallel_loop3A_328 = arith.index_cast %squeeze3A_169 : i32 to index
          %parallel_loop3A_329 = arith.index_cast %parallel_loop3A_325 : i32 to index
          %parallel_loop3A_330 = tpu.vector_load %arg12[%parallel_loop3A_328, %parallel_loop3A_329] {strides = array<i32>} : memref<320x256xf32, #tpu.memory_space<vmem>>, vector<16xf32>,
          tpu.vector_store %arg12[%parallel_loop3A_328, %parallel_loop3A_329], %parallel_loop3A_327 {add = true, strides = array<i32>} : memref<320x256xf32, #tpu.memory_space<vmem>>, vector<16xf32>,
          %parallel_loop3A_331 = arith.constant 2 : i32
          %parallel_loop3A_332 = arith.muli %parallel_loop3A_331, %parallel_loop3A_313 : i32
          %parallel_loop3A_333 = arith.constant 1 : i32
          %parallel_loop3A_334 = arith.addi %parallel_loop3A_332, %parallel_loop3A_333 : i32
          %parallel_loop3A_335 = arith.constant 16 : i32
          %parallel_loop3A_336 = arith.muli %parallel_loop3A_334, %parallel_loop3A_335 : i32
          %parallel_loop3A_337 = vector.broadcast %squeeze3A_167 : f32 to vector<16xf32>
          %parallel_loop3A_338 = arith.mulf %parallel_loop3A_321, %parallel_loop3A_337 : vector<16xf32>
          %parallel_loop3A_339 = arith.index_cast %squeeze3A_169 : i32 to index
          %parallel_loop3A_340 = arith.index_cast %parallel_loop3A_336 : i32 to index
          %parallel_loop3A_341 = tpu.vector_load %arg12[%parallel_loop3A_339, %parallel_loop3A_340] {strides = array<i32>} : memref<320x256xf32, #tpu.memory_space<vmem>>, vector<16xf32>,
          tpu.vector_store %arg12[%parallel_loop3A_339, %parallel_loop3A_340], %parallel_loop3A_338 {add = true, strides = array<i32>} : memref<320x256xf32, #tpu.memory_space<vmem>>, vector<16xf32>,
        } {sc.loop_unroll_factor = 8 : i64, sc.parallel_access}
        %slice3A_177 = vector.extract_strided_slice %get3A_131 {offsets = [4], sizes = [1], strides = [1]} : vector<16xf32> to vector<1xf32>
        %squeeze3A_178 = vector.extract %slice3A_177[0] : f32 from vector<1xf32>
        %slice3A_179 = vector.extract_strided_slice %get3A_135 {offsets = [4], sizes = [1], strides = [1]} : vector<16xi32> to vector<1xi32>
        %squeeze3A_180 = vector.extract %slice3A_179[0] : i32 from vector<1xi32>
        %mul3A_181 = arith.constant 16 : i32
        %mul3A_182 = arith.muli %scan3A_128, %mul3A_181 : i32
        %add3A_183 = arith.constant 4 : i32
        %add3A_184 = arith.addi %mul3A_182, %add3A_183 : i32
        %parallel_loop3A_185 = arith.constant 0 : i32
        %parallel_loop3A_186 = arith.constant 8 : i32
        %parallel_loop3A_187 = arith.constant 1 : i32
        scf.for %parallel_loop3A_313 = %parallel_loop3A_185 to %parallel_loop3A_186 step %parallel_loop3A_187  : i32 {
          %parallel_loop3A_314 = arith.constant 16 : i32
          %parallel_loop3A_315 = arith.muli %parallel_loop3A_313, %parallel_loop3A_314 : i32
          %parallel_loop3A_316 = arith.index_cast %add3A_184 : i32 to index
          %parallel_loop3A_317 = arith.index_cast %parallel_loop3A_315 : i32 to index
          %parallel_loop3A_318 = tpu.vector_load %arg11[%parallel_loop3A_316, %parallel_loop3A_317] {strides = array<i32>} : memref<128x128xi32, #tpu.memory_space<vmem>>, vector<16xi32>,
          %parallel_loop3A_319 = vector.bitcast %parallel_loop3A_318 : vector<16xi32> to vector<32xbf16>
          %parallel_loop3A_320 = tpu.unpack_subelements %parallel_loop3A_319, 0 {pack_format = #tpu.pack_format<interleaved>} : vector<32xbf16> -> vector<16xf32>
          %parallel_loop3A_321 = tpu.unpack_subelements %parallel_loop3A_319, 1 {pack_format = #tpu.pack_format<interleaved>} : vector<32xbf16> -> vector<16xf32>
          %parallel_loop3A_322 = arith.constant 2 : i32
          %parallel_loop3A_323 = arith.muli %parallel_loop3A_322, %parallel_loop3A_313 : i32
          %parallel_loop3A_324 = arith.constant 16 : i32
          %parallel_loop3A_325 = arith.muli %parallel_loop3A_323, %parallel_loop3A_324 : i32
          %parallel_loop3A_326 = vector.broadcast %squeeze3A_178 : f32 to vector<16xf32>
          %parallel_loop3A_327 = arith.mulf %parallel_loop3A_320, %parallel_loop3A_326 : vector<16xf32>
          %parallel_loop3A_328 = arith.index_cast %squeeze3A_180 : i32 to index
          %parallel_loop3A_329 = arith.index_cast %parallel_loop3A_325 : i32 to index
          %parallel_loop3A_330 = tpu.vector_load %arg12[%parallel_loop3A_328, %parallel_loop3A_329] {strides = array<i32>} : memref<320x256xf32, #tpu.memory_space<vmem>>, vector<16xf32>,
          tpu.vector_store %arg12[%parallel_loop3A_328, %parallel_loop3A_329], %parallel_loop3A_327 {add = true, strides = array<i32>} : memref<320x256xf32, #tpu.memory_space<vmem>>, vector<16xf32>,
          %parallel_loop3A_331 = arith.constant 2 : i32
          %parallel_loop3A_332 = arith.muli %parallel_loop3A_331, %parallel_loop3A_313 : i32
          %parallel_loop3A_333 = arith.constant 1 : i32
          %parallel_loop3A_334 = arith.addi %parallel_loop3A_332, %parallel_loop3A_333 : i32
          %parallel_loop3A_335 = arith.constant 16 : i32
          %parallel_loop3A_336 = arith.muli %parallel_loop3A_334, %parallel_loop3A_335 : i32
          %parallel_loop3A_337 = vector.broadcast %squeeze3A_178 : f32 to vector<16xf32>
          %parallel_loop3A_338 = arith.mulf %parallel_loop3A_321, %parallel_loop3A_337 : vector<16xf32>
          %parallel_loop3A_339 = arith.index_cast %squeeze3A_180 : i32 to index
          %parallel_loop3A_340 = arith.index_cast %parallel_loop3A_336 : i32 to index
          %parallel_loop3A_341 = tpu.vector_load %arg12[%parallel_loop3A_339, %parallel_loop3A_340] {strides = array<i32>} : memref<320x256xf32, #tpu.memory_space<vmem>>, vector<16xf32>,
          tpu.vector_store %arg12[%parallel_loop3A_339, %parallel_loop3A_340], %parallel_loop3A_338 {add = true, strides = array<i32>} : memref<320x256xf32, #tpu.memory_space<vmem>>, vector<16xf32>,
        } {sc.loop_unroll_factor = 8 : i64, sc.parallel_access}
        %slice3A_188 = vector.extract_strided_slice %get3A_131 {offsets = [5], sizes = [1], strides = [1]} : vector<16xf32> to vector<1xf32>
        %squeeze3A_189 = vector.extract %slice3A_188[0] : f32 from vector<1xf32>
        %slice3A_190 = vector.extract_strided_slice %get3A_135 {offsets = [5], sizes = [1], strides = [1]} : vector<16xi32> to vector<1xi32>
        %squeeze3A_191 = vector.extract %slice3A_190[0] : i32 from vector<1xi32>
        %mul3A_192 = arith.constant 16 : i32
        %mul3A_193 = arith.muli %scan3A_128, %mul3A_192 : i32
        %add3A_194 = arith.constant 5 : i32
        %add3A_195 = arith.addi %mul3A_193, %add3A_194 : i32
        %parallel_loop3A_196 = arith.constant 0 : i32
        %parallel_loop3A_197 = arith.constant 8 : i32
        %parallel_loop3A_198 = arith.constant 1 : i32
        scf.for %parallel_loop3A_313 = %parallel_loop3A_196 to %parallel_loop3A_197 step %parallel_loop3A_198  : i32 {
          %parallel_loop3A_314 = arith.constant 16 : i32
          %parallel_loop3A_315 = arith.muli %parallel_loop3A_313, %parallel_loop3A_314 : i32
          %parallel_loop3A_316 = arith.index_cast %add3A_195 : i32 to index
          %parallel_loop3A_317 = arith.index_cast %parallel_loop3A_315 : i32 to index
          %parallel_loop3A_318 = tpu.vector_load %arg11[%parallel_loop3A_316, %parallel_loop3A_317] {strides = array<i32>} : memref<128x128xi32, #tpu.memory_space<vmem>>, vector<16xi32>,
          %parallel_loop3A_319 = vector.bitcast %parallel_loop3A_318 : vector<16xi32> to vector<32xbf16>
          %parallel_loop3A_320 = tpu.unpack_subelements %parallel_loop3A_319, 0 {pack_format = #tpu.pack_format<interleaved>} : vector<32xbf16> -> vector<16xf32>
          %parallel_loop3A_321 = tpu.unpack_subelements %parallel_loop3A_319, 1 {pack_format = #tpu.pack_format<interleaved>} : vector<32xbf16> -> vector<16xf32>
          %parallel_loop3A_322 = arith.constant 2 : i32
          %parallel_loop3A_323 = arith.muli %parallel_loop3A_322, %parallel_loop3A_313 : i32
          %parallel_loop3A_324 = arith.constant 16 : i32
          %parallel_loop3A_325 = arith.muli %parallel_loop3A_323, %parallel_loop3A_324 : i32
          %parallel_loop3A_326 = vector.broadcast %squeeze3A_189 : f32 to vector<16xf32>
          %parallel_loop3A_327 = arith.mulf %parallel_loop3A_320, %parallel_loop3A_326 : vector<16xf32>
          %parallel_loop3A_328 = arith.index_cast %squeeze3A_191 : i32 to index
          %parallel_loop3A_329 = arith.index_cast %parallel_loop3A_325 : i32 to index
          %parallel_loop3A_330 = tpu.vector_load %arg12[%parallel_loop3A_328, %parallel_loop3A_329] {strides = array<i32>} : memref<320x256xf32, #tpu.memory_space<vmem>>, vector<16xf32>,
          tpu.vector_store %arg12[%parallel_loop3A_328, %parallel_loop3A_329], %parallel_loop3A_327 {add = true, strides = array<i32>} : memref<320x256xf32, #tpu.memory_space<vmem>>, vector<16xf32>,
          %parallel_loop3A_331 = arith.constant 2 : i32
          %parallel_loop3A_332 = arith.muli %parallel_loop3A_331, %parallel_loop3A_313 : i32
          %parallel_loop3A_333 = arith.constant 1 : i32
          %parallel_loop3A_334 = arith.addi %parallel_loop3A_332, %parallel_loop3A_333 : i32
          %parallel_loop3A_335 = arith.constant 16 : i32
          %parallel_loop3A_336 = arith.muli %parallel_loop3A_334, %parallel_loop3A_335 : i32
          %parallel_loop3A_337 = vector.broadcast %squeeze3A_189 : f32 to vector<16xf32>
          %parallel_loop3A_338 = arith.mulf %parallel_loop3A_321, %parallel_loop3A_337 : vector<16xf32>
          %parallel_loop3A_339 = arith.index_cast %squeeze3A_191 : i32 to index
          %parallel_loop3A_340 = arith.index_cast %parallel_loop3A_336 : i32 to index
          %parallel_loop3A_341 = tpu.vector_load %arg12[%parallel_loop3A_339, %parallel_loop3A_340] {strides = array<i32>} : memref<320x256xf32, #tpu.memory_space<vmem>>, vector<16xf32>,
          tpu.vector_store %arg12[%parallel_loop3A_339, %parallel_loop3A_340], %parallel_loop3A_338 {add = true, strides = array<i32>} : memref<320x256xf32, #tpu.memory_space<vmem>>, vector<16xf32>,
        } {sc.loop_unroll_factor = 8 : i64, sc.parallel_access}
        %slice3A_199 = vector.extract_strided_slice %get3A_131 {offsets = [6], sizes = [1], strides = [1]} : vector<16xf32> to vector<1xf32>
        %squeeze3A_200 = vector.extract %slice3A_199[0] : f32 from vector<1xf32>
        %slice3A_201 = vector.extract_strided_slice %get3A_135 {offsets = [6], sizes = [1], strides = [1]} : vector<16xi32> to vector<1xi32>
        %squeeze3A_202 = vector.extract %slice3A_201[0] : i32 from vector<1xi32>
        %mul3A_203 = arith.constant 16 : i32
        %mul3A_204 = arith.muli %scan3A_128, %mul3A_203 : i32
        %add3A_205 = arith.constant 6 : i32
        %add3A_206 = arith.addi %mul3A_204, %add3A_205 : i32
        %parallel_loop3A_207 = arith.constant 0 : i32
        %parallel_loop3A_208 = arith.constant 8 : i32
        %parallel_loop3A_209 = arith.constant 1 : i32
        scf.for %parallel_loop3A_313 = %parallel_loop3A_207 to %parallel_loop3A_208 step %parallel_loop3A_209  : i32 {
          %parallel_loop3A_314 = arith.constant 16 : i32
          %parallel_loop3A_315 = arith.muli %parallel_loop3A_313, %parallel_loop3A_314 : i32
          %parallel_loop3A_316 = arith.index_cast %add3A_206 : i32 to index
          %parallel_loop3A_317 = arith.index_cast %parallel_loop3A_315 : i32 to index
          %parallel_loop3A_318 = tpu.vector_load %arg11[%parallel_loop3A_316, %parallel_loop3A_317] {strides = array<i32>} : memref<128x128xi32, #tpu.memory_space<vmem>>, vector<16xi32>,
          %parallel_loop3A_319 = vector.bitcast %parallel_loop3A_318 : vector<16xi32> to vector<32xbf16>
          %parallel_loop3A_320 = tpu.unpack_subelements %parallel_loop3A_319, 0 {pack_format = #tpu.pack_format<interleaved>} : vector<32xbf16> -> vector<16xf32>
          %parallel_loop3A_321 = tpu.unpack_subelements %parallel_loop3A_319, 1 {pack_format = #tpu.pack_format<interleaved>} : vector<32xbf16> -> vector<16xf32>
          %parallel_loop3A_322 = arith.constant 2 : i32
          %parallel_loop3A_323 = arith.muli %parallel_loop3A_322, %parallel_loop3A_313 : i32
          %parallel_loop3A_324 = arith.constant 16 : i32
          %parallel_loop3A_325 = arith.muli %parallel_loop3A_323, %parallel_loop3A_324 : i32
          %parallel_loop3A_326 = vector.broadcast %squeeze3A_200 : f32 to vector<16xf32>
          %parallel_loop3A_327 = arith.mulf %parallel_loop3A_320, %parallel_loop3A_326 : vector<16xf32>
          %parallel_loop3A_328 = arith.index_cast %squeeze3A_202 : i32 to index
          %parallel_loop3A_329 = arith.index_cast %parallel_loop3A_325 : i32 to index
          %parallel_loop3A_330 = tpu.vector_load %arg12[%parallel_loop3A_328, %parallel_loop3A_329] {strides = array<i32>} : memref<320x256xf32, #tpu.memory_space<vmem>>, vector<16xf32>,
          tpu.vector_store %arg12[%parallel_loop3A_328, %parallel_loop3A_329], %parallel_loop3A_327 {add = true, strides = array<i32>} : memref<320x256xf32, #tpu.memory_space<vmem>>, vector<16xf32>,
          %parallel_loop3A_331 = arith.constant 2 : i32
          %parallel_loop3A_332 = arith.muli %parallel_loop3A_331, %parallel_loop3A_313 : i32
          %parallel_loop3A_333 = arith.constant 1 : i32
          %parallel_loop3A_334 = arith.addi %parallel_loop3A_332, %parallel_loop3A_333 : i32
          %parallel_loop3A_335 = arith.constant 16 : i32
          %parallel_loop3A_336 = arith.muli %parallel_loop3A_334, %parallel_loop3A_335 : i32
          %parallel_loop3A_337 = vector.broadcast %squeeze3A_200 : f32 to vector<16xf32>
          %parallel_loop3A_338 = arith.mulf %parallel_loop3A_321, %parallel_loop3A_337 : vector<16xf32>
          %parallel_loop3A_339 = arith.index_cast %squeeze3A_202 : i32 to index
          %parallel_loop3A_340 = arith.index_cast %parallel_loop3A_336 : i32 to index
          %parallel_loop3A_341 = tpu.vector_load %arg12[%parallel_loop3A_339, %parallel_loop3A_340] {strides = array<i32>} : memref<320x256xf32, #tpu.memory_space<vmem>>, vector<16xf32>,
          tpu.vector_store %arg12[%parallel_loop3A_339, %parallel_loop3A_340], %parallel_loop3A_338 {add = true, strides = array<i32>} : memref<320x256xf32, #tpu.memory_space<vmem>>, vector<16xf32>,
        } {sc.loop_unroll_factor = 8 : i64, sc.parallel_access}
        %slice3A_210 = vector.extract_strided_slice %get3A_131 {offsets = [7], sizes = [1], strides = [1]} : vector<16xf32> to vector<1xf32>
        %squeeze3A_211 = vector.extract %slice3A_210[0] : f32 from vector<1xf32>
        %slice3A_212 = vector.extract_strided_slice %get3A_135 {offsets = [7], sizes = [1], strides = [1]} : vector<16xi32> to vector<1xi32>
        %squeeze3A_213 = vector.extract %slice3A_212[0] : i32 from vector<1xi32>
        %mul3A_214 = arith.constant 16 : i32
        %mul3A_215 = arith.muli %scan3A_128, %mul3A_214 : i32
        %add3A_216 = arith.constant 7 : i32
        %add3A_217 = arith.addi %mul3A_215, %add3A_216 : i32
        %parallel_loop3A_218 = arith.constant 0 : i32
        %parallel_loop3A_219 = arith.constant 8 : i32
        %parallel_loop3A_220 = arith.constant 1 : i32
        scf.for %parallel_loop3A_313 = %parallel_loop3A_218 to %parallel_loop3A_219 step %parallel_loop3A_220  : i32 {
          %parallel_loop3A_314 = arith.constant 16 : i32
          %parallel_loop3A_315 = arith.muli %parallel_loop3A_313, %parallel_loop3A_314 : i32
          %parallel_loop3A_316 = arith.index_cast %add3A_217 : i32 to index
          %parallel_loop3A_317 = arith.index_cast %parallel_loop3A_315 : i32 to index
          %parallel_loop3A_318 = tpu.vector_load %arg11[%parallel_loop3A_316, %parallel_loop3A_317] {strides = array<i32>} : memref<128x128xi32, #tpu.memory_space<vmem>>, vector<16xi32>,
          %parallel_loop3A_319 = vector.bitcast %parallel_loop3A_318 : vector<16xi32> to vector<32xbf16>
          %parallel_loop3A_320 = tpu.unpack_subelements %parallel_loop3A_319, 0 {pack_format = #tpu.pack_format<interleaved>} : vector<32xbf16> -> vector<16xf32>
          %parallel_loop3A_321 = tpu.unpack_subelements %parallel_loop3A_319, 1 {pack_format = #tpu.pack_format<interleaved>} : vector<32xbf16> -> vector<16xf32>
          %parallel_loop3A_322 = arith.constant 2 : i32
          %parallel_loop3A_323 = arith.muli %parallel_loop3A_322, %parallel_loop3A_313 : i32
          %parallel_loop3A_324 = arith.constant 16 : i32
          %parallel_loop3A_325 = arith.muli %parallel_loop3A_323, %parallel_loop3A_324 : i32
          %parallel_loop3A_326 = vector.broadcast %squeeze3A_211 : f32 to vector<16xf32>
          %parallel_loop3A_327 = arith.mulf %parallel_loop3A_320, %parallel_loop3A_326 : vector<16xf32>
          %parallel_loop3A_328 = arith.index_cast %squeeze3A_213 : i32 to index
          %parallel_loop3A_329 = arith.index_cast %parallel_loop3A_325 : i32 to index
          %parallel_loop3A_330 = tpu.vector_load %arg12[%parallel_loop3A_328, %parallel_loop3A_329] {strides = array<i32>} : memref<320x256xf32, #tpu.memory_space<vmem>>, vector<16xf32>,
          tpu.vector_store %arg12[%parallel_loop3A_328, %parallel_loop3A_329], %parallel_loop3A_327 {add = true, strides = array<i32>} : memref<320x256xf32, #tpu.memory_space<vmem>>, vector<16xf32>,
          %parallel_loop3A_331 = arith.constant 2 : i32
          %parallel_loop3A_332 = arith.muli %parallel_loop3A_331, %parallel_loop3A_313 : i32
          %parallel_loop3A_333 = arith.constant 1 : i32
          %parallel_loop3A_334 = arith.addi %parallel_loop3A_332, %parallel_loop3A_333 : i32
          %parallel_loop3A_335 = arith.constant 16 : i32
          %parallel_loop3A_336 = arith.muli %parallel_loop3A_334, %parallel_loop3A_335 : i32
          %parallel_loop3A_337 = vector.broadcast %squeeze3A_211 : f32 to vector<16xf32>
          %parallel_loop3A_338 = arith.mulf %parallel_loop3A_321, %parallel_loop3A_337 : vector<16xf32>
          %parallel_loop3A_339 = arith.index_cast %squeeze3A_213 : i32 to index
          %parallel_loop3A_340 = arith.index_cast %parallel_loop3A_336 : i32 to index
          %parallel_loop3A_341 = tpu.vector_load %arg12[%parallel_loop3A_339, %parallel_loop3A_340] {strides = array<i32>} : memref<320x256xf32, #tpu.memory_space<vmem>>, vector<16xf32>,
          tpu.vector_store %arg12[%parallel_loop3A_339, %parallel_loop3A_340], %parallel_loop3A_338 {add = true, strides = array<i32>} : memref<320x256xf32, #tpu.memory_space<vmem>>, vector<16xf32>,
        } {sc.loop_unroll_factor = 8 : i64, sc.parallel_access}
        %slice3A_221 = vector.extract_strided_slice %get3A_131 {offsets = [8], sizes = [1], strides = [1]} : vector<16xf32> to vector<1xf32>
        %squeeze3A_222 = vector.extract %slice3A_221[0] : f32 from vector<1xf32>
        %slice3A_223 = vector.extract_strided_slice %get3A_135 {offsets = [8], sizes = [1], strides = [1]} : vector<16xi32> to vector<1xi32>
        %squeeze3A_224 = vector.extract %slice3A_223[0] : i32 from vector<1xi32>
        %mul3A_225 = arith.constant 16 : i32
        %mul3A_226 = arith.muli %scan3A_128, %mul3A_225 : i32
        %add3A_227 = arith.constant 8 : i32
        %add3A_228 = arith.addi %mul3A_226, %add3A_227 : i32
        %parallel_loop3A_229 = arith.constant 0 : i32
        %parallel_loop3A_230 = arith.constant 8 : i32
        %parallel_loop3A_231 = arith.constant 1 : i32
        scf.for %parallel_loop3A_313 = %parallel_loop3A_229 to %parallel_loop3A_230 step %parallel_loop3A_231  : i32 {
          %parallel_loop3A_314 = arith.constant 16 : i32
          %parallel_loop3A_315 = arith.muli %parallel_loop3A_313, %parallel_loop3A_314 : i32
          %parallel_loop3A_316 = arith.index_cast %add3A_228 : i32 to index
          %parallel_loop3A_317 = arith.index_cast %parallel_loop3A_315 : i32 to index
          %parallel_loop3A_318 = tpu.vector_load %arg11[%parallel_loop3A_316, %parallel_loop3A_317] {strides = array<i32>} : memref<128x128xi32, #tpu.memory_space<vmem>>, vector<16xi32>,
          %parallel_loop3A_319 = vector.bitcast %parallel_loop3A_318 : vector<16xi32> to vector<32xbf16>
          %parallel_loop3A_320 = tpu.unpack_subelements %parallel_loop3A_319, 0 {pack_format = #tpu.pack_format<interleaved>} : vector<32xbf16> -> vector<16xf32>
          %parallel_loop3A_321 = tpu.unpack_subelements %parallel_loop3A_319, 1 {pack_format = #tpu.pack_format<interleaved>} : vector<32xbf16> -> vector<16xf32>
          %parallel_loop3A_322 = arith.constant 2 : i32
          %parallel_loop3A_323 = arith.muli %parallel_loop3A_322, %parallel_loop3A_313 : i32
          %parallel_loop3A_324 = arith.constant 16 : i32
          %parallel_loop3A_325 = arith.muli %parallel_loop3A_323, %parallel_loop3A_324 : i32
          %parallel_loop3A_326 = vector.broadcast %squeeze3A_222 : f32 to vector<16xf32>
          %parallel_loop3A_327 = arith.mulf %parallel_loop3A_320, %parallel_loop3A_326 : vector<16xf32>
          %parallel_loop3A_328 = arith.index_cast %squeeze3A_224 : i32 to index
          %parallel_loop3A_329 = arith.index_cast %parallel_loop3A_325 : i32 to index
          %parallel_loop3A_330 = tpu.vector_load %arg12[%parallel_loop3A_328, %parallel_loop3A_329] {strides = array<i32>} : memref<320x256xf32, #tpu.memory_space<vmem>>, vector<16xf32>,
          tpu.vector_store %arg12[%parallel_loop3A_328, %parallel_loop3A_329], %parallel_loop3A_327 {add = true, strides = array<i32>} : memref<320x256xf32, #tpu.memory_space<vmem>>, vector<16xf32>,
          %parallel_loop3A_331 = arith.constant 2 : i32
          %parallel_loop3A_332 = arith.muli %parallel_loop3A_331, %parallel_loop3A_313 : i32
          %parallel_loop3A_333 = arith.constant 1 : i32
          %parallel_loop3A_334 = arith.addi %parallel_loop3A_332, %parallel_loop3A_333 : i32
          %parallel_loop3A_335 = arith.constant 16 : i32
          %parallel_loop3A_336 = arith.muli %parallel_loop3A_334, %parallel_loop3A_335 : i32
          %parallel_loop3A_337 = vector.broadcast %squeeze3A_222 : f32 to vector<16xf32>
          %parallel_loop3A_338 = arith.mulf %parallel_loop3A_321, %parallel_loop3A_337 : vector<16xf32>
          %parallel_loop3A_339 = arith.index_cast %squeeze3A_224 : i32 to index
          %parallel_loop3A_340 = arith.index_cast %parallel_loop3A_336 : i32 to index
          %parallel_loop3A_341 = tpu.vector_load %arg12[%parallel_loop3A_339, %parallel_loop3A_340] {strides = array<i32>} : memref<320x256xf32, #tpu.memory_space<vmem>>, vector<16xf32>,
          tpu.vector_store %arg12[%parallel_loop3A_339, %parallel_loop3A_340], %parallel_loop3A_338 {add = true, strides = array<i32>} : memref<320x256xf32, #tpu.memory_space<vmem>>, vector<16xf32>,
        } {sc.loop_unroll_factor = 8 : i64, sc.parallel_access}
        %slice3A_232 = vector.extract_strided_slice %get3A_131 {offsets = [9], sizes = [1], strides = [1]} : vector<16xf32> to vector<1xf32>
        %squeeze3A_233 = vector.extract %slice3A_232[0] : f32 from vector<1xf32>
        %slice3A_234 = vector.extract_strided_slice %get3A_135 {offsets = [9], sizes = [1], strides = [1]} : vector<16xi32> to vector<1xi32>
        %squeeze3A_235 = vector.extract %slice3A_234[0] : i32 from vector<1xi32>
        %mul3A_236 = arith.constant 16 : i32
        %mul3A_237 = arith.muli %scan3A_128, %mul3A_236 : i32
        %add3A_238 = arith.constant 9 : i32
        %add3A_239 = arith.addi %mul3A_237, %add3A_238 : i32
        %parallel_loop3A_240 = arith.constant 0 : i32
        %parallel_loop3A_241 = arith.constant 8 : i32
        %parallel_loop3A_242 = arith.constant 1 : i32
        scf.for %parallel_loop3A_313 = %parallel_loop3A_240 to %parallel_loop3A_241 step %parallel_loop3A_242  : i32 {
          %parallel_loop3A_314 = arith.constant 16 : i32
          %parallel_loop3A_315 = arith.muli %parallel_loop3A_313, %parallel_loop3A_314 : i32
          %parallel_loop3A_316 = arith.index_cast %add3A_239 : i32 to index
          %parallel_loop3A_317 = arith.index_cast %parallel_loop3A_315 : i32 to index
          %parallel_loop3A_318 = tpu.vector_load %arg11[%parallel_loop3A_316, %parallel_loop3A_317] {strides = array<i32>} : memref<128x128xi32, #tpu.memory_space<vmem>>, vector<16xi32>,
          %parallel_loop3A_319 = vector.bitcast %parallel_loop3A_318 : vector<16xi32> to vector<32xbf16>
          %parallel_loop3A_320 = tpu.unpack_subelements %parallel_loop3A_319, 0 {pack_format = #tpu.pack_format<interleaved>} : vector<32xbf16> -> vector<16xf32>
          %parallel_loop3A_321 = tpu.unpack_subelements %parallel_loop3A_319, 1 {pack_format = #tpu.pack_format<interleaved>} : vector<32xbf16> -> vector<16xf32>
          %parallel_loop3A_322 = arith.constant 2 : i32
          %parallel_loop3A_323 = arith.muli %parallel_loop3A_322, %parallel_loop3A_313 : i32
          %parallel_loop3A_324 = arith.constant 16 : i32
          %parallel_loop3A_325 = arith.muli %parallel_loop3A_323, %parallel_loop3A_324 : i32
          %parallel_loop3A_326 = vector.broadcast %squeeze3A_233 : f32 to vector<16xf32>
          %parallel_loop3A_327 = arith.mulf %parallel_loop3A_320, %parallel_loop3A_326 : vector<16xf32>
          %parallel_loop3A_328 = arith.index_cast %squeeze3A_235 : i32 to index
          %parallel_loop3A_329 = arith.index_cast %parallel_loop3A_325 : i32 to index
          %parallel_loop3A_330 = tpu.vector_load %arg12[%parallel_loop3A_328, %parallel_loop3A_329] {strides = array<i32>} : memref<320x256xf32, #tpu.memory_space<vmem>>, vector<16xf32>,
          tpu.vector_store %arg12[%parallel_loop3A_328, %parallel_loop3A_329], %parallel_loop3A_327 {add = true, strides = array<i32>} : memref<320x256xf32, #tpu.memory_space<vmem>>, vector<16xf32>,
          %parallel_loop3A_331 = arith.constant 2 : i32
          %parallel_loop3A_332 = arith.muli %parallel_loop3A_331, %parallel_loop3A_313 : i32
          %parallel_loop3A_333 = arith.constant 1 : i32
          %parallel_loop3A_334 = arith.addi %parallel_loop3A_332, %parallel_loop3A_333 : i32
          %parallel_loop3A_335 = arith.constant 16 : i32
          %parallel_loop3A_336 = arith.muli %parallel_loop3A_334, %parallel_loop3A_335 : i32
          %parallel_loop3A_337 = vector.broadcast %squeeze3A_233 : f32 to vector<16xf32>
          %parallel_loop3A_338 = arith.mulf %parallel_loop3A_321, %parallel_loop3A_337 : vector<16xf32>
          %parallel_loop3A_339 = arith.index_cast %squeeze3A_235 : i32 to index
          %parallel_loop3A_340 = arith.index_cast %parallel_loop3A_336 : i32 to index
          %parallel_loop3A_341 = tpu.vector_load %arg12[%parallel_loop3A_339, %parallel_loop3A_340] {strides = array<i32>} : memref<320x256xf32, #tpu.memory_space<vmem>>, vector<16xf32>,
          tpu.vector_store %arg12[%parallel_loop3A_339, %parallel_loop3A_340], %parallel_loop3A_338 {add = true, strides = array<i32>} : memref<320x256xf32, #tpu.memory_space<vmem>>, vector<16xf32>,
        } {sc.loop_unroll_factor = 8 : i64, sc.parallel_access}
        %slice3A_243 = vector.extract_strided_slice %get3A_131 {offsets = [10], sizes = [1], strides = [1]} : vector<16xf32> to vector<1xf32>
        %squeeze3A_244 = vector.extract %slice3A_243[0] : f32 from vector<1xf32>
        %slice3A_245 = vector.extract_strided_slice %get3A_135 {offsets = [10], sizes = [1], strides = [1]} : vector<16xi32> to vector<1xi32>
        %squeeze3A_246 = vector.extract %slice3A_245[0] : i32 from vector<1xi32>
        %mul3A_247 = arith.constant 16 : i32
        %mul3A_248 = arith.muli %scan3A_128, %mul3A_247 : i32
        %add3A_249 = arith.constant 10 : i32
        %add3A_250 = arith.addi %mul3A_248, %add3A_249 : i32
        %parallel_loop3A_251 = arith.constant 0 : i32
        %parallel_loop3A_252 = arith.constant 8 : i32
        %parallel_loop3A_253 = arith.constant 1 : i32
        scf.for %parallel_loop3A_313 = %parallel_loop3A_251 to %parallel_loop3A_252 step %parallel_loop3A_253  : i32 {
          %parallel_loop3A_314 = arith.constant 16 : i32
          %parallel_loop3A_315 = arith.muli %parallel_loop3A_313, %parallel_loop3A_314 : i32
          %parallel_loop3A_316 = arith.index_cast %add3A_250 : i32 to index
          %parallel_loop3A_317 = arith.index_cast %parallel_loop3A_315 : i32 to index
          %parallel_loop3A_318 = tpu.vector_load %arg11[%parallel_loop3A_316, %parallel_loop3A_317] {strides = array<i32>} : memref<128x128xi32, #tpu.memory_space<vmem>>, vector<16xi32>,
          %parallel_loop3A_319 = vector.bitcast %parallel_loop3A_318 : vector<16xi32> to vector<32xbf16>
          %parallel_loop3A_320 = tpu.unpack_subelements %parallel_loop3A_319, 0 {pack_format = #tpu.pack_format<interleaved>} : vector<32xbf16> -> vector<16xf32>
          %parallel_loop3A_321 = tpu.unpack_subelements %parallel_loop3A_319, 1 {pack_format = #tpu.pack_format<interleaved>} : vector<32xbf16> -> vector<16xf32>
          %parallel_loop3A_322 = arith.constant 2 : i32
          %parallel_loop3A_323 = arith.muli %parallel_loop3A_322, %parallel_loop3A_313 : i32
          %parallel_loop3A_324 = arith.constant 16 : i32
          %parallel_loop3A_325 = arith.muli %parallel_loop3A_323, %parallel_loop3A_324 : i32
          %parallel_loop3A_326 = vector.broadcast %squeeze3A_244 : f32 to vector<16xf32>
          %parallel_loop3A_327 = arith.mulf %parallel_loop3A_320, %parallel_loop3A_326 : vector<16xf32>
          %parallel_loop3A_328 = arith.index_cast %squeeze3A_246 : i32 to index
          %parallel_loop3A_329 = arith.index_cast %parallel_loop3A_325 : i32 to index
          %parallel_loop3A_330 = tpu.vector_load %arg12[%parallel_loop3A_328, %parallel_loop3A_329] {strides = array<i32>} : memref<320x256xf32, #tpu.memory_space<vmem>>, vector<16xf32>,
          tpu.vector_store %arg12[%parallel_loop3A_328, %parallel_loop3A_329], %parallel_loop3A_327 {add = true, strides = array<i32>} : memref<320x256xf32, #tpu.memory_space<vmem>>, vector<16xf32>,
          %parallel_loop3A_331 = arith.constant 2 : i32
          %parallel_loop3A_332 = arith.muli %parallel_loop3A_331, %parallel_loop3A_313 : i32
          %parallel_loop3A_333 = arith.constant 1 : i32
          %parallel_loop3A_334 = arith.addi %parallel_loop3A_332, %parallel_loop3A_333 : i32
          %parallel_loop3A_335 = arith.constant 16 : i32
          %parallel_loop3A_336 = arith.muli %parallel_loop3A_334, %parallel_loop3A_335 : i32
          %parallel_loop3A_337 = vector.broadcast %squeeze3A_244 : f32 to vector<16xf32>
          %parallel_loop3A_338 = arith.mulf %parallel_loop3A_321, %parallel_loop3A_337 : vector<16xf32>
          %parallel_loop3A_339 = arith.index_cast %squeeze3A_246 : i32 to index
          %parallel_loop3A_340 = arith.index_cast %parallel_loop3A_336 : i32 to index
          %parallel_loop3A_341 = tpu.vector_load %arg12[%parallel_loop3A_339, %parallel_loop3A_340] {strides = array<i32>} : memref<320x256xf32, #tpu.memory_space<vmem>>, vector<16xf32>,
          tpu.vector_store %arg12[%parallel_loop3A_339, %parallel_loop3A_340], %parallel_loop3A_338 {add = true, strides = array<i32>} : memref<320x256xf32, #tpu.memory_space<vmem>>, vector<16xf32>,
        } {sc.loop_unroll_factor = 8 : i64, sc.parallel_access}
        %slice3A_254 = vector.extract_strided_slice %get3A_131 {offsets = [11], sizes = [1], strides = [1]} : vector<16xf32> to vector<1xf32>
        %squeeze3A_255 = vector.extract %slice3A_254[0] : f32 from vector<1xf32>
        %slice3A_256 = vector.extract_strided_slice %get3A_135 {offsets = [11], sizes = [1], strides = [1]} : vector<16xi32> to vector<1xi32>
        %squeeze3A_257 = vector.extract %slice3A_256[0] : i32 from vector<1xi32>
        %mul3A_258 = arith.constant 16 : i32
        %mul3A_259 = arith.muli %scan3A_128, %mul3A_258 : i32
        %add3A_260 = arith.constant 11 : i32
        %add3A_261 = arith.addi %mul3A_259, %add3A_260 : i32
        %parallel_loop3A_262 = arith.constant 0 : i32
        %parallel_loop3A_263 = arith.constant 8 : i32
        %parallel_loop3A_264 = arith.constant 1 : i32
        scf.for %parallel_loop3A_313 = %parallel_loop3A_262 to %parallel_loop3A_263 step %parallel_loop3A_264  : i32 {
          %parallel_loop3A_314 = arith.constant 16 : i32
          %parallel_loop3A_315 = arith.muli %parallel_loop3A_313, %parallel_loop3A_314 : i32
          %parallel_loop3A_316 = arith.index_cast %add3A_261 : i32 to index
          %parallel_loop3A_317 = arith.index_cast %parallel_loop3A_315 : i32 to index
          %parallel_loop3A_318 = tpu.vector_load %arg11[%parallel_loop3A_316, %parallel_loop3A_317] {strides = array<i32>} : memref<128x128xi32, #tpu.memory_space<vmem>>, vector<16xi32>,
          %parallel_loop3A_319 = vector.bitcast %parallel_loop3A_318 : vector<16xi32> to vector<32xbf16>
          %parallel_loop3A_320 = tpu.unpack_subelements %parallel_loop3A_319, 0 {pack_format = #tpu.pack_format<interleaved>} : vector<32xbf16> -> vector<16xf32>
          %parallel_loop3A_321 = tpu.unpack_subelements %parallel_loop3A_319, 1 {pack_format = #tpu.pack_format<interleaved>} : vector<32xbf16> -> vector<16xf32>
          %parallel_loop3A_322 = arith.constant 2 : i32
          %parallel_loop3A_323 = arith.muli %parallel_loop3A_322, %parallel_loop3A_313 : i32
          %parallel_loop3A_324 = arith.constant 16 : i32
          %parallel_loop3A_325 = arith.muli %parallel_loop3A_323, %parallel_loop3A_324 : i32
          %parallel_loop3A_326 = vector.broadcast %squeeze3A_255 : f32 to vector<16xf32>
          %parallel_loop3A_327 = arith.mulf %parallel_loop3A_320, %parallel_loop3A_326 : vector<16xf32>
          %parallel_loop3A_328 = arith.index_cast %squeeze3A_257 : i32 to index
          %parallel_loop3A_329 = arith.index_cast %parallel_loop3A_325 : i32 to index
          %parallel_loop3A_330 = tpu.vector_load %arg12[%parallel_loop3A_328, %parallel_loop3A_329] {strides = array<i32>} : memref<320x256xf32, #tpu.memory_space<vmem>>, vector<16xf32>,
          tpu.vector_store %arg12[%parallel_loop3A_328, %parallel_loop3A_329], %parallel_loop3A_327 {add = true, strides = array<i32>} : memref<320x256xf32, #tpu.memory_space<vmem>>, vector<16xf32>,
          %parallel_loop3A_331 = arith.constant 2 : i32
          %parallel_loop3A_332 = arith.muli %parallel_loop3A_331, %parallel_loop3A_313 : i32
          %parallel_loop3A_333 = arith.constant 1 : i32
          %parallel_loop3A_334 = arith.addi %parallel_loop3A_332, %parallel_loop3A_333 : i32
          %parallel_loop3A_335 = arith.constant 16 : i32
          %parallel_loop3A_336 = arith.muli %parallel_loop3A_334, %parallel_loop3A_335 : i32
          %parallel_loop3A_337 = vector.broadcast %squeeze3A_255 : f32 to vector<16xf32>
          %parallel_loop3A_338 = arith.mulf %parallel_loop3A_321, %parallel_loop3A_337 : vector<16xf32>
          %parallel_loop3A_339 = arith.index_cast %squeeze3A_257 : i32 to index
          %parallel_loop3A_340 = arith.index_cast %parallel_loop3A_336 : i32 to index
          %parallel_loop3A_341 = tpu.vector_load %arg12[%parallel_loop3A_339, %parallel_loop3A_340] {strides = array<i32>} : memref<320x256xf32, #tpu.memory_space<vmem>>, vector<16xf32>,
          tpu.vector_store %arg12[%parallel_loop3A_339, %parallel_loop3A_340], %parallel_loop3A_338 {add = true, strides = array<i32>} : memref<320x256xf32, #tpu.memory_space<vmem>>, vector<16xf32>,
        } {sc.loop_unroll_factor = 8 : i64, sc.parallel_access}
        %slice3A_265 = vector.extract_strided_slice %get3A_131 {offsets = [12], sizes = [1], strides = [1]} : vector<16xf32> to vector<1xf32>
        %squeeze3A_266 = vector.extract %slice3A_265[0] : f32 from vector<1xf32>
        %slice3A_267 = vector.extract_strided_slice %get3A_135 {offsets = [12], sizes = [1], strides = [1]} : vector<16xi32> to vector<1xi32>
        %squeeze3A_268 = vector.extract %slice3A_267[0] : i32 from vector<1xi32>
        %mul3A_269 = arith.constant 16 : i32
        %mul3A_270 = arith.muli %scan3A_128, %mul3A_269 : i32
        %add3A_271 = arith.constant 12 : i32
        %add3A_272 = arith.addi %mul3A_270, %add3A_271 : i32
        %parallel_loop3A_273 = arith.constant 0 : i32
        %parallel_loop3A_274 = arith.constant 8 : i32
        %parallel_loop3A_275 = arith.constant 1 : i32
        scf.for %parallel_loop3A_313 = %parallel_loop3A_273 to %parallel_loop3A_274 step %parallel_loop3A_275  : i32 {
          %parallel_loop3A_314 = arith.constant 16 : i32
          %parallel_loop3A_315 = arith.muli %parallel_loop3A_313, %parallel_loop3A_314 : i32
          %parallel_loop3A_316 = arith.index_cast %add3A_272 : i32 to index
          %parallel_loop3A_317 = arith.index_cast %parallel_loop3A_315 : i32 to index
          %parallel_loop3A_318 = tpu.vector_load %arg11[%parallel_loop3A_316, %parallel_loop3A_317] {strides = array<i32>} : memref<128x128xi32, #tpu.memory_space<vmem>>, vector<16xi32>,
          %parallel_loop3A_319 = vector.bitcast %parallel_loop3A_318 : vector<16xi32> to vector<32xbf16>
          %parallel_loop3A_320 = tpu.unpack_subelements %parallel_loop3A_319, 0 {pack_format = #tpu.pack_format<interleaved>} : vector<32xbf16> -> vector<16xf32>
          %parallel_loop3A_321 = tpu.unpack_subelements %parallel_loop3A_319, 1 {pack_format = #tpu.pack_format<interleaved>} : vector<32xbf16> -> vector<16xf32>
          %parallel_loop3A_322 = arith.constant 2 : i32
          %parallel_loop3A_323 = arith.muli %parallel_loop3A_322, %parallel_loop3A_313 : i32
          %parallel_loop3A_324 = arith.constant 16 : i32
          %parallel_loop3A_325 = arith.muli %parallel_loop3A_323, %parallel_loop3A_324 : i32
          %parallel_loop3A_326 = vector.broadcast %squeeze3A_266 : f32 to vector<16xf32>
          %parallel_loop3A_327 = arith.mulf %parallel_loop3A_320, %parallel_loop3A_326 : vector<16xf32>
          %parallel_loop3A_328 = arith.index_cast %squeeze3A_268 : i32 to index
          %parallel_loop3A_329 = arith.index_cast %parallel_loop3A_325 : i32 to index
          %parallel_loop3A_330 = tpu.vector_load %arg12[%parallel_loop3A_328, %parallel_loop3A_329] {strides = array<i32>} : memref<320x256xf32, #tpu.memory_space<vmem>>, vector<16xf32>,
          tpu.vector_store %arg12[%parallel_loop3A_328, %parallel_loop3A_329], %parallel_loop3A_327 {add = true, strides = array<i32>} : memref<320x256xf32, #tpu.memory_space<vmem>>, vector<16xf32>,
          %parallel_loop3A_331 = arith.constant 2 : i32
          %parallel_loop3A_332 = arith.muli %parallel_loop3A_331, %parallel_loop3A_313 : i32
          %parallel_loop3A_333 = arith.constant 1 : i32
          %parallel_loop3A_334 = arith.addi %parallel_loop3A_332, %parallel_loop3A_333 : i32
          %parallel_loop3A_335 = arith.constant 16 : i32
          %parallel_loop3A_336 = arith.muli %parallel_loop3A_334, %parallel_loop3A_335 : i32
          %parallel_loop3A_337 = vector.broadcast %squeeze3A_266 : f32 to vector<16xf32>
          %parallel_loop3A_338 = arith.mulf %parallel_loop3A_321, %parallel_loop3A_337 : vector<16xf32>
          %parallel_loop3A_339 = arith.index_cast %squeeze3A_268 : i32 to index
          %parallel_loop3A_340 = arith.index_cast %parallel_loop3A_336 : i32 to index
          %parallel_loop3A_341 = tpu.vector_load %arg12[%parallel_loop3A_339, %parallel_loop3A_340] {strides = array<i32>} : memref<320x256xf32, #tpu.memory_space<vmem>>, vector<16xf32>,
          tpu.vector_store %arg12[%parallel_loop3A_339, %parallel_loop3A_340], %parallel_loop3A_338 {add = true, strides = array<i32>} : memref<320x256xf32, #tpu.memory_space<vmem>>, vector<16xf32>,
        } {sc.loop_unroll_factor = 8 : i64, sc.parallel_access}
        %slice3A_276 = vector.extract_strided_slice %get3A_131 {offsets = [13], sizes = [1], strides = [1]} : vector<16xf32> to vector<1xf32>
        %squeeze3A_277 = vector.extract %slice3A_276[0] : f32 from vector<1xf32>
        %slice3A_278 = vector.extract_strided_slice %get3A_135 {offsets = [13], sizes = [1], strides = [1]} : vector<16xi32> to vector<1xi32>
        %squeeze3A_279 = vector.extract %slice3A_278[0] : i32 from vector<1xi32>
        %mul3A_280 = arith.constant 16 : i32
        %mul3A_281 = arith.muli %scan3A_128, %mul3A_280 : i32
        %add3A_282 = arith.constant 13 : i32
        %add3A_283 = arith.addi %mul3A_281, %add3A_282 : i32
        %parallel_loop3A_284 = arith.constant 0 : i32
        %parallel_loop3A_285 = arith.constant 8 : i32
        %parallel_loop3A_286 = arith.constant 1 : i32
        scf.for %parallel_loop3A_313 = %parallel_loop3A_284 to %parallel_loop3A_285 step %parallel_loop3A_286  : i32 {
          %parallel_loop3A_314 = arith.constant 16 : i32
          %parallel_loop3A_315 = arith.muli %parallel_loop3A_313, %parallel_loop3A_314 : i32
          %parallel_loop3A_316 = arith.index_cast %add3A_283 : i32 to index
          %parallel_loop3A_317 = arith.index_cast %parallel_loop3A_315 : i32 to index
          %parallel_loop3A_318 = tpu.vector_load %arg11[%parallel_loop3A_316, %parallel_loop3A_317] {strides = array<i32>} : memref<128x128xi32, #tpu.memory_space<vmem>>, vector<16xi32>,
          %parallel_loop3A_319 = vector.bitcast %parallel_loop3A_318 : vector<16xi32> to vector<32xbf16>
          %parallel_loop3A_320 = tpu.unpack_subelements %parallel_loop3A_319, 0 {pack_format = #tpu.pack_format<interleaved>} : vector<32xbf16> -> vector<16xf32>
          %parallel_loop3A_321 = tpu.unpack_subelements %parallel_loop3A_319, 1 {pack_format = #tpu.pack_format<interleaved>} : vector<32xbf16> -> vector<16xf32>
          %parallel_loop3A_322 = arith.constant 2 : i32
          %parallel_loop3A_323 = arith.muli %parallel_loop3A_322, %parallel_loop3A_313 : i32
          %parallel_loop3A_324 = arith.constant 16 : i32
          %parallel_loop3A_325 = arith.muli %parallel_loop3A_323, %parallel_loop3A_324 : i32
          %parallel_loop3A_326 = vector.broadcast %squeeze3A_277 : f32 to vector<16xf32>
          %parallel_loop3A_327 = arith.mulf %parallel_loop3A_320, %parallel_loop3A_326 : vector<16xf32>
          %parallel_loop3A_328 = arith.index_cast %squeeze3A_279 : i32 to index
          %parallel_loop3A_329 = arith.index_cast %parallel_loop3A_325 : i32 to index
          %parallel_loop3A_330 = tpu.vector_load %arg12[%parallel_loop3A_328, %parallel_loop3A_329] {strides = array<i32>} : memref<320x256xf32, #tpu.memory_space<vmem>>, vector<16xf32>,
          tpu.vector_store %arg12[%parallel_loop3A_328, %parallel_loop3A_329], %parallel_loop3A_327 {add = true, strides = array<i32>} : memref<320x256xf32, #tpu.memory_space<vmem>>, vector<16xf32>,
          %parallel_loop3A_331 = arith.constant 2 : i32
          %parallel_loop3A_332 = arith.muli %parallel_loop3A_331, %parallel_loop3A_313 : i32
          %parallel_loop3A_333 = arith.constant 1 : i32
          %parallel_loop3A_334 = arith.addi %parallel_loop3A_332, %parallel_loop3A_333 : i32
          %parallel_loop3A_335 = arith.constant 16 : i32
          %parallel_loop3A_336 = arith.muli %parallel_loop3A_334, %parallel_loop3A_335 : i32
          %parallel_loop3A_337 = vector.broadcast %squeeze3A_277 : f32 to vector<16xf32>
          %parallel_loop3A_338 = arith.mulf %parallel_loop3A_321, %parallel_loop3A_337 : vector<16xf32>
          %parallel_loop3A_339 = arith.index_cast %squeeze3A_279 : i32 to index
          %parallel_loop3A_340 = arith.index_cast %parallel_loop3A_336 : i32 to index
          %parallel_loop3A_341 = tpu.vector_load %arg12[%parallel_loop3A_339, %parallel_loop3A_340] {strides = array<i32>} : memref<320x256xf32, #tpu.memory_space<vmem>>, vector<16xf32>,
          tpu.vector_store %arg12[%parallel_loop3A_339, %parallel_loop3A_340], %parallel_loop3A_338 {add = true, strides = array<i32>} : memref<320x256xf32, #tpu.memory_space<vmem>>, vector<16xf32>,
        } {sc.loop_unroll_factor = 8 : i64, sc.parallel_access}
        %slice3A_287 = vector.extract_strided_slice %get3A_131 {offsets = [14], sizes = [1], strides = [1]} : vector<16xf32> to vector<1xf32>
        %squeeze3A_288 = vector.extract %slice3A_287[0] : f32 from vector<1xf32>
        %slice3A_289 = vector.extract_strided_slice %get3A_135 {offsets = [14], sizes = [1], strides = [1]} : vector<16xi32> to vector<1xi32>
        %squeeze3A_290 = vector.extract %slice3A_289[0] : i32 from vector<1xi32>
        %mul3A_291 = arith.constant 16 : i32
        %mul3A_292 = arith.muli %scan3A_128, %mul3A_291 : i32
        %add3A_293 = arith.constant 14 : i32
        %add3A_294 = arith.addi %mul3A_292, %add3A_293 : i32
        %parallel_loop3A_295 = arith.constant 0 : i32
        %parallel_loop3A_296 = arith.constant 8 : i32
        %parallel_loop3A_297 = arith.constant 1 : i32
        scf.for %parallel_loop3A_313 = %parallel_loop3A_295 to %parallel_loop3A_296 step %parallel_loop3A_297  : i32 {
          %parallel_loop3A_314 = arith.constant 16 : i32
          %parallel_loop3A_315 = arith.muli %parallel_loop3A_313, %parallel_loop3A_314 : i32
          %parallel_loop3A_316 = arith.index_cast %add3A_294 : i32 to index
          %parallel_loop3A_317 = arith.index_cast %parallel_loop3A_315 : i32 to index
          %parallel_loop3A_318 = tpu.vector_load %arg11[%parallel_loop3A_316, %parallel_loop3A_317] {strides = array<i32>} : memref<128x128xi32, #tpu.memory_space<vmem>>, vector<16xi32>,
          %parallel_loop3A_319 = vector.bitcast %parallel_loop3A_318 : vector<16xi32> to vector<32xbf16>
          %parallel_loop3A_320 = tpu.unpack_subelements %parallel_loop3A_319, 0 {pack_format = #tpu.pack_format<interleaved>} : vector<32xbf16> -> vector<16xf32>
          %parallel_loop3A_321 = tpu.unpack_subelements %parallel_loop3A_319, 1 {pack_format = #tpu.pack_format<interleaved>} : vector<32xbf16> -> vector<16xf32>
          %parallel_loop3A_322 = arith.constant 2 : i32
          %parallel_loop3A_323 = arith.muli %parallel_loop3A_322, %parallel_loop3A_313 : i32
          %parallel_loop3A_324 = arith.constant 16 : i32
          %parallel_loop3A_325 = arith.muli %parallel_loop3A_323, %parallel_loop3A_324 : i32
          %parallel_loop3A_326 = vector.broadcast %squeeze3A_288 : f32 to vector<16xf32>
          %parallel_loop3A_327 = arith.mulf %parallel_loop3A_320, %parallel_loop3A_326 : vector<16xf32>
          %parallel_loop3A_328 = arith.index_cast %squeeze3A_290 : i32 to index
          %parallel_loop3A_329 = arith.index_cast %parallel_loop3A_325 : i32 to index
          %parallel_loop3A_330 = tpu.vector_load %arg12[%parallel_loop3A_328, %parallel_loop3A_329] {strides = array<i32>} : memref<320x256xf32, #tpu.memory_space<vmem>>, vector<16xf32>,
          tpu.vector_store %arg12[%parallel_loop3A_328, %parallel_loop3A_329], %parallel_loop3A_327 {add = true, strides = array<i32>} : memref<320x256xf32, #tpu.memory_space<vmem>>, vector<16xf32>,
          %parallel_loop3A_331 = arith.constant 2 : i32
          %parallel_loop3A_332 = arith.muli %parallel_loop3A_331, %parallel_loop3A_313 : i32
          %parallel_loop3A_333 = arith.constant 1 : i32
          %parallel_loop3A_334 = arith.addi %parallel_loop3A_332, %parallel_loop3A_333 : i32
          %parallel_loop3A_335 = arith.constant 16 : i32
          %parallel_loop3A_336 = arith.muli %parallel_loop3A_334, %parallel_loop3A_335 : i32
          %parallel_loop3A_337 = vector.broadcast %squeeze3A_288 : f32 to vector<16xf32>
          %parallel_loop3A_338 = arith.mulf %parallel_loop3A_321, %parallel_loop3A_337 : vector<16xf32>
          %parallel_loop3A_339 = arith.index_cast %squeeze3A_290 : i32 to index
          %parallel_loop3A_340 = arith.index_cast %parallel_loop3A_336 : i32 to index
          %parallel_loop3A_341 = tpu.vector_load %arg12[%parallel_loop3A_339, %parallel_loop3A_340] {strides = array<i32>} : memref<320x256xf32, #tpu.memory_space<vmem>>, vector<16xf32>,
          tpu.vector_store %arg12[%parallel_loop3A_339, %parallel_loop3A_340], %parallel_loop3A_338 {add = true, strides = array<i32>} : memref<320x256xf32, #tpu.memory_space<vmem>>, vector<16xf32>,
        } {sc.loop_unroll_factor = 8 : i64, sc.parallel_access}
        %slice3A_298 = vector.extract_strided_slice %get3A_131 {offsets = [15], sizes = [1], strides = [1]} : vector<16xf32> to vector<1xf32>
        %squeeze3A_299 = vector.extract %slice3A_298[0] : f32 from vector<1xf32>
        %slice3A_300 = vector.extract_strided_slice %get3A_135 {offsets = [15], sizes = [1], strides = [1]} : vector<16xi32> to vector<1xi32>
        %squeeze3A_301 = vector.extract %slice3A_300[0] : i32 from vector<1xi32>
        %mul3A_302 = arith.constant 16 : i32
        %mul3A_303 = arith.muli %scan3A_128, %mul3A_302 : i32
        %add3A_304 = arith.constant 15 : i32
        %add3A_305 = arith.addi %mul3A_303, %add3A_304 : i32
        %parallel_loop3A_306 = arith.constant 0 : i32
        %parallel_loop3A_307 = arith.constant 8 : i32
        %parallel_loop3A_308 = arith.constant 1 : i32
        scf.for %parallel_loop3A_313 = %parallel_loop3A_306 to %parallel_loop3A_307 step %parallel_loop3A_308  : i32 {
          %parallel_loop3A_314 = arith.constant 16 : i32
          %parallel_loop3A_315 = arith.muli %parallel_loop3A_313, %parallel_loop3A_314 : i32
          %parallel_loop3A_316 = arith.index_cast %add3A_305 : i32 to index
          %parallel_loop3A_317 = arith.index_cast %parallel_loop3A_315 : i32 to index
          %parallel_loop3A_318 = tpu.vector_load %arg11[%parallel_loop3A_316, %parallel_loop3A_317] {strides = array<i32>} : memref<128x128xi32, #tpu.memory_space<vmem>>, vector<16xi32>,
          %parallel_loop3A_319 = vector.bitcast %parallel_loop3A_318 : vector<16xi32> to vector<32xbf16>
          %parallel_loop3A_320 = tpu.unpack_subelements %parallel_loop3A_319, 0 {pack_format = #tpu.pack_format<interleaved>} : vector<32xbf16> -> vector<16xf32>
          %parallel_loop3A_321 = tpu.unpack_subelements %parallel_loop3A_319, 1 {pack_format = #tpu.pack_format<interleaved>} : vector<32xbf16> -> vector<16xf32>
          %parallel_loop3A_322 = arith.constant 2 : i32
          %parallel_loop3A_323 = arith.muli %parallel_loop3A_322, %parallel_loop3A_313 : i32
          %parallel_loop3A_324 = arith.constant 16 : i32
          %parallel_loop3A_325 = arith.muli %parallel_loop3A_323, %parallel_loop3A_324 : i32
          %parallel_loop3A_326 = vector.broadcast %squeeze3A_299 : f32 to vector<16xf32>
          %parallel_loop3A_327 = arith.mulf %parallel_loop3A_320, %parallel_loop3A_326 : vector<16xf32>
          %parallel_loop3A_328 = arith.index_cast %squeeze3A_301 : i32 to index
          %parallel_loop3A_329 = arith.index_cast %parallel_loop3A_325 : i32 to index
          %parallel_loop3A_330 = tpu.vector_load %arg12[%parallel_loop3A_328, %parallel_loop3A_329] {strides = array<i32>} : memref<320x256xf32, #tpu.memory_space<vmem>>, vector<16xf32>,
          tpu.vector_store %arg12[%parallel_loop3A_328, %parallel_loop3A_329], %parallel_loop3A_327 {add = true, strides = array<i32>} : memref<320x256xf32, #tpu.memory_space<vmem>>, vector<16xf32>,
          %parallel_loop3A_331 = arith.constant 2 : i32
          %parallel_loop3A_332 = arith.muli %parallel_loop3A_331, %parallel_loop3A_313 : i32
          %parallel_loop3A_333 = arith.constant 1 : i32
          %parallel_loop3A_334 = arith.addi %parallel_loop3A_332, %parallel_loop3A_333 : i32
          %parallel_loop3A_335 = arith.constant 16 : i32
          %parallel_loop3A_336 = arith.muli %parallel_loop3A_334, %parallel_loop3A_335 : i32
          %parallel_loop3A_337 = vector.broadcast %squeeze3A_299 : f32 to vector<16xf32>
          %parallel_loop3A_338 = arith.mulf %parallel_loop3A_321, %parallel_loop3A_337 : vector<16xf32>
          %parallel_loop3A_339 = arith.index_cast %squeeze3A_301 : i32 to index
          %parallel_loop3A_340 = arith.index_cast %parallel_loop3A_336 : i32 to index
          %parallel_loop3A_341 = tpu.vector_load %arg12[%parallel_loop3A_339, %parallel_loop3A_340] {strides = array<i32>} : memref<320x256xf32, #tpu.memory_space<vmem>>, vector<16xf32>,
          tpu.vector_store %arg12[%parallel_loop3A_339, %parallel_loop3A_340], %parallel_loop3A_338 {add = true, strides = array<i32>} : memref<320x256xf32, #tpu.memory_space<vmem>>, vector<16xf32>,
        } {sc.loop_unroll_factor = 8 : i64, sc.parallel_access}
        %mul3A_309 = arith.constant 16 : i32
        %mul3A_310 = arith.muli %scan3A_128, %mul3A_309 : i32
        %swap3A_311 = arith.index_cast %mul3A_310 : i32 to index
        %swap3A_312 = tpu.vector_load %arg7[%swap3A_311] {strides = array<i32>} : memref<128xf32, #tpu.memory_space<vmem>>, vector<16xf32>,
        tpu.vector_store %arg7[%swap3A_311], %broadcast_in_dim3A_10 {strides = array<i32>} : memref<128xf32, #tpu.memory_space<vmem>>, vector<16xf32>,
      }
      %scan3A_127 = arith.constant 8 : i32
    } else {
    }
    %scan3A_72 = arith.constant 0 : i32
    %scan3A_73 = arith.constant 0 : i32
    %scan3A_74 = arith.constant 128 : i32
    %scan3A_75 = arith.addi %scan3A_73, %scan3A_74 : i32
    %scan3A_76 = arith.constant 1 : i32
    scf.for %scan3A_96 = %scan3A_73 to %scan3A_75 step %scan3A_76  : i32 {
      %add3A_97 = arith.constant 0 : i32
      %add3A_98 = arith.addi %add3A_97, %scan3A_96 : i32
      %get3A = arith.index_cast %add3A_98 : i32 to index
      %get3A_99 = arith.constant 0 : index
      %get3A_100 = tpu.vector_load %arg12[%get3A, %get3A_99] {strides = array<i32>} : memref<320x256xf32, #tpu.memory_space<vmem>>, vector<16xf32>,
      %add3A_101 = arith.constant 0 : i32
      %add3A_102 = arith.addi %add3A_101, %scan3A_96 : i32
      %get3A_103 = arith.index_cast %add3A_102 : i32 to index
      %get3A_104 = arith.constant 16 : index
      %get3A_105 = tpu.vector_load %arg12[%get3A_103, %get3A_104] {strides = array<i32>} : memref<320x256xf32, #tpu.memory_space<vmem>>, vector<16xf32>,
      %pack3A = tpu.pack_subelements %get3A_100, %get3A_105 {pack_format = #tpu.pack_format<interleaved>, positions = array<i32: 0, 1>} : vector<16xf32>, vector<16xf32> -> vector<32xbf16>
      %bitcast3A = vector.bitcast %pack3A : vector<32xbf16> to vector<16xi32>
      %swap3A_106 = arith.index_cast %scan3A_96 : i32 to index
      %swap3A_107 = arith.constant 0 : index
      %swap3A_108 = tpu.vector_load %arg11[%swap3A_106, %swap3A_107] {strides = array<i32>} : memref<128x128xi32, #tpu.memory_space<vmem>>, vector<16xi32>,
      tpu.vector_store %arg11[%swap3A_106, %swap3A_107], %bitcast3A {strides = array<i32>} : memref<128x128xi32, #tpu.memory_space<vmem>>, vector<16xi32>,
      %add3A_109 = arith.constant 0 : i32
      %add3A_110 = arith.addi %add3A_109, %scan3A_96 : i32
      %get3A_111 = arith.index_cast %add3A_110 : i32 to index
      %get3A_112 = arith.constant 32 : index
      %get3A_113 = tpu.vector_load %arg12[%get3A_111, %get3A_112] {strides = array<i32>} : memref<320x256xf32, #tpu.memory_space<vmem>>, vector<16xf32>,
      %add3A_114 = arith.constant 0 : i32
      %add3A_115 = arith.addi %add3A_114, %scan3A_96 : i32
      %get3A_116 = arith.index_cast %add3A_115 : i32 to index
      %get3A_117 = arith.constant 48 : index
      %get3A_118 = tpu.vector_load %arg12[%get3A_116, %get3A_117] {strides = array<i32>} : memref<320x256xf32, #tpu.memory_space<vmem>>, vector<16xf32>,
      %pack3A_119 = tpu.pack_subelements %get3A_113, %get3A_118 {pack_format = #tpu.pack_format<interleaved>, positions = array<i32: 0, 1>} : vector<16xf32>, vector<16xf32> -> vector<32xbf16>
      %bitcast3A_120 = vector.bitcast %pack3A_119 : vector<32xbf16> to vector<16xi32>
      %swap3A_121 = arith.index_cast %scan3A_96 : i32 to index
      %swap3A_122 = arith.constant 16 : index
      %swap3A_123 = tpu.vector_load %arg11[%swap3A_121, %swap3A_122] {strides = array<i32>} : memref<128x128xi32, #tpu.memory_space<vmem>>, vector<16xi32>,
      tpu.vector_store %arg11[%swap3A_121, %swap3A_122], %bitcast3A_120 {strides = array<i32>} : memref<128x128xi32, #tpu.memory_space<vmem>>, vector<16xi32>,
      %add3A_124 = arith.constant 0 : i32
      %add3A_125 = arith.addi %add3A_124, %scan3A_96 : i32
      %get3A_126 = arith.index_cast %add3A_125 : i32 to index
      %get3A_127 = arith.constant 64 : index
      %get3A_128 = tpu.vector_load %arg12[%get3A_126, %get3A_127] {strides = array<i32>} : memref<320x256xf32, #tpu.memory_space<vmem>>, vector<16xf32>,
      %add3A_129 = arith.constant 0 : i32
      %add3A_130 = arith.addi %add3A_129, %scan3A_96 : i32
      %get3A_131 = arith.index_cast %add3A_130 : i32 to index
      %get3A_132 = arith.constant 80 : index
      %get3A_133 = tpu.vector_load %arg12[%get3A_131, %get3A_132] {strides = array<i32>} : memref<320x256xf32, #tpu.memory_space<vmem>>, vector<16xf32>,
      %pack3A_134 = tpu.pack_subelements %get3A_128, %get3A_133 {pack_format = #tpu.pack_format<interleaved>, positions = array<i32: 0, 1>} : vector<16xf32>, vector<16xf32> -> vector<32xbf16>
      %bitcast3A_135 = vector.bitcast %pack3A_134 : vector<32xbf16> to vector<16xi32>
      %swap3A_136 = arith.index_cast %scan3A_96 : i32 to index
      %swap3A_137 = arith.constant 32 : index
      %swap3A_138 = tpu.vector_load %arg11[%swap3A_136, %swap3A_137] {strides = array<i32>} : memref<128x128xi32, #tpu.memory_space<vmem>>, vector<16xi32>,
      tpu.vector_store %arg11[%swap3A_136, %swap3A_137], %bitcast3A_135 {strides = array<i32>} : memref<128x128xi32, #tpu.memory_space<vmem>>, vector<16xi32>,
      %add3A_139 = arith.constant 0 : i32
      %add3A_140 = arith.addi %add3A_139, %scan3A_96 : i32
      %get3A_141 = arith.index_cast %add3A_140 : i32 to index
      %get3A_142 = arith.constant 96 : index
      %get3A_143 = tpu.vector_load %arg12[%get3A_141, %get3A_142] {strides = array<i32>} : memref<320x256xf32, #tpu.memory_space<vmem>>, vector<16xf32>,
      %add3A_144 = arith.constant 0 : i32
      %add3A_145 = arith.addi %add3A_144, %scan3A_96 : i32
      %get3A_146 = arith.index_cast %add3A_145 : i32 to index
      %get3A_147 = arith.constant 112 : index
      %get3A_148 = tpu.vector_load %arg12[%get3A_146, %get3A_147] {strides = array<i32>} : memref<320x256xf32, #tpu.memory_space<vmem>>, vector<16xf32>,
      %pack3A_149 = tpu.pack_subelements %get3A_143, %get3A_148 {pack_format = #tpu.pack_format<interleaved>, positions = array<i32: 0, 1>} : vector<16xf32>, vector<16xf32> -> vector<32xbf16>
      %bitcast3A_150 = vector.bitcast %pack3A_149 : vector<32xbf16> to vector<16xi32>
      %swap3A_151 = arith.index_cast %scan3A_96 : i32 to index
      %swap3A_152 = arith.constant 48 : index
      %swap3A_153 = tpu.vector_load %arg11[%swap3A_151, %swap3A_152] {strides = array<i32>} : memref<128x128xi32, #tpu.memory_space<vmem>>, vector<16xi32>,
      tpu.vector_store %arg11[%swap3A_151, %swap3A_152], %bitcast3A_150 {strides = array<i32>} : memref<128x128xi32, #tpu.memory_space<vmem>>, vector<16xi32>,
      %add3A_154 = arith.constant 0 : i32
      %add3A_155 = arith.addi %add3A_154, %scan3A_96 : i32
      %get3A_156 = arith.index_cast %add3A_155 : i32 to index
      %get3A_157 = arith.constant 128 : index
      %get3A_158 = tpu.vector_load %arg12[%get3A_156, %get3A_157] {strides = array<i32>} : memref<320x256xf32, #tpu.memory_space<vmem>>, vector<16xf32>,
      %add3A_159 = arith.constant 0 : i32
      %add3A_160 = arith.addi %add3A_159, %scan3A_96 : i32
      %get3A_161 = arith.index_cast %add3A_160 : i32 to index
      %get3A_162 = arith.constant 144 : index
      %get3A_163 = tpu.vector_load %arg12[%get3A_161, %get3A_162] {strides = array<i32>} : memref<320x256xf32, #tpu.memory_space<vmem>>, vector<16xf32>,
      %pack3A_164 = tpu.pack_subelements %get3A_158, %get3A_163 {pack_format = #tpu.pack_format<interleaved>, positions = array<i32: 0, 1>} : vector<16xf32>, vector<16xf32> -> vector<32xbf16>
      %bitcast3A_165 = vector.bitcast %pack3A_164 : vector<32xbf16> to vector<16xi32>
      %swap3A_166 = arith.index_cast %scan3A_96 : i32 to index
      %swap3A_167 = arith.constant 64 : index
      %swap3A_168 = tpu.vector_load %arg11[%swap3A_166, %swap3A_167] {strides = array<i32>} : memref<128x128xi32, #tpu.memory_space<vmem>>, vector<16xi32>,
      tpu.vector_store %arg11[%swap3A_166, %swap3A_167], %bitcast3A_165 {strides = array<i32>} : memref<128x128xi32, #tpu.memory_space<vmem>>, vector<16xi32>,
      %add3A_169 = arith.constant 0 : i32
      %add3A_170 = arith.addi %add3A_169, %scan3A_96 : i32
      %get3A_171 = arith.index_cast %add3A_170 : i32 to index
      %get3A_172 = arith.constant 160 : index
      %get3A_173 = tpu.vector_load %arg12[%get3A_171, %get3A_172] {strides = array<i32>} : memref<320x256xf32, #tpu.memory_space<vmem>>, vector<16xf32>,
      %add3A_174 = arith.constant 0 : i32
      %add3A_175 = arith.addi %add3A_174, %scan3A_96 : i32
      %get3A_176 = arith.index_cast %add3A_175 : i32 to index
      %get3A_177 = arith.constant 176 : index
      %get3A_178 = tpu.vector_load %arg12[%get3A_176, %get3A_177] {strides = array<i32>} : memref<320x256xf32, #tpu.memory_space<vmem>>, vector<16xf32>,
      %pack3A_179 = tpu.pack_subelements %get3A_173, %get3A_178 {pack_format = #tpu.pack_format<interleaved>, positions = array<i32: 0, 1>} : vector<16xf32>, vector<16xf32> -> vector<32xbf16>
      %bitcast3A_180 = vector.bitcast %pack3A_179 : vector<32xbf16> to vector<16xi32>
      %swap3A_181 = arith.index_cast %scan3A_96 : i32 to index
      %swap3A_182 = arith.constant 80 : index
      %swap3A_183 = tpu.vector_load %arg11[%swap3A_181, %swap3A_182] {strides = array<i32>} : memref<128x128xi32, #tpu.memory_space<vmem>>, vector<16xi32>,
      tpu.vector_store %arg11[%swap3A_181, %swap3A_182], %bitcast3A_180 {strides = array<i32>} : memref<128x128xi32, #tpu.memory_space<vmem>>, vector<16xi32>,
      %add3A_184 = arith.constant 0 : i32
      %add3A_185 = arith.addi %add3A_184, %scan3A_96 : i32
      %get3A_186 = arith.index_cast %add3A_185 : i32 to index
      %get3A_187 = arith.constant 192 : index
      %get3A_188 = tpu.vector_load %arg12[%get3A_186, %get3A_187] {strides = array<i32>} : memref<320x256xf32, #tpu.memory_space<vmem>>, vector<16xf32>,
      %add3A_189 = arith.constant 0 : i32
      %add3A_190 = arith.addi %add3A_189, %scan3A_96 : i32
      %get3A_191 = arith.index_cast %add3A_190 : i32 to index
      %get3A_192 = arith.constant 208 : index
      %get3A_193 = tpu.vector_load %arg12[%get3A_191, %get3A_192] {strides = array<i32>} : memref<320x256xf32, #tpu.memory_space<vmem>>, vector<16xf32>,
      %pack3A_194 = tpu.pack_subelements %get3A_188, %get3A_193 {pack_format = #tpu.pack_format<interleaved>, positions = array<i32: 0, 1>} : vector<16xf32>, vector<16xf32> -> vector<32xbf16>
      %bitcast3A_195 = vector.bitcast %pack3A_194 : vector<32xbf16> to vector<16xi32>
      %swap3A_196 = arith.index_cast %scan3A_96 : i32 to index
      %swap3A_197 = arith.constant 96 : index
      %swap3A_198 = tpu.vector_load %arg11[%swap3A_196, %swap3A_197] {strides = array<i32>} : memref<128x128xi32, #tpu.memory_space<vmem>>, vector<16xi32>,
      tpu.vector_store %arg11[%swap3A_196, %swap3A_197], %bitcast3A_195 {strides = array<i32>} : memref<128x128xi32, #tpu.memory_space<vmem>>, vector<16xi32>,
      %add3A_199 = arith.constant 0 : i32
      %add3A_200 = arith.addi %add3A_199, %scan3A_96 : i32
      %get3A_201 = arith.index_cast %add3A_200 : i32 to index
      %get3A_202 = arith.constant 224 : index
      %get3A_203 = tpu.vector_load %arg12[%get3A_201, %get3A_202] {strides = array<i32>} : memref<320x256xf32, #tpu.memory_space<vmem>>, vector<16xf32>,
      %add3A_204 = arith.constant 0 : i32
      %add3A_205 = arith.addi %add3A_204, %scan3A_96 : i32
      %get3A_206 = arith.index_cast %add3A_205 : i32 to index
      %get3A_207 = arith.constant 240 : index
      %get3A_208 = tpu.vector_load %arg12[%get3A_206, %get3A_207] {strides = array<i32>} : memref<320x256xf32, #tpu.memory_space<vmem>>, vector<16xf32>,
      %pack3A_209 = tpu.pack_subelements %get3A_203, %get3A_208 {pack_format = #tpu.pack_format<interleaved>, positions = array<i32: 0, 1>} : vector<16xf32>, vector<16xf32> -> vector<32xbf16>
      %bitcast3A_210 = vector.bitcast %pack3A_209 : vector<32xbf16> to vector<16xi32>
      %swap3A_211 = arith.index_cast %scan3A_96 : i32 to index
      %swap3A_212 = arith.constant 112 : index
      %swap3A_213 = tpu.vector_load %arg11[%swap3A_211, %swap3A_212] {strides = array<i32>} : memref<128x128xi32, #tpu.memory_space<vmem>>, vector<16xi32>,
      tpu.vector_store %arg11[%swap3A_211, %swap3A_212], %bitcast3A_210 {strides = array<i32>} : memref<128x128xi32, #tpu.memory_space<vmem>>, vector<16xi32>,
    }
    %scan3A_77 = arith.constant 128 : i32
    %add3A_78 = arith.constant 0 : i32
    %add3A_79 = arith.addi %mul3A_0, %add3A_78 : i32
    "tpu.region"() ({
      %run_scoped3A = tpu.sem_alloc : memref<!tpu.dma_semaphore, #tpu.memory_space<semaphore_mem>>
      %dma_start3A = arith.constant 0 : i32
      %dma_start3A_96 = arith.constant 0 : i32
      %dma_start3A_97 = tpu.memref_slice %arg11[%dma_start3A, %dma_start3A_96] : memref<128x128xi32, #tpu.memory_space<vmem>> -> memref<128x128xi32, #tpu.memory_space<vmem>>
      %dma_start3A_98 = arith.constant 0 : i32
      %dma_start3A_99 = tpu.memref_slice %arg4[%arg0, %add3A_79, %dma_start3A_98] : memref<2x5120x128xi32, #tpu.memory_space<hbm>> -> memref<1x128x128xi32, #tpu.memory_space<hbm>>
      %dma_start3A_100 = tpu.memref_squeeze %dma_start3A_99 : memref<1x128x128xi32, #tpu.memory_space<hbm>> -> memref<128x128xi32, #tpu.memory_space<hbm>>
      %dma_start3A_101 = arith.constant 0 : i32
      %dma_start3A_102 = tpu.memref_slice %arg4[%arg0, %add3A_79, %dma_start3A_101] : memref<2x5120x128xi32, #tpu.memory_space<hbm>> -> memref<1x128x128xi32, #tpu.memory_space<hbm>>
      %dma_start3A_103 = tpu.memref_squeeze %dma_start3A_102 : memref<1x128x128xi32, #tpu.memory_space<hbm>> -> memref<128x128xi32, #tpu.memory_space<hbm>>
      %dma_start3A_104 = arith.constant 0 : i32
      %dma_start3A_105 = arith.constant 0 : i32
      %dma_start3A_106 = tpu.memref_slice %arg11[%dma_start3A_104, %dma_start3A_105] : memref<128x128xi32, #tpu.memory_space<vmem>> -> memref<128x128xi32, #tpu.memory_space<vmem>>
      tpu.enqueue_dma source(%dma_start3A_106 : memref<128x128xi32, #tpu.memory_space<vmem>>) target(%dma_start3A_103 : memref<128x128xi32, #tpu.memory_space<hbm>>) target_semaphore(%run_scoped3A : memref<!tpu.dma_semaphore, #tpu.memory_space<semaphore_mem>>)
      %dma_wait3A = arith.constant 0 : i32
      %dma_wait3A_107 = arith.constant 0 : i32
      %dma_wait3A_108 = tpu.memref_slice %arg11[%dma_wait3A, %dma_wait3A_107] : memref<128x128xi32, #tpu.memory_space<vmem>> -> memref<128x128xi32, #tpu.memory_space<vmem>>
      %dma_wait3A_109 = arith.constant 0 : i32
      %dma_wait3A_110 = tpu.memref_slice %arg4[%arg0, %add3A_79, %dma_wait3A_109] : memref<2x5120x128xi32, #tpu.memory_space<hbm>> -> memref<1x128x128xi32, #tpu.memory_space<hbm>>
      %dma_wait3A_111 = tpu.memref_squeeze %dma_wait3A_110 : memref<1x128x128xi32, #tpu.memory_space<hbm>> -> memref<128x128xi32, #tpu.memory_space<hbm>>
      %dma_wait3A_112 = arith.constant 0 : i32
      %dma_wait3A_113 = tpu.memref_slice %arg4[%arg0, %add3A_79, %dma_wait3A_112] : memref<2x5120x128xi32, #tpu.memory_space<hbm>> -> memref<1x128x128xi32, #tpu.memory_space<hbm>>
      %dma_wait3A_114 = tpu.memref_squeeze %dma_wait3A_113 : memref<1x128x128xi32, #tpu.memory_space<hbm>> -> memref<128x128xi32, #tpu.memory_space<hbm>>
      %dma_wait3A_115 = arith.constant 0 : i32
      %dma_wait3A_116 = arith.constant 0 : i32
      %dma_wait3A_117 = tpu.memref_slice %arg11[%dma_wait3A_115, %dma_wait3A_116] : memref<128x128xi32, #tpu.memory_space<vmem>> -> memref<128x128xi32, #tpu.memory_space<vmem>>
      tpu.wait_dma2 semaphore(%run_scoped3A : memref<!tpu.dma_semaphore, #tpu.memory_space<semaphore_mem>>) src(%dma_wait3A_117 : memref<128x128xi32, #tpu.memory_space<vmem>>) dst(%dma_wait3A_114 : memref<128x128xi32, #tpu.memory_space<hbm>>)
      tpu.yield
    }) : () -> ()
    %scan3A_80 = arith.constant 0 : i32
    %scan3A_81 = arith.constant 0 : i32
    %scan3A_82 = arith.constant 128 : i32
    %scan3A_83 = arith.addi %scan3A_81, %scan3A_82 : i32
    %scan3A_84 = arith.constant 1 : i32
    scf.for %scan3A_96 = %scan3A_81 to %scan3A_83 step %scan3A_84  : i32 {
      %add3A_97 = arith.constant 128 : i32
      %add3A_98 = arith.addi %add3A_97, %scan3A_96 : i32
      %get3A = arith.index_cast %add3A_98 : i32 to index
      %get3A_99 = arith.constant 0 : index
      %get3A_100 = tpu.vector_load %arg12[%get3A, %get3A_99] {strides = array<i32>} : memref<320x256xf32, #tpu.memory_space<vmem>>, vector<16xf32>,
      %add3A_101 = arith.constant 128 : i32
      %add3A_102 = arith.addi %add3A_101, %scan3A_96 : i32
      %get3A_103 = arith.index_cast %add3A_102 : i32 to index
      %get3A_104 = arith.constant 16 : index
      %get3A_105 = tpu.vector_load %arg12[%get3A_103, %get3A_104] {strides = array<i32>} : memref<320x256xf32, #tpu.memory_space<vmem>>, vector<16xf32>,
      %pack3A = tpu.pack_subelements %get3A_100, %get3A_105 {pack_format = #tpu.pack_format<interleaved>, positions = array<i32: 0, 1>} : vector<16xf32>, vector<16xf32> -> vector<32xbf16>
      %bitcast3A = vector.bitcast %pack3A : vector<32xbf16> to vector<16xi32>
      %swap3A_106 = arith.index_cast %scan3A_96 : i32 to index
      %swap3A_107 = arith.constant 0 : index
      %swap3A_108 = tpu.vector_load %arg11[%swap3A_106, %swap3A_107] {strides = array<i32>} : memref<128x128xi32, #tpu.memory_space<vmem>>, vector<16xi32>,
      tpu.vector_store %arg11[%swap3A_106, %swap3A_107], %bitcast3A {strides = array<i32>} : memref<128x128xi32, #tpu.memory_space<vmem>>, vector<16xi32>,
      %add3A_109 = arith.constant 128 : i32
      %add3A_110 = arith.addi %add3A_109, %scan3A_96 : i32
      %get3A_111 = arith.index_cast %add3A_110 : i32 to index
      %get3A_112 = arith.constant 32 : index
      %get3A_113 = tpu.vector_load %arg12[%get3A_111, %get3A_112] {strides = array<i32>} : memref<320x256xf32, #tpu.memory_space<vmem>>, vector<16xf32>,
      %add3A_114 = arith.constant 128 : i32
      %add3A_115 = arith.addi %add3A_114, %scan3A_96 : i32
      %get3A_116 = arith.index_cast %add3A_115 : i32 to index
      %get3A_117 = arith.constant 48 : index
      %get3A_118 = tpu.vector_load %arg12[%get3A_116, %get3A_117] {strides = array<i32>} : memref<320x256xf32, #tpu.memory_space<vmem>>, vector<16xf32>,
      %pack3A_119 = tpu.pack_subelements %get3A_113, %get3A_118 {pack_format = #tpu.pack_format<interleaved>, positions = array<i32: 0, 1>} : vector<16xf32>, vector<16xf32> -> vector<32xbf16>
      %bitcast3A_120 = vector.bitcast %pack3A_119 : vector<32xbf16> to vector<16xi32>
      %swap3A_121 = arith.index_cast %scan3A_96 : i32 to index
      %swap3A_122 = arith.constant 16 : index
      %swap3A_123 = tpu.vector_load %arg11[%swap3A_121, %swap3A_122] {strides = array<i32>} : memref<128x128xi32, #tpu.memory_space<vmem>>, vector<16xi32>,
      tpu.vector_store %arg11[%swap3A_121, %swap3A_122], %bitcast3A_120 {strides = array<i32>} : memref<128x128xi32, #tpu.memory_space<vmem>>, vector<16xi32>,
      %add3A_124 = arith.constant 128 : i32
      %add3A_125 = arith.addi %add3A_124, %scan3A_96 : i32
      %get3A_126 = arith.index_cast %add3A_125 : i32 to index
      %get3A_127 = arith.constant 64 : index
      %get3A_128 = tpu.vector_load %arg12[%get3A_126, %get3A_127] {strides = array<i32>} : memref<320x256xf32, #tpu.memory_space<vmem>>, vector<16xf32>,
      %add3A_129 = arith.constant 128 : i32
      %add3A_130 = arith.addi %add3A_129, %scan3A_96 : i32
      %get3A_131 = arith.index_cast %add3A_130 : i32 to index
      %get3A_132 = arith.constant 80 : index
      %get3A_133 = tpu.vector_load %arg12[%get3A_131, %get3A_132] {strides = array<i32>} : memref<320x256xf32, #tpu.memory_space<vmem>>, vector<16xf32>,
      %pack3A_134 = tpu.pack_subelements %get3A_128, %get3A_133 {pack_format = #tpu.pack_format<interleaved>, positions = array<i32: 0, 1>} : vector<16xf32>, vector<16xf32> -> vector<32xbf16>
      %bitcast3A_135 = vector.bitcast %pack3A_134 : vector<32xbf16> to vector<16xi32>
      %swap3A_136 = arith.index_cast %scan3A_96 : i32 to index
      %swap3A_137 = arith.constant 32 : index
      %swap3A_138 = tpu.vector_load %arg11[%swap3A_136, %swap3A_137] {strides = array<i32>} : memref<128x128xi32, #tpu.memory_space<vmem>>, vector<16xi32>,
      tpu.vector_store %arg11[%swap3A_136, %swap3A_137], %bitcast3A_135 {strides = array<i32>} : memref<128x128xi32, #tpu.memory_space<vmem>>, vector<16xi32>,
      %add3A_139 = arith.constant 128 : i32
      %add3A_140 = arith.addi %add3A_139, %scan3A_96 : i32
      %get3A_141 = arith.index_cast %add3A_140 : i32 to index
      %get3A_142 = arith.constant 96 : index
      %get3A_143 = tpu.vector_load %arg12[%get3A_141, %get3A_142] {strides = array<i32>} : memref<320x256xf32, #tpu.memory_space<vmem>>, vector<16xf32>,
      %add3A_144 = arith.constant 128 : i32
      %add3A_145 = arith.addi %add3A_144, %scan3A_96 : i32
      %get3A_146 = arith.index_cast %add3A_145 : i32 to index
      %get3A_147 = arith.constant 112 : index
      %get3A_148 = tpu.vector_load %arg12[%get3A_146, %get3A_147] {strides = array<i32>} : memref<320x256xf32, #tpu.memory_space<vmem>>, vector<16xf32>,
      %pack3A_149 = tpu.pack_subelements %get3A_143, %get3A_148 {pack_format = #tpu.pack_format<interleaved>, positions = array<i32: 0, 1>} : vector<16xf32>, vector<16xf32> -> vector<32xbf16>
      %bitcast3A_150 = vector.bitcast %pack3A_149 : vector<32xbf16> to vector<16xi32>
      %swap3A_151 = arith.index_cast %scan3A_96 : i32 to index
      %swap3A_152 = arith.constant 48 : index
      %swap3A_153 = tpu.vector_load %arg11[%swap3A_151, %swap3A_152] {strides = array<i32>} : memref<128x128xi32, #tpu.memory_space<vmem>>, vector<16xi32>,
      tpu.vector_store %arg11[%swap3A_151, %swap3A_152], %bitcast3A_150 {strides = array<i32>} : memref<128x128xi32, #tpu.memory_space<vmem>>, vector<16xi32>,
      %add3A_154 = arith.constant 128 : i32
      %add3A_155 = arith.addi %add3A_154, %scan3A_96 : i32
      %get3A_156 = arith.index_cast %add3A_155 : i32 to index
      %get3A_157 = arith.constant 128 : index
      %get3A_158 = tpu.vector_load %arg12[%get3A_156, %get3A_157] {strides = array<i32>} : memref<320x256xf32, #tpu.memory_space<vmem>>, vector<16xf32>,
      %add3A_159 = arith.constant 128 : i32
      %add3A_160 = arith.addi %add3A_159, %scan3A_96 : i32
      %get3A_161 = arith.index_cast %add3A_160 : i32 to index
      %get3A_162 = arith.constant 144 : index
      %get3A_163 = tpu.vector_load %arg12[%get3A_161, %get3A_162] {strides = array<i32>} : memref<320x256xf32, #tpu.memory_space<vmem>>, vector<16xf32>,
      %pack3A_164 = tpu.pack_subelements %get3A_158, %get3A_163 {pack_format = #tpu.pack_format<interleaved>, positions = array<i32: 0, 1>} : vector<16xf32>, vector<16xf32> -> vector<32xbf16>
      %bitcast3A_165 = vector.bitcast %pack3A_164 : vector<32xbf16> to vector<16xi32>
      %swap3A_166 = arith.index_cast %scan3A_96 : i32 to index
      %swap3A_167 = arith.constant 64 : index
      %swap3A_168 = tpu.vector_load %arg11[%swap3A_166, %swap3A_167] {strides = array<i32>} : memref<128x128xi32, #tpu.memory_space<vmem>>, vector<16xi32>,
      tpu.vector_store %arg11[%swap3A_166, %swap3A_167], %bitcast3A_165 {strides = array<i32>} : memref<128x128xi32, #tpu.memory_space<vmem>>, vector<16xi32>,
      %add3A_169 = arith.constant 128 : i32
      %add3A_170 = arith.addi %add3A_169, %scan3A_96 : i32
      %get3A_171 = arith.index_cast %add3A_170 : i32 to index
      %get3A_172 = arith.constant 160 : index
      %get3A_173 = tpu.vector_load %arg12[%get3A_171, %get3A_172] {strides = array<i32>} : memref<320x256xf32, #tpu.memory_space<vmem>>, vector<16xf32>,
      %add3A_174 = arith.constant 128 : i32
      %add3A_175 = arith.addi %add3A_174, %scan3A_96 : i32
      %get3A_176 = arith.index_cast %add3A_175 : i32 to index
      %get3A_177 = arith.constant 176 : index
      %get3A_178 = tpu.vector_load %arg12[%get3A_176, %get3A_177] {strides = array<i32>} : memref<320x256xf32, #tpu.memory_space<vmem>>, vector<16xf32>,
      %pack3A_179 = tpu.pack_subelements %get3A_173, %get3A_178 {pack_format = #tpu.pack_format<interleaved>, positions = array<i32: 0, 1>} : vector<16xf32>, vector<16xf32> -> vector<32xbf16>
      %bitcast3A_180 = vector.bitcast %pack3A_179 : vector<32xbf16> to vector<16xi32>
      %swap3A_181 = arith.index_cast %scan3A_96 : i32 to index
      %swap3A_182 = arith.constant 80 : index
      %swap3A_183 = tpu.vector_load %arg11[%swap3A_181, %swap3A_182] {strides = array<i32>} : memref<128x128xi32, #tpu.memory_space<vmem>>, vector<16xi32>,
      tpu.vector_store %arg11[%swap3A_181, %swap3A_182], %bitcast3A_180 {strides = array<i32>} : memref<128x128xi32, #tpu.memory_space<vmem>>, vector<16xi32>,
      %add3A_184 = arith.constant 128 : i32
      %add3A_185 = arith.addi %add3A_184, %scan3A_96 : i32
      %get3A_186 = arith.index_cast %add3A_185 : i32 to index
      %get3A_187 = arith.constant 192 : index
      %get3A_188 = tpu.vector_load %arg12[%get3A_186, %get3A_187] {strides = array<i32>} : memref<320x256xf32, #tpu.memory_space<vmem>>, vector<16xf32>,
      %add3A_189 = arith.constant 128 : i32
      %add3A_190 = arith.addi %add3A_189, %scan3A_96 : i32
      %get3A_191 = arith.index_cast %add3A_190 : i32 to index
      %get3A_192 = arith.constant 208 : index
      %get3A_193 = tpu.vector_load %arg12[%get3A_191, %get3A_192] {strides = array<i32>} : memref<320x256xf32, #tpu.memory_space<vmem>>, vector<16xf32>,
      %pack3A_194 = tpu.pack_subelements %get3A_188, %get3A_193 {pack_format = #tpu.pack_format<interleaved>, positions = array<i32: 0, 1>} : vector<16xf32>, vector<16xf32> -> vector<32xbf16>
      %bitcast3A_195 = vector.bitcast %pack3A_194 : vector<32xbf16> to vector<16xi32>
      %swap3A_196 = arith.index_cast %scan3A_96 : i32 to index
      %swap3A_197 = arith.constant 96 : index
      %swap3A_198 = tpu.vector_load %arg11[%swap3A_196, %swap3A_197] {strides = array<i32>} : memref<128x128xi32, #tpu.memory_space<vmem>>, vector<16xi32>,
      tpu.vector_store %arg11[%swap3A_196, %swap3A_197], %bitcast3A_195 {strides = array<i32>} : memref<128x128xi32, #tpu.memory_space<vmem>>, vector<16xi32>,
      %add3A_199 = arith.constant 128 : i32
      %add3A_200 = arith.addi %add3A_199, %scan3A_96 : i32
      %get3A_201 = arith.index_cast %add3A_200 : i32 to index
      %get3A_202 = arith.constant 224 : index
      %get3A_203 = tpu.vector_load %arg12[%get3A_201, %get3A_202] {strides = array<i32>} : memref<320x256xf32, #tpu.memory_space<vmem>>, vector<16xf32>,
      %add3A_204 = arith.constant 128 : i32
      %add3A_205 = arith.addi %add3A_204, %scan3A_96 : i32
      %get3A_206 = arith.index_cast %add3A_205 : i32 to index
      %get3A_207 = arith.constant 240 : index
      %get3A_208 = tpu.vector_load %arg12[%get3A_206, %get3A_207] {strides = array<i32>} : memref<320x256xf32, #tpu.memory_space<vmem>>, vector<16xf32>,
      %pack3A_209 = tpu.pack_subelements %get3A_203, %get3A_208 {pack_format = #tpu.pack_format<interleaved>, positions = array<i32: 0, 1>} : vector<16xf32>, vector<16xf32> -> vector<32xbf16>
      %bitcast3A_210 = vector.bitcast %pack3A_209 : vector<32xbf16> to vector<16xi32>
      %swap3A_211 = arith.index_cast %scan3A_96 : i32 to index
      %swap3A_212 = arith.constant 112 : index
      %swap3A_213 = tpu.vector_load %arg11[%swap3A_211, %swap3A_212] {strides = array<i32>} : memref<128x128xi32, #tpu.memory_space<vmem>>, vector<16xi32>,
      tpu.vector_store %arg11[%swap3A_211, %swap3A_212], %bitcast3A_210 {strides = array<i32>} : memref<128x128xi32, #tpu.memory_space<vmem>>, vector<16xi32>,
    }
    %scan3A_85 = arith.constant 128 : i32
    %add3A_86 = arith.constant 128 : i32
    %add3A_87 = arith.addi %mul3A_0, %add3A_86 : i32
    "tpu.region"() ({
      %run_scoped3A = tpu.sem_alloc : memref<!tpu.dma_semaphore, #tpu.memory_space<semaphore_mem>>
      %dma_start3A = arith.constant 0 : i32
      %dma_start3A_96 = arith.constant 0 : i32
      %dma_start3A_97 = tpu.memref_slice %arg11[%dma_start3A, %dma_start3A_96] : memref<128x128xi32, #tpu.memory_space<vmem>> -> memref<128x128xi32, #tpu.memory_space<vmem>>
      %dma_start3A_98 = arith.constant 0 : i32
      %dma_start3A_99 = tpu.memref_slice %arg4[%arg0, %add3A_87, %dma_start3A_98] : memref<2x5120x128xi32, #tpu.memory_space<hbm>> -> memref<1x128x128xi32, #tpu.memory_space<hbm>>
      %dma_start3A_100 = tpu.memref_squeeze %dma_start3A_99 : memref<1x128x128xi32, #tpu.memory_space<hbm>> -> memref<128x128xi32, #tpu.memory_space<hbm>>
      %dma_start3A_101 = arith.constant 0 : i32
      %dma_start3A_102 = tpu.memref_slice %arg4[%arg0, %add3A_87, %dma_start3A_101] : memref<2x5120x128xi32, #tpu.memory_space<hbm>> -> memref<1x128x128xi32, #tpu.memory_space<hbm>>
      %dma_start3A_103 = tpu.memref_squeeze %dma_start3A_102 : memref<1x128x128xi32, #tpu.memory_space<hbm>> -> memref<128x128xi32, #tpu.memory_space<hbm>>
      %dma_start3A_104 = arith.constant 0 : i32
      %dma_start3A_105 = arith.constant 0 : i32
      %dma_start3A_106 = tpu.memref_slice %arg11[%dma_start3A_104, %dma_start3A_105] : memref<128x128xi32, #tpu.memory_space<vmem>> -> memref<128x128xi32, #tpu.memory_space<vmem>>
      tpu.enqueue_dma source(%dma_start3A_106 : memref<128x128xi32, #tpu.memory_space<vmem>>) target(%dma_start3A_103 : memref<128x128xi32, #tpu.memory_space<hbm>>) target_semaphore(%run_scoped3A : memref<!tpu.dma_semaphore, #tpu.memory_space<semaphore_mem>>)
      %dma_wait3A = arith.constant 0 : i32
      %dma_wait3A_107 = arith.constant 0 : i32
      %dma_wait3A_108 = tpu.memref_slice %arg11[%dma_wait3A, %dma_wait3A_107] : memref<128x128xi32, #tpu.memory_space<vmem>> -> memref<128x128xi32, #tpu.memory_space<vmem>>
      %dma_wait3A_109 = arith.constant 0 : i32
      %dma_wait3A_110 = tpu.memref_slice %arg4[%arg0, %add3A_87, %dma_wait3A_109] : memref<2x5120x128xi32, #tpu.memory_space<hbm>> -> memref<1x128x128xi32, #tpu.memory_space<hbm>>
      %dma_wait3A_111 = tpu.memref_squeeze %dma_wait3A_110 : memref<1x128x128xi32, #tpu.memory_space<hbm>> -> memref<128x128xi32, #tpu.memory_space<hbm>>
      %dma_wait3A_112 = arith.constant 0 : i32
      %dma_wait3A_113 = tpu.memref_slice %arg4[%arg0, %add3A_87, %dma_wait3A_112] : memref<2x5120x128xi32, #tpu.memory_space<hbm>> -> memref<1x128x128xi32, #tpu.memory_space<hbm>>
      %dma_wait3A_114 = tpu.memref_squeeze %dma_wait3A_113 : memref<1x128x128xi32, #tpu.memory_space<hbm>> -> memref<128x128xi32, #tpu.memory_space<hbm>>
      %dma_wait3A_115 = arith.constant 0 : i32
      %dma_wait3A_116 = arith.constant 0 : i32
      %dma_wait3A_117 = tpu.memref_slice %arg11[%dma_wait3A_115, %dma_wait3A_116] : memref<128x128xi32, #tpu.memory_space<vmem>> -> memref<128x128xi32, #tpu.memory_space<vmem>>
      tpu.wait_dma2 semaphore(%run_scoped3A : memref<!tpu.dma_semaphore, #tpu.memory_space<semaphore_mem>>) src(%dma_wait3A_117 : memref<128x128xi32, #tpu.memory_space<vmem>>) dst(%dma_wait3A_114 : memref<128x128xi32, #tpu.memory_space<hbm>>)
      tpu.yield
    }) : () -> ()
    %scan3A_88 = arith.constant 0 : i32
    %scan3A_89 = arith.constant 0 : i32
    %scan3A_90 = arith.constant 64 : i32
    %scan3A_91 = arith.addi %scan3A_89, %scan3A_90 : i32
    %scan3A_92 = arith.constant 1 : i32
    scf.for %scan3A_96 = %scan3A_89 to %scan3A_91 step %scan3A_92  : i32 {
      %add3A_97 = arith.constant 256 : i32
      %add3A_98 = arith.addi %add3A_97, %scan3A_96 : i32
      %get3A = arith.index_cast %add3A_98 : i32 to index
      %get3A_99 = arith.constant 0 : index
      %get3A_100 = tpu.vector_load %arg12[%get3A, %get3A_99] {strides = array<i32>} : memref<320x256xf32, #tpu.memory_space<vmem>>, vector<16xf32>,
      %add3A_101 = arith.constant 256 : i32
      %add3A_102 = arith.addi %add3A_101, %scan3A_96 : i32
      %get3A_103 = arith.index_cast %add3A_102 : i32 to index
      %get3A_104 = arith.constant 16 : index
      %get3A_105 = tpu.vector_load %arg12[%get3A_103, %get3A_104] {strides = array<i32>} : memref<320x256xf32, #tpu.memory_space<vmem>>, vector<16xf32>,
      %pack3A = tpu.pack_subelements %get3A_100, %get3A_105 {pack_format = #tpu.pack_format<interleaved>, positions = array<i32: 0, 1>} : vector<16xf32>, vector<16xf32> -> vector<32xbf16>
      %bitcast3A = vector.bitcast %pack3A : vector<32xbf16> to vector<16xi32>
      %swap3A_106 = arith.index_cast %scan3A_96 : i32 to index
      %swap3A_107 = arith.constant 0 : index
      %swap3A_108 = tpu.vector_load %arg11[%swap3A_106, %swap3A_107] {strides = array<i32>} : memref<128x128xi32, #tpu.memory_space<vmem>>, vector<16xi32>,
      tpu.vector_store %arg11[%swap3A_106, %swap3A_107], %bitcast3A {strides = array<i32>} : memref<128x128xi32, #tpu.memory_space<vmem>>, vector<16xi32>,
      %add3A_109 = arith.constant 256 : i32
      %add3A_110 = arith.addi %add3A_109, %scan3A_96 : i32
      %get3A_111 = arith.index_cast %add3A_110 : i32 to index
      %get3A_112 = arith.constant 32 : index
      %get3A_113 = tpu.vector_load %arg12[%get3A_111, %get3A_112] {strides = array<i32>} : memref<320x256xf32, #tpu.memory_space<vmem>>, vector<16xf32>,
      %add3A_114 = arith.constant 256 : i32
      %add3A_115 = arith.addi %add3A_114, %scan3A_96 : i32
      %get3A_116 = arith.index_cast %add3A_115 : i32 to index
      %get3A_117 = arith.constant 48 : index
      %get3A_118 = tpu.vector_load %arg12[%get3A_116, %get3A_117] {strides = array<i32>} : memref<320x256xf32, #tpu.memory_space<vmem>>, vector<16xf32>,
      %pack3A_119 = tpu.pack_subelements %get3A_113, %get3A_118 {pack_format = #tpu.pack_format<interleaved>, positions = array<i32: 0, 1>} : vector<16xf32>, vector<16xf32> -> vector<32xbf16>
      %bitcast3A_120 = vector.bitcast %pack3A_119 : vector<32xbf16> to vector<16xi32>
      %swap3A_121 = arith.index_cast %scan3A_96 : i32 to index
      %swap3A_122 = arith.constant 16 : index
      %swap3A_123 = tpu.vector_load %arg11[%swap3A_121, %swap3A_122] {strides = array<i32>} : memref<128x128xi32, #tpu.memory_space<vmem>>, vector<16xi32>,
      tpu.vector_store %arg11[%swap3A_121, %swap3A_122], %bitcast3A_120 {strides = array<i32>} : memref<128x128xi32, #tpu.memory_space<vmem>>, vector<16xi32>,
      %add3A_124 = arith.constant 256 : i32
      %add3A_125 = arith.addi %add3A_124, %scan3A_96 : i32
      %get3A_126 = arith.index_cast %add3A_125 : i32 to index
      %get3A_127 = arith.constant 64 : index
      %get3A_128 = tpu.vector_load %arg12[%get3A_126, %get3A_127] {strides = array<i32>} : memref<320x256xf32, #tpu.memory_space<vmem>>, vector<16xf32>,
      %add3A_129 = arith.constant 256 : i32
      %add3A_130 = arith.addi %add3A_129, %scan3A_96 : i32
      %get3A_131 = arith.index_cast %add3A_130 : i32 to index
      %get3A_132 = arith.constant 80 : index
      %get3A_133 = tpu.vector_load %arg12[%get3A_131, %get3A_132] {strides = array<i32>} : memref<320x256xf32, #tpu.memory_space<vmem>>, vector<16xf32>,
      %pack3A_134 = tpu.pack_subelements %get3A_128, %get3A_133 {pack_format = #tpu.pack_format<interleaved>, positions = array<i32: 0, 1>} : vector<16xf32>, vector<16xf32> -> vector<32xbf16>
      %bitcast3A_135 = vector.bitcast %pack3A_134 : vector<32xbf16> to vector<16xi32>
      %swap3A_136 = arith.index_cast %scan3A_96 : i32 to index
      %swap3A_137 = arith.constant 32 : index
      %swap3A_138 = tpu.vector_load %arg11[%swap3A_136, %swap3A_137] {strides = array<i32>} : memref<128x128xi32, #tpu.memory_space<vmem>>, vector<16xi32>,
      tpu.vector_store %arg11[%swap3A_136, %swap3A_137], %bitcast3A_135 {strides = array<i32>} : memref<128x128xi32, #tpu.memory_space<vmem>>, vector<16xi32>,
      %add3A_139 = arith.constant 256 : i32
      %add3A_140 = arith.addi %add3A_139, %scan3A_96 : i32
      %get3A_141 = arith.index_cast %add3A_140 : i32 to index
      %get3A_142 = arith.constant 96 : index
      %get3A_143 = tpu.vector_load %arg12[%get3A_141, %get3A_142] {strides = array<i32>} : memref<320x256xf32, #tpu.memory_space<vmem>>, vector<16xf32>,
      %add3A_144 = arith.constant 256 : i32
      %add3A_145 = arith.addi %add3A_144, %scan3A_96 : i32
      %get3A_146 = arith.index_cast %add3A_145 : i32 to index
      %get3A_147 = arith.constant 112 : index
      %get3A_148 = tpu.vector_load %arg12[%get3A_146, %get3A_147] {strides = array<i32>} : memref<320x256xf32, #tpu.memory_space<vmem>>, vector<16xf32>,
      %pack3A_149 = tpu.pack_subelements %get3A_143, %get3A_148 {pack_format = #tpu.pack_format<interleaved>, positions = array<i32: 0, 1>} : vector<16xf32>, vector<16xf32> -> vector<32xbf16>
      %bitcast3A_150 = vector.bitcast %pack3A_149 : vector<32xbf16> to vector<16xi32>
      %swap3A_151 = arith.index_cast %scan3A_96 : i32 to index
      %swap3A_152 = arith.constant 48 : index
      %swap3A_153 = tpu.vector_load %arg11[%swap3A_151, %swap3A_152] {strides = array<i32>} : memref<128x128xi32, #tpu.memory_space<vmem>>, vector<16xi32>,
      tpu.vector_store %arg11[%swap3A_151, %swap3A_152], %bitcast3A_150 {strides = array<i32>} : memref<128x128xi32, #tpu.memory_space<vmem>>, vector<16xi32>,
      %add3A_154 = arith.constant 256 : i32
      %add3A_155 = arith.addi %add3A_154, %scan3A_96 : i32
      %get3A_156 = arith.index_cast %add3A_155 : i32 to index
      %get3A_157 = arith.constant 128 : index
      %get3A_158 = tpu.vector_load %arg12[%get3A_156, %get3A_157] {strides = array<i32>} : memref<320x256xf32, #tpu.memory_space<vmem>>, vector<16xf32>,
      %add3A_159 = arith.constant 256 : i32
      %add3A_160 = arith.addi %add3A_159, %scan3A_96 : i32
      %get3A_161 = arith.index_cast %add3A_160 : i32 to index
      %get3A_162 = arith.constant 144 : index
      %get3A_163 = tpu.vector_load %arg12[%get3A_161, %get3A_162] {strides = array<i32>} : memref<320x256xf32, #tpu.memory_space<vmem>>, vector<16xf32>,
      %pack3A_164 = tpu.pack_subelements %get3A_158, %get3A_163 {pack_format = #tpu.pack_format<interleaved>, positions = array<i32: 0, 1>} : vector<16xf32>, vector<16xf32> -> vector<32xbf16>
      %bitcast3A_165 = vector.bitcast %pack3A_164 : vector<32xbf16> to vector<16xi32>
      %swap3A_166 = arith.index_cast %scan3A_96 : i32 to index
      %swap3A_167 = arith.constant 64 : index
      %swap3A_168 = tpu.vector_load %arg11[%swap3A_166, %swap3A_167] {strides = array<i32>} : memref<128x128xi32, #tpu.memory_space<vmem>>, vector<16xi32>,
      tpu.vector_store %arg11[%swap3A_166, %swap3A_167], %bitcast3A_165 {strides = array<i32>} : memref<128x128xi32, #tpu.memory_space<vmem>>, vector<16xi32>,
      %add3A_169 = arith.constant 256 : i32
      %add3A_170 = arith.addi %add3A_169, %scan3A_96 : i32
      %get3A_171 = arith.index_cast %add3A_170 : i32 to index
      %get3A_172 = arith.constant 160 : index
      %get3A_173 = tpu.vector_load %arg12[%get3A_171, %get3A_172] {strides = array<i32>} : memref<320x256xf32, #tpu.memory_space<vmem>>, vector<16xf32>,
      %add3A_174 = arith.constant 256 : i32
      %add3A_175 = arith.addi %add3A_174, %scan3A_96 : i32
      %get3A_176 = arith.index_cast %add3A_175 : i32 to index
      %get3A_177 = arith.constant 176 : index
      %get3A_178 = tpu.vector_load %arg12[%get3A_176, %get3A_177] {strides = array<i32>} : memref<320x256xf32, #tpu.memory_space<vmem>>, vector<16xf32>,
      %pack3A_179 = tpu.pack_subelements %get3A_173, %get3A_178 {pack_format = #tpu.pack_format<interleaved>, positions = array<i32: 0, 1>} : vector<16xf32>, vector<16xf32> -> vector<32xbf16>
      %bitcast3A_180 = vector.bitcast %pack3A_179 : vector<32xbf16> to vector<16xi32>
      %swap3A_181 = arith.index_cast %scan3A_96 : i32 to index
      %swap3A_182 = arith.constant 80 : index
      %swap3A_183 = tpu.vector_load %arg11[%swap3A_181, %swap3A_182] {strides = array<i32>} : memref<128x128xi32, #tpu.memory_space<vmem>>, vector<16xi32>,
      tpu.vector_store %arg11[%swap3A_181, %swap3A_182], %bitcast3A_180 {strides = array<i32>} : memref<128x128xi32, #tpu.memory_space<vmem>>, vector<16xi32>,
      %add3A_184 = arith.constant 256 : i32
      %add3A_185 = arith.addi %add3A_184, %scan3A_96 : i32
      %get3A_186 = arith.index_cast %add3A_185 : i32 to index
      %get3A_187 = arith.constant 192 : index
      %get3A_188 = tpu.vector_load %arg12[%get3A_186, %get3A_187] {strides = array<i32>} : memref<320x256xf32, #tpu.memory_space<vmem>>, vector<16xf32>,
      %add3A_189 = arith.constant 256 : i32
      %add3A_190 = arith.addi %add3A_189, %scan3A_96 : i32
      %get3A_191 = arith.index_cast %add3A_190 : i32 to index
      %get3A_192 = arith.constant 208 : index
      %get3A_193 = tpu.vector_load %arg12[%get3A_191, %get3A_192] {strides = array<i32>} : memref<320x256xf32, #tpu.memory_space<vmem>>, vector<16xf32>,
      %pack3A_194 = tpu.pack_subelements %get3A_188, %get3A_193 {pack_format = #tpu.pack_format<interleaved>, positions = array<i32: 0, 1>} : vector<16xf32>, vector<16xf32> -> vector<32xbf16>
      %bitcast3A_195 = vector.bitcast %pack3A_194 : vector<32xbf16> to vector<16xi32>
      %swap3A_196 = arith.index_cast %scan3A_96 : i32 to index
      %swap3A_197 = arith.constant 96 : index
      %swap3A_198 = tpu.vector_load %arg11[%swap3A_196, %swap3A_197] {strides = array<i32>} : memref<128x128xi32, #tpu.memory_space<vmem>>, vector<16xi32>,
      tpu.vector_store %arg11[%swap3A_196, %swap3A_197], %bitcast3A_195 {strides = array<i32>} : memref<128x128xi32, #tpu.memory_space<vmem>>, vector<16xi32>,
      %add3A_199 = arith.constant 256 : i32
      %add3A_200 = arith.addi %add3A_199, %scan3A_96 : i32
      %get3A_201 = arith.index_cast %add3A_200 : i32 to index
      %get3A_202 = arith.constant 224 : index
      %get3A_203 = tpu.vector_load %arg12[%get3A_201, %get3A_202] {strides = array<i32>} : memref<320x256xf32, #tpu.memory_space<vmem>>, vector<16xf32>,
      %add3A_204 = arith.constant 256 : i32
      %add3A_205 = arith.addi %add3A_204, %scan3A_96 : i32
      %get3A_206 = arith.index_cast %add3A_205 : i32 to index
      %get3A_207 = arith.constant 240 : index
      %get3A_208 = tpu.vector_load %arg12[%get3A_206, %get3A_207] {strides = array<i32>} : memref<320x256xf32, #tpu.memory_space<vmem>>, vector<16xf32>,
      %pack3A_209 = tpu.pack_subelements %get3A_203, %get3A_208 {pack_format = #tpu.pack_format<interleaved>, positions = array<i32: 0, 1>} : vector<16xf32>, vector<16xf32> -> vector<32xbf16>
      %bitcast3A_210 = vector.bitcast %pack3A_209 : vector<32xbf16> to vector<16xi32>
      %swap3A_211 = arith.index_cast %scan3A_96 : i32 to index
      %swap3A_212 = arith.constant 112 : index
      %swap3A_213 = tpu.vector_load %arg11[%swap3A_211, %swap3A_212] {strides = array<i32>} : memref<128x128xi32, #tpu.memory_space<vmem>>, vector<16xi32>,
      tpu.vector_store %arg11[%swap3A_211, %swap3A_212], %bitcast3A_210 {strides = array<i32>} : memref<128x128xi32, #tpu.memory_space<vmem>>, vector<16xi32>,
    }
    %scan3A_93 = arith.constant 64 : i32
    %add3A_94 = arith.constant 256 : i32
    %add3A_95 = arith.addi %mul3A_0, %add3A_94 : i32
    "tpu.region"() ({
      %run_scoped3A = tpu.sem_alloc : memref<!tpu.dma_semaphore, #tpu.memory_space<semaphore_mem>>
      %dma_start3A = arith.constant 0 : i32
      %dma_start3A_96 = arith.constant 0 : i32
      %dma_start3A_97 = tpu.memref_slice %arg11[%dma_start3A, %dma_start3A_96] : memref<128x128xi32, #tpu.memory_space<vmem>> -> memref<64x128xi32, #tpu.memory_space<vmem>>
      %dma_start3A_98 = arith.constant 0 : i32
      %dma_start3A_99 = tpu.memref_slice %arg4[%arg0, %add3A_95, %dma_start3A_98] : memref<2x5120x128xi32, #tpu.memory_space<hbm>> -> memref<1x64x128xi32, #tpu.memory_space<hbm>>
      %dma_start3A_100 = tpu.memref_squeeze %dma_start3A_99 : memref<1x64x128xi32, #tpu.memory_space<hbm>> -> memref<64x128xi32, #tpu.memory_space<hbm>>
      %dma_start3A_101 = arith.constant 0 : i32
      %dma_start3A_102 = tpu.memref_slice %arg4[%arg0, %add3A_95, %dma_start3A_101] : memref<2x5120x128xi32, #tpu.memory_space<hbm>> -> memref<1x64x128xi32, #tpu.memory_space<hbm>>
      %dma_start3A_103 = tpu.memref_squeeze %dma_start3A_102 : memref<1x64x128xi32, #tpu.memory_space<hbm>> -> memref<64x128xi32, #tpu.memory_space<hbm>>
      %dma_start3A_104 = arith.constant 0 : i32
      %dma_start3A_105 = arith.constant 0 : i32
      %dma_start3A_106 = tpu.memref_slice %arg11[%dma_start3A_104, %dma_start3A_105] : memref<128x128xi32, #tpu.memory_space<vmem>> -> memref<64x128xi32, #tpu.memory_space<vmem>>
      tpu.enqueue_dma source(%dma_start3A_106 : memref<64x128xi32, #tpu.memory_space<vmem>>) target(%dma_start3A_103 : memref<64x128xi32, #tpu.memory_space<hbm>>) target_semaphore(%run_scoped3A : memref<!tpu.dma_semaphore, #tpu.memory_space<semaphore_mem>>)
      %dma_wait3A = arith.constant 0 : i32
      %dma_wait3A_107 = arith.constant 0 : i32
      %dma_wait3A_108 = tpu.memref_slice %arg11[%dma_wait3A, %dma_wait3A_107] : memref<128x128xi32, #tpu.memory_space<vmem>> -> memref<64x128xi32, #tpu.memory_space<vmem>>
      %dma_wait3A_109 = arith.constant 0 : i32
      %dma_wait3A_110 = tpu.memref_slice %arg4[%arg0, %add3A_95, %dma_wait3A_109] : memref<2x5120x128xi32, #tpu.memory_space<hbm>> -> memref<1x64x128xi32, #tpu.memory_space<hbm>>
      %dma_wait3A_111 = tpu.memref_squeeze %dma_wait3A_110 : memref<1x64x128xi32, #tpu.memory_space<hbm>> -> memref<64x128xi32, #tpu.memory_space<hbm>>
      %dma_wait3A_112 = arith.constant 0 : i32
      %dma_wait3A_113 = tpu.memref_slice %arg4[%arg0, %add3A_95, %dma_wait3A_112] : memref<2x5120x128xi32, #tpu.memory_space<hbm>> -> memref<1x64x128xi32, #tpu.memory_space<hbm>>
      %dma_wait3A_114 = tpu.memref_squeeze %dma_wait3A_113 : memref<1x64x128xi32, #tpu.memory_space<hbm>> -> memref<64x128xi32, #tpu.memory_space<hbm>>
      %dma_wait3A_115 = arith.constant 0 : i32
      %dma_wait3A_116 = arith.constant 0 : i32
      %dma_wait3A_117 = tpu.memref_slice %arg11[%dma_wait3A_115, %dma_wait3A_116] : memref<128x128xi32, #tpu.memory_space<vmem>> -> memref<64x128xi32, #tpu.memory_space<vmem>>
      tpu.wait_dma2 semaphore(%run_scoped3A : memref<!tpu.dma_semaphore, #tpu.memory_space<semaphore_mem>>) src(%dma_wait3A_117 : memref<64x128xi32, #tpu.memory_space<vmem>>) dst(%dma_wait3A_114 : memref<64x128xi32, #tpu.memory_space<hbm>>)
      tpu.yield
    }) : () -> ()
    return
  }
}

</mosaic_0001>

<sc_bundles>
// kernel: _spmm2.3.cloned.1.call-start
scs
__scs_entry_jumppad:
0x0: {  	(pc) =	sbr.rel $0x88, $3  }
0x1: {  	(tag) =	ssettag $0x0;
	lr =	simm.s32 $0x1  }
0x2: {  	[smem:$0x3F9F] =	sst lr;
	_ =	strace $0xD0000000  }
0x3: {  	_ = 	snop  }
0x4: {  	_ = 	snop  }
0x5: {  	_ = 	snop  }
0x6: {  	_ = 	snop  }
0x7: {  	_ = 	snop  }
__scs_overlays_trampoline_lowered:
0x8: {  	[smem:$0x3FAE] =	sst s0  }
0x9: {  	[smem:$0x3FAF] =	sst s1  }
0xa: {  	[smem:$0x3FB0] =	sst s2  }
0xb: {  	[smem:$0x3FB1] =	sst s3  }
0xc: {  	[smem:$0x3FB2] =	sst s4  }
0xd: {  	[smem:$0x3FB3] =	sst s5  }
0xe: {  	[smem:$0x3FB4] =	sst s6  }
0xf: {  	[smem:$0x3FB5] =	sst s7  }
0x10: {  	[smem:$0x3FB6] =	sst s8  }
0x11: {  	[smem:$0x3FB7] =	sst s9;
	s0 =	simm.s32 @!p0 $0x0  }
0x12: {  	s1 =	sld [smem:$0x3F9D];
	s0 =	simm.s32 @p0 $0x1  }
0x13: {  	[smem:$0x3FB8] =	sst s0;
	s0 =	simm.s32 @!p1 $0x0  }
0x14: {  	s2 =	sld [smem:$0x3F9C];
	s0 =	simm.s32 @p1 $0x1  }
0x15: {  	[smem:$0x3FB9] =	sst s0;
	s0 =	simm.s32 @!p2 $0x0  }
0x16: {  	s3 =	sld [smem:$0x3FDB];
	s0 =	simm.s32 @p2 $0x1  }
0x17: {  	s4 =	simm.s32 $0x1BF5;
	[smem:$0x3FBB] =	sst s0  }
0x18: {  	s0 =	sld [smem:$0x3F9E];
	_ =	swait.ge [sflag:s4], $0x0  }
0x19: {  	s7 =	sld [smem:$0x3F9F]  }
0x1a: {  	s8 =	sadd.s32 $0xFFFFE003, lr  }
0x1b: {  	s9 =	sadd.s32 $0xFFFFFEF7, lr;
	s5 =	simm.s32 $0xFFFFFFFF;
	p2 =	slt.u32 s8, $0xFFFFF086  }
0x1c: {  	p1 =	slt.u32 s9, $0xF7A;
	s5 =	simm.s32 @!p2 $0x0  }
0x1d: {  	s5 =	simm.s32 @p1 $0x1;
	p0 =	seq.s32 s7, s2  }
0x1e: {  	s7 =	smul.u32 @!p0 $0xF7A, s2;
	p2 =	seq.s32 @!p0 s5, $0x0  }
0x1f: {  	s9 =	smul.u32 $0xF7A, s1;
	s8 =	simm.s32 @!p0 $0x1BF5;
	p2 =	por !p2, p0  }
0x20: {  	[sflag:s8] =	ssyncset.s32 @!p0 $0xFFFFF086;
	s6 =	sadd.s32 @!p0 s3, s7;
	s7 =	simm.s32 @!p0 $0x108  }
0x21: {  	s3 =	sadd.s32 s3, s9;
	s6 =	sadd.s32 @!p0 $0x88, s6;
	s7 =	simm.s32 @p2 $0x1082  }
0x22: {  	[simem:s7], [sflag:s8] =	dma.local @!p0 [hbm:s6], $0xF7A  }
0x23: {  	s9 =	sor.u32 $0xD0000000, s2;
	s6 =	simm.s32 $0x108;
	_ =	swait.ge @!p0 [sflag:s8], $0x0  }
0x24: {  	s3 =	sadd.s32 $0x88, s3;
	s6 =	simm.s32 @!p1 $0x1082;
	[sflag:s4] =	ssyncset.s32 $0xFFFFF086  }
0x25: {  	[simem:s6], [sflag:s4] =	dma.local [hbm:s3], $0xF7A  }
0x26: {  	[smem:$0x3F9F] =	sst s1;
	(tag) =	ssettag s2;
	_ =	strace s9  }
0x27: {  	s1 =	sld [smem:$0x3FAF]  }
0x28: {  	s2 =	sld [smem:$0x3FB0]  }
0x29: {  	s4 =	sld [smem:$0x3FB2]  }
0x2a: {  	p0 =	seq.s32 s5, $0x0;
	s5 =	sld [smem:$0x3FB3]  }
0x2b: {  	s6 =	sld [smem:$0x3FB4]  }
0x2c: {  	s7 =	sld [smem:$0x3FB5]  }
0x2d: {  	s3 =	simm.s32 $0x108;
	s8 =	sld [smem:$0x3FB6]  }
0x2e: {  	s3 =	simm.s32 @!p0 $0x1082;
	s9 =	sld [smem:$0x3FB7]  }
0x2f: {  	lr =	sadd.s32 s0, s3;
	s0 =	sld [smem:$0x3FAE]  }
0x30: {  	s3 =	sld [smem:$0x3FB1]  }
0x31: {  	[smem:$0x3FBA] =	sst s10  }
0x32: {  	s10 =	sld [smem:$0x3FB8];
	_ =	sdelay $0x3  }
0x33: {  	p0 =	seq.s32 s10, $0x1;
	s10 =	sld [smem:$0x3FBA];
	_ =	sdelay $0x3  }
0x34: {  	[smem:$0x3FBA] =	sst s10  }
0x35: {  	s10 =	sld [smem:$0x3FB9];
	_ =	sdelay $0x3  }
0x36: {  	p1 =	seq.s32 s10, $0x1;
	s10 =	sld [smem:$0x3FBA];
	_ =	sdelay $0x3  }
0x37: {  	[smem:$0x3FBA] =	sst s10  }
0x38: {  	s10 =	sld [smem:$0x3FBB]  }
0x39: {  	_ = 	snop;
	(pc) =	sbr.ind lr, $3  }
0x3a: {  	_ = 	snop  }
0x3b: {  	_ = 	snop  }
0x3c: {  	p2 =	seq.s32 s10, $0x1;
	s10 =	sld [smem:$0x3FBA]  }
0x3d: {  	_ =	shalt  }
0x3e: {  	_ =	shalt  }
0x3f: {  	_ =	shalt  }
0x40: {  	_ =	shalt  }
0x41: {  	_ =	shalt  }
0x42: {  	_ =	shalt  }
0x43: {  	_ =	shalt  }
0x44: {  	_ =	shalt  }
0x45: {  	_ =	shalt  }
0x46: {  	_ =	shalt  }
0x47: {  	_ =	shalt  }
0x48: {  	_ =	shalt  }
0x49: {  	_ =	shalt  }
0x4a: {  	_ =	shalt  }
0x4b: {  	_ =	shalt  }
0x4c: {  	_ =	shalt  }
0x4d: {  	_ =	shalt  }
0x4e: {  	_ =	shalt  }
0x4f: {  	_ =	shalt  }
0x50: {  	_ =	shalt  }
0x51: {  	_ =	shalt  }
0x52: {  	_ =	shalt  }
0x53: {  	_ =	shalt  }
0x54: {  	_ =	shalt  }
0x55: {  	_ =	shalt  }
0x56: {  	_ =	shalt  }
0x57: {  	_ =	shalt  }
0x58: {  	_ =	shalt  }
0x59: {  	_ =	shalt  }
0x5a: {  	_ =	shalt  }
0x5b: {  	_ =	shalt  }
0x5c: {  	_ =	shalt  }
0x5d: {  	_ =	shalt  }
0x5e: {  	_ =	shalt  }
0x5f: {  	_ =	shalt  }
0x60: {  	_ =	shalt  }
0x61: {  	_ =	shalt  }
0x62: {  	_ =	shalt  }
0x63: {  	_ =	shalt  }
0x64: {  	_ =	shalt  }
0x65: {  	_ =	shalt  }
0x66: {  	_ =	shalt  }
0x67: {  	_ =	shalt  }
0x68: {  	_ =	shalt  }
0x69: {  	_ =	shalt  }
0x6a: {  	_ =	shalt  }
0x6b: {  	_ =	shalt  }
0x6c: {  	_ =	shalt  }
0x6d: {  	_ =	shalt  }
0x6e: {  	_ =	shalt  }
0x6f: {  	_ =	shalt  }
0x70: {  	_ =	shalt  }
0x71: {  	_ =	shalt  }
0x72: {  	_ =	shalt  }
0x73: {  	_ =	shalt  }
0x74: {  	_ =	shalt  }
0x75: {  	_ =	shalt  }
0x76: {  	_ =	shalt  }
0x77: {  	_ =	shalt  }
0x78: {  	_ =	shalt  }
0x79: {  	_ =	shalt  }
0x7a: {  	_ =	shalt  }
0x7b: {  	_ =	shalt  }
0x7c: {  	_ =	shalt  }
0x7d: {  	_ =	shalt  }
0x7e: {  	_ =	shalt  }
0x7f: {  	_ =	shalt  }
0x80: {  	_ =	shalt  }
0x81: {  	_ =	shalt  }
0x82: {  	_ =	shalt  }
0x83: {  	_ =	shalt  }
0x84: {  	_ =	shalt  }
0x85: {  	_ =	shalt  }
0x86: {  	_ =	shalt  }
0x87: {  	_ =	shalt  }
.Lfunc_end0:
.L_simem_size_0:
called_computation_lowered:
.L_overlay_start_0:
0x88: {  	s2 =	sld [smem:$0x3FD9]  }
0x89: {  	s3 =	sld [smem:$0x3FFE];
	_ =	sdelay $0x1  }
0x8a: {  	s1 =	srdreg.scid  }
0x8b: {  	s0 =	sand.u32 $0x1, s1  }
0x8c: {  	s18 =	sshll.u32 s0, $0xA;
	s2 =	sadd.s32 s3, s2  }
0x8d: {  	s2 =	sadd.s32 s2, s18  }
0x8e: {  	[smem:$0x3FC6] =	sst s2  }
0x8f: {  	_ = 	snop  }
0x90: {  	s2 =	sld [smem:$0x3FC9]  }
0x91: {  	s19 =	sld [smem:$0x3FC8]  }
0x92: {  	s4 =	sld [smem:$0x3FD0];
	(tm) =	ssettm $0x1  }
0x93: {  	s5 =	sld [smem:$0x3FFB];
	_ =	sdelay $0x3  }
0x94: {  	_ =	strace s5  }
0x95: {  	s5 =	sld [smem:$0x3FFC];
	_ =	sdelay $0x3  }
0x96: {  	_ =	strace s5  }
0x97: {  	s5 =	sld [smem:$0x3FFD];
	_ =	sdelay $0x3  }
0x98: {  	_ =	strace s5  }
0x99: {  	_ =	strace $0x8FFFFFFF  }
0x9a: {  	s20 =	sld [smem:$0x3FDB];
	_ =	sdelay $0x1  }
0x9b: {  	s6 =	simm.s32 $_scs_section_size  }
0x9c: {  	s7 =	simm.s32 $_size__tile_overlayer_lowered;
	s8 =	simm.s32 $_tile_overlayer_lowered  }
0x9d: {  	s23 =	simm.s32 $0x1BFF;
	s22 =	sshll.u32 s8, $0x1;
	s5 =	sadd.s32 s6, s20  }
0x9e: {  	s9 =	simm.s32 $0x0;
	s21 =	sshll.u32 s7, $0x1;
	s7 =	sadd.s32 s22, s5  }
0x9f: {  	[timem:s9], [sflag:s23] =	dma.local [hbm:s7], s21  }
0xa0: {  	_ =	swait.ge [sflag:s23], s21  }
0xa1: {  	s6 =	ssub.s32 $0x0, s21;
	[sflag:s23] =	ssyncset.done $0x0  }
0xa2: {  	[sflag:s23] =	ssyncadd.s32 s6;
	_ =	sdelay $0x1  }
0xa3: {  	s24 =	simm.s32 $0x1B8B  }
0xa4: {  	_ =	swait.ge [sflag:s24], $0x1  }
0xa5: {  	[sflag:s24] =	ssyncset.done $0x0  }
0xa6: {  	s25 =	simm.s32 $0x1B8E;
	[sflag:s24] =	ssyncadd.s32 $0xFFFFFFFF  }
0xa7: {  	s26 =	simm.s32 $execute0_lowered;
	[smem:$0x3FD2] =	sst s25  }
0xa8: {  	s6 =	sshll.u32 s26, $0x1;
	_ =	strace $0x80000046;
	[dreg:$0x1] =	wrdreg $0xFFFFFFFF  }
0xa9: {  	s28 =	simm.s32 $_size_execute0_lowered;
	s5 =	sadd.s32 s5, s6;
	[dreg:$0x0] =	wrdreg $0x0  }
0xaa: {  	s6 =	sshll.u32 s28, $0x1;
	[dreg:$0x2] =	wrdreg s5  }
0xab: {  	[dreg:$0x3] =	wrdreg s6  }
0xac: {  	[dreg:$0x4] =	wrdreg $0xC0  }
0xad: {  	_ =	task [dreg:s9], $0x5FFFF  }
0xae: {  	[dreg:$0x1] =	wrdreg $0xFFFFFFFF  }
0xaf: {  	[dreg:$0x0] =	wrdreg $0x60  }
0xb0: {  	[dreg:$0x2] =	wrdreg s19  }
0xb1: {  	[dreg:$0x3] =	wrdreg s2  }
0xb2: {  	[dreg:$0x4] =	wrdreg s4  }
0xb3: {  	[dreg:$0x5] =	wrdreg $0x18E800  }
0xb4: {  	[dreg:$0x6] =	wrdreg $0x9  }
0xb5: {  	_ =	task.clear_ibuf [dreg:s9], $0x7FFFF;
	_ =	strace $0x90000046  }
0xb6: {  	s29 =	simm.s32 $0x9;
	_ =	strace $0x80000048  }
0xb7: {  	_ =	swait.ge [sflag:s29], $0x1  }
0xb8: {  	[sflag:s29] =	ssyncadd.s32 $0xFFFFFFFF  }
0xb9: {  	_ =	strace $0x90000048  }
0xba: {  	_ =	sfence  }
0xbb: {  	s30 =	sld [smem:$0x0];
	_ =	sdelay $0x2  }
0xbc: {  	s31 =	sshll.u32 s1, $0xD;
	s1 =	sshrl.u32 s1, $0x2  }
0xbd: {  	s3 =	sand.u32 $0x4000, s31;
	s1 =	sadd.s32 s1, s30  }
0xbe: {  	s0 =	sor.u32 s3, s0;
	s1 =	sshll.u32 s1, $0x11  }
0xbf: {  	s0 =	sor.u32 s1, s0  }
0xc0: {  	s0 =	sadd.s32 $0x8F2B, s0  }
0xc1: {  	[sflag:s0] =	ssyncadd.remote.s32 $0x1  }
0xc2: {  	_ =	sfence.sel $0xFFFF  }
0xc3: {  	[dreg:$0x0] =	wrdreg $0xFFFFFFFF;
	(pc) =	sbr.abs _section_cstart, $3  }
0xc4: {  	[dreg:$0x1] =	wrdreg $0xFFFFFFFF  }
0xc5: {  	_ =	task.clear_ibuf [dreg:s9], $0x2FFFF;
	_ =	strace $0x9FFFFFFF  }
0xc6: {  	(tm) =	ssettm $0x7FFFFFFF  }
0xc7: {  	_ =	shalt  }
tec
execute0_lowered:
.L_overlay_start_1:
0x0: {  	(tag) =	ssettag $0x1  }
0x1: {  	s1 =	rddreg [dreg:$0x0]  }
0x2: {  	s0 =	rddreg [dreg:$0x1]  }
0x3: {  	s3 =	rddreg [dreg:$0x2]  }
0x4: {  	s2 =	rddreg [dreg:$0x3];
	s4 =	srdreg.scid  }
0x5: {  	s11 =	stileid.u32;
	s15 =	simm.s32 $0xE80;
	s16 =	simm.s32 $0x3  }
0x6: {  	s17 =	simm.s32 $0x80;
	s18 =	simm.s32 $0x100;
	s7 =	smul.u32 $0x7000, s11  }
0x7: {  	s19 =	simm.s32 $0xC00;
	s20 =	simm.s32 $0xC80;
	s24 =	smul.u32 $0x1C000, s11  }
0x8: {  	s5 =	sand.u32 $0x1, s4;
	s4 =	simm.s32 $0x0;
	s21 =	smul.u32 $0x140, s11  }
0x9: {  	s22 =	simm.s32 $0xD80;
	s11 =	smul.u32 $0xA000, s11;
	[smem:$0x7FF] =	sst s4  }
0xa: {  	s10 =	smul.u32 $0xA0000, s5;
	s6 =	ssub.s32 $0x2, s5;
	_ =	strace $0x80000047  }
0xb: {  	s8 =	sshrl.u32 s6, $0x1;
	s9 =	sadd.s32 $0x4000, s7;
	s25 =	sshrl.u32 s24, $0x2  }
0xc: {  	s24 =	sadd.s32 $0x140, s21;
	v0 =	vmov s21;
	s21 =	simm.s32 $0xD00;
	s14 =	ssub.s32 s6, s8  }
0xd: {  	s23 =	sadd.s32 s7, s10;
	s26 =	sadd.s32 s10, s9;
	s28 =	sadd.s32 s25, s2  }
0xe: {  	s8 =	sadd.s32 s9, s2;
	s11 =	sadd.s32 s11, s10;
	s9 =	sshll.u32 s5, $0x7  }
0xf: {  	s31 =	sshrl.u32 s10, $0x3;
	v1 =	vmov s24;
	s24 =	simm.s32 $0x1;
	s25 =	simm.s32 $0x2  }
0x10: {  	s6 =	sshrl.u32 s23, $0x3;
	[dreg:$0x6] =	wrdreg s28;
	s29 =	sshrl.u32 s26, $0x3  }
0x11: {  	s11 =	sshrl.u32 s11, $0x3;
	s10 =	sadd.s32 s0, s31;
	s14 =	smax.u32 s14, $0x1  }
0x12: {  	s23 =	simm.s32 $0xE00;
	s26 =	simm.s32 $0x0;
	s6 =	sadd.s32 s0, s6  }
0x13: {  	s30 =	sadd.s32 s0, s29;
	s11 =	sadd.s32 s3, s11;
	[dreg:$0x5] =	wrdreg s6  }
0x14: {  	v2 =	vimm.f32 $0.0e+00;
	v3 =	vimm.s32 $0x0;
	[dreg:$0x7] =	wrdreg s30;
	s12 =	sadd.s32 $0x800, s11;
	s13 =	sadd.s32 $0x1000, s11  }
.LBB2_1:
0x15: {  	s0 =	rddreg [dreg:$0x5]  }
0x16: {  	[tilespmem:s15], [sflag:$0x3] =	stream.linear.gather [hbm4b:s0+s4], $0x4000, $0x38;
	[tilespmem:$0x1FE80] =	vst v63  }
0x17: {  	_ =	swait.ge [sflag:s16], $0x4000  }
0x18: {  	[sflag:s16] =	ssyncset.done $0x0  }
0x19: {  	s7 =	rddreg [dreg:$0x6];
	[sflag:s16] =	ssyncadd.s32 $0xFFFFC000  }
0x1a: {  	[spmem:s7] =	stream.linear.scatter [tilespmem:s15], [sflag:$0x3], $0x4000, $0x38;
	[tilespmem:$0x1FE80] =	vst v63  }
0x1b: {  	_ =	swait.ge [sflag:s16], $0x4000  }
0x1c: {  	[sflag:s16] =	ssyncset.done $0x0  }
0x1d: {  	s30 =	rddreg [dreg:$0x7];
	[sflag:s16] =	ssyncadd.s32 $0xFFFFC000  }
0x1e: {  	[tilespmem:s15], [sflag:$0x3] =	stream.linear.gather [hbm4b:s30+s4], $0x3000, $0x38;
	[tilespmem:$0x1FE80] =	vst v63  }
0x1f: {  	_ =	swait.ge [sflag:s16], $0x3000  }
0x20: {  	[sflag:s16] =	ssyncset.done $0x0  }
0x21: {  	[sflag:s16] =	ssyncadd.s32 $0xFFFFD000  }
0x22: {  	[spmem:s8] =	stream.linear.scatter [tilespmem:s15], [sflag:$0x3], $0x3000, $0x38;
	[tilespmem:$0x1FE80] =	vst v63  }
0x23: {  	_ =	swait.ge [sflag:s16], $0x3000  }
0x24: {  	s31 =	sand.u32 $0x1F800, s4;
	s3 =	sand.u32 $0x380, s4;
	[sflag:s16] =	ssyncset.done $0x0  }
0x25: {  	s0 =	sor.u32 s3, s31;
	[sflag:s16] =	ssyncadd.s32 $0xFFFFD000  }
0x26: {  	[tilespmem:s0+$0x52F0] =	vst v2  }
0x27: {  	[tilespmem:s0+$0x4E80] =	vst v2  }
0x28: {  	[tilespmem:s0+$0x4E90] =	vst v2  }
0x29: {  	[tilespmem:s0+$0x4EA0] =	vst v2  }
0x2a: {  	[tilespmem:s0+$0x4EB0] =	vst v2  }
0x2b: {  	[tilespmem:s0+$0x4EC0] =	vst v2  }
0x2c: {  	[tilespmem:s0+$0x4ED0] =	vst v2  }
0x2d: {  	[tilespmem:s0+$0x4EE0] =	vst v2  }
0x2e: {  	[tilespmem:s0+$0x4EF0] =	vst v2  }
0x2f: {  	[tilespmem:s0+$0x5280] =	vst v2  }
0x30: {  	[tilespmem:s0+$0x5290] =	vst v2  }
0x31: {  	[tilespmem:s0+$0x52A0] =	vst v2  }
0x32: {  	[tilespmem:s0+$0x52B0] =	vst v2  }
0x33: {  	s5 =	simm.s32 $0x100;
	s3 =	simm.s32 $0x80;
	[tilespmem:s0+$0x52C0] =	vst v2  }
0x34: {  	s28 =	sand.u32 $0x1F800, s5;
	s5 =	simm.s32 $0x200;
	s29 =	sand.u32 $0x380, s3;
	[tilespmem:s0+$0x52D0] =	vst v2  }
.LBB2_2:
0x35: {  	p0 =	sne.s32 s5, $0x13F00;
	[tilespmem:s0+$0x52E0] =	vst v2;
	s0 =	sor.u32 s29, s28  }
0x36: {  	[tilespmem:s0+$0x52F0] =	vst v2  }
0x37: {  	[tilespmem:s0+$0x4E80] =	vst v2  }
0x38: {  	[tilespmem:s0+$0x4E90] =	vst v2  }
0x39: {  	[tilespmem:s0+$0x4EA0] =	vst v2  }
0x3a: {  	[tilespmem:s0+$0x4EB0] =	vst v2  }
0x3b: {  	[tilespmem:s0+$0x4EC0] =	vst v2  }
0x3c: {  	[tilespmem:s0+$0x4ED0] =	vst v2  }
0x3d: {  	[tilespmem:s0+$0x4EE0] =	vst v2  }
0x3e: {  	[tilespmem:s0+$0x4EF0] =	vst v2  }
0x3f: {  	[tilespmem:s0+$0x5280] =	vst v2  }
.Ltmp0:
0x40: {  	[tilespmem:s0+$0x5290] =	vst v2;
	(pc) =	sbr.rel @p0 .LBB2_2-.Ltmp0, $4  }
0x41: {  	[tilespmem:s0+$0x52A0] =	vst v2  }
0x42: {  	[tilespmem:s0+$0x52B0] =	vst v2  }
0x43: {  	s3 =	sadd.s32 $0x80, s3;
	[tilespmem:s0+$0x52C0] =	vst v2  }
0x44: {  	s28 =	sand.u32 $0x1F800, s5;
	s5 =	sadd.s32 $0x100, s5;
	s29 =	sand.u32 $0x380, s3;
	[tilespmem:s0+$0x52D0] =	vst v2  }
0x45: {  	s3 =	sor.u32 s29, s28;
	[tilespmem:s0+$0x52E0] =	vst v2  }
0x46: {  	[tilespmem:s3+$0x52F0] =	vst v2  }
0x47: {  	[tilespmem:s3+$0x4E80] =	vst v2  }
0x48: {  	[tilespmem:s3+$0x4E90] =	vst v2  }
0x49: {  	[tilespmem:s3+$0x4EA0] =	vst v2  }
0x4a: {  	[tilespmem:s3+$0x4EB0] =	vst v2  }
0x4b: {  	[tilespmem:s3+$0x4EC0] =	vst v2  }
0x4c: {  	[tilespmem:s3+$0x4ED0] =	vst v2  }
0x4d: {  	[tilespmem:s3+$0x4EE0] =	vst v2  }
0x4e: {  	[tilespmem:s3+$0x4EF0] =	vst v2  }
0x4f: {  	[tilespmem:s3+$0x5280] =	vst v2  }
0x50: {  	[tilespmem:s3+$0x5290] =	vst v2  }
0x51: {  	[tilespmem:s3+$0x52A0] =	vst v2  }
0x52: {  	[tilespmem:s3+$0x52B0] =	vst v2  }
0x53: {  	[tilespmem:s3+$0x52C0] =	vst v2  }
0x54: {  	[tilespmem:s3+$0x52D0] =	vst v2  }
0x55: {  	[tilespmem:s3+$0x52E0] =	vst v2  }
0x56: {  	[tilespmem:$0xC00] =	vst v3  }
0x57: {  	[tilespmem:$0xD00] =	vst v3  }
0x58: {  	[tilespmem:$0xC80] =	vst v2  }
0x59: {  	[tilespmem:$0xC10] =	vst v3  }
0x5a: {  	[tilespmem:$0xD10] =	vst v3  }
0x5b: {  	[tilespmem:$0xC90] =	vst v2  }
0x5c: {  	[tilespmem:$0xC20] =	vst v3  }
0x5d: {  	[tilespmem:$0xD20] =	vst v3  }
0x5e: {  	[tilespmem:$0xCA0] =	vst v2  }
0x5f: {  	[tilespmem:$0xC30] =	vst v3  }
0x60: {  	[tilespmem:$0xD30] =	vst v3  }
0x61: {  	[tilespmem:$0xCB0] =	vst v2  }
0x62: {  	[tilespmem:$0xC40] =	vst v3  }
0x63: {  	[tilespmem:$0xD40] =	vst v3  }
0x64: {  	[tilespmem:$0xCC0] =	vst v2  }
0x65: {  	[tilespmem:$0xC50] =	vst v3  }
0x66: {  	[tilespmem:$0xD50] =	vst v3  }
0x67: {  	[tilespmem:$0xCD0] =	vst v2  }
0x68: {  	[tilespmem:$0xC60] =	vst v3  }
0x69: {  	[tilespmem:$0xD60] =	vst v3  }
0x6a: {  	[tilespmem:$0xCE0] =	vst v2  }
.Ltmp1:
0x6b: {  	[tilespmem:$0xC70] =	vst v3;
	(pc) =	sbr.rel .LBB2_4-.Ltmp1, $4  }
0x6c: {  	[tilespmem:$0xD70] =	vst v3  }
0x6d: {  	[tilespmem:$0xCF0] =	vst v2  }
0x6e: {  	[bflag:$0x0] =	sbarrier.arrive $0xFFFF  }
0x6f: {  	s28 =	simm.s32 $0x0;
	s31 =	simm.s32 $0x0;
	s29 =	simm.s32 $0x0  }
.LBB2_9:
0x70: {  	s29 =	sadd.s32 $0x1, s29  }
0x71: {  	p0 =	sne.s32 s29, $0x50  }
.Ltmp2:
0x72: {  	_ = 	snop;
	(pc) =	sbr.rel @!p0 .LBB2_10-.Ltmp2, $1  }
0x73: {  	_ =	sdelay $0x3  }
.LBB2_4:
0x74: {  	s0 =	smul.u32 $0x1800, s29;
	_ =	sdelay $0x1  }
0x75: {  	s0 =	sor.u32 s9, s0  }
0x76: {  	s0 =	sshrl.u32 s0, $0x3  }
.Ltmp3:
0x77: {  	s0 =	sadd.s32 s1, s0;
	(pc) =	sbr.rel .LBB2_5-.Ltmp3, $4  }
0x78: {  	[tilespmem:s28], [sflag:$0x3] =	stream.strided.gather [hbm4b:s0+s17], $0xC00, s18, s17, $0x38;
	[tilespmem:$0x1FE80] =	vst v63  }
0x79: {  	_ =	swait.ge [sflag:s16], $0xC00  }
0x7a: {  	[sflag:s16] =	ssyncset.done $0x0  }
0x7b: {  	s30 =	simm.s32 $0x0;
	[sflag:s16] =	ssyncadd.s32 $0xFFFFF400  }
.LBB2_8:
0x7c: {  	s30 =	sadd.s32 $0x1, s30  }
0x7d: {  	p0 =	sne.s32 s30, $0x40  }
.Ltmp4:
0x7e: {  	_ = 	snop;
	(pc) =	sbr.rel @!p0 .LBB2_9-.Ltmp4, $1  }
0x7f: {  	_ =	sdelay $0x3  }
.LBB2_5:
0x80: {  	s0 =	sshll.u32 s30, $0x4  }
0x81: {  	v4 =	vld [tilespmem:s0+$0x0];
	_ =	sdelay $0x4  }
0x82: {  	vm0 =	vge.s32 v4, v0;
	vm1 =	vlt.s32 v4, v1  }
0x83: {  	vm0 =	vmand vm0, vm1  }
0x84: {  	v5 =	vsel vm0, $0x1, v3  }
0x85: {  	(xrf0) =	vadd.scan.msk.s32 $0xffff, v5;
	_ =	sdelay $0x5  }
0x86: {  	v5, _, _ =	vpop (xrf0)  }
0x87: {  	(v2sf) =	vpush v5, $0xF;
	_ =	sdelay $0x5  }
0x88: {  	v6 =	vmov s31  }
0x89: {  	v6 =	vadd.s32 $0xFFFFFFFF, v6  }
0x8a: {  	v6 =	vbroadcast v6, $0x0  }
0x8b: {  	s0 =	sand.u32 $0x3F0, s0  }
0x8c: {  	v63 =	vld [tilespmem:s0+$0x400];
	v5 =	vadd.s32 v5, v6;
	_ =	sdelay $0x4  }
0x8d: {  	[tilespmem:v5+s19+$0x0] =	vst.idx.msk vm0, v63;
	s7 =	spop (v2sf)  }
0x8e: {  	v6 =	vld [tilespmem:s0+$0x800];
	s31 =	sadd.s32 s31, s7  }
0x8f: {  	p0 =	slt.s32 s31, $0x70  }
.Ltmp5:
0x90: {  	_ = 	snop;
	(pc) =	sbr.rel @p0 .LBB2_8-.Ltmp5, $3  }
0x91: {  	_ =	sdelay $0x1  }
0x92: {  	v4 =	vsub.s32 v4, v0;
	[tilespmem:v5+s20+$0x0] =	vst.idx.msk vm0, v6  }
0x93: {  	[tilespmem:v5+s21+$0x0] =	vst.idx.msk vm0, v4  }
0x94: {  	v4 =	vld [tilespmem:$0xC00];
	_ =	sdelay $0x1  }
0x95: {  	v5 =	vld [tilespmem:$0xC10];
	_ =	sdelay $0x1  }
0x96: {  	v6 =	vld [tilespmem:$0xC20]  }
0x97: {  	vm0 =	vlt.s32 v4, $0xE00  }
0x98: {  	v8 =	vld [tilespmem:$0xC30];
	v7 =	vnsel vm0, $0x1FFF, v4  }
0x99: {  	vm9 =	vlt.s32 v5, $0xE00;
	v4 =	vsel vm0, $0x1FFF, v4;
	[tilespmem:$0xD80] =	vst v7  }
0x9a: {  	v61 =	vld [tilespmem:$0xC40];
	[tilespmem:$0xE00] =	vst v4;
	v4 =	vnsel vm9, $0x1FFF, v5  }
0x9b: {  	vm10 =	vlt.s32 v6, $0xE00;
	[tilespmem:$0xD90] =	vst v4;
	v4 =	vsel vm9, $0x1FFF, v5  }
0x9c: {  	v5 =	vld [tilespmem:$0xC50];
	[tilespmem:$0xE10] =	vst v4;
	v4 =	vnsel vm10, $0x1FFF, v6  }
0x9d: {  	vm11 =	vlt.s32 v8, $0xE00;
	[tilespmem:$0xDA0] =	vst v4;
	v4 =	vsel vm10, $0x1FFF, v6  }
0x9e: {  	v62 =	vld [tilespmem:$0xC60];
	[tilespmem:$0xE20] =	vst v4;
	v4 =	vnsel vm11, $0x1FFF, v8  }
0x9f: {  	vm12 =	vlt.s32 v61, $0xE00;
	[tilespmem:$0xDB0] =	vst v4;
	v4 =	vsel vm11, $0x1FFF, v8  }
0xa0: {  	v63 =	vld [tilespmem:$0xC70];
	[tilespmem:$0xE30] =	vst v4;
	v4 =	vnsel vm12, $0x1FFF, v61  }
0xa1: {  	vm13 =	vlt.s32 v5, $0xE00;
	[tilespmem:$0xDC0] =	vst v4;
	v4 =	vsel vm12, $0x1FFF, v61  }
0xa2: {  	[tilespmem:$0xE40] =	vst v4;
	v4 =	vnsel vm13, $0x1FFF, v5  }
0xa3: {  	vm14 =	vlt.s32 v62, $0xE00;
	[tilespmem:$0xDD0] =	vst v4;
	v4 =	vsel vm13, $0x1FFF, v5  }
0xa4: {  	[tilespmem:$0xE50] =	vst v4;
	v4 =	vnsel vm14, $0x1FFF, v62  }
0xa5: {  	vm15 =	vlt.s32 v63, $0xE00;
	[tilespmem:$0xDE0] =	vst v4;
	v4 =	vsel vm14, $0x1FFF, v62  }
0xa6: {  	[tilespmem:$0xE60] =	vst v4;
	v4 =	vnsel vm15, $0x1FFF, v63  }
0xa7: {  	[tilespmem:$0xDF0] =	vst v4;
	v4 =	vsel vm15, $0x1FFF, v63  }
0xa8: {  	[tilespmem:$0xE70] =	vst v4;
	(ifvalue) =	ssetifvalue $0x1FFF  }
0xa9: {  	(ifvalue) =	ssetifvalue $0x1FFF  }
0xaa: {  	[tilespmem:s15], [sflag:$0x1] =	stream.indirect.gather [spmem:s2], $0x80, s22, s17, $0x40b8;
	[tilespmem:$0x1FE80] =	vst v63  }
0xab: {  	(ifvalue) =	ssetifvalue $0x1FFF  }
0xac: {  	(ifvalue) =	ssetifvalue $0x1FFF  }
0xad: {  	[tilespmem:s15], [sflag:$0x2] =	stream.indirect.gather [hbm4b:s10+s17], $0x80, s23, s17, $0x40b8;
	[tilespmem:$0x1FE80] =	vst v63  }
0xae: {  	_ =	swait.ge [sflag:s24], $0x4000  }
0xaf: {  	[sflag:s24] =	ssyncset.done $0x0  }
0xb0: {  	[sflag:s24] =	ssyncadd.s32 $0xFFFFC000  }
0xb1: {  	_ =	swait.ge [sflag:s25], $0x4000  }
0xb2: {  	s31 =	simm.s32 $0x0;
	[sflag:s25] =	ssyncset.done $0x0  }
0xb3: {  	s0 =	simm.s32 $0x1280;
	s3 =	simm.s32 $0x0;
	[sflag:s25] =	ssyncadd.s32 $0xFFFFC000  }
.LBB2_7:
0xb4: {  	s5 =	sshra.s32 s3, $0x2  }
0xb5: {  	v5 =	vld [tilespmem:s5+$0xD00];
	_ =	sdelay $0x4  }
0xb6: {  	(v2sf) =	vpush v5, $0x0;
	_ =	sdelay $0x9  }
0xb7: {  	v4 =	vld [tilespmem:s5+$0xC80]  }
0xb8: {  	v6 =	vld [tilespmem:s0+$0xFFFFFC00]  }
0xb9: {  	v7 =	vld [tilespmem:s0+$0xFFFFFC10]  }
0xba: {  	v10 =	vld [tilespmem:s0+$0xFFFFFC20]  }
0xbb: {  	v26 =	vld [tilespmem:s0+$0xFFFFFC30]  }
0xbc: {  	v30 =	vld [tilespmem:s0+$0xFFFFFC40];
	v8 =	vbroadcast v4, $0x0;
	s6 =	spop (v2sf)  }
0xbd: {  	v11 =	vld [tilespmem:s0+$0xFFFFFC50];
	v9 =	vunpack.i.l.bf16.f32 v6;
	s7 =	sshll.u32 s6, $0x8;
	s6 =	sshll.u32 s6, $0x7  }
0xbe: {  	v35 =	vld [tilespmem:s0+$0xFFFFFC60];
	v6 =	vunpack.i.u.bf16.f32 v6;
	v9 =	vmul.f32 v9, v8;
	s7 =	sand.u32 $0xFFFFF800, s7;
	s6 =	sand.u32 $0x380, s6  }
0xbf: {  	v12 =	vld [tilespmem:s0+$0xFFFFFC70];
	v23 =	vunpack.i.l.bf16.f32 v7;
	v6 =	vmul.f32 v6, v8;
	s6 =	sor.u32 s6, s7  }
0xc0: {  	v27 =	vunpack.i.l.bf16.f32 v10;
	v25 =	vmul.f32 v23, v8;
	[tilespmem:s6+$0x4E80] =	vst.add.f32.msk $0xffff, v9  }
0xc1: {  	v29 =	vunpack.i.u.bf16.f32 v10;
	v28 =	vmul.f32 v27, v8;
	[tilespmem:s6+$0x4E90] =	vst.add.f32.msk $0xffff, v6  }
0xc2: {  	v32 =	vunpack.i.l.bf16.f32 v26;
	v31 =	vmul.f32 v29, v8;
	[tilespmem:s6+$0x4EA0] =	vst.add.f32.msk $0xffff, v25  }
0xc3: {  	v34 =	vunpack.i.u.bf16.f32 v26;
	v33 =	vmul.f32 v32, v8;
	[tilespmem:s6+$0x4EC0] =	vst.add.f32.msk $0xffff, v28  }
0xc4: {  	v24 =	vunpack.i.u.bf16.f32 v7;
	v37 =	vunpack.i.l.bf16.f32 v30;
	v36 =	vmul.f32 v34, v8;
	[tilespmem:s6+$0x4ED0] =	vst.add.f32.msk $0xffff, v31  }
0xc5: {  	v10 =	vunpack.i.u.bf16.f32 v30;
	v7 =	vmul.f32 v37, v8;
	(v2sf) =	vpush v5, $0x1;
	[tilespmem:s6+$0x4EE0] =	vst.add.f32.msk $0xffff, v33  }
0xc6: {  	v39 =	vunpack.i.l.bf16.f32 v11;
	v38 =	vmul.f32 v10, v8;
	[tilespmem:s6+$0x4EF0] =	vst.add.f32.msk $0xffff, v36  }
0xc7: {  	v40 =	vunpack.i.u.bf16.f32 v11;
	v10 =	vmul.f32 v39, v8;
	[tilespmem:s6+$0x5280] =	vst.add.f32.msk $0xffff, v7  }
0xc8: {  	v45 =	vunpack.i.u.bf16.f32 v12;
	v41 =	vmul.f32 v40, v8;
	[tilespmem:s6+$0x5290] =	vst.add.f32.msk $0xffff, v38  }
0xc9: {  	v46 =	vmul.f32 v45, v8;
	[tilespmem:s6+$0x52A0] =	vst.add.f32.msk $0xffff, v10  }
0xca: {  	v42 =	vunpack.i.l.bf16.f32 v35;
	v6 =	vmul.f32 v24, v8;
	[tilespmem:s6+$0x52B0] =	vst.add.f32.msk $0xffff, v41  }
0xcb: {  	v9 =	vunpack.i.u.bf16.f32 v35;
	v7 =	vmul.f32 v42, v8;
	[tilespmem:s6+$0x52F0] =	vst.add.f32.msk $0xffff, v46  }
0xcc: {  	v44 =	vunpack.i.l.bf16.f32 v12;
	v43 =	vmul.f32 v9, v8;
	[tilespmem:s6+$0x4EB0] =	vst.add.f32.msk $0xffff, v6  }
0xcd: {  	v9 =	vmul.f32 v44, v8;
	[tilespmem:s6+$0x52C0] =	vst.add.f32.msk $0xffff, v7  }
0xce: {  	[tilespmem:s6+$0x52D0] =	vst.add.f32.msk $0xffff, v43  }
0xcf: {  	[tilespmem:s6+$0x52E0] =	vst.add.f32.msk $0xffff, v9  }
0xd0: {  	v6 =	vld [tilespmem:s0+$0xFFFFFC80]  }
0xd1: {  	v47 =	vld [tilespmem:s0+$0xFFFFFC90]  }
0xd2: {  	v10 =	vld [tilespmem:s0+$0xFFFFFCA0]  }
0xd3: {  	v53 =	vld [tilespmem:s0+$0xFFFFFCB0]  }
0xd4: {  	v48 =	vbroadcast v4, $0x1;
	v57 =	vld [tilespmem:s0+$0xFFFFFCC0];
	s6 =	spop (v2sf)  }
0xd5: {  	v60 =	vld [tilespmem:s0+$0xFFFFFCD0];
	v49 =	vunpack.i.l.bf16.f32 v6;
	s7 =	sshll.u32 s6, $0x8;
	s6 =	sshll.u32 s6, $0x7  }
0xd6: {  	v63 =	vld [tilespmem:s0+$0xFFFFFCE0];
	v6 =	vunpack.i.u.bf16.f32 v6;
	v9 =	vmul.f32 v49, v48;
	s7 =	sand.u32 $0xFFFFF800, s7;
	s6 =	sand.u32 $0x380, s6  }
0xd7: {  	v18 =	vld [tilespmem:s0+$0xFFFFFCF0];
	v50 =	vunpack.i.l.bf16.f32 v47;
	v6 =	vmul.f32 v6, v48;
	s6 =	sor.u32 s6, s7  }
0xd8: {  	v54 =	vunpack.i.l.bf16.f32 v10;
	v52 =	vmul.f32 v50, v48;
	[tilespmem:s6+$0x4E80] =	vst.add.f32.msk $0xffff, v9  }
0xd9: {  	v56 =	vunpack.i.u.bf16.f32 v10;
	v55 =	vmul.f32 v54, v48;
	[tilespmem:s6+$0x4E90] =	vst.add.f32.msk $0xffff, v6  }
0xda: {  	v59 =	vunpack.i.l.bf16.f32 v53;
	v58 =	vmul.f32 v56, v48;
	[tilespmem:s6+$0x4EA0] =	vst.add.f32.msk $0xffff, v52  }
0xdb: {  	v62 =	vunpack.i.u.bf16.f32 v53;
	v61 =	vmul.f32 v59, v48;
	[tilespmem:s6+$0x4EC0] =	vst.add.f32.msk $0xffff, v55  }
0xdc: {  	v17 =	vunpack.i.l.bf16.f32 v57;
	v16 =	vmul.f32 v62, v48;
	[tilespmem:s6+$0x4ED0] =	vst.add.f32.msk $0xffff, v58  }
0xdd: {  	v10 =	vunpack.i.u.bf16.f32 v57;
	v7 =	vmul.f32 v17, v48;
	(v2sf) =	vpush v5, $0x2;
	[tilespmem:s6+$0x4EE0] =	vst.add.f32.msk $0xffff, v61  }
0xde: {  	v20 =	vunpack.i.l.bf16.f32 v60;
	v19 =	vmul.f32 v10, v48;
	[tilespmem:s6+$0x4EF0] =	vst.add.f32.msk $0xffff, v16  }
0xdf: {  	v21 =	vunpack.i.u.bf16.f32 v60;
	v10 =	vmul.f32 v20, v48;
	[tilespmem:s6+$0x5280] =	vst.add.f32.msk $0xffff, v7  }
0xe0: {  	v26 =	vunpack.i.u.bf16.f32 v18;
	v22 =	vmul.f32 v21, v48;
	[tilespmem:s6+$0x5290] =	vst.add.f32.msk $0xffff, v19  }
0xe1: {  	v51 =	vunpack.i.u.bf16.f32 v47;
	v27 =	vmul.f32 v26, v48;
	[tilespmem:s6+$0x52A0] =	vst.add.f32.msk $0xffff, v10  }
0xe2: {  	v23 =	vunpack.i.l.bf16.f32 v63;
	v6 =	vmul.f32 v51, v48;
	[tilespmem:s6+$0x52B0] =	vst.add.f32.msk $0xffff, v22  }
0xe3: {  	v9 =	vunpack.i.u.bf16.f32 v63;
	v7 =	vmul.f32 v23, v48;
	[tilespmem:s6+$0x52F0] =	vst.add.f32.msk $0xffff, v27  }
0xe4: {  	v25 =	vunpack.i.l.bf16.f32 v18;
	v24 =	vmul.f32 v9, v48;
	[tilespmem:s6+$0x4EB0] =	vst.add.f32.msk $0xffff, v6  }
0xe5: {  	v9 =	vmul.f32 v25, v48;
	[tilespmem:s6+$0x52C0] =	vst.add.f32.msk $0xffff, v7  }
0xe6: {  	[tilespmem:s6+$0x52D0] =	vst.add.f32.msk $0xffff, v24  }
0xe7: {  	[tilespmem:s6+$0x52E0] =	vst.add.f32.msk $0xffff, v9  }
0xe8: {  	v6 =	vld [tilespmem:s0+$0xFFFFFD00]  }
0xe9: {  	v28 =	vld [tilespmem:s0+$0xFFFFFD10]  }
0xea: {  	v10 =	vld [tilespmem:s0+$0xFFFFFD20]  }
0xeb: {  	v34 =	vld [tilespmem:s0+$0xFFFFFD30]  }
0xec: {  	v29 =	vbroadcast v4, $0x2;
	v38 =	vld [tilespmem:s0+$0xFFFFFD40];
	s6 =	spop (v2sf)  }
0xed: {  	v41 =	vld [tilespmem:s0+$0xFFFFFD50];
	v30 =	vunpack.i.l.bf16.f32 v6;
	s7 =	sshll.u32 s6, $0x8;
	s6 =	sshll.u32 s6, $0x7  }
0xee: {  	v44 =	vld [tilespmem:s0+$0xFFFFFD60];
	v6 =	vunpack.i.u.bf16.f32 v6;
	v9 =	vmul.f32 v30, v29;
	s7 =	sand.u32 $0xFFFFF800, s7;
	s6 =	sand.u32 $0x380, s6  }
0xef: {  	v47 =	vld [tilespmem:s0+$0xFFFFFD70];
	v31 =	vunpack.i.l.bf16.f32 v28;
	v6 =	vmul.f32 v6, v29;
	s6 =	sor.u32 s6, s7  }
0xf0: {  	v35 =	vunpack.i.l.bf16.f32 v10;
	v33 =	vmul.f32 v31, v29;
	[tilespmem:s6+$0x4E80] =	vst.add.f32.msk $0xffff, v9  }
0xf1: {  	v37 =	vunpack.i.u.bf16.f32 v10;
	v36 =	vmul.f32 v35, v29;
	[tilespmem:s6+$0x4E90] =	vst.add.f32.msk $0xffff, v6  }
0xf2: {  	v40 =	vunpack.i.l.bf16.f32 v34;
	v39 =	vmul.f32 v37, v29;
	[tilespmem:s6+$0x4EA0] =	vst.add.f32.msk $0xffff, v33  }
0xf3: {  	v43 =	vunpack.i.u.bf16.f32 v34;
	v42 =	vmul.f32 v40, v29;
	[tilespmem:s6+$0x4EC0] =	vst.add.f32.msk $0xffff, v36  }
0xf4: {  	v46 =	vunpack.i.l.bf16.f32 v38;
	v45 =	vmul.f32 v43, v29;
	[tilespmem:s6+$0x4ED0] =	vst.add.f32.msk $0xffff, v39  }
0xf5: {  	v10 =	vunpack.i.u.bf16.f32 v38;
	v7 =	vmul.f32 v46, v29;
	(v2sf) =	vpush v5, $0x3;
	[tilespmem:s6+$0x4EE0] =	vst.add.f32.msk $0xffff, v42  }
0xf6: {  	v49 =	vunpack.i.l.bf16.f32 v41;
	v48 =	vmul.f32 v10, v29;
	[tilespmem:s6+$0x4EF0] =	vst.add.f32.msk $0xffff, v45  }
0xf7: {  	v50 =	vunpack.i.u.bf16.f32 v41;
	v10 =	vmul.f32 v49, v29;
	[tilespmem:s6+$0x5280] =	vst.add.f32.msk $0xffff, v7  }
0xf8: {  	v55 =	vunpack.i.u.bf16.f32 v47;
	v51 =	vmul.f32 v50, v29;
	[tilespmem:s6+$0x5290] =	vst.add.f32.msk $0xffff, v48  }
0xf9: {  	v32 =	vunpack.i.u.bf16.f32 v28;
	v56 =	vmul.f32 v55, v29;
	[tilespmem:s6+$0x52A0] =	vst.add.f32.msk $0xffff, v10  }
0xfa: {  	v52 =	vunpack.i.l.bf16.f32 v44;
	v6 =	vmul.f32 v32, v29;
	[tilespmem:s6+$0x52B0] =	vst.add.f32.msk $0xffff, v51  }
0xfb: {  	v9 =	vunpack.i.u.bf16.f32 v44;
	v7 =	vmul.f32 v52, v29;
	[tilespmem:s6+$0x52F0] =	vst.add.f32.msk $0xffff, v56  }
0xfc: {  	v54 =	vunpack.i.l.bf16.f32 v47;
	v53 =	vmul.f32 v9, v29;
	[tilespmem:s6+$0x4EB0] =	vst.add.f32.msk $0xffff, v6  }
0xfd: {  	v9 =	vmul.f32 v54, v29;
	[tilespmem:s6+$0x52C0] =	vst.add.f32.msk $0xffff, v7  }
0xfe: {  	[tilespmem:s6+$0x52D0] =	vst.add.f32.msk $0xffff, v53  }
0xff: {  	[tilespmem:s6+$0x52E0] =	vst.add.f32.msk $0xffff, v9  }
0x100: {  	v6 =	vld [tilespmem:s0+$0xFFFFFD80]  }
0x101: {  	v57 =	vld [tilespmem:s0+$0xFFFFFD90]  }
0x102: {  	v10 =	vld [tilespmem:s0+$0xFFFFFDA0]  }
0x103: {  	v63 =	vld [tilespmem:s0+$0xFFFFFDB0]  }
0x104: {  	v58 =	vbroadcast v4, $0x3;
	v14 =	vld [tilespmem:s0+$0xFFFFFDC0];
	s6 =	spop (v2sf)  }
0x105: {  	v17 =	vld [tilespmem:s0+$0xFFFFFDD0];
	v59 =	vunpack.i.l.bf16.f32 v6;
	s7 =	sshll.u32 s6, $0x8;
	s6 =	sshll.u32 s6, $0x7  }
0x106: {  	v20 =	vld [tilespmem:s0+$0xFFFFFDE0];
	v6 =	vunpack.i.u.bf16.f32 v6;
	v9 =	vmul.f32 v59, v58;
	s7 =	sand.u32 $0xFFFFF800, s7;
	s6 =	sand.u32 $0x380, s6  }
0x107: {  	v23 =	vld [tilespmem:s0+$0xFFFFFDF0];
	v60 =	vunpack.i.l.bf16.f32 v57;
	v6 =	vmul.f32 v6, v58;
	s6 =	sor.u32 s6, s7  }
0x108: {  	v11 =	vunpack.i.l.bf16.f32 v10;
	v62 =	vmul.f32 v60, v58;
	[tilespmem:s6+$0x4E80] =	vst.add.f32.msk $0xffff, v9  }
0x109: {  	v13 =	vunpack.i.u.bf16.f32 v10;
	v12 =	vmul.f32 v11, v58;
	[tilespmem:s6+$0x4E90] =	vst.add.f32.msk $0xffff, v6  }
0x10a: {  	v16 =	vunpack.i.l.bf16.f32 v63;
	v15 =	vmul.f32 v13, v58;
	[tilespmem:s6+$0x4EA0] =	vst.add.f32.msk $0xffff, v62  }
0x10b: {  	v19 =	vunpack.i.u.bf16.f32 v63;
	v18 =	vmul.f32 v16, v58;
	[tilespmem:s6+$0x4EC0] =	vst.add.f32.msk $0xffff, v12  }
0x10c: {  	v22 =	vunpack.i.l.bf16.f32 v14;
	v21 =	vmul.f32 v19, v58;
	[tilespmem:s6+$0x4ED0] =	vst.add.f32.msk $0xffff, v15  }
0x10d: {  	v10 =	vunpack.i.u.bf16.f32 v14;
	v7 =	vmul.f32 v22, v58;
	(v2sf) =	vpush v5, $0x4;
	[tilespmem:s6+$0x4EE0] =	vst.add.f32.msk $0xffff, v18  }
0x10e: {  	v25 =	vunpack.i.l.bf16.f32 v17;
	v24 =	vmul.f32 v10, v58;
	[tilespmem:s6+$0x4EF0] =	vst.add.f32.msk $0xffff, v21  }
0x10f: {  	v26 =	vunpack.i.u.bf16.f32 v17;
	v10 =	vmul.f32 v25, v58;
	[tilespmem:s6+$0x5280] =	vst.add.f32.msk $0xffff, v7  }
0x110: {  	v31 =	vunpack.i.u.bf16.f32 v23;
	v27 =	vmul.f32 v26, v58;
	[tilespmem:s6+$0x5290] =	vst.add.f32.msk $0xffff, v24  }
0x111: {  	v61 =	vunpack.i.u.bf16.f32 v57;
	v32 =	vmul.f32 v31, v58;
	[tilespmem:s6+$0x52A0] =	vst.add.f32.msk $0xffff, v10  }
0x112: {  	v28 =	vunpack.i.l.bf16.f32 v20;
	v6 =	vmul.f32 v61, v58;
	[tilespmem:s6+$0x52B0] =	vst.add.f32.msk $0xffff, v27  }
0x113: {  	v9 =	vunpack.i.u.bf16.f32 v20;
	v7 =	vmul.f32 v28, v58;
	[tilespmem:s6+$0x52F0] =	vst.add.f32.msk $0xffff, v32  }
0x114: {  	v30 =	vunpack.i.l.bf16.f32 v23;
	v29 =	vmul.f32 v9, v58;
	[tilespmem:s6+$0x4EB0] =	vst.add.f32.msk $0xffff, v6  }
0x115: {  	v9 =	vmul.f32 v30, v58;
	[tilespmem:s6+$0x52C0] =	vst.add.f32.msk $0xffff, v7  }
0x116: {  	[tilespmem:s6+$0x52D0] =	vst.add.f32.msk $0xffff, v29  }
0x117: {  	[tilespmem:s6+$0x52E0] =	vst.add.f32.msk $0xffff, v9  }
0x118: {  	v6 =	vld [tilespmem:s0+$0xFFFFFE00]  }
0x119: {  	v33 =	vld [tilespmem:s0+$0xFFFFFE10]  }
0x11a: {  	v10 =	vld [tilespmem:s0+$0xFFFFFE20]  }
0x11b: {  	v39 =	vld [tilespmem:s0+$0xFFFFFE30]  }
0x11c: {  	v34 =	vbroadcast v4, $0x4;
	v43 =	vld [tilespmem:s0+$0xFFFFFE40];
	s6 =	spop (v2sf)  }
0x11d: {  	v46 =	vld [tilespmem:s0+$0xFFFFFE50];
	v35 =	vunpack.i.l.bf16.f32 v6;
	s7 =	sshll.u32 s6, $0x8;
	s6 =	sshll.u32 s6, $0x7  }
0x11e: {  	v49 =	vld [tilespmem:s0+$0xFFFFFE60];
	v6 =	vunpack.i.u.bf16.f32 v6;
	v9 =	vmul.f32 v35, v34;
	s7 =	sand.u32 $0xFFFFF800, s7;
	s6 =	sand.u32 $0x380, s6  }
0x11f: {  	v52 =	vld [tilespmem:s0+$0xFFFFFE70];
	v36 =	vunpack.i.l.bf16.f32 v33;
	v6 =	vmul.f32 v6, v34;
	s6 =	sor.u32 s6, s7  }
0x120: {  	v40 =	vunpack.i.l.bf16.f32 v10;
	v38 =	vmul.f32 v36, v34;
	[tilespmem:s6+$0x4E80] =	vst.add.f32.msk $0xffff, v9  }
0x121: {  	v42 =	vunpack.i.u.bf16.f32 v10;
	v41 =	vmul.f32 v40, v34;
	[tilespmem:s6+$0x4E90] =	vst.add.f32.msk $0xffff, v6  }
0x122: {  	v45 =	vunpack.i.l.bf16.f32 v39;
	v44 =	vmul.f32 v42, v34;
	[tilespmem:s6+$0x4EA0] =	vst.add.f32.msk $0xffff, v38  }
0x123: {  	v48 =	vunpack.i.u.bf16.f32 v39;
	v47 =	vmul.f32 v45, v34;
	[tilespmem:s6+$0x4EC0] =	vst.add.f32.msk $0xffff, v41  }
0x124: {  	v51 =	vunpack.i.l.bf16.f32 v43;
	v50 =	vmul.f32 v48, v34;
	[tilespmem:s6+$0x4ED0] =	vst.add.f32.msk $0xffff, v44  }
0x125: {  	v10 =	vunpack.i.u.bf16.f32 v43;
	v7 =	vmul.f32 v51, v34;
	(v2sf) =	vpush v5, $0x5;
	[tilespmem:s6+$0x4EE0] =	vst.add.f32.msk $0xffff, v47  }
0x126: {  	v54 =	vunpack.i.l.bf16.f32 v46;
	v53 =	vmul.f32 v10, v34;
	[tilespmem:s6+$0x4EF0] =	vst.add.f32.msk $0xffff, v50  }
0x127: {  	v55 =	vunpack.i.u.bf16.f32 v46;
	v10 =	vmul.f32 v54, v34;
	[tilespmem:s6+$0x5280] =	vst.add.f32.msk $0xffff, v7  }
0x128: {  	v60 =	vunpack.i.u.bf16.f32 v52;
	v56 =	vmul.f32 v55, v34;
	[tilespmem:s6+$0x5290] =	vst.add.f32.msk $0xffff, v53  }
0x129: {  	v37 =	vunpack.i.u.bf16.f32 v33;
	v61 =	vmul.f32 v60, v34;
	[tilespmem:s6+$0x52A0] =	vst.add.f32.msk $0xffff, v10  }
0x12a: {  	v57 =	vunpack.i.l.bf16.f32 v49;
	v6 =	vmul.f32 v37, v34;
	[tilespmem:s6+$0x52B0] =	vst.add.f32.msk $0xffff, v56  }
0x12b: {  	v9 =	vunpack.i.u.bf16.f32 v49;
	v7 =	vmul.f32 v57, v34;
	[tilespmem:s6+$0x52F0] =	vst.add.f32.msk $0xffff, v61  }
0x12c: {  	v59 =	vunpack.i.l.bf16.f32 v52;
	v58 =	vmul.f32 v9, v34;
	[tilespmem:s6+$0x4EB0] =	vst.add.f32.msk $0xffff, v6  }
0x12d: {  	v9 =	vmul.f32 v59, v34;
	[tilespmem:s6+$0x52C0] =	vst.add.f32.msk $0xffff, v7  }
0x12e: {  	[tilespmem:s6+$0x52D0] =	vst.add.f32.msk $0xffff, v58  }
0x12f: {  	[tilespmem:s6+$0x52E0] =	vst.add.f32.msk $0xffff, v9  }
0x130: {  	v6 =	vld [tilespmem:s0+$0xFFFFFE80]  }
0x131: {  	v62 =	vld [tilespmem:s0+$0xFFFFFE90]  }
0x132: {  	v10 =	vld [tilespmem:s0+$0xFFFFFEA0]  }
0x133: {  	v17 =	vld [tilespmem:s0+$0xFFFFFEB0]  }
0x134: {  	v63 =	vbroadcast v4, $0x5;
	v21 =	vld [tilespmem:s0+$0xFFFFFEC0];
	s6 =	spop (v2sf)  }
0x135: {  	v24 =	vld [tilespmem:s0+$0xFFFFFED0];
	v13 =	vunpack.i.l.bf16.f32 v6;
	s7 =	sshll.u32 s6, $0x8;
	s6 =	sshll.u32 s6, $0x7  }
0x136: {  	v27 =	vld [tilespmem:s0+$0xFFFFFEE0];
	v6 =	vunpack.i.u.bf16.f32 v6;
	v9 =	vmul.f32 v13, v63;
	s7 =	sand.u32 $0xFFFFF800, s7;
	s6 =	sand.u32 $0x380, s6  }
0x137: {  	v30 =	vld [tilespmem:s0+$0xFFFFFEF0];
	v14 =	vunpack.i.l.bf16.f32 v62;
	v6 =	vmul.f32 v6, v63;
	s6 =	sor.u32 s6, s7  }
0x138: {  	v18 =	vunpack.i.l.bf16.f32 v10;
	v16 =	vmul.f32 v14, v63;
	[tilespmem:s6+$0x4E80] =	vst.add.f32.msk $0xffff, v9  }
0x139: {  	v20 =	vunpack.i.u.bf16.f32 v10;
	v19 =	vmul.f32 v18, v63;
	[tilespmem:s6+$0x4E90] =	vst.add.f32.msk $0xffff, v6  }
0x13a: {  	v23 =	vunpack.i.l.bf16.f32 v17;
	v22 =	vmul.f32 v20, v63;
	[tilespmem:s6+$0x4EA0] =	vst.add.f32.msk $0xffff, v16  }
0x13b: {  	v26 =	vunpack.i.u.bf16.f32 v17;
	v25 =	vmul.f32 v23, v63;
	[tilespmem:s6+$0x4EC0] =	vst.add.f32.msk $0xffff, v19  }
0x13c: {  	v29 =	vunpack.i.l.bf16.f32 v21;
	v28 =	vmul.f32 v26, v63;
	[tilespmem:s6+$0x4ED0] =	vst.add.f32.msk $0xffff, v22  }
0x13d: {  	v10 =	vunpack.i.u.bf16.f32 v21;
	v7 =	vmul.f32 v29, v63;
	(v2sf) =	vpush v5, $0x6;
	[tilespmem:s6+$0x4EE0] =	vst.add.f32.msk $0xffff, v25  }
0x13e: {  	v32 =	vunpack.i.l.bf16.f32 v24;
	v31 =	vmul.f32 v10, v63;
	[tilespmem:s6+$0x4EF0] =	vst.add.f32.msk $0xffff, v28  }
0x13f: {  	v33 =	vunpack.i.u.bf16.f32 v24;
	v10 =	vmul.f32 v32, v63;
	[tilespmem:s6+$0x5280] =	vst.add.f32.msk $0xffff, v7  }
0x140: {  	v38 =	vunpack.i.u.bf16.f32 v30;
	v34 =	vmul.f32 v33, v63;
	[tilespmem:s6+$0x5290] =	vst.add.f32.msk $0xffff, v31  }
0x141: {  	v15 =	vunpack.i.u.bf16.f32 v62;
	v39 =	vmul.f32 v38, v63;
	[tilespmem:s6+$0x52A0] =	vst.add.f32.msk $0xffff, v10  }
0x142: {  	v35 =	vunpack.i.l.bf16.f32 v27;
	v6 =	vmul.f32 v15, v63;
	[tilespmem:s6+$0x52B0] =	vst.add.f32.msk $0xffff, v34  }
0x143: {  	v9 =	vunpack.i.u.bf16.f32 v27;
	v7 =	vmul.f32 v35, v63;
	[tilespmem:s6+$0x52F0] =	vst.add.f32.msk $0xffff, v39  }
0x144: {  	v37 =	vunpack.i.l.bf16.f32 v30;
	v36 =	vmul.f32 v9, v63;
	[tilespmem:s6+$0x4EB0] =	vst.add.f32.msk $0xffff, v6  }
0x145: {  	v9 =	vmul.f32 v37, v63;
	[tilespmem:s6+$0x52C0] =	vst.add.f32.msk $0xffff, v7  }
0x146: {  	[tilespmem:s6+$0x52D0] =	vst.add.f32.msk $0xffff, v36  }
0x147: {  	[tilespmem:s6+$0x52E0] =	vst.add.f32.msk $0xffff, v9  }
0x148: {  	v6 =	vld [tilespmem:s0+$0xFFFFFF00]  }
0x149: {  	v40 =	vld [tilespmem:s0+$0xFFFFFF10]  }
0x14a: {  	v10 =	vld [tilespmem:s0+$0xFFFFFF20]  }
0x14b: {  	v46 =	vld [tilespmem:s0+$0xFFFFFF30]  }
0x14c: {  	v41 =	vbroadcast v4, $0x6;
	v50 =	vld [tilespmem:s0+$0xFFFFFF40];
	s6 =	spop (v2sf)  }
0x14d: {  	v53 =	vld [tilespmem:s0+$0xFFFFFF50];
	v42 =	vunpack.i.l.bf16.f32 v6;
	s7 =	sshll.u32 s6, $0x8;
	s6 =	sshll.u32 s6, $0x7  }
0x14e: {  	v56 =	vld [tilespmem:s0+$0xFFFFFF60];
	v6 =	vunpack.i.u.bf16.f32 v6;
	v9 =	vmul.f32 v42, v41;
	s7 =	sand.u32 $0xFFFFF800, s7;
	s6 =	sand.u32 $0x380, s6  }
0x14f: {  	v59 =	vld [tilespmem:s0+$0xFFFFFF70];
	v43 =	vunpack.i.l.bf16.f32 v40;
	v6 =	vmul.f32 v6, v41;
	s6 =	sor.u32 s6, s7  }
0x150: {  	v47 =	vunpack.i.l.bf16.f32 v10;
	v45 =	vmul.f32 v43, v41;
	[tilespmem:s6+$0x4E80] =	vst.add.f32.msk $0xffff, v9  }
0x151: {  	v49 =	vunpack.i.u.bf16.f32 v10;
	v48 =	vmul.f32 v47, v41;
	[tilespmem:s6+$0x4E90] =	vst.add.f32.msk $0xffff, v6  }
0x152: {  	v52 =	vunpack.i.l.bf16.f32 v46;
	v51 =	vmul.f32 v49, v41;
	[tilespmem:s6+$0x4EA0] =	vst.add.f32.msk $0xffff, v45  }
0x153: {  	v55 =	vunpack.i.u.bf16.f32 v46;
	v54 =	vmul.f32 v52, v41;
	[tilespmem:s6+$0x4EC0] =	vst.add.f32.msk $0xffff, v48  }
0x154: {  	v58 =	vunpack.i.l.bf16.f32 v50;
	v57 =	vmul.f32 v55, v41;
	[tilespmem:s6+$0x4ED0] =	vst.add.f32.msk $0xffff, v51  }
0x155: {  	v10 =	vunpack.i.u.bf16.f32 v50;
	v7 =	vmul.f32 v58, v41;
	(v2sf) =	vpush v5, $0x7;
	[tilespmem:s6+$0x4EE0] =	vst.add.f32.msk $0xffff, v54  }
0x156: {  	v61 =	vunpack.i.l.bf16.f32 v53;
	v60 =	vmul.f32 v10, v41;
	[tilespmem:s6+$0x4EF0] =	vst.add.f32.msk $0xffff, v57  }
0x157: {  	v62 =	vunpack.i.u.bf16.f32 v53;
	v10 =	vmul.f32 v61, v41;
	[tilespmem:s6+$0x5280] =	vst.add.f32.msk $0xffff, v7  }
0x158: {  	v16 =	vunpack.i.u.bf16.f32 v59;
	v63 =	vmul.f32 v62, v41;
	[tilespmem:s6+$0x5290] =	vst.add.f32.msk $0xffff, v60  }
0x159: {  	v44 =	vunpack.i.u.bf16.f32 v40;
	v17 =	vmul.f32 v16, v41;
	[tilespmem:s6+$0x52A0] =	vst.add.f32.msk $0xffff, v10  }
0x15a: {  	v13 =	vunpack.i.l.bf16.f32 v56;
	v6 =	vmul.f32 v44, v41;
	[tilespmem:s6+$0x52B0] =	vst.add.f32.msk $0xffff, v63  }
0x15b: {  	v9 =	vunpack.i.u.bf16.f32 v56;
	v7 =	vmul.f32 v13, v41;
	[tilespmem:s6+$0x52F0] =	vst.add.f32.msk $0xffff, v17  }
0x15c: {  	v15 =	vunpack.i.l.bf16.f32 v59;
	v14 =	vmul.f32 v9, v41;
	[tilespmem:s6+$0x4EB0] =	vst.add.f32.msk $0xffff, v6  }
0x15d: {  	v9 =	vmul.f32 v15, v41;
	[tilespmem:s6+$0x52C0] =	vst.add.f32.msk $0xffff, v7  }
0x15e: {  	[tilespmem:s6+$0x52D0] =	vst.add.f32.msk $0xffff, v14  }
0x15f: {  	[tilespmem:s6+$0x52E0] =	vst.add.f32.msk $0xffff, v9  }
0x160: {  	v6 =	vld [tilespmem:s0+$0xFFFFFF80]  }
0x161: {  	v18 =	vld [tilespmem:s0+$0xFFFFFF90]  }
0x162: {  	v10 =	vld [tilespmem:s0+$0xFFFFFFA0]  }
0x163: {  	v24 =	vld [tilespmem:s0+$0xFFFFFFB0]  }
0x164: {  	v19 =	vbroadcast v4, $0x7;
	v28 =	vld [tilespmem:s0+$0xFFFFFFC0];
	s6 =	spop (v2sf)  }
0x165: {  	v31 =	vld [tilespmem:s0+$0xFFFFFFD0];
	v20 =	vunpack.i.l.bf16.f32 v6;
	s7 =	sshll.u32 s6, $0x8;
	s6 =	sshll.u32 s6, $0x7  }
0x166: {  	v34 =	vld [tilespmem:s0+$0xFFFFFFE0];
	v6 =	vunpack.i.u.bf16.f32 v6;
	v9 =	vmul.f32 v20, v19;
	s7 =	sand.u32 $0xFFFFF800, s7;
	s6 =	sand.u32 $0x380, s6  }
0x167: {  	v37 =	vld [tilespmem:s0+$0xFFFFFFF0];
	v21 =	vunpack.i.l.bf16.f32 v18;
	v6 =	vmul.f32 v6, v19;
	s6 =	sor.u32 s6, s7  }
0x168: {  	v25 =	vunpack.i.l.bf16.f32 v10;
	v23 =	vmul.f32 v21, v19;
	[tilespmem:s6+$0x4E80] =	vst.add.f32.msk $0xffff, v9  }
0x169: {  	v27 =	vunpack.i.u.bf16.f32 v10;
	v26 =	vmul.f32 v25, v19;
	[tilespmem:s6+$0x4E90] =	vst.add.f32.msk $0xffff, v6  }
0x16a: {  	v30 =	vunpack.i.l.bf16.f32 v24;
	v29 =	vmul.f32 v27, v19;
	[tilespmem:s6+$0x4EA0] =	vst.add.f32.msk $0xffff, v23  }
0x16b: {  	v33 =	vunpack.i.u.bf16.f32 v24;
	v32 =	vmul.f32 v30, v19;
	[tilespmem:s6+$0x4EC0] =	vst.add.f32.msk $0xffff, v26  }
0x16c: {  	v36 =	vunpack.i.l.bf16.f32 v28;
	v35 =	vmul.f32 v33, v19;
	[tilespmem:s6+$0x4ED0] =	vst.add.f32.msk $0xffff, v29  }
0x16d: {  	v10 =	vunpack.i.u.bf16.f32 v28;
	v7 =	vmul.f32 v36, v19;
	(v2sf) =	vpush v5, $0x8;
	[tilespmem:s6+$0x4EE0] =	vst.add.f32.msk $0xffff, v32  }
0x16e: {  	v39 =	vunpack.i.l.bf16.f32 v31;
	v38 =	vmul.f32 v10, v19;
	[tilespmem:s6+$0x4EF0] =	vst.add.f32.msk $0xffff, v35  }
0x16f: {  	v40 =	vunpack.i.u.bf16.f32 v31;
	v10 =	vmul.f32 v39, v19;
	[tilespmem:s6+$0x5280] =	vst.add.f32.msk $0xffff, v7  }
0x170: {  	v45 =	vunpack.i.u.bf16.f32 v37;
	v41 =	vmul.f32 v40, v19;
	[tilespmem:s6+$0x5290] =	vst.add.f32.msk $0xffff, v38  }
0x171: {  	v22 =	vunpack.i.u.bf16.f32 v18;
	v46 =	vmul.f32 v45, v19;
	[tilespmem:s6+$0x52A0] =	vst.add.f32.msk $0xffff, v10  }
0x172: {  	v42 =	vunpack.i.l.bf16.f32 v34;
	v6 =	vmul.f32 v22, v19;
	[tilespmem:s6+$0x52B0] =	vst.add.f32.msk $0xffff, v41  }
0x173: {  	v9 =	vunpack.i.u.bf16.f32 v34;
	v7 =	vmul.f32 v42, v19;
	[tilespmem:s6+$0x52F0] =	vst.add.f32.msk $0xffff, v46  }
0x174: {  	v44 =	vunpack.i.l.bf16.f32 v37;
	v43 =	vmul.f32 v9, v19;
	[tilespmem:s6+$0x4EB0] =	vst.add.f32.msk $0xffff, v6  }
0x175: {  	v9 =	vmul.f32 v44, v19;
	[tilespmem:s6+$0x52C0] =	vst.add.f32.msk $0xffff, v7  }
0x176: {  	[tilespmem:s6+$0x52D0] =	vst.add.f32.msk $0xffff, v43  }
0x177: {  	[tilespmem:s6+$0x52E0] =	vst.add.f32.msk $0xffff, v9  }
0x178: {  	v6 =	vld [tilespmem:s0+$0x0]  }
0x179: {  	v47 =	vld [tilespmem:s0+$0x10]  }
0x17a: {  	v10 =	vld [tilespmem:s0+$0x20]  }
0x17b: {  	v53 =	vld [tilespmem:s0+$0x30]  }
0x17c: {  	v48 =	vbroadcast v4, $0x8;
	v57 =	vld [tilespmem:s0+$0x40];
	s6 =	spop (v2sf)  }
0x17d: {  	v60 =	vld [tilespmem:s0+$0x50];
	v49 =	vunpack.i.l.bf16.f32 v6;
	s7 =	sshll.u32 s6, $0x8;
	s6 =	sshll.u32 s6, $0x7  }
0x17e: {  	v63 =	vld [tilespmem:s0+$0x60];
	v6 =	vunpack.i.u.bf16.f32 v6;
	v9 =	vmul.f32 v49, v48;
	s7 =	sand.u32 $0xFFFFF800, s7;
	s6 =	sand.u32 $0x380, s6  }
0x17f: {  	v18 =	vld [tilespmem:s0+$0x70];
	v50 =	vunpack.i.l.bf16.f32 v47;
	v6 =	vmul.f32 v6, v48;
	s6 =	sor.u32 s6, s7  }
0x180: {  	v54 =	vunpack.i.l.bf16.f32 v10;
	v52 =	vmul.f32 v50, v48;
	[tilespmem:s6+$0x4E80] =	vst.add.f32.msk $0xffff, v9  }
0x181: {  	v56 =	vunpack.i.u.bf16.f32 v10;
	v55 =	vmul.f32 v54, v48;
	[tilespmem:s6+$0x4E90] =	vst.add.f32.msk $0xffff, v6  }
0x182: {  	v59 =	vunpack.i.l.bf16.f32 v53;
	v58 =	vmul.f32 v56, v48;
	[tilespmem:s6+$0x4EA0] =	vst.add.f32.msk $0xffff, v52  }
0x183: {  	v62 =	vunpack.i.u.bf16.f32 v53;
	v61 =	vmul.f32 v59, v48;
	[tilespmem:s6+$0x4EC0] =	vst.add.f32.msk $0xffff, v55  }
0x184: {  	v17 =	vunpack.i.l.bf16.f32 v57;
	v16 =	vmul.f32 v62, v48;
	[tilespmem:s6+$0x4ED0] =	vst.add.f32.msk $0xffff, v58  }
0x185: {  	v10 =	vunpack.i.u.bf16.f32 v57;
	v7 =	vmul.f32 v17, v48;
	(v2sf) =	vpush v5, $0x9;
	[tilespmem:s6+$0x4EE0] =	vst.add.f32.msk $0xffff, v61  }
0x186: {  	v20 =	vunpack.i.l.bf16.f32 v60;
	v19 =	vmul.f32 v10, v48;
	[tilespmem:s6+$0x4EF0] =	vst.add.f32.msk $0xffff, v16  }
0x187: {  	v21 =	vunpack.i.u.bf16.f32 v60;
	v10 =	vmul.f32 v20, v48;
	[tilespmem:s6+$0x5280] =	vst.add.f32.msk $0xffff, v7  }
0x188: {  	v26 =	vunpack.i.u.bf16.f32 v18;
	v22 =	vmul.f32 v21, v48;
	[tilespmem:s6+$0x5290] =	vst.add.f32.msk $0xffff, v19  }
0x189: {  	v51 =	vunpack.i.u.bf16.f32 v47;
	v27 =	vmul.f32 v26, v48;
	[tilespmem:s6+$0x52A0] =	vst.add.f32.msk $0xffff, v10  }
0x18a: {  	v23 =	vunpack.i.l.bf16.f32 v63;
	v6 =	vmul.f32 v51, v48;
	[tilespmem:s6+$0x52B0] =	vst.add.f32.msk $0xffff, v22  }
0x18b: {  	v9 =	vunpack.i.u.bf16.f32 v63;
	v7 =	vmul.f32 v23, v48;
	[tilespmem:s6+$0x52F0] =	vst.add.f32.msk $0xffff, v27  }
0x18c: {  	v25 =	vunpack.i.l.bf16.f32 v18;
	v24 =	vmul.f32 v9, v48;
	[tilespmem:s6+$0x4EB0] =	vst.add.f32.msk $0xffff, v6  }
0x18d: {  	v9 =	vmul.f32 v25, v48;
	[tilespmem:s6+$0x52C0] =	vst.add.f32.msk $0xffff, v7  }
0x18e: {  	[tilespmem:s6+$0x52D0] =	vst.add.f32.msk $0xffff, v24  }
0x18f: {  	[tilespmem:s6+$0x52E0] =	vst.add.f32.msk $0xffff, v9  }
0x190: {  	v6 =	vld [tilespmem:s0+$0x80]  }
0x191: {  	v28 =	vld [tilespmem:s0+$0x90]  }
0x192: {  	v10 =	vld [tilespmem:s0+$0xA0]  }
0x193: {  	v34 =	vld [tilespmem:s0+$0xB0]  }
0x194: {  	v29 =	vbroadcast v4, $0x9;
	v38 =	vld [tilespmem:s0+$0xC0];
	s6 =	spop (v2sf)  }
0x195: {  	v41 =	vld [tilespmem:s0+$0xD0];
	v30 =	vunpack.i.l.bf16.f32 v6;
	s7 =	sshll.u32 s6, $0x8;
	s6 =	sshll.u32 s6, $0x7  }
0x196: {  	v44 =	vld [tilespmem:s0+$0xE0];
	v6 =	vunpack.i.u.bf16.f32 v6;
	v9 =	vmul.f32 v30, v29;
	s7 =	sand.u32 $0xFFFFF800, s7;
	s6 =	sand.u32 $0x380, s6  }
0x197: {  	v47 =	vld [tilespmem:s0+$0xF0];
	v31 =	vunpack.i.l.bf16.f32 v28;
	v6 =	vmul.f32 v6, v29;
	s6 =	sor.u32 s6, s7  }
0x198: {  	v35 =	vunpack.i.l.bf16.f32 v10;
	v33 =	vmul.f32 v31, v29;
	[tilespmem:s6+$0x4E80] =	vst.add.f32.msk $0xffff, v9  }
0x199: {  	v37 =	vunpack.i.u.bf16.f32 v10;
	v36 =	vmul.f32 v35, v29;
	[tilespmem:s6+$0x4E90] =	vst.add.f32.msk $0xffff, v6  }
0x19a: {  	v40 =	vunpack.i.l.bf16.f32 v34;
	v39 =	vmul.f32 v37, v29;
	[tilespmem:s6+$0x4EA0] =	vst.add.f32.msk $0xffff, v33  }
0x19b: {  	v43 =	vunpack.i.u.bf16.f32 v34;
	v42 =	vmul.f32 v40, v29;
	[tilespmem:s6+$0x4EC0] =	vst.add.f32.msk $0xffff, v36  }
0x19c: {  	v46 =	vunpack.i.l.bf16.f32 v38;
	v45 =	vmul.f32 v43, v29;
	[tilespmem:s6+$0x4ED0] =	vst.add.f32.msk $0xffff, v39  }
0x19d: {  	v10 =	vunpack.i.u.bf16.f32 v38;
	v7 =	vmul.f32 v46, v29;
	(v2sf) =	vpush v5, $0xA;
	[tilespmem:s6+$0x4EE0] =	vst.add.f32.msk $0xffff, v42  }
0x19e: {  	v49 =	vunpack.i.l.bf16.f32 v41;
	v48 =	vmul.f32 v10, v29;
	[tilespmem:s6+$0x4EF0] =	vst.add.f32.msk $0xffff, v45  }
0x19f: {  	v50 =	vunpack.i.u.bf16.f32 v41;
	v10 =	vmul.f32 v49, v29;
	[tilespmem:s6+$0x5280] =	vst.add.f32.msk $0xffff, v7  }
0x1a0: {  	v55 =	vunpack.i.u.bf16.f32 v47;
	v51 =	vmul.f32 v50, v29;
	[tilespmem:s6+$0x5290] =	vst.add.f32.msk $0xffff, v48  }
0x1a1: {  	v32 =	vunpack.i.u.bf16.f32 v28;
	v56 =	vmul.f32 v55, v29;
	[tilespmem:s6+$0x52A0] =	vst.add.f32.msk $0xffff, v10  }
0x1a2: {  	v52 =	vunpack.i.l.bf16.f32 v44;
	v6 =	vmul.f32 v32, v29;
	[tilespmem:s6+$0x52B0] =	vst.add.f32.msk $0xffff, v51  }
0x1a3: {  	v9 =	vunpack.i.u.bf16.f32 v44;
	v7 =	vmul.f32 v52, v29;
	[tilespmem:s6+$0x52F0] =	vst.add.f32.msk $0xffff, v56  }
0x1a4: {  	v54 =	vunpack.i.l.bf16.f32 v47;
	v53 =	vmul.f32 v9, v29;
	[tilespmem:s6+$0x4EB0] =	vst.add.f32.msk $0xffff, v6  }
0x1a5: {  	v9 =	vmul.f32 v54, v29;
	[tilespmem:s6+$0x52C0] =	vst.add.f32.msk $0xffff, v7  }
0x1a6: {  	[tilespmem:s6+$0x52D0] =	vst.add.f32.msk $0xffff, v53  }
0x1a7: {  	[tilespmem:s6+$0x52E0] =	vst.add.f32.msk $0xffff, v9  }
0x1a8: {  	v6 =	vld [tilespmem:s0+$0x100]  }
0x1a9: {  	v57 =	vld [tilespmem:s0+$0x110]  }
0x1aa: {  	v10 =	vld [tilespmem:s0+$0x120]  }
0x1ab: {  	v63 =	vld [tilespmem:s0+$0x130]  }
0x1ac: {  	v58 =	vbroadcast v4, $0xA;
	v14 =	vld [tilespmem:s0+$0x140];
	s6 =	spop (v2sf)  }
0x1ad: {  	v17 =	vld [tilespmem:s0+$0x150];
	v59 =	vunpack.i.l.bf16.f32 v6;
	s7 =	sshll.u32 s6, $0x8;
	s6 =	sshll.u32 s6, $0x7  }
0x1ae: {  	v20 =	vld [tilespmem:s0+$0x160];
	v6 =	vunpack.i.u.bf16.f32 v6;
	v9 =	vmul.f32 v59, v58;
	s7 =	sand.u32 $0xFFFFF800, s7;
	s6 =	sand.u32 $0x380, s6  }
0x1af: {  	v23 =	vld [tilespmem:s0+$0x170];
	v60 =	vunpack.i.l.bf16.f32 v57;
	v6 =	vmul.f32 v6, v58;
	s6 =	sor.u32 s6, s7  }
0x1b0: {  	v11 =	vunpack.i.l.bf16.f32 v10;
	v62 =	vmul.f32 v60, v58;
	[tilespmem:s6+$0x4E80] =	vst.add.f32.msk $0xffff, v9  }
0x1b1: {  	v13 =	vunpack.i.u.bf16.f32 v10;
	v12 =	vmul.f32 v11, v58;
	[tilespmem:s6+$0x4E90] =	vst.add.f32.msk $0xffff, v6  }
0x1b2: {  	v16 =	vunpack.i.l.bf16.f32 v63;
	v15 =	vmul.f32 v13, v58;
	[tilespmem:s6+$0x4EA0] =	vst.add.f32.msk $0xffff, v62  }
0x1b3: {  	v19 =	vunpack.i.u.bf16.f32 v63;
	v18 =	vmul.f32 v16, v58;
	[tilespmem:s6+$0x4EC0] =	vst.add.f32.msk $0xffff, v12  }
0x1b4: {  	v22 =	vunpack.i.l.bf16.f32 v14;
	v21 =	vmul.f32 v19, v58;
	[tilespmem:s6+$0x4ED0] =	vst.add.f32.msk $0xffff, v15  }
0x1b5: {  	v10 =	vunpack.i.u.bf16.f32 v14;
	v7 =	vmul.f32 v22, v58;
	(v2sf) =	vpush v5, $0xB;
	[tilespmem:s6+$0x4EE0] =	vst.add.f32.msk $0xffff, v18  }
0x1b6: {  	v25 =	vunpack.i.l.bf16.f32 v17;
	v24 =	vmul.f32 v10, v58;
	[tilespmem:s6+$0x4EF0] =	vst.add.f32.msk $0xffff, v21  }
0x1b7: {  	v26 =	vunpack.i.u.bf16.f32 v17;
	v10 =	vmul.f32 v25, v58;
	[tilespmem:s6+$0x5280] =	vst.add.f32.msk $0xffff, v7  }
0x1b8: {  	v31 =	vunpack.i.u.bf16.f32 v23;
	v27 =	vmul.f32 v26, v58;
	[tilespmem:s6+$0x5290] =	vst.add.f32.msk $0xffff, v24  }
0x1b9: {  	v61 =	vunpack.i.u.bf16.f32 v57;
	v32 =	vmul.f32 v31, v58;
	[tilespmem:s6+$0x52A0] =	vst.add.f32.msk $0xffff, v10  }
0x1ba: {  	v28 =	vunpack.i.l.bf16.f32 v20;
	v6 =	vmul.f32 v61, v58;
	[tilespmem:s6+$0x52B0] =	vst.add.f32.msk $0xffff, v27  }
0x1bb: {  	v9 =	vunpack.i.u.bf16.f32 v20;
	v7 =	vmul.f32 v28, v58;
	[tilespmem:s6+$0x52F0] =	vst.add.f32.msk $0xffff, v32  }
0x1bc: {  	v30 =	vunpack.i.l.bf16.f32 v23;
	v29 =	vmul.f32 v9, v58;
	[tilespmem:s6+$0x4EB0] =	vst.add.f32.msk $0xffff, v6  }
0x1bd: {  	v9 =	vmul.f32 v30, v58;
	[tilespmem:s6+$0x52C0] =	vst.add.f32.msk $0xffff, v7  }
0x1be: {  	[tilespmem:s6+$0x52D0] =	vst.add.f32.msk $0xffff, v29  }
0x1bf: {  	[tilespmem:s6+$0x52E0] =	vst.add.f32.msk $0xffff, v9  }
0x1c0: {  	v6 =	vld [tilespmem:s0+$0x180]  }
0x1c1: {  	v33 =	vld [tilespmem:s0+$0x190]  }
0x1c2: {  	v10 =	vld [tilespmem:s0+$0x1A0]  }
0x1c3: {  	v39 =	vld [tilespmem:s0+$0x1B0]  }
0x1c4: {  	v34 =	vbroadcast v4, $0xB;
	v43 =	vld [tilespmem:s0+$0x1C0];
	s6 =	spop (v2sf)  }
0x1c5: {  	v46 =	vld [tilespmem:s0+$0x1D0];
	v35 =	vunpack.i.l.bf16.f32 v6;
	s7 =	sshll.u32 s6, $0x8;
	s6 =	sshll.u32 s6, $0x7  }
0x1c6: {  	v49 =	vld [tilespmem:s0+$0x1E0];
	v6 =	vunpack.i.u.bf16.f32 v6;
	v9 =	vmul.f32 v35, v34;
	s7 =	sand.u32 $0xFFFFF800, s7;
	s6 =	sand.u32 $0x380, s6  }
0x1c7: {  	v52 =	vld [tilespmem:s0+$0x1F0];
	v36 =	vunpack.i.l.bf16.f32 v33;
	v6 =	vmul.f32 v6, v34;
	s6 =	sor.u32 s6, s7  }
0x1c8: {  	v40 =	vunpack.i.l.bf16.f32 v10;
	v38 =	vmul.f32 v36, v34;
	[tilespmem:s6+$0x4E80] =	vst.add.f32.msk $0xffff, v9  }
0x1c9: {  	v42 =	vunpack.i.u.bf16.f32 v10;
	v41 =	vmul.f32 v40, v34;
	[tilespmem:s6+$0x4E90] =	vst.add.f32.msk $0xffff, v6  }
0x1ca: {  	v45 =	vunpack.i.l.bf16.f32 v39;
	v44 =	vmul.f32 v42, v34;
	[tilespmem:s6+$0x4EA0] =	vst.add.f32.msk $0xffff, v38  }
0x1cb: {  	v48 =	vunpack.i.u.bf16.f32 v39;
	v47 =	vmul.f32 v45, v34;
	[tilespmem:s6+$0x4EC0] =	vst.add.f32.msk $0xffff, v41  }
0x1cc: {  	v51 =	vunpack.i.l.bf16.f32 v43;
	v50 =	vmul.f32 v48, v34;
	[tilespmem:s6+$0x4ED0] =	vst.add.f32.msk $0xffff, v44  }
0x1cd: {  	v10 =	vunpack.i.u.bf16.f32 v43;
	v7 =	vmul.f32 v51, v34;
	(v2sf) =	vpush v5, $0xC;
	[tilespmem:s6+$0x4EE0] =	vst.add.f32.msk $0xffff, v47  }
0x1ce: {  	v54 =	vunpack.i.l.bf16.f32 v46;
	v53 =	vmul.f32 v10, v34;
	[tilespmem:s6+$0x4EF0] =	vst.add.f32.msk $0xffff, v50  }
0x1cf: {  	v55 =	vunpack.i.u.bf16.f32 v46;
	v10 =	vmul.f32 v54, v34;
	[tilespmem:s6+$0x5280] =	vst.add.f32.msk $0xffff, v7  }
0x1d0: {  	v60 =	vunpack.i.u.bf16.f32 v52;
	v56 =	vmul.f32 v55, v34;
	[tilespmem:s6+$0x5290] =	vst.add.f32.msk $0xffff, v53  }
0x1d1: {  	v37 =	vunpack.i.u.bf16.f32 v33;
	v61 =	vmul.f32 v60, v34;
	[tilespmem:s6+$0x52A0] =	vst.add.f32.msk $0xffff, v10  }
0x1d2: {  	v57 =	vunpack.i.l.bf16.f32 v49;
	v6 =	vmul.f32 v37, v34;
	[tilespmem:s6+$0x52B0] =	vst.add.f32.msk $0xffff, v56  }
0x1d3: {  	v9 =	vunpack.i.u.bf16.f32 v49;
	v7 =	vmul.f32 v57, v34;
	[tilespmem:s6+$0x52F0] =	vst.add.f32.msk $0xffff, v61  }
0x1d4: {  	v59 =	vunpack.i.l.bf16.f32 v52;
	v58 =	vmul.f32 v9, v34;
	[tilespmem:s6+$0x4EB0] =	vst.add.f32.msk $0xffff, v6  }
0x1d5: {  	v9 =	vmul.f32 v59, v34;
	[tilespmem:s6+$0x52C0] =	vst.add.f32.msk $0xffff, v7  }
0x1d6: {  	[tilespmem:s6+$0x52D0] =	vst.add.f32.msk $0xffff, v58  }
0x1d7: {  	[tilespmem:s6+$0x52E0] =	vst.add.f32.msk $0xffff, v9  }
0x1d8: {  	v6 =	vld [tilespmem:s0+$0x200]  }
0x1d9: {  	v62 =	vld [tilespmem:s0+$0x210]  }
0x1da: {  	v10 =	vld [tilespmem:s0+$0x220]  }
0x1db: {  	v18 =	vld [tilespmem:s0+$0x230]  }
0x1dc: {  	v63 =	vbroadcast v4, $0xC;
	v22 =	vld [tilespmem:s0+$0x240];
	s6 =	spop (v2sf)  }
0x1dd: {  	v25 =	vld [tilespmem:s0+$0x250];
	v14 =	vunpack.i.l.bf16.f32 v6;
	s7 =	sshll.u32 s6, $0x8;
	s6 =	sshll.u32 s6, $0x7  }
0x1de: {  	v28 =	vld [tilespmem:s0+$0x260];
	v6 =	vunpack.i.u.bf16.f32 v6;
	v9 =	vmul.f32 v14, v63;
	s7 =	sand.u32 $0xFFFFF800, s7;
	s6 =	sand.u32 $0x380, s6  }
0x1df: {  	v31 =	vld [tilespmem:s0+$0x270];
	v15 =	vunpack.i.l.bf16.f32 v62;
	v6 =	vmul.f32 v6, v63;
	s6 =	sor.u32 s6, s7  }
0x1e0: {  	v19 =	vunpack.i.l.bf16.f32 v10;
	v17 =	vmul.f32 v15, v63;
	[tilespmem:s6+$0x4E80] =	vst.add.f32.msk $0xffff, v9  }
0x1e1: {  	v21 =	vunpack.i.u.bf16.f32 v10;
	v20 =	vmul.f32 v19, v63;
	[tilespmem:s6+$0x4E90] =	vst.add.f32.msk $0xffff, v6  }
0x1e2: {  	v24 =	vunpack.i.l.bf16.f32 v18;
	v23 =	vmul.f32 v21, v63;
	[tilespmem:s6+$0x4EA0] =	vst.add.f32.msk $0xffff, v17  }
0x1e3: {  	v27 =	vunpack.i.u.bf16.f32 v18;
	v26 =	vmul.f32 v24, v63;
	[tilespmem:s6+$0x4EC0] =	vst.add.f32.msk $0xffff, v20  }
0x1e4: {  	v30 =	vunpack.i.l.bf16.f32 v22;
	v29 =	vmul.f32 v27, v63;
	[tilespmem:s6+$0x4ED0] =	vst.add.f32.msk $0xffff, v23  }
0x1e5: {  	v10 =	vunpack.i.u.bf16.f32 v22;
	v7 =	vmul.f32 v30, v63;
	(v2sf) =	vpush v5, $0xD;
	[tilespmem:s6+$0x4EE0] =	vst.add.f32.msk $0xffff, v26  }
0x1e6: {  	v33 =	vunpack.i.l.bf16.f32 v25;
	v32 =	vmul.f32 v10, v63;
	[tilespmem:s6+$0x4EF0] =	vst.add.f32.msk $0xffff, v29  }
0x1e7: {  	v34 =	vunpack.i.u.bf16.f32 v25;
	v10 =	vmul.f32 v33, v63;
	[tilespmem:s6+$0x5280] =	vst.add.f32.msk $0xffff, v7  }
0x1e8: {  	v39 =	vunpack.i.u.bf16.f32 v31;
	v35 =	vmul.f32 v34, v63;
	[tilespmem:s6+$0x5290] =	vst.add.f32.msk $0xffff, v32  }
0x1e9: {  	v16 =	vunpack.i.u.bf16.f32 v62;
	v40 =	vmul.f32 v39, v63;
	[tilespmem:s6+$0x52A0] =	vst.add.f32.msk $0xffff, v10  }
0x1ea: {  	v36 =	vunpack.i.l.bf16.f32 v28;
	v6 =	vmul.f32 v16, v63;
	[tilespmem:s6+$0x52B0] =	vst.add.f32.msk $0xffff, v35  }
0x1eb: {  	v9 =	vunpack.i.u.bf16.f32 v28;
	v7 =	vmul.f32 v36, v63;
	[tilespmem:s6+$0x52F0] =	vst.add.f32.msk $0xffff, v40  }
0x1ec: {  	v38 =	vunpack.i.l.bf16.f32 v31;
	v37 =	vmul.f32 v9, v63;
	[tilespmem:s6+$0x4EB0] =	vst.add.f32.msk $0xffff, v6  }
0x1ed: {  	v9 =	vmul.f32 v38, v63;
	[tilespmem:s6+$0x52C0] =	vst.add.f32.msk $0xffff, v7  }
0x1ee: {  	[tilespmem:s6+$0x52D0] =	vst.add.f32.msk $0xffff, v37  }
0x1ef: {  	[tilespmem:s6+$0x52E0] =	vst.add.f32.msk $0xffff, v9  }
0x1f0: {  	v6 =	vld [tilespmem:s0+$0x280]  }
0x1f1: {  	v41 =	vld [tilespmem:s0+$0x290]  }
0x1f2: {  	v10 =	vld [tilespmem:s0+$0x2A0]  }
0x1f3: {  	v47 =	vld [tilespmem:s0+$0x2B0]  }
0x1f4: {  	v42 =	vbroadcast v4, $0xD;
	v51 =	vld [tilespmem:s0+$0x2C0];
	s6 =	spop (v2sf)  }
0x1f5: {  	v54 =	vld [tilespmem:s0+$0x2D0];
	v43 =	vunpack.i.l.bf16.f32 v6;
	s7 =	sshll.u32 s6, $0x8;
	s6 =	sshll.u32 s6, $0x7  }
0x1f6: {  	v57 =	vld [tilespmem:s0+$0x2E0];
	v6 =	vunpack.i.u.bf16.f32 v6;
	v9 =	vmul.f32 v43, v42;
	s7 =	sand.u32 $0xFFFFF800, s7;
	s6 =	sand.u32 $0x380, s6  }
0x1f7: {  	v60 =	vld [tilespmem:s0+$0x2F0];
	v44 =	vunpack.i.l.bf16.f32 v41;
	v6 =	vmul.f32 v6, v42;
	s6 =	sor.u32 s6, s7  }
0x1f8: {  	v48 =	vunpack.i.l.bf16.f32 v10;
	v46 =	vmul.f32 v44, v42;
	[tilespmem:s6+$0x4E80] =	vst.add.f32.msk $0xffff, v9  }
0x1f9: {  	v50 =	vunpack.i.u.bf16.f32 v10;
	v49 =	vmul.f32 v48, v42;
	[tilespmem:s6+$0x4E90] =	vst.add.f32.msk $0xffff, v6  }
0x1fa: {  	v53 =	vunpack.i.l.bf16.f32 v47;
	v52 =	vmul.f32 v50, v42;
	[tilespmem:s6+$0x4EA0] =	vst.add.f32.msk $0xffff, v46  }
0x1fb: {  	v56 =	vunpack.i.u.bf16.f32 v47;
	v55 =	vmul.f32 v53, v42;
	[tilespmem:s6+$0x4EC0] =	vst.add.f32.msk $0xffff, v49  }
0x1fc: {  	v59 =	vunpack.i.l.bf16.f32 v51;
	v58 =	vmul.f32 v56, v42;
	[tilespmem:s6+$0x4ED0] =	vst.add.f32.msk $0xffff, v52  }
0x1fd: {  	v10 =	vunpack.i.u.bf16.f32 v51;
	v7 =	vmul.f32 v59, v42;
	(v2sf) =	vpush v5, $0xE;
	[tilespmem:s6+$0x4EE0] =	vst.add.f32.msk $0xffff, v55  }
0x1fe: {  	v62 =	vunpack.i.l.bf16.f32 v54;
	v61 =	vmul.f32 v10, v42;
	[tilespmem:s6+$0x4EF0] =	vst.add.f32.msk $0xffff, v58  }
0x1ff: {  	v63 =	vunpack.i.u.bf16.f32 v54;
	v10 =	vmul.f32 v62, v42;
	[tilespmem:s6+$0x5280] =	vst.add.f32.msk $0xffff, v7  }
0x200: {  	v17 =	vunpack.i.u.bf16.f32 v60;
	v13 =	vmul.f32 v63, v42;
	[tilespmem:s6+$0x5290] =	vst.add.f32.msk $0xffff, v61  }
0x201: {  	v45 =	vunpack.i.u.bf16.f32 v41;
	v18 =	vmul.f32 v17, v42;
	[tilespmem:s6+$0x52A0] =	vst.add.f32.msk $0xffff, v10  }
0x202: {  	v14 =	vunpack.i.l.bf16.f32 v57;
	v6 =	vmul.f32 v45, v42;
	[tilespmem:s6+$0x52B0] =	vst.add.f32.msk $0xffff, v13  }
0x203: {  	v9 =	vunpack.i.u.bf16.f32 v57;
	v7 =	vmul.f32 v14, v42;
	[tilespmem:s6+$0x52F0] =	vst.add.f32.msk $0xffff, v18  }
0x204: {  	v16 =	vunpack.i.l.bf16.f32 v60;
	v15 =	vmul.f32 v9, v42;
	[tilespmem:s6+$0x4EB0] =	vst.add.f32.msk $0xffff, v6  }
0x205: {  	v9 =	vmul.f32 v16, v42;
	[tilespmem:s6+$0x52C0] =	vst.add.f32.msk $0xffff, v7  }
0x206: {  	[tilespmem:s6+$0x52D0] =	vst.add.f32.msk $0xffff, v15  }
0x207: {  	[tilespmem:s6+$0x52E0] =	vst.add.f32.msk $0xffff, v9  }
0x208: {  	v6 =	vld [tilespmem:s0+$0x300]  }
0x209: {  	v19 =	vld [tilespmem:s0+$0x310]  }
0x20a: {  	v10 =	vld [tilespmem:s0+$0x320]  }
0x20b: {  	v25 =	vld [tilespmem:s0+$0x330]  }
0x20c: {  	v20 =	vbroadcast v4, $0xE;
	v29 =	vld [tilespmem:s0+$0x340];
	s6 =	spop (v2sf)  }
0x20d: {  	v32 =	vld [tilespmem:s0+$0x350];
	v21 =	vunpack.i.l.bf16.f32 v6;
	s7 =	sshll.u32 s6, $0x8;
	s6 =	sshll.u32 s6, $0x7  }
0x20e: {  	v35 =	vld [tilespmem:s0+$0x360];
	v6 =	vunpack.i.u.bf16.f32 v6;
	v9 =	vmul.f32 v21, v20;
	s7 =	sand.u32 $0xFFFFF800, s7;
	s6 =	sand.u32 $0x380, s6  }
0x20f: {  	v38 =	vld [tilespmem:s0+$0x370];
	v22 =	vunpack.i.l.bf16.f32 v19;
	v6 =	vmul.f32 v6, v20;
	s6 =	sor.u32 s6, s7  }
0x210: {  	v26 =	vunpack.i.l.bf16.f32 v10;
	v24 =	vmul.f32 v22, v20;
	[tilespmem:s6+$0x4E80] =	vst.add.f32.msk $0xffff, v9  }
0x211: {  	v28 =	vunpack.i.u.bf16.f32 v10;
	v27 =	vmul.f32 v26, v20;
	[tilespmem:s6+$0x4E90] =	vst.add.f32.msk $0xffff, v6  }
0x212: {  	v31 =	vunpack.i.l.bf16.f32 v25;
	v30 =	vmul.f32 v28, v20;
	[tilespmem:s6+$0x4EA0] =	vst.add.f32.msk $0xffff, v24  }
0x213: {  	v34 =	vunpack.i.u.bf16.f32 v25;
	v33 =	vmul.f32 v31, v20;
	[tilespmem:s6+$0x4EC0] =	vst.add.f32.msk $0xffff, v27  }
0x214: {  	v37 =	vunpack.i.l.bf16.f32 v29;
	v36 =	vmul.f32 v34, v20;
	[tilespmem:s6+$0x4ED0] =	vst.add.f32.msk $0xffff, v30  }
0x215: {  	v7 =	vmul.f32 v37, v20;
	(v2sf) =	vpush v5, $0xF;
	v5 =	vunpack.i.u.bf16.f32 v29;
	[tilespmem:s6+$0x4EE0] =	vst.add.f32.msk $0xffff, v33  }
0x216: {  	v23 =	vunpack.i.u.bf16.f32 v19;
	v5 =	vmul.f32 v5, v20;
	[tilespmem:s6+$0x4EF0] =	vst.add.f32.msk $0xffff, v36  }
0x217: {  	v40 =	vunpack.i.u.bf16.f32 v32;
	v6 =	vmul.f32 v23, v20;
	[tilespmem:s6+$0x5280] =	vst.add.f32.msk $0xffff, v7  }
0x218: {  	v41 =	vunpack.i.l.bf16.f32 v35;
	[tilespmem:s6+$0x5290] =	vst.add.f32.msk $0xffff, v5;
	v5 =	vmul.f32 v40, v20  }
0x219: {  	v39 =	vunpack.i.l.bf16.f32 v32;
	v7 =	vmul.f32 v41, v20;
	[tilespmem:s6+$0x4EB0] =	vst.add.f32.msk $0xffff, v6  }
0x21a: {  	v42 =	vunpack.i.u.bf16.f32 v35;
	v6 =	vmul.f32 v39, v20;
	[tilespmem:s6+$0x52B0] =	vst.add.f32.msk $0xffff, v5  }
0x21b: {  	v43 =	vunpack.i.l.bf16.f32 v38;
	v5 =	vmul.f32 v42, v20;
	[tilespmem:s6+$0x52C0] =	vst.add.f32.msk $0xffff, v7  }
0x21c: {  	v44 =	vunpack.i.u.bf16.f32 v38;
	[tilespmem:s6+$0x52A0] =	vst.add.f32.msk $0xffff, v6;
	v6 =	vmul.f32 v43, v20  }
0x21d: {  	[tilespmem:s6+$0x52D0] =	vst.add.f32.msk $0xffff, v5;
	v5 =	vmul.f32 v44, v20  }
0x21e: {  	[tilespmem:s6+$0x52E0] =	vst.add.f32.msk $0xffff, v6  }
0x21f: {  	[tilespmem:s6+$0x52F0] =	vst.add.f32.msk $0xffff, v5  }
0x220: {  	v5 =	vld [tilespmem:s0+$0x380];
	_ =	sdelay $0x2  }
0x221: {  	v6 =	vld [tilespmem:s0+$0x390]  }
0x222: {  	v4 =	vbroadcast v4, $0xF;
	s6 =	spop (v2sf)  }
0x223: {  	v46 =	vld [tilespmem:s0+$0x3A0];
	v45 =	vunpack.i.l.bf16.f32 v5;
	s7 =	sshll.u32 s6, $0x8;
	s6 =	sshll.u32 s6, $0x7;
	v5 =	vunpack.i.u.bf16.f32 v5  }
0x224: {  	s7 =	sand.u32 $0xFFFFF800, s7;
	s6 =	sand.u32 $0x380, s6;
	v5 =	vmul.f32 v5, v4  }
0x225: {  	v49 =	vld [tilespmem:s0+$0x3B0];
	s6 =	sor.u32 s6, s7  }
0x226: {  	[tilespmem:s6+$0x4E90] =	vst.add.f32.msk $0xffff, v5;
	v5 =	vunpack.i.u.bf16.f32 v6  }
0x227: {  	v52 =	vld [tilespmem:s0+$0x3C0];
	v5 =	vmul.f32 v5, v4  }
0x228: {  	v54 =	vld [tilespmem:s0+$0x3D0];
	v50 =	vunpack.i.l.bf16.f32 v46  }
0x229: {  	[tilespmem:s6+$0x4EB0] =	vst.add.f32.msk $0xffff, v5;
	v5 =	vmul.f32 v50, v4  }
0x22a: {  	v56 =	vld [tilespmem:s0+$0x3E0];
	v51 =	vunpack.i.u.bf16.f32 v46  }
0x22b: {  	[tilespmem:s6+$0x4EC0] =	vst.add.f32.msk $0xffff, v5;
	v5 =	vmul.f32 v51, v4  }
0x22c: {  	v58 =	vld [tilespmem:s0+$0x3F0];
	v53 =	vunpack.i.l.bf16.f32 v49;
	v7 =	vmul.f32 v45, v4  }
0x22d: {  	v47 =	vunpack.i.l.bf16.f32 v6;
	[tilespmem:s6+$0x4ED0] =	vst.add.f32.msk $0xffff, v5;
	v5 =	vmul.f32 v53, v4  }
0x22e: {  	v55 =	vunpack.i.u.bf16.f32 v49;
	v48 =	vmul.f32 v47, v4;
	[tilespmem:s6+$0x4E80] =	vst.add.f32.msk $0xffff, v7  }
0x22f: {  	v57 =	vunpack.i.l.bf16.f32 v52;
	[tilespmem:s6+$0x4EE0] =	vst.add.f32.msk $0xffff, v5;
	v5 =	vmul.f32 v55, v4  }
0x230: {  	v8 =	vunpack.i.u.bf16.f32 v52;
	[tilespmem:s6+$0x4EA0] =	vst.add.f32.msk $0xffff, v48;
	v6 =	vmul.f32 v57, v4  }
0x231: {  	v61 =	vunpack.i.l.bf16.f32 v56;
	[tilespmem:s6+$0x4EF0] =	vst.add.f32.msk $0xffff, v5;
	v5 =	vmul.f32 v8, v4  }
0x232: {  	v60 =	vunpack.i.u.bf16.f32 v54;
	[tilespmem:s6+$0x5280] =	vst.add.f32.msk $0xffff, v6;
	v6 =	vmul.f32 v61, v4  }
0x233: {  	v59 =	vunpack.i.l.bf16.f32 v54;
	[tilespmem:s6+$0x5290] =	vst.add.f32.msk $0xffff, v5;
	v5 =	vmul.f32 v60, v4  }
0x234: {  	v7 =	vunpack.i.u.bf16.f32 v56;
	[tilespmem:s6+$0x52C0] =	vst.add.f32.msk $0xffff, v6;
	v8 =	vmul.f32 v59, v4  }
0x235: {  	p0 =	sne.s32 s3, $0x1C0;
	v62 =	vunpack.i.l.bf16.f32 v58;
	[tilespmem:s6+$0x52B0] =	vst.add.f32.msk $0xffff, v5;
	v5 =	vmul.f32 v7, v4  }
.Ltmp6:
0x236: {  	v63 =	vunpack.i.u.bf16.f32 v58;
	[tilespmem:s6+$0x52A0] =	vst.add.f32.msk $0xffff, v8;
	v7 =	vmul.f32 v62, v4;
	(pc) =	sbr.rel @p0 .LBB2_7-.Ltmp6, $4  }
0x237: {  	v4 =	vmul.f32 v63, v4;
	[tilespmem:s6+$0x52D0] =	vst.add.f32.msk $0xffff, v5  }
0x238: {  	[tilespmem:s6+$0x52E0] =	vst.add.f32.msk $0xffff, v7  }
0x239: {  	[tilespmem:s6+$0x52F0] =	vst.add.f32.msk $0xffff, v4  }
0x23a: {  	s3 =	sadd.s32 $0x40, s3;
	s0 =	sadd.s32 $0x800, s0;
	[tilespmem:s5+$0xC80] =	vst v2  }
.Ltmp7:
0x23b: {  	_ = 	snop;
	(pc) =	sbr.rel .LBB2_8-.Ltmp7, $1  }
0x23c: {  	_ =	sdelay $0x3  }
.LBB2_10:
0x23d: {  	p0 =	slt.s32 s31, $0x1  }
.Ltmp8:
0x23e: {  	_ = 	snop;
	(pc) =	sbr.rel @p0 .LBB2_13-.Ltmp8, $1  }
0x23f: {  	_ =	sdelay $0x3  }
0x240: {  	v4 =	vld [tilespmem:$0xC00];
	_ =	sdelay $0x1  }
0x241: {  	v5 =	vld [tilespmem:$0xC10];
	_ =	sdelay $0x1  }
0x242: {  	v6 =	vld [tilespmem:$0xC20]  }
0x243: {  	vm0 =	vlt.s32 v4, $0xE00  }
0x244: {  	v8 =	vld [tilespmem:$0xC30];
	v7 =	vnsel vm0, $0x1FFF, v4  }
0x245: {  	vm9 =	vlt.s32 v5, $0xE00;
	v4 =	vsel vm0, $0x1FFF, v4;
	[tilespmem:$0xD80] =	vst v7  }
0x246: {  	v61 =	vld [tilespmem:$0xC40];
	[tilespmem:$0xE00] =	vst v4;
	v4 =	vnsel vm9, $0x1FFF, v5  }
0x247: {  	vm10 =	vlt.s32 v6, $0xE00;
	[tilespmem:$0xD90] =	vst v4;
	v4 =	vsel vm9, $0x1FFF, v5  }
0x248: {  	v5 =	vld [tilespmem:$0xC50];
	[tilespmem:$0xE10] =	vst v4;
	v4 =	vnsel vm10, $0x1FFF, v6  }
0x249: {  	vm11 =	vlt.s32 v8, $0xE00;
	[tilespmem:$0xDA0] =	vst v4;
	v4 =	vsel vm10, $0x1FFF, v6  }
0x24a: {  	v62 =	vld [tilespmem:$0xC60];
	[tilespmem:$0xE20] =	vst v4;
	v4 =	vnsel vm11, $0x1FFF, v8  }
0x24b: {  	vm12 =	vlt.s32 v61, $0xE00;
	[tilespmem:$0xDB0] =	vst v4;
	v4 =	vsel vm11, $0x1FFF, v8  }
0x24c: {  	v63 =	vld [tilespmem:$0xC70];
	[tilespmem:$0xE30] =	vst v4;
	v4 =	vnsel vm12, $0x1FFF, v61  }
0x24d: {  	vm13 =	vlt.s32 v5, $0xE00;
	[tilespmem:$0xDC0] =	vst v4;
	v4 =	vsel vm12, $0x1FFF, v61  }
0x24e: {  	[tilespmem:$0xE40] =	vst v4;
	v4 =	vnsel vm13, $0x1FFF, v5  }
0x24f: {  	vm14 =	vlt.s32 v62, $0xE00;
	[tilespmem:$0xDD0] =	vst v4;
	v4 =	vsel vm13, $0x1FFF, v5  }
0x250: {  	[tilespmem:$0xE50] =	vst v4;
	v4 =	vnsel vm14, $0x1FFF, v62  }
0x251: {  	vm15 =	vlt.s32 v63, $0xE00;
	[tilespmem:$0xDE0] =	vst v4;
	v4 =	vsel vm14, $0x1FFF, v62  }
0x252: {  	[tilespmem:$0xE60] =	vst v4;
	v4 =	vnsel vm15, $0x1FFF, v63  }
0x253: {  	[tilespmem:$0xDF0] =	vst v4;
	v4 =	vsel vm15, $0x1FFF, v63  }
0x254: {  	[tilespmem:$0xE70] =	vst v4;
	(ifvalue) =	ssetifvalue $0x1FFF  }
0x255: {  	(ifvalue) =	ssetifvalue $0x1FFF  }
0x256: {  	[tilespmem:s15], [sflag:$0x1] =	stream.indirect.gather [spmem:s2], $0x80, s22, s17, $0x40b8;
	[tilespmem:$0x1FE80] =	vst v63  }
0x257: {  	(ifvalue) =	ssetifvalue $0x1FFF  }
0x258: {  	(ifvalue) =	ssetifvalue $0x1FFF  }
0x259: {  	[tilespmem:s15], [sflag:$0x2] =	stream.indirect.gather [hbm4b:s10+s17], $0x80, s23, s17, $0x40b8;
	[tilespmem:$0x1FE80] =	vst v63  }
0x25a: {  	_ =	swait.ge [sflag:s24], $0x4000  }
0x25b: {  	[sflag:s24] =	ssyncset.done $0x0  }
0x25c: {  	[sflag:s24] =	ssyncadd.s32 $0xFFFFC000  }
0x25d: {  	_ =	swait.ge [sflag:s25], $0x4000  }
0x25e: {  	[sflag:s25] =	ssyncset.done $0x0  }
0x25f: {  	s28 =	simm.s32 $0x0;
	s0 =	simm.s32 $0x1280;
	[sflag:s25] =	ssyncadd.s32 $0xFFFFC000  }
.LBB2_12:
0x260: {  	s3 =	sshra.s32 s28, $0x2  }
0x261: {  	v5 =	vld [tilespmem:s3+$0xD00];
	_ =	sdelay $0x4  }
0x262: {  	(v2sf) =	vpush v5, $0x0;
	_ =	sdelay $0x9  }
0x263: {  	v4 =	vld [tilespmem:s3+$0xC80]  }
0x264: {  	v6 =	vld [tilespmem:s0+$0xFFFFFC00]  }
0x265: {  	v7 =	vld [tilespmem:s0+$0xFFFFFC10]  }
0x266: {  	v10 =	vld [tilespmem:s0+$0xFFFFFC20]  }
0x267: {  	v26 =	vld [tilespmem:s0+$0xFFFFFC30]  }
0x268: {  	v30 =	vld [tilespmem:s0+$0xFFFFFC40];
	v8 =	vbroadcast v4, $0x0;
	s5 =	spop (v2sf)  }
0x269: {  	v11 =	vld [tilespmem:s0+$0xFFFFFC50];
	v9 =	vunpack.i.l.bf16.f32 v6;
	s6 =	sshll.u32 s5, $0x8;
	s5 =	sshll.u32 s5, $0x7  }
0x26a: {  	v35 =	vld [tilespmem:s0+$0xFFFFFC60];
	v6 =	vunpack.i.u.bf16.f32 v6;
	v9 =	vmul.f32 v9, v8;
	s6 =	sand.u32 $0xFFFFF800, s6;
	s5 =	sand.u32 $0x380, s5  }
0x26b: {  	v12 =	vld [tilespmem:s0+$0xFFFFFC70];
	v23 =	vunpack.i.l.bf16.f32 v7;
	v6 =	vmul.f32 v6, v8;
	s5 =	sor.u32 s5, s6  }
0x26c: {  	v27 =	vunpack.i.l.bf16.f32 v10;
	v25 =	vmul.f32 v23, v8;
	[tilespmem:s5+$0x4E80] =	vst.add.f32.msk $0xffff, v9  }
0x26d: {  	v29 =	vunpack.i.u.bf16.f32 v10;
	v28 =	vmul.f32 v27, v8;
	[tilespmem:s5+$0x4E90] =	vst.add.f32.msk $0xffff, v6  }
0x26e: {  	v32 =	vunpack.i.l.bf16.f32 v26;
	v31 =	vmul.f32 v29, v8;
	[tilespmem:s5+$0x4EA0] =	vst.add.f32.msk $0xffff, v25  }
0x26f: {  	v34 =	vunpack.i.u.bf16.f32 v26;
	v33 =	vmul.f32 v32, v8;
	[tilespmem:s5+$0x4EC0] =	vst.add.f32.msk $0xffff, v28  }
0x270: {  	v24 =	vunpack.i.u.bf16.f32 v7;
	v37 =	vunpack.i.l.bf16.f32 v30;
	v36 =	vmul.f32 v34, v8;
	[tilespmem:s5+$0x4ED0] =	vst.add.f32.msk $0xffff, v31  }
0x271: {  	v10 =	vunpack.i.u.bf16.f32 v30;
	v7 =	vmul.f32 v37, v8;
	(v2sf) =	vpush v5, $0x1;
	[tilespmem:s5+$0x4EE0] =	vst.add.f32.msk $0xffff, v33  }
0x272: {  	v39 =	vunpack.i.l.bf16.f32 v11;
	v38 =	vmul.f32 v10, v8;
	[tilespmem:s5+$0x4EF0] =	vst.add.f32.msk $0xffff, v36  }
0x273: {  	v40 =	vunpack.i.u.bf16.f32 v11;
	v10 =	vmul.f32 v39, v8;
	[tilespmem:s5+$0x5280] =	vst.add.f32.msk $0xffff, v7  }
0x274: {  	v45 =	vunpack.i.u.bf16.f32 v12;
	v41 =	vmul.f32 v40, v8;
	[tilespmem:s5+$0x5290] =	vst.add.f32.msk $0xffff, v38  }
0x275: {  	v46 =	vmul.f32 v45, v8;
	[tilespmem:s5+$0x52A0] =	vst.add.f32.msk $0xffff, v10  }
0x276: {  	v42 =	vunpack.i.l.bf16.f32 v35;
	v6 =	vmul.f32 v24, v8;
	[tilespmem:s5+$0x52B0] =	vst.add.f32.msk $0xffff, v41  }
0x277: {  	v9 =	vunpack.i.u.bf16.f32 v35;
	v7 =	vmul.f32 v42, v8;
	[tilespmem:s5+$0x52F0] =	vst.add.f32.msk $0xffff, v46  }
0x278: {  	v44 =	vunpack.i.l.bf16.f32 v12;
	v43 =	vmul.f32 v9, v8;
	[tilespmem:s5+$0x4EB0] =	vst.add.f32.msk $0xffff, v6  }
0x279: {  	v9 =	vmul.f32 v44, v8;
	[tilespmem:s5+$0x52C0] =	vst.add.f32.msk $0xffff, v7  }
0x27a: {  	[tilespmem:s5+$0x52D0] =	vst.add.f32.msk $0xffff, v43  }
0x27b: {  	[tilespmem:s5+$0x52E0] =	vst.add.f32.msk $0xffff, v9  }
0x27c: {  	v6 =	vld [tilespmem:s0+$0xFFFFFC80]  }
0x27d: {  	v47 =	vld [tilespmem:s0+$0xFFFFFC90]  }
0x27e: {  	v10 =	vld [tilespmem:s0+$0xFFFFFCA0]  }
0x27f: {  	v53 =	vld [tilespmem:s0+$0xFFFFFCB0]  }
0x280: {  	v48 =	vbroadcast v4, $0x1;
	v57 =	vld [tilespmem:s0+$0xFFFFFCC0];
	s30 =	spop (v2sf)  }
0x281: {  	v60 =	vld [tilespmem:s0+$0xFFFFFCD0];
	v49 =	vunpack.i.l.bf16.f32 v6;
	s31 =	sshll.u32 s30, $0x8;
	s5 =	sshll.u32 s30, $0x7  }
0x282: {  	v63 =	vld [tilespmem:s0+$0xFFFFFCE0];
	v6 =	vunpack.i.u.bf16.f32 v6;
	v9 =	vmul.f32 v49, v48;
	s6 =	sand.u32 $0xFFFFF800, s31;
	s5 =	sand.u32 $0x380, s5  }
0x283: {  	v18 =	vld [tilespmem:s0+$0xFFFFFCF0];
	v50 =	vunpack.i.l.bf16.f32 v47;
	v6 =	vmul.f32 v6, v48;
	s5 =	sor.u32 s5, s6  }
0x284: {  	v54 =	vunpack.i.l.bf16.f32 v10;
	v52 =	vmul.f32 v50, v48;
	[tilespmem:s5+$0x4E80] =	vst.add.f32.msk $0xffff, v9  }
0x285: {  	v56 =	vunpack.i.u.bf16.f32 v10;
	v55 =	vmul.f32 v54, v48;
	[tilespmem:s5+$0x4E90] =	vst.add.f32.msk $0xffff, v6  }
0x286: {  	v59 =	vunpack.i.l.bf16.f32 v53;
	v58 =	vmul.f32 v56, v48;
	[tilespmem:s5+$0x4EA0] =	vst.add.f32.msk $0xffff, v52  }
0x287: {  	v62 =	vunpack.i.u.bf16.f32 v53;
	v61 =	vmul.f32 v59, v48;
	[tilespmem:s5+$0x4EC0] =	vst.add.f32.msk $0xffff, v55  }
0x288: {  	v17 =	vunpack.i.l.bf16.f32 v57;
	v16 =	vmul.f32 v62, v48;
	[tilespmem:s5+$0x4ED0] =	vst.add.f32.msk $0xffff, v58  }
0x289: {  	v10 =	vunpack.i.u.bf16.f32 v57;
	v7 =	vmul.f32 v17, v48;
	(v2sf) =	vpush v5, $0x2;
	[tilespmem:s5+$0x4EE0] =	vst.add.f32.msk $0xffff, v61  }
0x28a: {  	v20 =	vunpack.i.l.bf16.f32 v60;
	v19 =	vmul.f32 v10, v48;
	[tilespmem:s5+$0x4EF0] =	vst.add.f32.msk $0xffff, v16  }
0x28b: {  	v21 =	vunpack.i.u.bf16.f32 v60;
	v10 =	vmul.f32 v20, v48;
	[tilespmem:s5+$0x5280] =	vst.add.f32.msk $0xffff, v7  }
0x28c: {  	v26 =	vunpack.i.u.bf16.f32 v18;
	v22 =	vmul.f32 v21, v48;
	[tilespmem:s5+$0x5290] =	vst.add.f32.msk $0xffff, v19  }
0x28d: {  	v51 =	vunpack.i.u.bf16.f32 v47;
	v27 =	vmul.f32 v26, v48;
	[tilespmem:s5+$0x52A0] =	vst.add.f32.msk $0xffff, v10  }
0x28e: {  	v23 =	vunpack.i.l.bf16.f32 v63;
	v6 =	vmul.f32 v51, v48;
	[tilespmem:s5+$0x52B0] =	vst.add.f32.msk $0xffff, v22  }
0x28f: {  	v9 =	vunpack.i.u.bf16.f32 v63;
	v7 =	vmul.f32 v23, v48;
	[tilespmem:s5+$0x52F0] =	vst.add.f32.msk $0xffff, v27  }
0x290: {  	v25 =	vunpack.i.l.bf16.f32 v18;
	v24 =	vmul.f32 v9, v48;
	[tilespmem:s5+$0x4EB0] =	vst.add.f32.msk $0xffff, v6  }
0x291: {  	v9 =	vmul.f32 v25, v48;
	[tilespmem:s5+$0x52C0] =	vst.add.f32.msk $0xffff, v7  }
0x292: {  	[tilespmem:s5+$0x52D0] =	vst.add.f32.msk $0xffff, v24  }
0x293: {  	[tilespmem:s5+$0x52E0] =	vst.add.f32.msk $0xffff, v9  }
0x294: {  	v6 =	vld [tilespmem:s0+$0xFFFFFD00]  }
0x295: {  	v28 =	vld [tilespmem:s0+$0xFFFFFD10]  }
0x296: {  	v10 =	vld [tilespmem:s0+$0xFFFFFD20]  }
0x297: {  	v34 =	vld [tilespmem:s0+$0xFFFFFD30]  }
0x298: {  	v29 =	vbroadcast v4, $0x2;
	v38 =	vld [tilespmem:s0+$0xFFFFFD40];
	s7 =	spop (v2sf)  }
0x299: {  	v41 =	vld [tilespmem:s0+$0xFFFFFD50];
	v30 =	vunpack.i.l.bf16.f32 v6;
	s29 =	sshll.u32 s7, $0x8;
	s5 =	sshll.u32 s7, $0x7  }
0x29a: {  	v44 =	vld [tilespmem:s0+$0xFFFFFD60];
	v6 =	vunpack.i.u.bf16.f32 v6;
	v9 =	vmul.f32 v30, v29;
	s6 =	sand.u32 $0xFFFFF800, s29;
	s5 =	sand.u32 $0x380, s5  }
0x29b: {  	v47 =	vld [tilespmem:s0+$0xFFFFFD70];
	v31 =	vunpack.i.l.bf16.f32 v28;
	v6 =	vmul.f32 v6, v29;
	s5 =	sor.u32 s5, s6  }
0x29c: {  	v35 =	vunpack.i.l.bf16.f32 v10;
	v33 =	vmul.f32 v31, v29;
	[tilespmem:s5+$0x4E80] =	vst.add.f32.msk $0xffff, v9  }
0x29d: {  	v37 =	vunpack.i.u.bf16.f32 v10;
	v36 =	vmul.f32 v35, v29;
	[tilespmem:s5+$0x4E90] =	vst.add.f32.msk $0xffff, v6  }
0x29e: {  	v40 =	vunpack.i.l.bf16.f32 v34;
	v39 =	vmul.f32 v37, v29;
	[tilespmem:s5+$0x4EA0] =	vst.add.f32.msk $0xffff, v33  }
0x29f: {  	v43 =	vunpack.i.u.bf16.f32 v34;
	v42 =	vmul.f32 v40, v29;
	[tilespmem:s5+$0x4EC0] =	vst.add.f32.msk $0xffff, v36  }
0x2a0: {  	v46 =	vunpack.i.l.bf16.f32 v38;
	v45 =	vmul.f32 v43, v29;
	[tilespmem:s5+$0x4ED0] =	vst.add.f32.msk $0xffff, v39  }
0x2a1: {  	v10 =	vunpack.i.u.bf16.f32 v38;
	v7 =	vmul.f32 v46, v29;
	(v2sf) =	vpush v5, $0x3;
	[tilespmem:s5+$0x4EE0] =	vst.add.f32.msk $0xffff, v42  }
0x2a2: {  	v49 =	vunpack.i.l.bf16.f32 v41;
	v48 =	vmul.f32 v10, v29;
	[tilespmem:s5+$0x4EF0] =	vst.add.f32.msk $0xffff, v45  }
0x2a3: {  	v50 =	vunpack.i.u.bf16.f32 v41;
	v10 =	vmul.f32 v49, v29;
	[tilespmem:s5+$0x5280] =	vst.add.f32.msk $0xffff, v7  }
0x2a4: {  	v55 =	vunpack.i.u.bf16.f32 v47;
	v51 =	vmul.f32 v50, v29;
	[tilespmem:s5+$0x5290] =	vst.add.f32.msk $0xffff, v48  }
0x2a5: {  	v32 =	vunpack.i.u.bf16.f32 v28;
	v56 =	vmul.f32 v55, v29;
	[tilespmem:s5+$0x52A0] =	vst.add.f32.msk $0xffff, v10  }
0x2a6: {  	v52 =	vunpack.i.l.bf16.f32 v44;
	v6 =	vmul.f32 v32, v29;
	[tilespmem:s5+$0x52B0] =	vst.add.f32.msk $0xffff, v51  }
0x2a7: {  	v9 =	vunpack.i.u.bf16.f32 v44;
	v7 =	vmul.f32 v52, v29;
	[tilespmem:s5+$0x52F0] =	vst.add.f32.msk $0xffff, v56  }
0x2a8: {  	v54 =	vunpack.i.l.bf16.f32 v47;
	v53 =	vmul.f32 v9, v29;
	[tilespmem:s5+$0x4EB0] =	vst.add.f32.msk $0xffff, v6  }
0x2a9: {  	v9 =	vmul.f32 v54, v29;
	[tilespmem:s5+$0x52C0] =	vst.add.f32.msk $0xffff, v7  }
0x2aa: {  	[tilespmem:s5+$0x52D0] =	vst.add.f32.msk $0xffff, v53  }
0x2ab: {  	[tilespmem:s5+$0x52E0] =	vst.add.f32.msk $0xffff, v9  }
0x2ac: {  	v6 =	vld [tilespmem:s0+$0xFFFFFD80]  }
0x2ad: {  	v57 =	vld [tilespmem:s0+$0xFFFFFD90]  }
0x2ae: {  	v10 =	vld [tilespmem:s0+$0xFFFFFDA0]  }
0x2af: {  	v63 =	vld [tilespmem:s0+$0xFFFFFDB0]  }
0x2b0: {  	v58 =	vbroadcast v4, $0x3;
	v14 =	vld [tilespmem:s0+$0xFFFFFDC0];
	s30 =	spop (v2sf)  }
0x2b1: {  	v17 =	vld [tilespmem:s0+$0xFFFFFDD0];
	v59 =	vunpack.i.l.bf16.f32 v6;
	s31 =	sshll.u32 s30, $0x8;
	s5 =	sshll.u32 s30, $0x7  }
0x2b2: {  	v20 =	vld [tilespmem:s0+$0xFFFFFDE0];
	v6 =	vunpack.i.u.bf16.f32 v6;
	v9 =	vmul.f32 v59, v58;
	s6 =	sand.u32 $0xFFFFF800, s31;
	s5 =	sand.u32 $0x380, s5  }
0x2b3: {  	v23 =	vld [tilespmem:s0+$0xFFFFFDF0];
	v60 =	vunpack.i.l.bf16.f32 v57;
	v6 =	vmul.f32 v6, v58;
	s5 =	sor.u32 s5, s6  }
0x2b4: {  	v11 =	vunpack.i.l.bf16.f32 v10;
	v62 =	vmul.f32 v60, v58;
	[tilespmem:s5+$0x4E80] =	vst.add.f32.msk $0xffff, v9  }
0x2b5: {  	v13 =	vunpack.i.u.bf16.f32 v10;
	v12 =	vmul.f32 v11, v58;
	[tilespmem:s5+$0x4E90] =	vst.add.f32.msk $0xffff, v6  }
0x2b6: {  	v16 =	vunpack.i.l.bf16.f32 v63;
	v15 =	vmul.f32 v13, v58;
	[tilespmem:s5+$0x4EA0] =	vst.add.f32.msk $0xffff, v62  }
0x2b7: {  	v19 =	vunpack.i.u.bf16.f32 v63;
	v18 =	vmul.f32 v16, v58;
	[tilespmem:s5+$0x4EC0] =	vst.add.f32.msk $0xffff, v12  }
0x2b8: {  	v22 =	vunpack.i.l.bf16.f32 v14;
	v21 =	vmul.f32 v19, v58;
	[tilespmem:s5+$0x4ED0] =	vst.add.f32.msk $0xffff, v15  }
0x2b9: {  	v10 =	vunpack.i.u.bf16.f32 v14;
	v7 =	vmul.f32 v22, v58;
	(v2sf) =	vpush v5, $0x4;
	[tilespmem:s5+$0x4EE0] =	vst.add.f32.msk $0xffff, v18  }
0x2ba: {  	v25 =	vunpack.i.l.bf16.f32 v17;
	v24 =	vmul.f32 v10, v58;
	[tilespmem:s5+$0x4EF0] =	vst.add.f32.msk $0xffff, v21  }
0x2bb: {  	v26 =	vunpack.i.u.bf16.f32 v17;
	v10 =	vmul.f32 v25, v58;
	[tilespmem:s5+$0x5280] =	vst.add.f32.msk $0xffff, v7  }
0x2bc: {  	v31 =	vunpack.i.u.bf16.f32 v23;
	v27 =	vmul.f32 v26, v58;
	[tilespmem:s5+$0x5290] =	vst.add.f32.msk $0xffff, v24  }
0x2bd: {  	v61 =	vunpack.i.u.bf16.f32 v57;
	v32 =	vmul.f32 v31, v58;
	[tilespmem:s5+$0x52A0] =	vst.add.f32.msk $0xffff, v10  }
0x2be: {  	v28 =	vunpack.i.l.bf16.f32 v20;
	v6 =	vmul.f32 v61, v58;
	[tilespmem:s5+$0x52B0] =	vst.add.f32.msk $0xffff, v27  }
0x2bf: {  	v9 =	vunpack.i.u.bf16.f32 v20;
	v7 =	vmul.f32 v28, v58;
	[tilespmem:s5+$0x52F0] =	vst.add.f32.msk $0xffff, v32  }
0x2c0: {  	v30 =	vunpack.i.l.bf16.f32 v23;
	v29 =	vmul.f32 v9, v58;
	[tilespmem:s5+$0x4EB0] =	vst.add.f32.msk $0xffff, v6  }
0x2c1: {  	v9 =	vmul.f32 v30, v58;
	[tilespmem:s5+$0x52C0] =	vst.add.f32.msk $0xffff, v7  }
0x2c2: {  	[tilespmem:s5+$0x52D0] =	vst.add.f32.msk $0xffff, v29  }
0x2c3: {  	[tilespmem:s5+$0x52E0] =	vst.add.f32.msk $0xffff, v9  }
0x2c4: {  	v6 =	vld [tilespmem:s0+$0xFFFFFE00]  }
0x2c5: {  	v33 =	vld [tilespmem:s0+$0xFFFFFE10]  }
0x2c6: {  	v10 =	vld [tilespmem:s0+$0xFFFFFE20]  }
0x2c7: {  	v39 =	vld [tilespmem:s0+$0xFFFFFE30]  }
0x2c8: {  	v34 =	vbroadcast v4, $0x4;
	v43 =	vld [tilespmem:s0+$0xFFFFFE40];
	s7 =	spop (v2sf)  }
0x2c9: {  	v46 =	vld [tilespmem:s0+$0xFFFFFE50];
	v35 =	vunpack.i.l.bf16.f32 v6;
	s29 =	sshll.u32 s7, $0x8;
	s5 =	sshll.u32 s7, $0x7  }
0x2ca: {  	v49 =	vld [tilespmem:s0+$0xFFFFFE60];
	v6 =	vunpack.i.u.bf16.f32 v6;
	v9 =	vmul.f32 v35, v34;
	s6 =	sand.u32 $0xFFFFF800, s29;
	s5 =	sand.u32 $0x380, s5  }
0x2cb: {  	v52 =	vld [tilespmem:s0+$0xFFFFFE70];
	v36 =	vunpack.i.l.bf16.f32 v33;
	v6 =	vmul.f32 v6, v34;
	s5 =	sor.u32 s5, s6  }
0x2cc: {  	v40 =	vunpack.i.l.bf16.f32 v10;
	v38 =	vmul.f32 v36, v34;
	[tilespmem:s5+$0x4E80] =	vst.add.f32.msk $0xffff, v9  }
0x2cd: {  	v42 =	vunpack.i.u.bf16.f32 v10;
	v41 =	vmul.f32 v40, v34;
	[tilespmem:s5+$0x4E90] =	vst.add.f32.msk $0xffff, v6  }
0x2ce: {  	v45 =	vunpack.i.l.bf16.f32 v39;
	v44 =	vmul.f32 v42, v34;
	[tilespmem:s5+$0x4EA0] =	vst.add.f32.msk $0xffff, v38  }
0x2cf: {  	v48 =	vunpack.i.u.bf16.f32 v39;
	v47 =	vmul.f32 v45, v34;
	[tilespmem:s5+$0x4EC0] =	vst.add.f32.msk $0xffff, v41  }
0x2d0: {  	v51 =	vunpack.i.l.bf16.f32 v43;
	v50 =	vmul.f32 v48, v34;
	[tilespmem:s5+$0x4ED0] =	vst.add.f32.msk $0xffff, v44  }
0x2d1: {  	v10 =	vunpack.i.u.bf16.f32 v43;
	v7 =	vmul.f32 v51, v34;
	(v2sf) =	vpush v5, $0x5;
	[tilespmem:s5+$0x4EE0] =	vst.add.f32.msk $0xffff, v47  }
0x2d2: {  	v54 =	vunpack.i.l.bf16.f32 v46;
	v53 =	vmul.f32 v10, v34;
	[tilespmem:s5+$0x4EF0] =	vst.add.f32.msk $0xffff, v50  }
0x2d3: {  	v55 =	vunpack.i.u.bf16.f32 v46;
	v10 =	vmul.f32 v54, v34;
	[tilespmem:s5+$0x5280] =	vst.add.f32.msk $0xffff, v7  }
0x2d4: {  	v60 =	vunpack.i.u.bf16.f32 v52;
	v56 =	vmul.f32 v55, v34;
	[tilespmem:s5+$0x5290] =	vst.add.f32.msk $0xffff, v53  }
0x2d5: {  	v37 =	vunpack.i.u.bf16.f32 v33;
	v61 =	vmul.f32 v60, v34;
	[tilespmem:s5+$0x52A0] =	vst.add.f32.msk $0xffff, v10  }
0x2d6: {  	v57 =	vunpack.i.l.bf16.f32 v49;
	v6 =	vmul.f32 v37, v34;
	[tilespmem:s5+$0x52B0] =	vst.add.f32.msk $0xffff, v56  }
0x2d7: {  	v9 =	vunpack.i.u.bf16.f32 v49;
	v7 =	vmul.f32 v57, v34;
	[tilespmem:s5+$0x52F0] =	vst.add.f32.msk $0xffff, v61  }
0x2d8: {  	v59 =	vunpack.i.l.bf16.f32 v52;
	v58 =	vmul.f32 v9, v34;
	[tilespmem:s5+$0x4EB0] =	vst.add.f32.msk $0xffff, v6  }
0x2d9: {  	v9 =	vmul.f32 v59, v34;
	[tilespmem:s5+$0x52C0] =	vst.add.f32.msk $0xffff, v7  }
0x2da: {  	[tilespmem:s5+$0x52D0] =	vst.add.f32.msk $0xffff, v58  }
0x2db: {  	[tilespmem:s5+$0x52E0] =	vst.add.f32.msk $0xffff, v9  }
0x2dc: {  	v6 =	vld [tilespmem:s0+$0xFFFFFE80]  }
0x2dd: {  	v62 =	vld [tilespmem:s0+$0xFFFFFE90]  }
0x2de: {  	v10 =	vld [tilespmem:s0+$0xFFFFFEA0]  }
0x2df: {  	v17 =	vld [tilespmem:s0+$0xFFFFFEB0]  }
0x2e0: {  	v63 =	vbroadcast v4, $0x5;
	v21 =	vld [tilespmem:s0+$0xFFFFFEC0];
	s30 =	spop (v2sf)  }
0x2e1: {  	v24 =	vld [tilespmem:s0+$0xFFFFFED0];
	v13 =	vunpack.i.l.bf16.f32 v6;
	s31 =	sshll.u32 s30, $0x8;
	s5 =	sshll.u32 s30, $0x7  }
0x2e2: {  	v27 =	vld [tilespmem:s0+$0xFFFFFEE0];
	v6 =	vunpack.i.u.bf16.f32 v6;
	v9 =	vmul.f32 v13, v63;
	s6 =	sand.u32 $0xFFFFF800, s31;
	s5 =	sand.u32 $0x380, s5  }
0x2e3: {  	v30 =	vld [tilespmem:s0+$0xFFFFFEF0];
	v14 =	vunpack.i.l.bf16.f32 v62;
	v6 =	vmul.f32 v6, v63;
	s5 =	sor.u32 s5, s6  }
0x2e4: {  	v18 =	vunpack.i.l.bf16.f32 v10;
	v16 =	vmul.f32 v14, v63;
	[tilespmem:s5+$0x4E80] =	vst.add.f32.msk $0xffff, v9  }
0x2e5: {  	v20 =	vunpack.i.u.bf16.f32 v10;
	v19 =	vmul.f32 v18, v63;
	[tilespmem:s5+$0x4E90] =	vst.add.f32.msk $0xffff, v6  }
0x2e6: {  	v23 =	vunpack.i.l.bf16.f32 v17;
	v22 =	vmul.f32 v20, v63;
	[tilespmem:s5+$0x4EA0] =	vst.add.f32.msk $0xffff, v16  }
0x2e7: {  	v26 =	vunpack.i.u.bf16.f32 v17;
	v25 =	vmul.f32 v23, v63;
	[tilespmem:s5+$0x4EC0] =	vst.add.f32.msk $0xffff, v19  }
0x2e8: {  	v29 =	vunpack.i.l.bf16.f32 v21;
	v28 =	vmul.f32 v26, v63;
	[tilespmem:s5+$0x4ED0] =	vst.add.f32.msk $0xffff, v22  }
0x2e9: {  	v10 =	vunpack.i.u.bf16.f32 v21;
	v7 =	vmul.f32 v29, v63;
	(v2sf) =	vpush v5, $0x6;
	[tilespmem:s5+$0x4EE0] =	vst.add.f32.msk $0xffff, v25  }
0x2ea: {  	v32 =	vunpack.i.l.bf16.f32 v24;
	v31 =	vmul.f32 v10, v63;
	[tilespmem:s5+$0x4EF0] =	vst.add.f32.msk $0xffff, v28  }
0x2eb: {  	v33 =	vunpack.i.u.bf16.f32 v24;
	v10 =	vmul.f32 v32, v63;
	[tilespmem:s5+$0x5280] =	vst.add.f32.msk $0xffff, v7  }
0x2ec: {  	v38 =	vunpack.i.u.bf16.f32 v30;
	v34 =	vmul.f32 v33, v63;
	[tilespmem:s5+$0x5290] =	vst.add.f32.msk $0xffff, v31  }
0x2ed: {  	v15 =	vunpack.i.u.bf16.f32 v62;
	v39 =	vmul.f32 v38, v63;
	[tilespmem:s5+$0x52A0] =	vst.add.f32.msk $0xffff, v10  }
0x2ee: {  	v35 =	vunpack.i.l.bf16.f32 v27;
	v6 =	vmul.f32 v15, v63;
	[tilespmem:s5+$0x52B0] =	vst.add.f32.msk $0xffff, v34  }
0x2ef: {  	v9 =	vunpack.i.u.bf16.f32 v27;
	v7 =	vmul.f32 v35, v63;
	[tilespmem:s5+$0x52F0] =	vst.add.f32.msk $0xffff, v39  }
0x2f0: {  	v37 =	vunpack.i.l.bf16.f32 v30;
	v36 =	vmul.f32 v9, v63;
	[tilespmem:s5+$0x4EB0] =	vst.add.f32.msk $0xffff, v6  }
0x2f1: {  	v9 =	vmul.f32 v37, v63;
	[tilespmem:s5+$0x52C0] =	vst.add.f32.msk $0xffff, v7  }
0x2f2: {  	[tilespmem:s5+$0x52D0] =	vst.add.f32.msk $0xffff, v36  }
0x2f3: {  	[tilespmem:s5+$0x52E0] =	vst.add.f32.msk $0xffff, v9  }
0x2f4: {  	v6 =	vld [tilespmem:s0+$0xFFFFFF00]  }
0x2f5: {  	v40 =	vld [tilespmem:s0+$0xFFFFFF10]  }
0x2f6: {  	v10 =	vld [tilespmem:s0+$0xFFFFFF20]  }
0x2f7: {  	v46 =	vld [tilespmem:s0+$0xFFFFFF30]  }
0x2f8: {  	v41 =	vbroadcast v4, $0x6;
	v50 =	vld [tilespmem:s0+$0xFFFFFF40];
	s7 =	spop (v2sf)  }
0x2f9: {  	v53 =	vld [tilespmem:s0+$0xFFFFFF50];
	v42 =	vunpack.i.l.bf16.f32 v6;
	s29 =	sshll.u32 s7, $0x8;
	s5 =	sshll.u32 s7, $0x7  }
0x2fa: {  	v56 =	vld [tilespmem:s0+$0xFFFFFF60];
	v6 =	vunpack.i.u.bf16.f32 v6;
	v9 =	vmul.f32 v42, v41;
	s6 =	sand.u32 $0xFFFFF800, s29;
	s5 =	sand.u32 $0x380, s5  }
0x2fb: {  	v59 =	vld [tilespmem:s0+$0xFFFFFF70];
	v43 =	vunpack.i.l.bf16.f32 v40;
	v6 =	vmul.f32 v6, v41;
	s5 =	sor.u32 s5, s6  }
0x2fc: {  	v47 =	vunpack.i.l.bf16.f32 v10;
	v45 =	vmul.f32 v43, v41;
	[tilespmem:s5+$0x4E80] =	vst.add.f32.msk $0xffff, v9  }
0x2fd: {  	v49 =	vunpack.i.u.bf16.f32 v10;
	v48 =	vmul.f32 v47, v41;
	[tilespmem:s5+$0x4E90] =	vst.add.f32.msk $0xffff, v6  }
0x2fe: {  	v52 =	vunpack.i.l.bf16.f32 v46;
	v51 =	vmul.f32 v49, v41;
	[tilespmem:s5+$0x4EA0] =	vst.add.f32.msk $0xffff, v45  }
0x2ff: {  	v55 =	vunpack.i.u.bf16.f32 v46;
	v54 =	vmul.f32 v52, v41;
	[tilespmem:s5+$0x4EC0] =	vst.add.f32.msk $0xffff, v48  }
0x300: {  	v58 =	vunpack.i.l.bf16.f32 v50;
	v57 =	vmul.f32 v55, v41;
	[tilespmem:s5+$0x4ED0] =	vst.add.f32.msk $0xffff, v51  }
0x301: {  	v10 =	vunpack.i.u.bf16.f32 v50;
	v7 =	vmul.f32 v58, v41;
	(v2sf) =	vpush v5, $0x7;
	[tilespmem:s5+$0x4EE0] =	vst.add.f32.msk $0xffff, v54  }
0x302: {  	v61 =	vunpack.i.l.bf16.f32 v53;
	v60 =	vmul.f32 v10, v41;
	[tilespmem:s5+$0x4EF0] =	vst.add.f32.msk $0xffff, v57  }
0x303: {  	v62 =	vunpack.i.u.bf16.f32 v53;
	v10 =	vmul.f32 v61, v41;
	[tilespmem:s5+$0x5280] =	vst.add.f32.msk $0xffff, v7  }
0x304: {  	v16 =	vunpack.i.u.bf16.f32 v59;
	v63 =	vmul.f32 v62, v41;
	[tilespmem:s5+$0x5290] =	vst.add.f32.msk $0xffff, v60  }
0x305: {  	v44 =	vunpack.i.u.bf16.f32 v40;
	v17 =	vmul.f32 v16, v41;
	[tilespmem:s5+$0x52A0] =	vst.add.f32.msk $0xffff, v10  }
0x306: {  	v13 =	vunpack.i.l.bf16.f32 v56;
	v6 =	vmul.f32 v44, v41;
	[tilespmem:s5+$0x52B0] =	vst.add.f32.msk $0xffff, v63  }
0x307: {  	v9 =	vunpack.i.u.bf16.f32 v56;
	v7 =	vmul.f32 v13, v41;
	[tilespmem:s5+$0x52F0] =	vst.add.f32.msk $0xffff, v17  }
0x308: {  	v15 =	vunpack.i.l.bf16.f32 v59;
	v14 =	vmul.f32 v9, v41;
	[tilespmem:s5+$0x4EB0] =	vst.add.f32.msk $0xffff, v6  }
0x309: {  	v9 =	vmul.f32 v15, v41;
	[tilespmem:s5+$0x52C0] =	vst.add.f32.msk $0xffff, v7  }
0x30a: {  	[tilespmem:s5+$0x52D0] =	vst.add.f32.msk $0xffff, v14  }
0x30b: {  	[tilespmem:s5+$0x52E0] =	vst.add.f32.msk $0xffff, v9  }
0x30c: {  	v6 =	vld [tilespmem:s0+$0xFFFFFF80]  }
0x30d: {  	v18 =	vld [tilespmem:s0+$0xFFFFFF90]  }
0x30e: {  	v10 =	vld [tilespmem:s0+$0xFFFFFFA0]  }
0x30f: {  	v24 =	vld [tilespmem:s0+$0xFFFFFFB0]  }
0x310: {  	v19 =	vbroadcast v4, $0x7;
	v28 =	vld [tilespmem:s0+$0xFFFFFFC0];
	s30 =	spop (v2sf)  }
0x311: {  	v31 =	vld [tilespmem:s0+$0xFFFFFFD0];
	v20 =	vunpack.i.l.bf16.f32 v6;
	s31 =	sshll.u32 s30, $0x8;
	s5 =	sshll.u32 s30, $0x7  }
0x312: {  	v34 =	vld [tilespmem:s0+$0xFFFFFFE0];
	v6 =	vunpack.i.u.bf16.f32 v6;
	v9 =	vmul.f32 v20, v19;
	s6 =	sand.u32 $0xFFFFF800, s31;
	s5 =	sand.u32 $0x380, s5  }
0x313: {  	v37 =	vld [tilespmem:s0+$0xFFFFFFF0];
	v21 =	vunpack.i.l.bf16.f32 v18;
	v6 =	vmul.f32 v6, v19;
	s5 =	sor.u32 s5, s6  }
0x314: {  	v25 =	vunpack.i.l.bf16.f32 v10;
	v23 =	vmul.f32 v21, v19;
	[tilespmem:s5+$0x4E80] =	vst.add.f32.msk $0xffff, v9  }
0x315: {  	v27 =	vunpack.i.u.bf16.f32 v10;
	v26 =	vmul.f32 v25, v19;
	[tilespmem:s5+$0x4E90] =	vst.add.f32.msk $0xffff, v6  }
0x316: {  	v30 =	vunpack.i.l.bf16.f32 v24;
	v29 =	vmul.f32 v27, v19;
	[tilespmem:s5+$0x4EA0] =	vst.add.f32.msk $0xffff, v23  }
0x317: {  	v33 =	vunpack.i.u.bf16.f32 v24;
	v32 =	vmul.f32 v30, v19;
	[tilespmem:s5+$0x4EC0] =	vst.add.f32.msk $0xffff, v26  }
0x318: {  	v36 =	vunpack.i.l.bf16.f32 v28;
	v35 =	vmul.f32 v33, v19;
	[tilespmem:s5+$0x4ED0] =	vst.add.f32.msk $0xffff, v29  }
0x319: {  	v10 =	vunpack.i.u.bf16.f32 v28;
	v7 =	vmul.f32 v36, v19;
	(v2sf) =	vpush v5, $0x8;
	[tilespmem:s5+$0x4EE0] =	vst.add.f32.msk $0xffff, v32  }
0x31a: {  	v39 =	vunpack.i.l.bf16.f32 v31;
	v38 =	vmul.f32 v10, v19;
	[tilespmem:s5+$0x4EF0] =	vst.add.f32.msk $0xffff, v35  }
0x31b: {  	v40 =	vunpack.i.u.bf16.f32 v31;
	v10 =	vmul.f32 v39, v19;
	[tilespmem:s5+$0x5280] =	vst.add.f32.msk $0xffff, v7  }
0x31c: {  	v45 =	vunpack.i.u.bf16.f32 v37;
	v41 =	vmul.f32 v40, v19;
	[tilespmem:s5+$0x5290] =	vst.add.f32.msk $0xffff, v38  }
0x31d: {  	v22 =	vunpack.i.u.bf16.f32 v18;
	v46 =	vmul.f32 v45, v19;
	[tilespmem:s5+$0x52A0] =	vst.add.f32.msk $0xffff, v10  }
0x31e: {  	v42 =	vunpack.i.l.bf16.f32 v34;
	v6 =	vmul.f32 v22, v19;
	[tilespmem:s5+$0x52B0] =	vst.add.f32.msk $0xffff, v41  }
0x31f: {  	v9 =	vunpack.i.u.bf16.f32 v34;
	v7 =	vmul.f32 v42, v19;
	[tilespmem:s5+$0x52F0] =	vst.add.f32.msk $0xffff, v46  }
0x320: {  	v44 =	vunpack.i.l.bf16.f32 v37;
	v43 =	vmul.f32 v9, v19;
	[tilespmem:s5+$0x4EB0] =	vst.add.f32.msk $0xffff, v6  }
0x321: {  	v9 =	vmul.f32 v44, v19;
	[tilespmem:s5+$0x52C0] =	vst.add.f32.msk $0xffff, v7  }
0x322: {  	[tilespmem:s5+$0x52D0] =	vst.add.f32.msk $0xffff, v43  }
0x323: {  	[tilespmem:s5+$0x52E0] =	vst.add.f32.msk $0xffff, v9  }
0x324: {  	v6 =	vld [tilespmem:s0+$0x0]  }
0x325: {  	v47 =	vld [tilespmem:s0+$0x10]  }
0x326: {  	v10 =	vld [tilespmem:s0+$0x20]  }
0x327: {  	v53 =	vld [tilespmem:s0+$0x30]  }
0x328: {  	v48 =	vbroadcast v4, $0x8;
	v57 =	vld [tilespmem:s0+$0x40];
	s7 =	spop (v2sf)  }
0x329: {  	v60 =	vld [tilespmem:s0+$0x50];
	v49 =	vunpack.i.l.bf16.f32 v6;
	s29 =	sshll.u32 s7, $0x8;
	s5 =	sshll.u32 s7, $0x7  }
0x32a: {  	v63 =	vld [tilespmem:s0+$0x60];
	v6 =	vunpack.i.u.bf16.f32 v6;
	v9 =	vmul.f32 v49, v48;
	s6 =	sand.u32 $0xFFFFF800, s29;
	s5 =	sand.u32 $0x380, s5  }
0x32b: {  	v18 =	vld [tilespmem:s0+$0x70];
	v50 =	vunpack.i.l.bf16.f32 v47;
	v6 =	vmul.f32 v6, v48;
	s5 =	sor.u32 s5, s6  }
0x32c: {  	v54 =	vunpack.i.l.bf16.f32 v10;
	v52 =	vmul.f32 v50, v48;
	[tilespmem:s5+$0x4E80] =	vst.add.f32.msk $0xffff, v9  }
0x32d: {  	v56 =	vunpack.i.u.bf16.f32 v10;
	v55 =	vmul.f32 v54, v48;
	[tilespmem:s5+$0x4E90] =	vst.add.f32.msk $0xffff, v6  }
0x32e: {  	v59 =	vunpack.i.l.bf16.f32 v53;
	v58 =	vmul.f32 v56, v48;
	[tilespmem:s5+$0x4EA0] =	vst.add.f32.msk $0xffff, v52  }
0x32f: {  	v62 =	vunpack.i.u.bf16.f32 v53;
	v61 =	vmul.f32 v59, v48;
	[tilespmem:s5+$0x4EC0] =	vst.add.f32.msk $0xffff, v55  }
0x330: {  	v17 =	vunpack.i.l.bf16.f32 v57;
	v16 =	vmul.f32 v62, v48;
	[tilespmem:s5+$0x4ED0] =	vst.add.f32.msk $0xffff, v58  }
0x331: {  	v10 =	vunpack.i.u.bf16.f32 v57;
	v7 =	vmul.f32 v17, v48;
	(v2sf) =	vpush v5, $0x9;
	[tilespmem:s5+$0x4EE0] =	vst.add.f32.msk $0xffff, v61  }
0x332: {  	v20 =	vunpack.i.l.bf16.f32 v60;
	v19 =	vmul.f32 v10, v48;
	[tilespmem:s5+$0x4EF0] =	vst.add.f32.msk $0xffff, v16  }
0x333: {  	v21 =	vunpack.i.u.bf16.f32 v60;
	v10 =	vmul.f32 v20, v48;
	[tilespmem:s5+$0x5280] =	vst.add.f32.msk $0xffff, v7  }
0x334: {  	v26 =	vunpack.i.u.bf16.f32 v18;
	v22 =	vmul.f32 v21, v48;
	[tilespmem:s5+$0x5290] =	vst.add.f32.msk $0xffff, v19  }
0x335: {  	v51 =	vunpack.i.u.bf16.f32 v47;
	v27 =	vmul.f32 v26, v48;
	[tilespmem:s5+$0x52A0] =	vst.add.f32.msk $0xffff, v10  }
0x336: {  	v23 =	vunpack.i.l.bf16.f32 v63;
	v6 =	vmul.f32 v51, v48;
	[tilespmem:s5+$0x52B0] =	vst.add.f32.msk $0xffff, v22  }
0x337: {  	v9 =	vunpack.i.u.bf16.f32 v63;
	v7 =	vmul.f32 v23, v48;
	[tilespmem:s5+$0x52F0] =	vst.add.f32.msk $0xffff, v27  }
0x338: {  	v25 =	vunpack.i.l.bf16.f32 v18;
	v24 =	vmul.f32 v9, v48;
	[tilespmem:s5+$0x4EB0] =	vst.add.f32.msk $0xffff, v6  }
0x339: {  	v9 =	vmul.f32 v25, v48;
	[tilespmem:s5+$0x52C0] =	vst.add.f32.msk $0xffff, v7  }
0x33a: {  	[tilespmem:s5+$0x52D0] =	vst.add.f32.msk $0xffff, v24  }
0x33b: {  	[tilespmem:s5+$0x52E0] =	vst.add.f32.msk $0xffff, v9  }
0x33c: {  	v6 =	vld [tilespmem:s0+$0x80]  }
0x33d: {  	v28 =	vld [tilespmem:s0+$0x90]  }
0x33e: {  	v10 =	vld [tilespmem:s0+$0xA0]  }
0x33f: {  	v34 =	vld [tilespmem:s0+$0xB0]  }
0x340: {  	v29 =	vbroadcast v4, $0x9;
	v38 =	vld [tilespmem:s0+$0xC0];
	s30 =	spop (v2sf)  }
0x341: {  	v41 =	vld [tilespmem:s0+$0xD0];
	v30 =	vunpack.i.l.bf16.f32 v6;
	s31 =	sshll.u32 s30, $0x8;
	s5 =	sshll.u32 s30, $0x7  }
0x342: {  	v44 =	vld [tilespmem:s0+$0xE0];
	v6 =	vunpack.i.u.bf16.f32 v6;
	v9 =	vmul.f32 v30, v29;
	s6 =	sand.u32 $0xFFFFF800, s31;
	s5 =	sand.u32 $0x380, s5  }
0x343: {  	v47 =	vld [tilespmem:s0+$0xF0];
	v31 =	vunpack.i.l.bf16.f32 v28;
	v6 =	vmul.f32 v6, v29;
	s5 =	sor.u32 s5, s6  }
0x344: {  	v35 =	vunpack.i.l.bf16.f32 v10;
	v33 =	vmul.f32 v31, v29;
	[tilespmem:s5+$0x4E80] =	vst.add.f32.msk $0xffff, v9  }
0x345: {  	v37 =	vunpack.i.u.bf16.f32 v10;
	v36 =	vmul.f32 v35, v29;
	[tilespmem:s5+$0x4E90] =	vst.add.f32.msk $0xffff, v6  }
0x346: {  	v40 =	vunpack.i.l.bf16.f32 v34;
	v39 =	vmul.f32 v37, v29;
	[tilespmem:s5+$0x4EA0] =	vst.add.f32.msk $0xffff, v33  }
0x347: {  	v43 =	vunpack.i.u.bf16.f32 v34;
	v42 =	vmul.f32 v40, v29;
	[tilespmem:s5+$0x4EC0] =	vst.add.f32.msk $0xffff, v36  }
0x348: {  	v46 =	vunpack.i.l.bf16.f32 v38;
	v45 =	vmul.f32 v43, v29;
	[tilespmem:s5+$0x4ED0] =	vst.add.f32.msk $0xffff, v39  }
0x349: {  	v10 =	vunpack.i.u.bf16.f32 v38;
	v7 =	vmul.f32 v46, v29;
	(v2sf) =	vpush v5, $0xA;
	[tilespmem:s5+$0x4EE0] =	vst.add.f32.msk $0xffff, v42  }
0x34a: {  	v49 =	vunpack.i.l.bf16.f32 v41;
	v48 =	vmul.f32 v10, v29;
	[tilespmem:s5+$0x4EF0] =	vst.add.f32.msk $0xffff, v45  }
0x34b: {  	v50 =	vunpack.i.u.bf16.f32 v41;
	v10 =	vmul.f32 v49, v29;
	[tilespmem:s5+$0x5280] =	vst.add.f32.msk $0xffff, v7  }
0x34c: {  	v55 =	vunpack.i.u.bf16.f32 v47;
	v51 =	vmul.f32 v50, v29;
	[tilespmem:s5+$0x5290] =	vst.add.f32.msk $0xffff, v48  }
0x34d: {  	v32 =	vunpack.i.u.bf16.f32 v28;
	v56 =	vmul.f32 v55, v29;
	[tilespmem:s5+$0x52A0] =	vst.add.f32.msk $0xffff, v10  }
0x34e: {  	v52 =	vunpack.i.l.bf16.f32 v44;
	v6 =	vmul.f32 v32, v29;
	[tilespmem:s5+$0x52B0] =	vst.add.f32.msk $0xffff, v51  }
0x34f: {  	v9 =	vunpack.i.u.bf16.f32 v44;
	v7 =	vmul.f32 v52, v29;
	[tilespmem:s5+$0x52F0] =	vst.add.f32.msk $0xffff, v56  }
0x350: {  	v54 =	vunpack.i.l.bf16.f32 v47;
	v53 =	vmul.f32 v9, v29;
	[tilespmem:s5+$0x4EB0] =	vst.add.f32.msk $0xffff, v6  }
0x351: {  	v9 =	vmul.f32 v54, v29;
	[tilespmem:s5+$0x52C0] =	vst.add.f32.msk $0xffff, v7  }
0x352: {  	[tilespmem:s5+$0x52D0] =	vst.add.f32.msk $0xffff, v53  }
0x353: {  	[tilespmem:s5+$0x52E0] =	vst.add.f32.msk $0xffff, v9  }
0x354: {  	v6 =	vld [tilespmem:s0+$0x100]  }
0x355: {  	v57 =	vld [tilespmem:s0+$0x110]  }
0x356: {  	v10 =	vld [tilespmem:s0+$0x120]  }
0x357: {  	v63 =	vld [tilespmem:s0+$0x130]  }
0x358: {  	v58 =	vbroadcast v4, $0xA;
	v14 =	vld [tilespmem:s0+$0x140];
	s7 =	spop (v2sf)  }
0x359: {  	v17 =	vld [tilespmem:s0+$0x150];
	v59 =	vunpack.i.l.bf16.f32 v6;
	s29 =	sshll.u32 s7, $0x8;
	s5 =	sshll.u32 s7, $0x7  }
0x35a: {  	v20 =	vld [tilespmem:s0+$0x160];
	v6 =	vunpack.i.u.bf16.f32 v6;
	v9 =	vmul.f32 v59, v58;
	s6 =	sand.u32 $0xFFFFF800, s29;
	s5 =	sand.u32 $0x380, s5  }
0x35b: {  	v23 =	vld [tilespmem:s0+$0x170];
	v60 =	vunpack.i.l.bf16.f32 v57;
	v6 =	vmul.f32 v6, v58;
	s5 =	sor.u32 s5, s6  }
0x35c: {  	v11 =	vunpack.i.l.bf16.f32 v10;
	v62 =	vmul.f32 v60, v58;
	[tilespmem:s5+$0x4E80] =	vst.add.f32.msk $0xffff, v9  }
0x35d: {  	v13 =	vunpack.i.u.bf16.f32 v10;
	v12 =	vmul.f32 v11, v58;
	[tilespmem:s5+$0x4E90] =	vst.add.f32.msk $0xffff, v6  }
0x35e: {  	v16 =	vunpack.i.l.bf16.f32 v63;
	v15 =	vmul.f32 v13, v58;
	[tilespmem:s5+$0x4EA0] =	vst.add.f32.msk $0xffff, v62  }
0x35f: {  	v19 =	vunpack.i.u.bf16.f32 v63;
	v18 =	vmul.f32 v16, v58;
	[tilespmem:s5+$0x4EC0] =	vst.add.f32.msk $0xffff, v12  }
0x360: {  	v22 =	vunpack.i.l.bf16.f32 v14;
	v21 =	vmul.f32 v19, v58;
	[tilespmem:s5+$0x4ED0] =	vst.add.f32.msk $0xffff, v15  }
0x361: {  	v10 =	vunpack.i.u.bf16.f32 v14;
	v7 =	vmul.f32 v22, v58;
	(v2sf) =	vpush v5, $0xB;
	[tilespmem:s5+$0x4EE0] =	vst.add.f32.msk $0xffff, v18  }
0x362: {  	v25 =	vunpack.i.l.bf16.f32 v17;
	v24 =	vmul.f32 v10, v58;
	[tilespmem:s5+$0x4EF0] =	vst.add.f32.msk $0xffff, v21  }
0x363: {  	v26 =	vunpack.i.u.bf16.f32 v17;
	v10 =	vmul.f32 v25, v58;
	[tilespmem:s5+$0x5280] =	vst.add.f32.msk $0xffff, v7  }
0x364: {  	v31 =	vunpack.i.u.bf16.f32 v23;
	v27 =	vmul.f32 v26, v58;
	[tilespmem:s5+$0x5290] =	vst.add.f32.msk $0xffff, v24  }
0x365: {  	v61 =	vunpack.i.u.bf16.f32 v57;
	v32 =	vmul.f32 v31, v58;
	[tilespmem:s5+$0x52A0] =	vst.add.f32.msk $0xffff, v10  }
0x366: {  	v28 =	vunpack.i.l.bf16.f32 v20;
	v6 =	vmul.f32 v61, v58;
	[tilespmem:s5+$0x52B0] =	vst.add.f32.msk $0xffff, v27  }
0x367: {  	v9 =	vunpack.i.u.bf16.f32 v20;
	v7 =	vmul.f32 v28, v58;
	[tilespmem:s5+$0x52F0] =	vst.add.f32.msk $0xffff, v32  }
0x368: {  	v30 =	vunpack.i.l.bf16.f32 v23;
	v29 =	vmul.f32 v9, v58;
	[tilespmem:s5+$0x4EB0] =	vst.add.f32.msk $0xffff, v6  }
0x369: {  	v9 =	vmul.f32 v30, v58;
	[tilespmem:s5+$0x52C0] =	vst.add.f32.msk $0xffff, v7  }
0x36a: {  	[tilespmem:s5+$0x52D0] =	vst.add.f32.msk $0xffff, v29  }
0x36b: {  	[tilespmem:s5+$0x52E0] =	vst.add.f32.msk $0xffff, v9  }
0x36c: {  	v6 =	vld [tilespmem:s0+$0x180]  }
0x36d: {  	v33 =	vld [tilespmem:s0+$0x190]  }
0x36e: {  	v10 =	vld [tilespmem:s0+$0x1A0]  }
0x36f: {  	v39 =	vld [tilespmem:s0+$0x1B0]  }
0x370: {  	v34 =	vbroadcast v4, $0xB;
	v43 =	vld [tilespmem:s0+$0x1C0];
	s30 =	spop (v2sf)  }
0x371: {  	v46 =	vld [tilespmem:s0+$0x1D0];
	v35 =	vunpack.i.l.bf16.f32 v6;
	s31 =	sshll.u32 s30, $0x8;
	s5 =	sshll.u32 s30, $0x7  }
0x372: {  	v49 =	vld [tilespmem:s0+$0x1E0];
	v6 =	vunpack.i.u.bf16.f32 v6;
	v9 =	vmul.f32 v35, v34;
	s6 =	sand.u32 $0xFFFFF800, s31;
	s5 =	sand.u32 $0x380, s5  }
0x373: {  	v52 =	vld [tilespmem:s0+$0x1F0];
	v36 =	vunpack.i.l.bf16.f32 v33;
	v6 =	vmul.f32 v6, v34;
	s5 =	sor.u32 s5, s6  }
0x374: {  	v40 =	vunpack.i.l.bf16.f32 v10;
	v38 =	vmul.f32 v36, v34;
	[tilespmem:s5+$0x4E80] =	vst.add.f32.msk $0xffff, v9  }
0x375: {  	v42 =	vunpack.i.u.bf16.f32 v10;
	v41 =	vmul.f32 v40, v34;
	[tilespmem:s5+$0x4E90] =	vst.add.f32.msk $0xffff, v6  }
0x376: {  	v45 =	vunpack.i.l.bf16.f32 v39;
	v44 =	vmul.f32 v42, v34;
	[tilespmem:s5+$0x4EA0] =	vst.add.f32.msk $0xffff, v38  }
0x377: {  	v48 =	vunpack.i.u.bf16.f32 v39;
	v47 =	vmul.f32 v45, v34;
	[tilespmem:s5+$0x4EC0] =	vst.add.f32.msk $0xffff, v41  }
0x378: {  	v51 =	vunpack.i.l.bf16.f32 v43;
	v50 =	vmul.f32 v48, v34;
	[tilespmem:s5+$0x4ED0] =	vst.add.f32.msk $0xffff, v44  }
0x379: {  	v10 =	vunpack.i.u.bf16.f32 v43;
	v7 =	vmul.f32 v51, v34;
	(v2sf) =	vpush v5, $0xC;
	[tilespmem:s5+$0x4EE0] =	vst.add.f32.msk $0xffff, v47  }
0x37a: {  	v54 =	vunpack.i.l.bf16.f32 v46;
	v53 =	vmul.f32 v10, v34;
	[tilespmem:s5+$0x4EF0] =	vst.add.f32.msk $0xffff, v50  }
0x37b: {  	v55 =	vunpack.i.u.bf16.f32 v46;
	v10 =	vmul.f32 v54, v34;
	[tilespmem:s5+$0x5280] =	vst.add.f32.msk $0xffff, v7  }
0x37c: {  	v60 =	vunpack.i.u.bf16.f32 v52;
	v56 =	vmul.f32 v55, v34;
	[tilespmem:s5+$0x5290] =	vst.add.f32.msk $0xffff, v53  }
0x37d: {  	v37 =	vunpack.i.u.bf16.f32 v33;
	v61 =	vmul.f32 v60, v34;
	[tilespmem:s5+$0x52A0] =	vst.add.f32.msk $0xffff, v10  }
0x37e: {  	v57 =	vunpack.i.l.bf16.f32 v49;
	v6 =	vmul.f32 v37, v34;
	[tilespmem:s5+$0x52B0] =	vst.add.f32.msk $0xffff, v56  }
0x37f: {  	v9 =	vunpack.i.u.bf16.f32 v49;
	v7 =	vmul.f32 v57, v34;
	[tilespmem:s5+$0x52F0] =	vst.add.f32.msk $0xffff, v61  }
0x380: {  	v59 =	vunpack.i.l.bf16.f32 v52;
	v58 =	vmul.f32 v9, v34;
	[tilespmem:s5+$0x4EB0] =	vst.add.f32.msk $0xffff, v6  }
0x381: {  	v9 =	vmul.f32 v59, v34;
	[tilespmem:s5+$0x52C0] =	vst.add.f32.msk $0xffff, v7  }
0x382: {  	[tilespmem:s5+$0x52D0] =	vst.add.f32.msk $0xffff, v58  }
0x383: {  	[tilespmem:s5+$0x52E0] =	vst.add.f32.msk $0xffff, v9  }
0x384: {  	v6 =	vld [tilespmem:s0+$0x200]  }
0x385: {  	v62 =	vld [tilespmem:s0+$0x210]  }
0x386: {  	v10 =	vld [tilespmem:s0+$0x220]  }
0x387: {  	v18 =	vld [tilespmem:s0+$0x230]  }
0x388: {  	v63 =	vbroadcast v4, $0xC;
	v22 =	vld [tilespmem:s0+$0x240];
	s7 =	spop (v2sf)  }
0x389: {  	v25 =	vld [tilespmem:s0+$0x250];
	v14 =	vunpack.i.l.bf16.f32 v6;
	s29 =	sshll.u32 s7, $0x8;
	s5 =	sshll.u32 s7, $0x7  }
0x38a: {  	v28 =	vld [tilespmem:s0+$0x260];
	v6 =	vunpack.i.u.bf16.f32 v6;
	v9 =	vmul.f32 v14, v63;
	s6 =	sand.u32 $0xFFFFF800, s29;
	s5 =	sand.u32 $0x380, s5  }
0x38b: {  	v31 =	vld [tilespmem:s0+$0x270];
	v15 =	vunpack.i.l.bf16.f32 v62;
	v6 =	vmul.f32 v6, v63;
	s5 =	sor.u32 s5, s6  }
0x38c: {  	v19 =	vunpack.i.l.bf16.f32 v10;
	v17 =	vmul.f32 v15, v63;
	[tilespmem:s5+$0x4E80] =	vst.add.f32.msk $0xffff, v9  }
0x38d: {  	v21 =	vunpack.i.u.bf16.f32 v10;
	v20 =	vmul.f32 v19, v63;
	[tilespmem:s5+$0x4E90] =	vst.add.f32.msk $0xffff, v6  }
0x38e: {  	v24 =	vunpack.i.l.bf16.f32 v18;
	v23 =	vmul.f32 v21, v63;
	[tilespmem:s5+$0x4EA0] =	vst.add.f32.msk $0xffff, v17  }
0x38f: {  	v27 =	vunpack.i.u.bf16.f32 v18;
	v26 =	vmul.f32 v24, v63;
	[tilespmem:s5+$0x4EC0] =	vst.add.f32.msk $0xffff, v20  }
0x390: {  	v30 =	vunpack.i.l.bf16.f32 v22;
	v29 =	vmul.f32 v27, v63;
	[tilespmem:s5+$0x4ED0] =	vst.add.f32.msk $0xffff, v23  }
0x391: {  	v10 =	vunpack.i.u.bf16.f32 v22;
	v7 =	vmul.f32 v30, v63;
	(v2sf) =	vpush v5, $0xD;
	[tilespmem:s5+$0x4EE0] =	vst.add.f32.msk $0xffff, v26  }
0x392: {  	v33 =	vunpack.i.l.bf16.f32 v25;
	v32 =	vmul.f32 v10, v63;
	[tilespmem:s5+$0x4EF0] =	vst.add.f32.msk $0xffff, v29  }
0x393: {  	v34 =	vunpack.i.u.bf16.f32 v25;
	v10 =	vmul.f32 v33, v63;
	[tilespmem:s5+$0x5280] =	vst.add.f32.msk $0xffff, v7  }
0x394: {  	v39 =	vunpack.i.u.bf16.f32 v31;
	v35 =	vmul.f32 v34, v63;
	[tilespmem:s5+$0x5290] =	vst.add.f32.msk $0xffff, v32  }
0x395: {  	v16 =	vunpack.i.u.bf16.f32 v62;
	v40 =	vmul.f32 v39, v63;
	[tilespmem:s5+$0x52A0] =	vst.add.f32.msk $0xffff, v10  }
0x396: {  	v36 =	vunpack.i.l.bf16.f32 v28;
	v6 =	vmul.f32 v16, v63;
	[tilespmem:s5+$0x52B0] =	vst.add.f32.msk $0xffff, v35  }
0x397: {  	v9 =	vunpack.i.u.bf16.f32 v28;
	v7 =	vmul.f32 v36, v63;
	[tilespmem:s5+$0x52F0] =	vst.add.f32.msk $0xffff, v40  }
0x398: {  	v38 =	vunpack.i.l.bf16.f32 v31;
	v37 =	vmul.f32 v9, v63;
	[tilespmem:s5+$0x4EB0] =	vst.add.f32.msk $0xffff, v6  }
0x399: {  	v9 =	vmul.f32 v38, v63;
	[tilespmem:s5+$0x52C0] =	vst.add.f32.msk $0xffff, v7  }
0x39a: {  	[tilespmem:s5+$0x52D0] =	vst.add.f32.msk $0xffff, v37  }
0x39b: {  	[tilespmem:s5+$0x52E0] =	vst.add.f32.msk $0xffff, v9  }
0x39c: {  	v6 =	vld [tilespmem:s0+$0x280]  }
0x39d: {  	v41 =	vld [tilespmem:s0+$0x290]  }
0x39e: {  	v10 =	vld [tilespmem:s0+$0x2A0]  }
0x39f: {  	v47 =	vld [tilespmem:s0+$0x2B0]  }
0x3a0: {  	v42 =	vbroadcast v4, $0xD;
	v51 =	vld [tilespmem:s0+$0x2C0];
	s30 =	spop (v2sf)  }
0x3a1: {  	v54 =	vld [tilespmem:s0+$0x2D0];
	v43 =	vunpack.i.l.bf16.f32 v6;
	s31 =	sshll.u32 s30, $0x8;
	s5 =	sshll.u32 s30, $0x7  }
0x3a2: {  	v57 =	vld [tilespmem:s0+$0x2E0];
	v6 =	vunpack.i.u.bf16.f32 v6;
	v9 =	vmul.f32 v43, v42;
	s6 =	sand.u32 $0xFFFFF800, s31;
	s5 =	sand.u32 $0x380, s5  }
0x3a3: {  	v60 =	vld [tilespmem:s0+$0x2F0];
	v44 =	vunpack.i.l.bf16.f32 v41;
	v6 =	vmul.f32 v6, v42;
	s5 =	sor.u32 s5, s6  }
0x3a4: {  	v48 =	vunpack.i.l.bf16.f32 v10;
	v46 =	vmul.f32 v44, v42;
	[tilespmem:s5+$0x4E80] =	vst.add.f32.msk $0xffff, v9  }
0x3a5: {  	v50 =	vunpack.i.u.bf16.f32 v10;
	v49 =	vmul.f32 v48, v42;
	[tilespmem:s5+$0x4E90] =	vst.add.f32.msk $0xffff, v6  }
0x3a6: {  	v53 =	vunpack.i.l.bf16.f32 v47;
	v52 =	vmul.f32 v50, v42;
	[tilespmem:s5+$0x4EA0] =	vst.add.f32.msk $0xffff, v46  }
0x3a7: {  	v56 =	vunpack.i.u.bf16.f32 v47;
	v55 =	vmul.f32 v53, v42;
	[tilespmem:s5+$0x4EC0] =	vst.add.f32.msk $0xffff, v49  }
0x3a8: {  	v59 =	vunpack.i.l.bf16.f32 v51;
	v58 =	vmul.f32 v56, v42;
	[tilespmem:s5+$0x4ED0] =	vst.add.f32.msk $0xffff, v52  }
0x3a9: {  	v10 =	vunpack.i.u.bf16.f32 v51;
	v7 =	vmul.f32 v59, v42;
	(v2sf) =	vpush v5, $0xE;
	[tilespmem:s5+$0x4EE0] =	vst.add.f32.msk $0xffff, v55  }
0x3aa: {  	v62 =	vunpack.i.l.bf16.f32 v54;
	v61 =	vmul.f32 v10, v42;
	[tilespmem:s5+$0x4EF0] =	vst.add.f32.msk $0xffff, v58  }
0x3ab: {  	v63 =	vunpack.i.u.bf16.f32 v54;
	v10 =	vmul.f32 v62, v42;
	[tilespmem:s5+$0x5280] =	vst.add.f32.msk $0xffff, v7  }
0x3ac: {  	v17 =	vunpack.i.u.bf16.f32 v60;
	v13 =	vmul.f32 v63, v42;
	[tilespmem:s5+$0x5290] =	vst.add.f32.msk $0xffff, v61  }
0x3ad: {  	v45 =	vunpack.i.u.bf16.f32 v41;
	v18 =	vmul.f32 v17, v42;
	[tilespmem:s5+$0x52A0] =	vst.add.f32.msk $0xffff, v10  }
0x3ae: {  	v14 =	vunpack.i.l.bf16.f32 v57;
	v6 =	vmul.f32 v45, v42;
	[tilespmem:s5+$0x52B0] =	vst.add.f32.msk $0xffff, v13  }
0x3af: {  	v9 =	vunpack.i.u.bf16.f32 v57;
	v7 =	vmul.f32 v14, v42;
	[tilespmem:s5+$0x52F0] =	vst.add.f32.msk $0xffff, v18  }
0x3b0: {  	v16 =	vunpack.i.l.bf16.f32 v60;
	v15 =	vmul.f32 v9, v42;
	[tilespmem:s5+$0x4EB0] =	vst.add.f32.msk $0xffff, v6  }
0x3b1: {  	v9 =	vmul.f32 v16, v42;
	[tilespmem:s5+$0x52C0] =	vst.add.f32.msk $0xffff, v7  }
0x3b2: {  	[tilespmem:s5+$0x52D0] =	vst.add.f32.msk $0xffff, v15  }
0x3b3: {  	[tilespmem:s5+$0x52E0] =	vst.add.f32.msk $0xffff, v9  }
0x3b4: {  	v6 =	vld [tilespmem:s0+$0x300]  }
0x3b5: {  	v19 =	vld [tilespmem:s0+$0x310]  }
0x3b6: {  	v10 =	vld [tilespmem:s0+$0x320]  }
0x3b7: {  	v25 =	vld [tilespmem:s0+$0x330]  }
0x3b8: {  	v20 =	vbroadcast v4, $0xE;
	v29 =	vld [tilespmem:s0+$0x340];
	s7 =	spop (v2sf)  }
0x3b9: {  	v32 =	vld [tilespmem:s0+$0x350];
	v21 =	vunpack.i.l.bf16.f32 v6;
	s29 =	sshll.u32 s7, $0x8;
	s5 =	sshll.u32 s7, $0x7  }
0x3ba: {  	v35 =	vld [tilespmem:s0+$0x360];
	v6 =	vunpack.i.u.bf16.f32 v6;
	v9 =	vmul.f32 v21, v20;
	s6 =	sand.u32 $0xFFFFF800, s29;
	s5 =	sand.u32 $0x380, s5  }
0x3bb: {  	v38 =	vld [tilespmem:s0+$0x370];
	v22 =	vunpack.i.l.bf16.f32 v19;
	v6 =	vmul.f32 v6, v20;
	s5 =	sor.u32 s5, s6  }
0x3bc: {  	v26 =	vunpack.i.l.bf16.f32 v10;
	v24 =	vmul.f32 v22, v20;
	[tilespmem:s5+$0x4E80] =	vst.add.f32.msk $0xffff, v9  }
0x3bd: {  	v28 =	vunpack.i.u.bf16.f32 v10;
	v27 =	vmul.f32 v26, v20;
	[tilespmem:s5+$0x4E90] =	vst.add.f32.msk $0xffff, v6  }
0x3be: {  	v31 =	vunpack.i.l.bf16.f32 v25;
	v30 =	vmul.f32 v28, v20;
	[tilespmem:s5+$0x4EA0] =	vst.add.f32.msk $0xffff, v24  }
0x3bf: {  	v34 =	vunpack.i.u.bf16.f32 v25;
	v33 =	vmul.f32 v31, v20;
	[tilespmem:s5+$0x4EC0] =	vst.add.f32.msk $0xffff, v27  }
0x3c0: {  	v37 =	vunpack.i.l.bf16.f32 v29;
	v36 =	vmul.f32 v34, v20;
	[tilespmem:s5+$0x4ED0] =	vst.add.f32.msk $0xffff, v30  }
0x3c1: {  	v7 =	vmul.f32 v37, v20;
	(v2sf) =	vpush v5, $0xF;
	v5 =	vunpack.i.u.bf16.f32 v29;
	[tilespmem:s5+$0x4EE0] =	vst.add.f32.msk $0xffff, v33  }
0x3c2: {  	v23 =	vunpack.i.u.bf16.f32 v19;
	v5 =	vmul.f32 v5, v20;
	[tilespmem:s5+$0x4EF0] =	vst.add.f32.msk $0xffff, v36  }
0x3c3: {  	v40 =	vunpack.i.u.bf16.f32 v32;
	v6 =	vmul.f32 v23, v20;
	[tilespmem:s5+$0x5280] =	vst.add.f32.msk $0xffff, v7  }
0x3c4: {  	v41 =	vunpack.i.l.bf16.f32 v35;
	[tilespmem:s5+$0x5290] =	vst.add.f32.msk $0xffff, v5;
	v5 =	vmul.f32 v40, v20  }
0x3c5: {  	v39 =	vunpack.i.l.bf16.f32 v32;
	v7 =	vmul.f32 v41, v20;
	[tilespmem:s5+$0x4EB0] =	vst.add.f32.msk $0xffff, v6  }
0x3c6: {  	v42 =	vunpack.i.u.bf16.f32 v35;
	v6 =	vmul.f32 v39, v20;
	[tilespmem:s5+$0x52B0] =	vst.add.f32.msk $0xffff, v5  }
0x3c7: {  	v43 =	vunpack.i.l.bf16.f32 v38;
	v5 =	vmul.f32 v42, v20;
	[tilespmem:s5+$0x52C0] =	vst.add.f32.msk $0xffff, v7  }
0x3c8: {  	v44 =	vunpack.i.u.bf16.f32 v38;
	[tilespmem:s5+$0x52A0] =	vst.add.f32.msk $0xffff, v6;
	v6 =	vmul.f32 v43, v20  }
0x3c9: {  	[tilespmem:s5+$0x52D0] =	vst.add.f32.msk $0xffff, v5;
	v5 =	vmul.f32 v44, v20  }
0x3ca: {  	[tilespmem:s5+$0x52E0] =	vst.add.f32.msk $0xffff, v6  }
0x3cb: {  	[tilespmem:s5+$0x52F0] =	vst.add.f32.msk $0xffff, v5  }
0x3cc: {  	v5 =	vld [tilespmem:s0+$0x380];
	_ =	sdelay $0x2  }
0x3cd: {  	v6 =	vld [tilespmem:s0+$0x390]  }
0x3ce: {  	v4 =	vbroadcast v4, $0xF;
	s30 =	spop (v2sf)  }
0x3cf: {  	v46 =	vld [tilespmem:s0+$0x3A0];
	v45 =	vunpack.i.l.bf16.f32 v5;
	s31 =	sshll.u32 s30, $0x8;
	s5 =	sshll.u32 s30, $0x7;
	v5 =	vunpack.i.u.bf16.f32 v5  }
0x3d0: {  	s6 =	sand.u32 $0xFFFFF800, s31;
	s5 =	sand.u32 $0x380, s5;
	v5 =	vmul.f32 v5, v4  }
0x3d1: {  	v49 =	vld [tilespmem:s0+$0x3B0];
	s5 =	sor.u32 s5, s6  }
0x3d2: {  	[tilespmem:s5+$0x4E90] =	vst.add.f32.msk $0xffff, v5;
	v5 =	vunpack.i.u.bf16.f32 v6  }
0x3d3: {  	v52 =	vld [tilespmem:s0+$0x3C0];
	v5 =	vmul.f32 v5, v4  }
0x3d4: {  	v54 =	vld [tilespmem:s0+$0x3D0];
	v50 =	vunpack.i.l.bf16.f32 v46  }
0x3d5: {  	[tilespmem:s5+$0x4EB0] =	vst.add.f32.msk $0xffff, v5;
	v5 =	vmul.f32 v50, v4  }
0x3d6: {  	v56 =	vld [tilespmem:s0+$0x3E0];
	v51 =	vunpack.i.u.bf16.f32 v46  }
0x3d7: {  	[tilespmem:s5+$0x4EC0] =	vst.add.f32.msk $0xffff, v5;
	v5 =	vmul.f32 v51, v4  }
0x3d8: {  	v58 =	vld [tilespmem:s0+$0x3F0];
	v53 =	vunpack.i.l.bf16.f32 v49;
	v7 =	vmul.f32 v45, v4  }
0x3d9: {  	v47 =	vunpack.i.l.bf16.f32 v6;
	[tilespmem:s5+$0x4ED0] =	vst.add.f32.msk $0xffff, v5;
	v5 =	vmul.f32 v53, v4  }
0x3da: {  	v55 =	vunpack.i.u.bf16.f32 v49;
	v48 =	vmul.f32 v47, v4;
	[tilespmem:s5+$0x4E80] =	vst.add.f32.msk $0xffff, v7  }
0x3db: {  	v57 =	vunpack.i.l.bf16.f32 v52;
	[tilespmem:s5+$0x4EE0] =	vst.add.f32.msk $0xffff, v5;
	v5 =	vmul.f32 v55, v4  }
0x3dc: {  	v8 =	vunpack.i.u.bf16.f32 v52;
	[tilespmem:s5+$0x4EA0] =	vst.add.f32.msk $0xffff, v48;
	v6 =	vmul.f32 v57, v4  }
0x3dd: {  	v61 =	vunpack.i.l.bf16.f32 v56;
	[tilespmem:s5+$0x4EF0] =	vst.add.f32.msk $0xffff, v5;
	v5 =	vmul.f32 v8, v4  }
0x3de: {  	v60 =	vunpack.i.u.bf16.f32 v54;
	[tilespmem:s5+$0x5280] =	vst.add.f32.msk $0xffff, v6;
	v6 =	vmul.f32 v61, v4  }
0x3df: {  	v59 =	vunpack.i.l.bf16.f32 v54;
	[tilespmem:s5+$0x5290] =	vst.add.f32.msk $0xffff, v5;
	v5 =	vmul.f32 v60, v4  }
0x3e0: {  	v7 =	vunpack.i.u.bf16.f32 v56;
	[tilespmem:s5+$0x52C0] =	vst.add.f32.msk $0xffff, v6;
	v8 =	vmul.f32 v59, v4  }
0x3e1: {  	p0 =	sne.s32 s28, $0x1C0;
	v62 =	vunpack.i.l.bf16.f32 v58;
	[tilespmem:s5+$0x52B0] =	vst.add.f32.msk $0xffff, v5;
	v5 =	vmul.f32 v7, v4  }
.Ltmp9:
0x3e2: {  	v63 =	vunpack.i.u.bf16.f32 v58;
	[tilespmem:s5+$0x52A0] =	vst.add.f32.msk $0xffff, v8;
	v7 =	vmul.f32 v62, v4;
	(pc) =	sbr.rel @p0 .LBB2_12-.Ltmp9, $4  }
0x3e3: {  	v4 =	vmul.f32 v63, v4;
	[tilespmem:s5+$0x52D0] =	vst.add.f32.msk $0xffff, v5  }
0x3e4: {  	[tilespmem:s5+$0x52E0] =	vst.add.f32.msk $0xffff, v7  }
0x3e5: {  	[tilespmem:s5+$0x52F0] =	vst.add.f32.msk $0xffff, v4  }
0x3e6: {  	s28 =	sadd.s32 $0x40, s28;
	s0 =	sadd.s32 $0x800, s0;
	[tilespmem:s3+$0xC80] =	vst v2  }
.LBB2_13:
0x3e7: {  	s0 =	simm.s32 $0x0  }
0x3e8: {  	s3 =	sand.u32 $0x7800, s0;
	s5 =	sand.u32 $0x380, s0  }
0x3e9: {  	s5 =	sor.u32 s5, s3  }
0x3ea: {  	v4 =	vld [tilespmem:s5+$0x4E80]  }
0x3eb: {  	v5 =	vld [tilespmem:s5+$0x4E90];
	_ =	sdelay $0x4  }
0x3ec: {  	s3 =	simm.s32 $0xEC0;
	v4 =	vpack.i.f32.bf16 v5, v4  }
0x3ed: {  	[tilespmem:s3+$0xFFFFFFC0] =	vst v4  }
0x3ee: {  	v4 =	vld [tilespmem:s5+$0x4EA0]  }
0x3ef: {  	v5 =	vld [tilespmem:s5+$0x4EB0];
	_ =	sdelay $0x4  }
0x3f0: {  	v4 =	vpack.i.f32.bf16 v5, v4  }
0x3f1: {  	[tilespmem:s3+$0xFFFFFFD0] =	vst v4  }
0x3f2: {  	v4 =	vld [tilespmem:s5+$0x4EC0]  }
0x3f3: {  	v5 =	vld [tilespmem:s5+$0x4ED0];
	_ =	sdelay $0x4  }
0x3f4: {  	v4 =	vpack.i.f32.bf16 v5, v4  }
0x3f5: {  	[tilespmem:s3+$0xFFFFFFE0] =	vst v4  }
0x3f6: {  	v4 =	vld [tilespmem:s5+$0x4EE0]  }
0x3f7: {  	v5 =	vld [tilespmem:s5+$0x4EF0];
	_ =	sdelay $0x4  }
0x3f8: {  	v4 =	vpack.i.f32.bf16 v5, v4  }
0x3f9: {  	[tilespmem:s3+$0xFFFFFFF0] =	vst v4  }
0x3fa: {  	v4 =	vld [tilespmem:s5+$0x5280]  }
0x3fb: {  	v5 =	vld [tilespmem:s5+$0x5290];
	_ =	sdelay $0x4  }
0x3fc: {  	v4 =	vpack.i.f32.bf16 v5, v4  }
0x3fd: {  	[tilespmem:s3+$0x0] =	vst v4  }
0x3fe: {  	v4 =	vld [tilespmem:s5+$0x52A0]  }
0x3ff: {  	v5 =	vld [tilespmem:s5+$0x52B0];
	_ =	sdelay $0x4  }
0x400: {  	v4 =	vpack.i.f32.bf16 v5, v4  }
0x401: {  	[tilespmem:s3+$0x10] =	vst v4  }
0x402: {  	v4 =	vld [tilespmem:s5+$0x52C0]  }
0x403: {  	v5 =	vld [tilespmem:s5+$0x52D0];
	_ =	sdelay $0x4  }
0x404: {  	s28 =	simm.s32 $0x100;
	s29 =	simm.s32 $0xEC0;
	v4 =	vpack.i.f32.bf16 v5, v4  }
.LBB2_14:
0x405: {  	p0 =	sne.s32 s28, $0x7F00;
	[tilespmem:s3+$0x20] =	vst v4;
	s0 =	sadd.s32 $0x80, s0;
	s29 =	sadd.s32 $0x80, s29  }
0x406: {  	s6 =	smov.u32 s28;
	s28 =	sadd.s32 $0x100, s28;
	v4 =	vld [tilespmem:s5+$0x52E0]  }
0x407: {  	v5 =	vld [tilespmem:s5+$0x52F0];
	_ =	sdelay $0x4  }
0x408: {  	s5 =	sand.u32 $0x7800, s6;
	s6 =	sand.u32 $0x380, s0;
	v4 =	vpack.i.f32.bf16 v5, v4  }
0x409: {  	s5 =	sor.u32 s6, s5;
	[tilespmem:s3+$0x30] =	vst v4;
	s3 =	smov.u32 s29  }
0x40a: {  	v4 =	vld [tilespmem:s5+$0x4E80]  }
0x40b: {  	v5 =	vld [tilespmem:s5+$0x4E90];
	_ =	sdelay $0x4  }
0x40c: {  	v4 =	vpack.i.f32.bf16 v5, v4  }
0x40d: {  	[tilespmem:s29+$0xFFFFFFC0] =	vst v4  }
0x40e: {  	v4 =	vld [tilespmem:s5+$0x4EA0]  }
0x40f: {  	v5 =	vld [tilespmem:s5+$0x4EB0];
	_ =	sdelay $0x4  }
0x410: {  	v4 =	vpack.i.f32.bf16 v5, v4  }
0x411: {  	[tilespmem:s29+$0xFFFFFFD0] =	vst v4  }
0x412: {  	v4 =	vld [tilespmem:s5+$0x4EC0]  }
0x413: {  	v5 =	vld [tilespmem:s5+$0x4ED0];
	_ =	sdelay $0x4  }
0x414: {  	v4 =	vpack.i.f32.bf16 v5, v4  }
0x415: {  	[tilespmem:s29+$0xFFFFFFE0] =	vst v4  }
0x416: {  	v4 =	vld [tilespmem:s5+$0x4EE0]  }
0x417: {  	v5 =	vld [tilespmem:s5+$0x4EF0];
	_ =	sdelay $0x4  }
0x418: {  	v4 =	vpack.i.f32.bf16 v5, v4  }
0x419: {  	[tilespmem:s29+$0xFFFFFFF0] =	vst v4  }
0x41a: {  	v4 =	vld [tilespmem:s5+$0x5280]  }
0x41b: {  	v5 =	vld [tilespmem:s5+$0x5290];
	_ =	sdelay $0x4  }
0x41c: {  	v4 =	vpack.i.f32.bf16 v5, v4  }
0x41d: {  	[tilespmem:s29+$0x0] =	vst v4  }
0x41e: {  	v4 =	vld [tilespmem:s5+$0x52A0]  }
0x41f: {  	v5 =	vld [tilespmem:s5+$0x52B0];
	_ =	sdelay $0x4  }
0x420: {  	v4 =	vpack.i.f32.bf16 v5, v4  }
0x421: {  	[tilespmem:s29+$0x10] =	vst v4  }
0x422: {  	v4 =	vld [tilespmem:s5+$0x52C0]  }
0x423: {  	v5 =	vld [tilespmem:s5+$0x52D0]  }
.Ltmp10:
0x424: {  	(pc) =	sbr.rel @p0 .LBB2_14-.Ltmp10, $2  }
0x425: {  	_ =	sdelay $0x2  }
0x426: {  	v4 =	vpack.i.f32.bf16 v5, v4  }
0x427: {  	[tilespmem:s3+$0x20] =	vst v4  }
0x428: {  	v4 =	vld [tilespmem:s5+$0x52E0]  }
0x429: {  	v5 =	vld [tilespmem:s5+$0x52F0];
	_ =	sdelay $0x4  }
0x42a: {  	v4 =	vpack.i.f32.bf16 v5, v4  }
0x42b: {  	s0 =	simm.s32 $0x0;
	[tilespmem:s3+$0x30] =	vst v4  }
0x42c: {  	[hbm4b:s11+s0] =	stream.linear.scatter [tilespmem:s15], [sflag:$0x3], $0x4000, $0x38;
	[tilespmem:$0x1FE80] =	vst v63  }
0x42d: {  	_ =	swait.ge [sflag:s16], $0x4000  }
0x42e: {  	s30 =	sand.u32 $0x7800, s0;
	s31 =	sand.u32 $0x380, s0;
	[sflag:s16] =	ssyncset.done $0x0  }
0x42f: {  	s5 =	sor.u32 s31, s30;
	[sflag:s16] =	ssyncadd.s32 $0xFFFFC000  }
0x430: {  	v4 =	vld [tilespmem:s5+$0xCE80]  }
0x431: {  	v5 =	vld [tilespmem:s5+$0xCE90];
	_ =	sdelay $0x4  }
0x432: {  	s3 =	simm.s32 $0xEC0;
	v4 =	vpack.i.f32.bf16 v5, v4  }
0x433: {  	[tilespmem:s3+$0xFFFFFFC0] =	vst v4  }
0x434: {  	v4 =	vld [tilespmem:s5+$0xCEA0]  }
0x435: {  	v5 =	vld [tilespmem:s5+$0xCEB0];
	_ =	sdelay $0x4  }
0x436: {  	v4 =	vpack.i.f32.bf16 v5, v4  }
0x437: {  	[tilespmem:s3+$0xFFFFFFD0] =	vst v4  }
0x438: {  	v4 =	vld [tilespmem:s5+$0xCEC0]  }
0x439: {  	v5 =	vld [tilespmem:s5+$0xCED0];
	_ =	sdelay $0x4  }
0x43a: {  	v4 =	vpack.i.f32.bf16 v5, v4  }
0x43b: {  	[tilespmem:s3+$0xFFFFFFE0] =	vst v4  }
0x43c: {  	v4 =	vld [tilespmem:s5+$0xCEE0]  }
0x43d: {  	v5 =	vld [tilespmem:s5+$0xCEF0];
	_ =	sdelay $0x4  }
0x43e: {  	v4 =	vpack.i.f32.bf16 v5, v4  }
0x43f: {  	[tilespmem:s3+$0xFFFFFFF0] =	vst v4  }
0x440: {  	v4 =	vld [tilespmem:s5+$0xD280]  }
0x441: {  	v5 =	vld [tilespmem:s5+$0xD290];
	_ =	sdelay $0x4  }
0x442: {  	v4 =	vpack.i.f32.bf16 v5, v4  }
0x443: {  	[tilespmem:s3+$0x0] =	vst v4  }
0x444: {  	v4 =	vld [tilespmem:s5+$0xD2A0]  }
0x445: {  	v5 =	vld [tilespmem:s5+$0xD2B0];
	_ =	sdelay $0x4  }
0x446: {  	v4 =	vpack.i.f32.bf16 v5, v4  }
0x447: {  	[tilespmem:s3+$0x10] =	vst v4  }
0x448: {  	v4 =	vld [tilespmem:s5+$0xD2C0]  }
0x449: {  	v5 =	vld [tilespmem:s5+$0xD2D0];
	_ =	sdelay $0x4  }
0x44a: {  	s28 =	simm.s32 $0x100;
	s29 =	simm.s32 $0xEC0;
	v4 =	vpack.i.f32.bf16 v5, v4  }
.LBB2_16:
0x44b: {  	p0 =	sne.s32 s28, $0x7F00;
	[tilespmem:s3+$0x20] =	vst v4;
	s0 =	sadd.s32 $0x80, s0;
	s29 =	sadd.s32 $0x80, s29  }
0x44c: {  	s6 =	smov.u32 s28;
	s28 =	sadd.s32 $0x100, s28;
	v4 =	vld [tilespmem:s5+$0xD2E0]  }
0x44d: {  	v5 =	vld [tilespmem:s5+$0xD2F0];
	_ =	sdelay $0x4  }
0x44e: {  	s5 =	sand.u32 $0x7800, s6;
	s6 =	sand.u32 $0x380, s0;
	v4 =	vpack.i.f32.bf16 v5, v4  }
0x44f: {  	s5 =	sor.u32 s6, s5;
	[tilespmem:s3+$0x30] =	vst v4;
	s3 =	smov.u32 s29  }
0x450: {  	v4 =	vld [tilespmem:s5+$0xCE80]  }
0x451: {  	v5 =	vld [tilespmem:s5+$0xCE90];
	_ =	sdelay $0x4  }
0x452: {  	v4 =	vpack.i.f32.bf16 v5, v4  }
0x453: {  	[tilespmem:s29+$0xFFFFFFC0] =	vst v4  }
0x454: {  	v4 =	vld [tilespmem:s5+$0xCEA0]  }
0x455: {  	v5 =	vld [tilespmem:s5+$0xCEB0];
	_ =	sdelay $0x4  }
0x456: {  	v4 =	vpack.i.f32.bf16 v5, v4  }
0x457: {  	[tilespmem:s29+$0xFFFFFFD0] =	vst v4  }
0x458: {  	v4 =	vld [tilespmem:s5+$0xCEC0]  }
0x459: {  	v5 =	vld [tilespmem:s5+$0xCED0];
	_ =	sdelay $0x4  }
0x45a: {  	v4 =	vpack.i.f32.bf16 v5, v4  }
0x45b: {  	[tilespmem:s29+$0xFFFFFFE0] =	vst v4  }
0x45c: {  	v4 =	vld [tilespmem:s5+$0xCEE0]  }
0x45d: {  	v5 =	vld [tilespmem:s5+$0xCEF0];
	_ =	sdelay $0x4  }
0x45e: {  	v4 =	vpack.i.f32.bf16 v5, v4  }
0x45f: {  	[tilespmem:s29+$0xFFFFFFF0] =	vst v4  }
0x460: {  	v4 =	vld [tilespmem:s5+$0xD280]  }
0x461: {  	v5 =	vld [tilespmem:s5+$0xD290];
	_ =	sdelay $0x4  }
0x462: {  	v4 =	vpack.i.f32.bf16 v5, v4  }
0x463: {  	[tilespmem:s29+$0x0] =	vst v4  }
0x464: {  	v4 =	vld [tilespmem:s5+$0xD2A0]  }
0x465: {  	v5 =	vld [tilespmem:s5+$0xD2B0];
	_ =	sdelay $0x4  }
0x466: {  	v4 =	vpack.i.f32.bf16 v5, v4  }
0x467: {  	[tilespmem:s29+$0x10] =	vst v4  }
0x468: {  	v4 =	vld [tilespmem:s5+$0xD2C0]  }
0x469: {  	v5 =	vld [tilespmem:s5+$0xD2D0]  }
.Ltmp11:
0x46a: {  	(pc) =	sbr.rel @p0 .LBB2_16-.Ltmp11, $2  }
0x46b: {  	_ =	sdelay $0x2  }
0x46c: {  	v4 =	vpack.i.f32.bf16 v5, v4  }
0x46d: {  	[tilespmem:s3+$0x20] =	vst v4  }
0x46e: {  	v4 =	vld [tilespmem:s5+$0xD2E0]  }
0x46f: {  	v5 =	vld [tilespmem:s5+$0xD2F0];
	_ =	sdelay $0x4  }
0x470: {  	v4 =	vpack.i.f32.bf16 v5, v4  }
0x471: {  	s0 =	simm.s32 $0x0;
	[tilespmem:s3+$0x30] =	vst v4  }
0x472: {  	[hbm4b:s12+s0] =	stream.linear.scatter [tilespmem:s15], [sflag:$0x3], $0x4000, $0x38;
	[tilespmem:$0x1FE80] =	vst v63  }
0x473: {  	_ =	swait.ge [sflag:s16], $0x4000  }
0x474: {  	s30 =	sand.u32 $0x3800, s0;
	s31 =	sand.u32 $0x380, s0;
	[sflag:s16] =	ssyncset.done $0x0  }
0x475: {  	s5 =	sor.u32 s31, s30;
	[sflag:s16] =	ssyncadd.s32 $0xFFFFC000  }
0x476: {  	v4 =	vld [tilespmem:s5+$0x14E80]  }
0x477: {  	v5 =	vld [tilespmem:s5+$0x14E90];
	_ =	sdelay $0x4  }
0x478: {  	s3 =	simm.s32 $0xEC0;
	v4 =	vpack.i.f32.bf16 v5, v4  }
0x479: {  	[tilespmem:s3+$0xFFFFFFC0] =	vst v4  }
0x47a: {  	v4 =	vld [tilespmem:s5+$0x14EA0]  }
0x47b: {  	v5 =	vld [tilespmem:s5+$0x14EB0];
	_ =	sdelay $0x4  }
0x47c: {  	v4 =	vpack.i.f32.bf16 v5, v4  }
0x47d: {  	[tilespmem:s3+$0xFFFFFFD0] =	vst v4  }
0x47e: {  	v4 =	vld [tilespmem:s5+$0x14EC0]  }
0x47f: {  	v5 =	vld [tilespmem:s5+$0x14ED0];
	_ =	sdelay $0x4  }
0x480: {  	v4 =	vpack.i.f32.bf16 v5, v4  }
0x481: {  	[tilespmem:s3+$0xFFFFFFE0] =	vst v4  }
0x482: {  	v4 =	vld [tilespmem:s5+$0x14EE0]  }
0x483: {  	v5 =	vld [tilespmem:s5+$0x14EF0];
	_ =	sdelay $0x4  }
0x484: {  	v4 =	vpack.i.f32.bf16 v5, v4  }
0x485: {  	[tilespmem:s3+$0xFFFFFFF0] =	vst v4  }
0x486: {  	v4 =	vld [tilespmem:s5+$0x15280]  }
0x487: {  	v5 =	vld [tilespmem:s5+$0x15290];
	_ =	sdelay $0x4  }
0x488: {  	v4 =	vpack.i.f32.bf16 v5, v4  }
0x489: {  	[tilespmem:s3+$0x0] =	vst v4  }
0x48a: {  	v4 =	vld [tilespmem:s5+$0x152A0]  }
0x48b: {  	v5 =	vld [tilespmem:s5+$0x152B0];
	_ =	sdelay $0x4  }
0x48c: {  	v4 =	vpack.i.f32.bf16 v5, v4  }
0x48d: {  	[tilespmem:s3+$0x10] =	vst v4  }
0x48e: {  	v4 =	vld [tilespmem:s5+$0x152C0]  }
0x48f: {  	v5 =	vld [tilespmem:s5+$0x152D0];
	_ =	sdelay $0x4  }
0x490: {  	s28 =	simm.s32 $0x100;
	s29 =	simm.s32 $0xEC0;
	v4 =	vpack.i.f32.bf16 v5, v4  }
.LBB2_18:
0x491: {  	p0 =	sne.s32 s28, $0x3F00;
	[tilespmem:s3+$0x20] =	vst v4;
	s0 =	sadd.s32 $0x80, s0;
	s29 =	sadd.s32 $0x80, s29  }
0x492: {  	s6 =	smov.u32 s28;
	s28 =	sadd.s32 $0x100, s28;
	v4 =	vld [tilespmem:s5+$0x152E0]  }
0x493: {  	v5 =	vld [tilespmem:s5+$0x152F0];
	_ =	sdelay $0x4  }
0x494: {  	s5 =	sand.u32 $0x3800, s6;
	s6 =	sand.u32 $0x380, s0;
	v4 =	vpack.i.f32.bf16 v5, v4  }
0x495: {  	s5 =	sor.u32 s6, s5;
	[tilespmem:s3+$0x30] =	vst v4;
	s3 =	smov.u32 s29  }
0x496: {  	v4 =	vld [tilespmem:s5+$0x14E80]  }
0x497: {  	v5 =	vld [tilespmem:s5+$0x14E90];
	_ =	sdelay $0x4  }
0x498: {  	v4 =	vpack.i.f32.bf16 v5, v4  }
0x499: {  	[tilespmem:s29+$0xFFFFFFC0] =	vst v4  }
0x49a: {  	v4 =	vld [tilespmem:s5+$0x14EA0]  }
0x49b: {  	v5 =	vld [tilespmem:s5+$0x14EB0];
	_ =	sdelay $0x4  }
0x49c: {  	v4 =	vpack.i.f32.bf16 v5, v4  }
0x49d: {  	[tilespmem:s29+$0xFFFFFFD0] =	vst v4  }
0x49e: {  	v4 =	vld [tilespmem:s5+$0x14EC0]  }
0x49f: {  	v5 =	vld [tilespmem:s5+$0x14ED0];
	_ =	sdelay $0x4  }
0x4a0: {  	v4 =	vpack.i.f32.bf16 v5, v4  }
0x4a1: {  	[tilespmem:s29+$0xFFFFFFE0] =	vst v4  }
0x4a2: {  	v4 =	vld [tilespmem:s5+$0x14EE0]  }
0x4a3: {  	v5 =	vld [tilespmem:s5+$0x14EF0];
	_ =	sdelay $0x4  }
0x4a4: {  	v4 =	vpack.i.f32.bf16 v5, v4  }
0x4a5: {  	[tilespmem:s29+$0xFFFFFFF0] =	vst v4  }
0x4a6: {  	v4 =	vld [tilespmem:s5+$0x15280]  }
0x4a7: {  	v5 =	vld [tilespmem:s5+$0x15290];
	_ =	sdelay $0x4  }
0x4a8: {  	v4 =	vpack.i.f32.bf16 v5, v4  }
0x4a9: {  	[tilespmem:s29+$0x0] =	vst v4  }
0x4aa: {  	v4 =	vld [tilespmem:s5+$0x152A0]  }
0x4ab: {  	v5 =	vld [tilespmem:s5+$0x152B0];
	_ =	sdelay $0x4  }
0x4ac: {  	v4 =	vpack.i.f32.bf16 v5, v4  }
0x4ad: {  	[tilespmem:s29+$0x10] =	vst v4  }
0x4ae: {  	v4 =	vld [tilespmem:s5+$0x152C0]  }
0x4af: {  	v5 =	vld [tilespmem:s5+$0x152D0]  }
.Ltmp12:
0x4b0: {  	(pc) =	sbr.rel @p0 .LBB2_18-.Ltmp12, $2  }
0x4b1: {  	_ =	sdelay $0x2  }
0x4b2: {  	v4 =	vpack.i.f32.bf16 v5, v4  }
0x4b3: {  	[tilespmem:s3+$0x20] =	vst v4  }
0x4b4: {  	v4 =	vld [tilespmem:s5+$0x152E0]  }
0x4b5: {  	v5 =	vld [tilespmem:s5+$0x152F0];
	_ =	sdelay $0x3  }
0x4b6: {  	s26 =	sadd.s32 $0x1, s26  }
0x4b7: {  	p0 =	sne.s32 s26, s14;
	v4 =	vpack.i.f32.bf16 v5, v4  }
.Ltmp13:
0x4b8: {  	[tilespmem:s3+$0x30] =	vst v4;
	(pc) =	sbr.rel @p0 .LBB2_1-.Ltmp13, $4  }
0x4b9: {  	[hbm4b:s13+s4] =	stream.linear.scatter [tilespmem:s15], [sflag:$0x3], $0x2000, $0x38;
	[tilespmem:$0x1FE80] =	vst v63  }
0x4ba: {  	_ =	swait.ge [sflag:s16], $0x2000  }
0x4bb: {  	[sflag:s16] =	ssyncset.done $0x0  }
0x4bc: {  	[sflag:s16] =	ssyncadd.s32 $0xFFFFE000  }
0x4bd: {  	_ =	sfence.sel $0x180000  }
0x4be: {  	[bflag:$0x0] =	sbarrier.arrive $0xFFFF  }
0x4bf: {  	_ =	strace $0x90000047  }
0x4c0: {  	s0 =	stileid.u32;
	[bflag:$0x2] =	sbarrier.arrive $0xFFFF  }
0x4c1: {  	p0 =	sne.s32 s0, $0x0;
	s0 =	rddreg [dreg:$0x4]  }
0x4c2: {  	s0 =	sadd.s32 @!p0 $0x100000, s0  }
0x4c3: {  	[sflag:s0] =	ssyncadd.tile.s32 @!p0 $0x1;
	_ =	shalt  }
.Lfunc_end2:
_tile_overlayer_lowered:
.L_overlay_start_2:
0x4c4: {  	(tag) =	ssettag $0x2  }
0x4c5: {  	s0 =	rddreg [dreg:$0x0];
	s2 =	stileid.u32  }
0x4c6: {  	s1 =	rddreg [dreg:$0x1];
	p0 =	sne.s32 s2, $0x0  }
0x4c7: {  	s3 =	rddreg [dreg:$0x2];
	[bflag:$0x3] =	sbarrier.arrive $0xFFFF;
	s2 =	simm.s32 @!p0 $0x1C03  }
0x4c8: {  	[timem:s3], [sflag:s2] =	dma.local @!p0 [hbm:s0], s1  }
0x4c9: {  	s0 =	simm.s32 @!p0 $0x3  }
0x4ca: {  	_ =	swait.ge @!p0 [sflag:s0], s1  }
0x4cb: {  	s1 =	ssub.s32 @!p0 $0x0, s1;
	[sflag:s0] =	ssyncset.done @!p0 $0x0  }
0x4cc: {  	[sflag:s0] =	ssyncadd.s32 @!p0 s1  }
0x4cd: {  	[bflag:$0x3] =	sbarrier.arrive $0xFFFF  }
0x4ce: {  	_ =	shalt  }

</sc_bundles>
